<compile_context>
chip_gen: v7x
topology: tpu7x:2x2x1
jax: 0.10.2.dev20260603
libtpu: 0.0.44.dev20260713+nightly
codegen_flags: <defaults>
</compile_context>

<pallas_src>
import functools

import jax
import jax.numpy as jnp
from jax import lax
from jax.experimental import pallas as pl
from jax.experimental.pallas import tpu as pltpu
from jax.experimental.pallas import tpu_sc as plsc

N = 10000
E = 320000
D = 128
NPAD = 10240
K = 112
TILES = 16
EP = 320768
CH_T = (EP // K) // TILES
DROWS_T = NPAD // TILES
NB = 3
CHD = 2864

_mesh = plsc.VectorSubcoreMesh(core_axis_name="c", subcore_axis_name="s")


def _rsqrt_newton(x):
    i = plsc.bitcast(x, jnp.int32)
    i = 0x5F3759DF - lax.shift_right_arithmetic(i, 1)
    y = plsc.bitcast(i, jnp.float32)
    for _ in range(3):
        y = y * (1.5 - 0.5 * x * y * y)
    return y


_sc_params = pltpu.CompilerParams(needs_layout_passes=False)


@functools.partial(
    pl.kernel,
    out_type=jax.ShapeDtypeStruct((2, NPAD, D), jnp.float32),
    mesh=_mesh,
    compiler_params=_sc_params,
    scratch_types=[
        pltpu.VMEM((CHD,), jnp.int32),
        pltpu.VMEM((NPAD,), jnp.float32),
        pltpu.VMEM((DROWS_T,), jnp.float32),
        pltpu.VMEM((DROWS_T,), jnp.float32),
        pltpu.VMEM((DROWS_T,), jnp.float32),
        pltpu.VMEM((DROWS_T, D), jnp.float32),
        pltpu.VMEM_SHARED((TILES * NPAD,), jnp.float32),
    ],
)
def _sc_degree(dst_hbm, dinv_hbm, dbuf, hist, sumb, tmpb, dvb, bbuf, shist):
    c = lax.axis_index("c")
    s = lax.axis_index("s")
    zeros16 = jnp.zeros((16,), jnp.float32)
    ones16 = jnp.ones((16,), jnp.float32)

    def zero_body(i, _):
        hist[pl.ds(i * 16, 16)] = zeros16
        return 0
    lax.fori_loop(0, NPAD // 16, zero_body, 0)

    base = s * (EP // TILES)

    def chunk_body(j, _):
        pltpu.sync_copy(dst_hbm.at[pl.ds(c * EP + base + j * CHD, CHD)], dbuf)

        def vec_body(t, _):
            idx = dbuf[pl.ds(t * 16, 16)]
            plsc.addupdate_scatter(hist, [idx], ones16)
            return 0
        lax.fori_loop(0, CHD // 16, vec_body, 0)
        return 0
    lax.fori_loop(0, (EP // TILES) // CHD, chunk_body, 0)

    pltpu.sync_copy(hist, shist.at[pl.ds(s * NPAD, NPAD)])
    plsc.subcore_barrier()

    r0 = s * DROWS_T
    pltpu.sync_copy(shist.at[pl.ds(r0, DROWS_T)], sumb)
    for t in range(1, TILES):
        pltpu.sync_copy(shist.at[pl.ds(t * NPAD + r0, DROWS_T)], tmpb)

        def add_body(i, _):
            sl = pl.ds(i * 16, 16)
            sumb[sl] = sumb[sl] + tmpb[sl]
            return 0
        lax.fori_loop(0, DROWS_T // 16, add_body, 0)

    def dinv_body(i, _):
        sl = pl.ds(i * 16, 16)
        deg = sumb[sl] + 1.0
        dvb[sl] = _rsqrt_newton(deg)
        return 0
    lax.fori_loop(0, DROWS_T // 16, dinv_body, 0)

    def bcast_body(i, _):
        v = dvb[pl.ds(i * 16, 16)]
        for lane in range(16):
            row = jnp.broadcast_to(v[lane], (16,))
            for j in range(D // 16):
                bbuf[i * 16 + lane, pl.ds(j * 16, 16)] = row
        return 0
    lax.fori_loop(0, DROWS_T // 16, bcast_body, 0)

    pltpu.sync_copy(bbuf, dinv_hbm.at[c, pl.ds(r0, DROWS_T)])


@functools.partial(
    pl.kernel,
    out_type=jax.ShapeDtypeStruct((2, NPAD, D), jnp.float32),
    mesh=_mesh,
    compiler_params=_sc_params,
    scratch_types=[
        [pltpu.VMEM((K,), jnp.int32) for _ in range(NB)],
        [pltpu.VMEM((K,), jnp.int32) for _ in range(NB)],
        [pltpu.VMEM((K, D), jnp.float32) for _ in range(NB)],
        pltpu.VMEM_SHARED((NPAD, D), jnp.float32),
        [pltpu.SemaphoreType.DMA for _ in range(NB)],
        [pltpu.SemaphoreType.DMA for _ in range(NB)],
        [pltpu.SemaphoreType.DMA for _ in range(NB)],
    ],
)
def _sc_edge_acc(src_hbm, dst_hbm, g_hbm, out_hbm,
                 sbufs, dbufs, rows, acc, isems, gsems, ssems):
    c = lax.axis_index("c")
    s = lax.axis_index("s")
    zeros16 = jnp.zeros((16,), jnp.float32)

    stg = rows[0].at[pl.ds(0, 64)]

    def zstg_body(i, _):
        for j in range(D // 16):
            rows[0][i, pl.ds(j * 16, 16)] = zeros16
        return 0
    lax.fori_loop(0, 64, zstg_body, 0)
    for i in range(DROWS_T // 64):
        pltpu.sync_copy(stg, acc.at[pl.ds(s * DROWS_T + i * 64, 64)])
    plsc.subcore_barrier()

    ebase = c * EP + s * CH_T * K

    def idx_start(j, b):
        off = ebase + j * K
        pltpu.async_copy(src_hbm.at[pl.ds(off, K)], sbufs[b], isems[b])
        pltpu.async_copy(dst_hbm.at[pl.ds(off, K)], dbufs[b], isems[b])

    def idx_wait(j, b):
        off = ebase + j * K
        pltpu.make_async_copy(src_hbm.at[pl.ds(off, K)], sbufs[b], isems[b]).wait()
        pltpu.make_async_copy(dst_hbm.at[pl.ds(off, K)], dbufs[b], isems[b]).wait()

    def g_start(b):
        pltpu.async_copy(g_hbm.at[sbufs[b]], rows[b], gsems[b])

    def g_wait(b):
        pltpu.make_async_copy(g_hbm.at[sbufs[b]], rows[b], gsems[b]).wait()

    def s_start(b):
        pltpu.async_copy(rows[b], acc.at[dbufs[b]], ssems[b], add=True)

    def s_wait(b):
        pltpu.make_async_copy(rows[b], acc.at[dbufs[b]], ssems[b]).wait()

    idx_start(0, 0)
    idx_start(1, 1)
    idx_wait(0, 0)
    g_start(0)

    def chunk_body(j, _):
        for b in range(NB):
            @pl.when(j % NB == b)
            def _():
                bg = (b + 1) % NB
                bi = (b + 2) % NB
                g_wait(b)
                s_start(b)

                @pl.when(j + 1 < CH_T)
                def _():
                    idx_wait(j + 1, bg)
                    g_start(bg)

                @pl.when(j + 2 < CH_T)
                def _():
                    @pl.when(j + 2 >= NB)
                    def _():
                        s_wait(bi)
                    idx_start(j + 2, bi)
        return 0
    lax.fori_loop(0, CH_T, chunk_body, 0)
    for b in range(NB):
        s_wait(b)

    plsc.subcore_barrier()
    for i in range(DROWS_T // 64):
        r = s * DROWS_T + i * 64
        pltpu.sync_copy(acc.at[pl.ds(r, 64)], stg)
        pltpu.sync_copy(stg, out_hbm.at[c, pl.ds(r, 64)])


def _tc_prep_body(fa_ref, ha_ref, fb_ref, hb_ref, w_ref, dinv_ref, g_ref):
    w = w_ref[...]
    za = fa_ref[...] + 0.8 * ha_ref[...]
    zb = fb_ref[...] + 0.8 * hb_ref[...]
    g_ref[0] = jnp.dot(za, w, preferred_element_type=jnp.float32) * dinv_ref[0]
    g_ref[1] = jnp.dot(zb, w, preferred_element_type=jnp.float32) * dinv_ref[1]


def _tc_finish_body(a_ref, g_ref, dinv_ref, b_ref, o_ref):
    y = (a_ref[...] + g_ref[...]) * dinv_ref[...] + b_ref[...]
    o_ref[...] = jnp.maximum(y, 0.01 * y)


_RB = 400


def _tc_prep(fa, ha, fb, hb, w, dinv):
    blk2 = pl.BlockSpec((_RB, D), lambda j: (j, 0))
    blk3 = pl.BlockSpec((2, _RB, D), lambda j: (0, j, 0))
    return pl.pallas_call(
        _tc_prep_body,
        grid=(N // _RB,),
        in_specs=[blk2, blk2, blk2, blk2,
                  pl.BlockSpec((D, D), lambda j: (0, 0)), blk3],
        out_specs=blk3,
        out_shape=jax.ShapeDtypeStruct((2, N, D), jnp.float32),
    )(fa, ha, fb, hb, w, dinv)


def _tc_finish(a, g, dinv, b):
    blk3 = pl.BlockSpec((2, _RB, D), lambda j: (0, j, 0))
    return pl.pallas_call(
        _tc_finish_body,
        grid=(N // _RB,),
        in_specs=[blk3, blk3, blk3, pl.BlockSpec((D,), lambda j: (0,))],
        out_specs=blk3,
        out_shape=jax.ShapeDtypeStruct((2, N, D), jnp.float32),
    )(a, g, dinv, b)


@jax.jit
def kernel(edge_index_1, edge_index_2, feature_A, feature_B, hidden_A, hidden_B, W, b):
    spad = jnp.zeros((EP - E,), dtype=jnp.int32)
    dpad = jnp.full((EP - E,), NPAD - 2, dtype=jnp.int32)
    src_f = jnp.concatenate([
        edge_index_1[0].astype(jnp.int32), spad,
        edge_index_2[0].astype(jnp.int32) + N, spad + N,
    ])
    dst_f = jnp.concatenate([
        edge_index_1[1].astype(jnp.int32), dpad,
        edge_index_2[1].astype(jnp.int32), dpad,
    ])

    dinv = _sc_degree(dst_f)
    g = _tc_prep(feature_A, hidden_A, feature_B, hidden_B, W, dinv)
    acc = _sc_edge_acc(src_f, dst_f, g.reshape(2 * N, D))
    out = _tc_finish(acc, g, dinv, b)
    return out[0], out[1], hidden_A, hidden_B

# --- scband reference (transcript-rebuilt; emitter-appended) ---
"""Pipeline reference for scband-rnn-35296041238973 (READ-ONLY COPY).

The authoritative reference and input builder live on the scoring server;
editing this copy changes nothing except your own understanding.
"""

import jax, jax.numpy as jnp
import numpy as np

N = 10000
E = 320000
D = 128


def setup_inputs(seed: int = 0) -> dict:
    key = jax.random.key(seed)
    ks = jax.random.split(key, 8)
    return {
        "edge_index_1": jax.random.randint(ks[0], (2, E), 0, N),
        "edge_index_2": jax.random.randint(ks[1], (2, E), 0, N),
        "feature_A": jax.random.normal(ks[2], (N, D), dtype=jnp.float32),
        "feature_B": jax.random.normal(ks[3], (N, D), dtype=jnp.float32),
        "hidden_A": jax.random.normal(ks[4], (N, D), dtype=jnp.float32),
        "hidden_B": jax.random.normal(ks[5], (N, D), dtype=jnp.float32),
        "W": jax.random.normal(ks[6], (D, D), dtype=jnp.float32) * 0.05,
        "b": jnp.zeros((D,), dtype=jnp.float32),
    }


def _gcn_conv(x, edge_index, W, b):
    # PyG GCNConv with normalize=True, add_self_loops=True, bias=True
    n = x.shape[0]
    src = edge_index[0]
    dst = edge_index[1]
    loop = jnp.arange(n)
    src = jnp.concatenate([src, loop])
    dst = jnp.concatenate([dst, loop])
    deg = jnp.zeros((n,), dtype=x.dtype).at[dst].add(1.0)
    deg_inv_sqrt = jnp.where(deg > 0, 1.0 / jnp.sqrt(deg), 0.0)
    norm = deg_inv_sqrt[src] * deg_inv_sqrt[dst]
    h = x @ W
    msg = h[src] * norm[:, None]
    out = jnp.zeros_like(h).at[dst].add(msg)
    return out + b


def reference(edge_index_1, edge_index_2, feature_A, feature_B, hidden_A, hidden_B, W, b):
    FA = _gcn_conv(feature_A + 0.8 * hidden_A, edge_index_1, W, b)
    FA = jax.nn.leaky_relu(FA, negative_slope=0.01)
    FB = _gcn_conv(feature_B + 0.8 * hidden_B, edge_index_2, W, b)
    FB = jax.nn.leaky_relu(FB, negative_slope=0.01)
    return (FA, FB, hidden_A, hidden_B)

if __name__ == "__main__":
    import jax
    _d = setup_inputs()
    print(jax.jit(kernel)(*tuple(_d.values())))

</pallas_src>

<mosaic_0001>
#map = affine_map<(d0, d1) -> (0)>
#map1 = affine_map<(d0, d1) -> (0, 0, 0)>
module attributes {stable_mosaic.version = 14 : i64} {
  func.func @_sc_degree(%arg0: i32, %arg1: i32, %arg2: memref<641536xi32, #tpu.memory_space<hbm>>, %arg3: memref<2x10240x128xf32, #tpu.memory_space<hbm>>, %arg4: memref<2864xi32, #tpu.memory_space<vmem>>, %arg5: memref<10240xf32, #tpu.memory_space<vmem>>, %arg6: memref<640xf32, #tpu.memory_space<vmem>>, %arg7: memref<640xf32, #tpu.memory_space<vmem>>, %arg8: memref<640xf32, #tpu.memory_space<vmem>>, %arg9: memref<640x128xf32, #tpu.memory_space<vmem>>, %arg10: memref<163840xf32, #tpu.memory_space<vmem_shared>>) attributes {dimension_semantics = [#tpu.dimension_semantics<core_parallel>, #tpu.dimension_semantics<subcore_parallel>], iteration_bounds = array<i64: 2, 16>, scalar_prefetch = 0 : i64, scratch_operands = 7 : i64, tpu.core_type = #tpu.core_type<sc_vector_subcore>, window_params = [{transform_indices = #map}, {transform_indices = #map1}]} {
    %broadcast_in_dim3A = arith.constant 0.000000e+00 : f32
    %broadcast_in_dim3A_0 = vector.broadcast %broadcast_in_dim3A : f32 to vector<16xf32>
    %broadcast_in_dim3A_1 = arith.constant 1.000000e+00 : f32
    %broadcast_in_dim3A_2 = vector.broadcast %broadcast_in_dim3A_1 : f32 to vector<16xf32>
    %scan3A = arith.constant 0 : i32
    %scan3A_3 = arith.constant 0 : i32
    %scan3A_4 = arith.constant 640 : i32
    %scan3A_5 = arith.addi %scan3A_3, %scan3A_4 : i32
    %scan3A_6 = arith.constant 1 : i32
    %scan3A_7 = scf.for %scan3A_169 = %scan3A_3 to %scan3A_5 step %scan3A_6 iter_args(%scan3A_170 = %scan3A) -> (i32)  : i32 {
      %mul3A_171 = arith.constant 16 : i32
      %mul3A_172 = arith.muli %scan3A_169, %mul3A_171 : i32
      %swap3A = arith.index_cast %mul3A_172 : i32 to index
      %swap3A_173 = tpu.vector_load %arg5[%swap3A] {strides = array<i32>} : memref<10240xf32, #tpu.memory_space<vmem>>, vector<16xf32>,
      tpu.vector_store %arg5[%swap3A], %broadcast_in_dim3A_0 {strides = array<i32>} : memref<10240xf32, #tpu.memory_space<vmem>>, vector<16xf32>,
      %scan3A_174 = arith.constant 0 : i32
      scf.yield %scan3A_174 : i32
    }
    %scan3A_8 = arith.constant 640 : i32
    %mul3A = arith.constant 20048 : i32
    %mul3A_9 = arith.muli %arg1, %mul3A : i32
    %scan3A_10 = arith.constant 0 : i32
    %scan3A_11 = arith.constant 0 : i32
    %scan3A_12 = arith.constant 7 : i32
    %scan3A_13 = arith.addi %scan3A_11, %scan3A_12 : i32
    %scan3A_14 = arith.constant 1 : i32
    %scan3A_15 = scf.for %scan3A_169 = %scan3A_11 to %scan3A_13 step %scan3A_14 iter_args(%scan3A_170 = %scan3A_10) -> (i32)  : i32 {
      %mul3A_171 = arith.constant 320768 : i32
      %mul3A_172 = arith.muli %arg0, %mul3A_171 : i32
      %add3A_173 = arith.addi %mul3A_172, %mul3A_9 : i32
      %mul3A_174 = arith.constant 2864 : i32
      %mul3A_175 = arith.muli %scan3A_169, %mul3A_174 : i32
      %add3A_176 = arith.addi %add3A_173, %mul3A_175 : i32
      "tpu.region"() ({
        %run_scoped3A = tpu.sem_alloc : memref<!tpu.dma_semaphore, #tpu.memory_space<semaphore_mem>>
        %dma_start3A = tpu.memref_slice %arg2[%add3A_176] : memref<641536xi32, #tpu.memory_space<hbm>> -> memref<2864xi32, #tpu.memory_space<hbm>>
        %dma_start3A_185 = tpu.memref_slice %arg2[%add3A_176] : memref<641536xi32, #tpu.memory_space<hbm>> -> memref<2864xi32, #tpu.memory_space<hbm>>
        tpu.enqueue_dma source(%dma_start3A_185 : memref<2864xi32, #tpu.memory_space<hbm>>) target(%arg4 : memref<2864xi32, #tpu.memory_space<vmem>>) target_semaphore(%run_scoped3A : memref<!tpu.dma_semaphore, #tpu.memory_space<semaphore_mem>>)
        %dma_wait3A = tpu.memref_slice %arg2[%add3A_176] : memref<641536xi32, #tpu.memory_space<hbm>> -> memref<2864xi32, #tpu.memory_space<hbm>>
        %dma_wait3A_186 = tpu.memref_slice %arg2[%add3A_176] : memref<641536xi32, #tpu.memory_space<hbm>> -> memref<2864xi32, #tpu.memory_space<hbm>>
        tpu.wait_dma2 semaphore(%run_scoped3A : memref<!tpu.dma_semaphore, #tpu.memory_space<semaphore_mem>>) src(%dma_wait3A_186 : memref<2864xi32, #tpu.memory_space<hbm>>) dst(%arg4 : memref<2864xi32, #tpu.memory_space<vmem>>)
        tpu.yield
      }) : () -> ()
      %scan3A_177 = arith.constant 0 : i32
      %scan3A_178 = arith.constant 0 : i32
      %scan3A_179 = arith.constant 179 : i32
      %scan3A_180 = arith.addi %scan3A_178, %scan3A_179 : i32
      %scan3A_181 = arith.constant 1 : i32
      %scan3A_182 = scf.for %scan3A_185 = %scan3A_178 to %scan3A_180 step %scan3A_181 iter_args(%scan3A_186 = %scan3A_177) -> (i32)  : i32 {
        %mul3A_187 = arith.constant 16 : i32
        %mul3A_188 = arith.muli %scan3A_185, %mul3A_187 : i32
        %get3A = arith.index_cast %mul3A_188 : i32 to index
        %get3A_189 = tpu.vector_load %arg4[%get3A] {strides = array<i32>} : memref<2864xi32, #tpu.memory_space<vmem>>, vector<16xi32>,
        tpu.vector_store_idx %arg5[%get3A_189], %broadcast_in_dim3A_2 {add = true} : memref<10240xf32, #tpu.memory_space<vmem>>[vector<16xi32>], vector<16xf32>,
        %scan3A_190 = arith.constant 0 : i32
        scf.yield %scan3A_190 : i32
      }
      %scan3A_183 = arith.constant 179 : i32
      %scan3A_184 = arith.constant 0 : i32
      scf.yield %scan3A_184 : i32
    }
    %scan3A_16 = arith.constant 7 : i32
    %mul3A_17 = arith.constant 10240 : i32
    %mul3A_18 = arith.muli %arg1, %mul3A_17 : i32
    "tpu.region"() ({
      %run_scoped3A = tpu.sem_alloc : memref<!tpu.dma_semaphore, #tpu.memory_space<semaphore_mem>>
      %dma_start3A = tpu.memref_slice %arg10[%mul3A_18] : memref<163840xf32, #tpu.memory_space<vmem_shared>> -> memref<10240xf32, #tpu.memory_space<vmem_shared>>
      %dma_start3A_169 = tpu.memref_slice %arg10[%mul3A_18] : memref<163840xf32, #tpu.memory_space<vmem_shared>> -> memref<10240xf32, #tpu.memory_space<vmem_shared>>
      tpu.enqueue_dma source(%arg5 : memref<10240xf32, #tpu.memory_space<vmem>>) target(%dma_start3A_169 : memref<10240xf32, #tpu.memory_space<vmem_shared>>) target_semaphore(%run_scoped3A : memref<!tpu.dma_semaphore, #tpu.memory_space<semaphore_mem>>)
      %dma_wait3A = tpu.memref_slice %arg10[%mul3A_18] : memref<163840xf32, #tpu.memory_space<vmem_shared>> -> memref<10240xf32, #tpu.memory_space<vmem_shared>>
      %dma_wait3A_170 = tpu.memref_slice %arg10[%mul3A_18] : memref<163840xf32, #tpu.memory_space<vmem_shared>> -> memref<10240xf32, #tpu.memory_space<vmem_shared>>
      tpu.wait_dma2 semaphore(%run_scoped3A : memref<!tpu.dma_semaphore, #tpu.memory_space<semaphore_mem>>) src(%arg5 : memref<10240xf32, #tpu.memory_space<vmem>>) dst(%dma_wait3A_170 : memref<10240xf32, #tpu.memory_space<vmem_shared>>)
      tpu.yield
    }) : () -> ()
    %barrier3A = arith.constant 0 : index
    tpu.barrier barrier_id(%barrier3A)
    %mul3A_19 = arith.constant 640 : i32
    %mul3A_20 = arith.muli %arg1, %mul3A_19 : i32
    "tpu.region"() ({
      %run_scoped3A = tpu.sem_alloc : memref<!tpu.dma_semaphore, #tpu.memory_space<semaphore_mem>>
      %dma_start3A = tpu.memref_slice %arg10[%mul3A_20] : memref<163840xf32, #tpu.memory_space<vmem_shared>> -> memref<640xf32, #tpu.memory_space<vmem_shared>>
      %dma_start3A_169 = tpu.memref_slice %arg10[%mul3A_20] : memref<163840xf32, #tpu.memory_space<vmem_shared>> -> memref<640xf32, #tpu.memory_space<vmem_shared>>
      tpu.enqueue_dma source(%dma_start3A_169 : memref<640xf32, #tpu.memory_space<vmem_shared>>) target(%arg6 : memref<640xf32, #tpu.memory_space<vmem>>) target_semaphore(%run_scoped3A : memref<!tpu.dma_semaphore, #tpu.memory_space<semaphore_mem>>)
      %dma_wait3A = tpu.memref_slice %arg10[%mul3A_20] : memref<163840xf32, #tpu.memory_space<vmem_shared>> -> memref<640xf32, #tpu.memory_space<vmem_shared>>
      %dma_wait3A_170 = tpu.memref_slice %arg10[%mul3A_20] : memref<163840xf32, #tpu.memory_space<vmem_shared>> -> memref<640xf32, #tpu.memory_space<vmem_shared>>
      tpu.wait_dma2 semaphore(%run_scoped3A : memref<!tpu.dma_semaphore, #tpu.memory_space<semaphore_mem>>) src(%dma_wait3A_170 : memref<640xf32, #tpu.memory_space<vmem_shared>>) dst(%arg6 : memref<640xf32, #tpu.memory_space<vmem>>)
      tpu.yield
    }) : () -> ()
    %add3A = arith.constant 10240 : i32
    %add3A_21 = arith.addi %add3A, %mul3A_20 : i32
    "tpu.region"() ({
      %run_scoped3A = tpu.sem_alloc : memref<!tpu.dma_semaphore, #tpu.memory_space<semaphore_mem>>
      %dma_start3A = tpu.memref_slice %arg10[%add3A_21] : memref<163840xf32, #tpu.memory_space<vmem_shared>> -> memref<640xf32, #tpu.memory_space<vmem_shared>>
      %dma_start3A_169 = tpu.memref_slice %arg10[%add3A_21] : memref<163840xf32, #tpu.memory_space<vmem_shared>> -> memref<640xf32, #tpu.memory_space<vmem_shared>>
      tpu.enqueue_dma source(%dma_start3A_169 : memref<640xf32, #tpu.memory_space<vmem_shared>>) target(%arg7 : memref<640xf32, #tpu.memory_space<vmem>>) target_semaphore(%run_scoped3A : memref<!tpu.dma_semaphore, #tpu.memory_space<semaphore_mem>>)
      %dma_wait3A = tpu.memref_slice %arg10[%add3A_21] : memref<163840xf32, #tpu.memory_space<vmem_shared>> -> memref<640xf32, #tpu.memory_space<vmem_shared>>
      %dma_wait3A_170 = tpu.memref_slice %arg10[%add3A_21] : memref<163840xf32, #tpu.memory_space<vmem_shared>> -> memref<640xf32, #tpu.memory_space<vmem_shared>>
      tpu.wait_dma2 semaphore(%run_scoped3A : memref<!tpu.dma_semaphore, #tpu.memory_space<semaphore_mem>>) src(%dma_wait3A_170 : memref<640xf32, #tpu.memory_space<vmem_shared>>) dst(%arg7 : memref<640xf32, #tpu.memory_space<vmem>>)
      tpu.yield
    }) : () -> ()
    %scan3A_22 = arith.constant 0 : i32
    %scan3A_23 = arith.constant 0 : i32
    %scan3A_24 = arith.constant 40 : i32
    %scan3A_25 = arith.addi %scan3A_23, %scan3A_24 : i32
    %scan3A_26 = arith.constant 1 : i32
    %scan3A_27 = scf.for %scan3A_169 = %scan3A_23 to %scan3A_25 step %scan3A_26 iter_args(%scan3A_170 = %scan3A_22) -> (i32)  : i32 {
      %mul3A_171 = arith.constant 16 : i32
      %mul3A_172 = arith.muli %scan3A_169, %mul3A_171 : i32
      %get3A = arith.index_cast %mul3A_172 : i32 to index
      %get3A_173 = tpu.vector_load %arg6[%get3A] {strides = array<i32>} : memref<640xf32, #tpu.memory_space<vmem>>, vector<16xf32>,
      %get3A_174 = arith.index_cast %mul3A_172 : i32 to index
      %get3A_175 = tpu.vector_load %arg7[%get3A_174] {strides = array<i32>} : memref<640xf32, #tpu.memory_space<vmem>>, vector<16xf32>,
      %add3A_176 = arith.addf %get3A_173, %get3A_175 : vector<16xf32>
      %swap3A = arith.index_cast %mul3A_172 : i32 to index
      %swap3A_177 = tpu.vector_load %arg6[%swap3A] {strides = array<i32>} : memref<640xf32, #tpu.memory_space<vmem>>, vector<16xf32>,
      tpu.vector_store %arg6[%swap3A], %add3A_176 {strides = array<i32>} : memref<640xf32, #tpu.memory_space<vmem>>, vector<16xf32>,
      %scan3A_178 = arith.constant 0 : i32
      scf.yield %scan3A_178 : i32
    }
    %scan3A_28 = arith.constant 40 : i32
    %add3A_29 = arith.constant 20480 : i32
    %add3A_30 = arith.addi %add3A_29, %mul3A_20 : i32
    "tpu.region"() ({
      %run_scoped3A = tpu.sem_alloc : memref<!tpu.dma_semaphore, #tpu.memory_space<semaphore_mem>>
      %dma_start3A = tpu.memref_slice %arg10[%add3A_30] : memref<163840xf32, #tpu.memory_space<vmem_shared>> -> memref<640xf32, #tpu.memory_space<vmem_shared>>
      %dma_start3A_169 = tpu.memref_slice %arg10[%add3A_30] : memref<163840xf32, #tpu.memory_space<vmem_shared>> -> memref<640xf32, #tpu.memory_space<vmem_shared>>
      tpu.enqueue_dma source(%dma_start3A_169 : memref<640xf32, #tpu.memory_space<vmem_shared>>) target(%arg7 : memref<640xf32, #tpu.memory_space<vmem>>) target_semaphore(%run_scoped3A : memref<!tpu.dma_semaphore, #tpu.memory_space<semaphore_mem>>)
      %dma_wait3A = tpu.memref_slice %arg10[%add3A_30] : memref<163840xf32, #tpu.memory_space<vmem_shared>> -> memref<640xf32, #tpu.memory_space<vmem_shared>>
      %dma_wait3A_170 = tpu.memref_slice %arg10[%add3A_30] : memref<163840xf32, #tpu.memory_space<vmem_shared>> -> memref<640xf32, #tpu.memory_space<vmem_shared>>
      tpu.wait_dma2 semaphore(%run_scoped3A : memref<!tpu.dma_semaphore, #tpu.memory_space<semaphore_mem>>) src(%dma_wait3A_170 : memref<640xf32, #tpu.memory_space<vmem_shared>>) dst(%arg7 : memref<640xf32, #tpu.memory_space<vmem>>)
      tpu.yield
    }) : () -> ()
    %scan3A_31 = arith.constant 0 : i32
    %scan3A_32 = arith.constant 0 : i32
    %scan3A_33 = arith.constant 40 : i32
    %scan3A_34 = arith.addi %scan3A_32, %scan3A_33 : i32
    %scan3A_35 = arith.constant 1 : i32
    %scan3A_36 = scf.for %scan3A_169 = %scan3A_32 to %scan3A_34 step %scan3A_35 iter_args(%scan3A_170 = %scan3A_31) -> (i32)  : i32 {
      %mul3A_171 = arith.constant 16 : i32
      %mul3A_172 = arith.muli %scan3A_169, %mul3A_171 : i32
      %get3A = arith.index_cast %mul3A_172 : i32 to index
      %get3A_173 = tpu.vector_load %arg6[%get3A] {strides = array<i32>} : memref<640xf32, #tpu.memory_space<vmem>>, vector<16xf32>,
      %get3A_174 = arith.index_cast %mul3A_172 : i32 to index
      %get3A_175 = tpu.vector_load %arg7[%get3A_174] {strides = array<i32>} : memref<640xf32, #tpu.memory_space<vmem>>, vector<16xf32>,
      %add3A_176 = arith.addf %get3A_173, %get3A_175 : vector<16xf32>
      %swap3A = arith.index_cast %mul3A_172 : i32 to index
      %swap3A_177 = tpu.vector_load %arg6[%swap3A] {strides = array<i32>} : memref<640xf32, #tpu.memory_space<vmem>>, vector<16xf32>,
      tpu.vector_store %arg6[%swap3A], %add3A_176 {strides = array<i32>} : memref<640xf32, #tpu.memory_space<vmem>>, vector<16xf32>,
      %scan3A_178 = arith.constant 0 : i32
      scf.yield %scan3A_178 : i32
    }
    %scan3A_37 = arith.constant 40 : i32
    %add3A_38 = arith.constant 30720 : i32
    %add3A_39 = arith.addi %add3A_38, %mul3A_20 : i32
    "tpu.region"() ({
      %run_scoped3A = tpu.sem_alloc : memref<!tpu.dma_semaphore, #tpu.memory_space<semaphore_mem>>
      %dma_start3A = tpu.memref_slice %arg10[%add3A_39] : memref<163840xf32, #tpu.memory_space<vmem_shared>> -> memref<640xf32, #tpu.memory_space<vmem_shared>>
      %dma_start3A_169 = tpu.memref_slice %arg10[%add3A_39] : memref<163840xf32, #tpu.memory_space<vmem_shared>> -> memref<640xf32, #tpu.memory_space<vmem_shared>>
      tpu.enqueue_dma source(%dma_start3A_169 : memref<640xf32, #tpu.memory_space<vmem_shared>>) target(%arg7 : memref<640xf32, #tpu.memory_space<vmem>>) target_semaphore(%run_scoped3A : memref<!tpu.dma_semaphore, #tpu.memory_space<semaphore_mem>>)
      %dma_wait3A = tpu.memref_slice %arg10[%add3A_39] : memref<163840xf32, #tpu.memory_space<vmem_shared>> -> memref<640xf32, #tpu.memory_space<vmem_shared>>
      %dma_wait3A_170 = tpu.memref_slice %arg10[%add3A_39] : memref<163840xf32, #tpu.memory_space<vmem_shared>> -> memref<640xf32, #tpu.memory_space<vmem_shared>>
      tpu.wait_dma2 semaphore(%run_scoped3A : memref<!tpu.dma_semaphore, #tpu.memory_space<semaphore_mem>>) src(%dma_wait3A_170 : memref<640xf32, #tpu.memory_space<vmem_shared>>) dst(%arg7 : memref<640xf32, #tpu.memory_space<vmem>>)
      tpu.yield
    }) : () -> ()
    %scan3A_40 = arith.constant 0 : i32
    %scan3A_41 = arith.constant 0 : i32
    %scan3A_42 = arith.constant 40 : i32
    %scan3A_43 = arith.addi %scan3A_41, %scan3A_42 : i32
    %scan3A_44 = arith.constant 1 : i32
    %scan3A_45 = scf.for %scan3A_169 = %scan3A_41 to %scan3A_43 step %scan3A_44 iter_args(%scan3A_170 = %scan3A_40) -> (i32)  : i32 {
      %mul3A_171 = arith.constant 16 : i32
      %mul3A_172 = arith.muli %scan3A_169, %mul3A_171 : i32
      %get3A = arith.index_cast %mul3A_172 : i32 to index
      %get3A_173 = tpu.vector_load %arg6[%get3A] {strides = array<i32>} : memref<640xf32, #tpu.memory_space<vmem>>, vector<16xf32>,
      %get3A_174 = arith.index_cast %mul3A_172 : i32 to index
      %get3A_175 = tpu.vector_load %arg7[%get3A_174] {strides = array<i32>} : memref<640xf32, #tpu.memory_space<vmem>>, vector<16xf32>,
      %add3A_176 = arith.addf %get3A_173, %get3A_175 : vector<16xf32>
      %swap3A = arith.index_cast %mul3A_172 : i32 to index
      %swap3A_177 = tpu.vector_load %arg6[%swap3A] {strides = array<i32>} : memref<640xf32, #tpu.memory_space<vmem>>, vector<16xf32>,
      tpu.vector_store %arg6[%swap3A], %add3A_176 {strides = array<i32>} : memref<640xf32, #tpu.memory_space<vmem>>, vector<16xf32>,
      %scan3A_178 = arith.constant 0 : i32
      scf.yield %scan3A_178 : i32
    }
    %scan3A_46 = arith.constant 40 : i32
    %add3A_47 = arith.constant 40960 : i32
    %add3A_48 = arith.addi %add3A_47, %mul3A_20 : i32
    "tpu.region"() ({
      %run_scoped3A = tpu.sem_alloc : memref<!tpu.dma_semaphore, #tpu.memory_space<semaphore_mem>>
      %dma_start3A = tpu.memref_slice %arg10[%add3A_48] : memref<163840xf32, #tpu.memory_space<vmem_shared>> -> memref<640xf32, #tpu.memory_space<vmem_shared>>
      %dma_start3A_169 = tpu.memref_slice %arg10[%add3A_48] : memref<163840xf32, #tpu.memory_space<vmem_shared>> -> memref<640xf32, #tpu.memory_space<vmem_shared>>
      tpu.enqueue_dma source(%dma_start3A_169 : memref<640xf32, #tpu.memory_space<vmem_shared>>) target(%arg7 : memref<640xf32, #tpu.memory_space<vmem>>) target_semaphore(%run_scoped3A : memref<!tpu.dma_semaphore, #tpu.memory_space<semaphore_mem>>)
      %dma_wait3A = tpu.memref_slice %arg10[%add3A_48] : memref<163840xf32, #tpu.memory_space<vmem_shared>> -> memref<640xf32, #tpu.memory_space<vmem_shared>>
      %dma_wait3A_170 = tpu.memref_slice %arg10[%add3A_48] : memref<163840xf32, #tpu.memory_space<vmem_shared>> -> memref<640xf32, #tpu.memory_space<vmem_shared>>
      tpu.wait_dma2 semaphore(%run_scoped3A : memref<!tpu.dma_semaphore, #tpu.memory_space<semaphore_mem>>) src(%dma_wait3A_170 : memref<640xf32, #tpu.memory_space<vmem_shared>>) dst(%arg7 : memref<640xf32, #tpu.memory_space<vmem>>)
      tpu.yield
    }) : () -> ()
    %scan3A_49 = arith.constant 0 : i32
    %scan3A_50 = arith.constant 0 : i32
    %scan3A_51 = arith.constant 40 : i32
    %scan3A_52 = arith.addi %scan3A_50, %scan3A_51 : i32
    %scan3A_53 = arith.constant 1 : i32
    %scan3A_54 = scf.for %scan3A_169 = %scan3A_50 to %scan3A_52 step %scan3A_53 iter_args(%scan3A_170 = %scan3A_49) -> (i32)  : i32 {
      %mul3A_171 = arith.constant 16 : i32
      %mul3A_172 = arith.muli %scan3A_169, %mul3A_171 : i32
      %get3A = arith.index_cast %mul3A_172 : i32 to index
      %get3A_173 = tpu.vector_load %arg6[%get3A] {strides = array<i32>} : memref<640xf32, #tpu.memory_space<vmem>>, vector<16xf32>,
      %get3A_174 = arith.index_cast %mul3A_172 : i32 to index
      %get3A_175 = tpu.vector_load %arg7[%get3A_174] {strides = array<i32>} : memref<640xf32, #tpu.memory_space<vmem>>, vector<16xf32>,
      %add3A_176 = arith.addf %get3A_173, %get3A_175 : vector<16xf32>
      %swap3A = arith.index_cast %mul3A_172 : i32 to index
      %swap3A_177 = tpu.vector_load %arg6[%swap3A] {strides = array<i32>} : memref<640xf32, #tpu.memory_space<vmem>>, vector<16xf32>,
      tpu.vector_store %arg6[%swap3A], %add3A_176 {strides = array<i32>} : memref<640xf32, #tpu.memory_space<vmem>>, vector<16xf32>,
      %scan3A_178 = arith.constant 0 : i32
      scf.yield %scan3A_178 : i32
    }
    %scan3A_55 = arith.constant 40 : i32
    %add3A_56 = arith.constant 51200 : i32
    %add3A_57 = arith.addi %add3A_56, %mul3A_20 : i32
    "tpu.region"() ({
      %run_scoped3A = tpu.sem_alloc : memref<!tpu.dma_semaphore, #tpu.memory_space<semaphore_mem>>
      %dma_start3A = tpu.memref_slice %arg10[%add3A_57] : memref<163840xf32, #tpu.memory_space<vmem_shared>> -> memref<640xf32, #tpu.memory_space<vmem_shared>>
      %dma_start3A_169 = tpu.memref_slice %arg10[%add3A_57] : memref<163840xf32, #tpu.memory_space<vmem_shared>> -> memref<640xf32, #tpu.memory_space<vmem_shared>>
      tpu.enqueue_dma source(%dma_start3A_169 : memref<640xf32, #tpu.memory_space<vmem_shared>>) target(%arg7 : memref<640xf32, #tpu.memory_space<vmem>>) target_semaphore(%run_scoped3A : memref<!tpu.dma_semaphore, #tpu.memory_space<semaphore_mem>>)
      %dma_wait3A = tpu.memref_slice %arg10[%add3A_57] : memref<163840xf32, #tpu.memory_space<vmem_shared>> -> memref<640xf32, #tpu.memory_space<vmem_shared>>
      %dma_wait3A_170 = tpu.memref_slice %arg10[%add3A_57] : memref<163840xf32, #tpu.memory_space<vmem_shared>> -> memref<640xf32, #tpu.memory_space<vmem_shared>>
      tpu.wait_dma2 semaphore(%run_scoped3A : memref<!tpu.dma_semaphore, #tpu.memory_space<semaphore_mem>>) src(%dma_wait3A_170 : memref<640xf32, #tpu.memory_space<vmem_shared>>) dst(%arg7 : memref<640xf32, #tpu.memory_space<vmem>>)
      tpu.yield
    }) : () -> ()
    %scan3A_58 = arith.constant 0 : i32
    %scan3A_59 = arith.constant 0 : i32
    %scan3A_60 = arith.constant 40 : i32
    %scan3A_61 = arith.addi %scan3A_59, %scan3A_60 : i32
    %scan3A_62 = arith.constant 1 : i32
    %scan3A_63 = scf.for %scan3A_169 = %scan3A_59 to %scan3A_61 step %scan3A_62 iter_args(%scan3A_170 = %scan3A_58) -> (i32)  : i32 {
      %mul3A_171 = arith.constant 16 : i32
      %mul3A_172 = arith.muli %scan3A_169, %mul3A_171 : i32
      %get3A = arith.index_cast %mul3A_172 : i32 to index
      %get3A_173 = tpu.vector_load %arg6[%get3A] {strides = array<i32>} : memref<640xf32, #tpu.memory_space<vmem>>, vector<16xf32>,
      %get3A_174 = arith.index_cast %mul3A_172 : i32 to index
      %get3A_175 = tpu.vector_load %arg7[%get3A_174] {strides = array<i32>} : memref<640xf32, #tpu.memory_space<vmem>>, vector<16xf32>,
      %add3A_176 = arith.addf %get3A_173, %get3A_175 : vector<16xf32>
      %swap3A = arith.index_cast %mul3A_172 : i32 to index
      %swap3A_177 = tpu.vector_load %arg6[%swap3A] {strides = array<i32>} : memref<640xf32, #tpu.memory_space<vmem>>, vector<16xf32>,
      tpu.vector_store %arg6[%swap3A], %add3A_176 {strides = array<i32>} : memref<640xf32, #tpu.memory_space<vmem>>, vector<16xf32>,
      %scan3A_178 = arith.constant 0 : i32
      scf.yield %scan3A_178 : i32
    }
    %scan3A_64 = arith.constant 40 : i32
    %add3A_65 = arith.constant 61440 : i32
    %add3A_66 = arith.addi %add3A_65, %mul3A_20 : i32
    "tpu.region"() ({
      %run_scoped3A = tpu.sem_alloc : memref<!tpu.dma_semaphore, #tpu.memory_space<semaphore_mem>>
      %dma_start3A = tpu.memref_slice %arg10[%add3A_66] : memref<163840xf32, #tpu.memory_space<vmem_shared>> -> memref<640xf32, #tpu.memory_space<vmem_shared>>
      %dma_start3A_169 = tpu.memref_slice %arg10[%add3A_66] : memref<163840xf32, #tpu.memory_space<vmem_shared>> -> memref<640xf32, #tpu.memory_space<vmem_shared>>
      tpu.enqueue_dma source(%dma_start3A_169 : memref<640xf32, #tpu.memory_space<vmem_shared>>) target(%arg7 : memref<640xf32, #tpu.memory_space<vmem>>) target_semaphore(%run_scoped3A : memref<!tpu.dma_semaphore, #tpu.memory_space<semaphore_mem>>)
      %dma_wait3A = tpu.memref_slice %arg10[%add3A_66] : memref<163840xf32, #tpu.memory_space<vmem_shared>> -> memref<640xf32, #tpu.memory_space<vmem_shared>>
      %dma_wait3A_170 = tpu.memref_slice %arg10[%add3A_66] : memref<163840xf32, #tpu.memory_space<vmem_shared>> -> memref<640xf32, #tpu.memory_space<vmem_shared>>
      tpu.wait_dma2 semaphore(%run_scoped3A : memref<!tpu.dma_semaphore, #tpu.memory_space<semaphore_mem>>) src(%dma_wait3A_170 : memref<640xf32, #tpu.memory_space<vmem_shared>>) dst(%arg7 : memref<640xf32, #tpu.memory_space<vmem>>)
      tpu.yield
    }) : () -> ()
    %scan3A_67 = arith.constant 0 : i32
    %scan3A_68 = arith.constant 0 : i32
    %scan3A_69 = arith.constant 40 : i32
    %scan3A_70 = arith.addi %scan3A_68, %scan3A_69 : i32
    %scan3A_71 = arith.constant 1 : i32
    %scan3A_72 = scf.for %scan3A_169 = %scan3A_68 to %scan3A_70 step %scan3A_71 iter_args(%scan3A_170 = %scan3A_67) -> (i32)  : i32 {
      %mul3A_171 = arith.constant 16 : i32
      %mul3A_172 = arith.muli %scan3A_169, %mul3A_171 : i32
      %get3A = arith.index_cast %mul3A_172 : i32 to index
      %get3A_173 = tpu.vector_load %arg6[%get3A] {strides = array<i32>} : memref<640xf32, #tpu.memory_space<vmem>>, vector<16xf32>,
      %get3A_174 = arith.index_cast %mul3A_172 : i32 to index
      %get3A_175 = tpu.vector_load %arg7[%get3A_174] {strides = array<i32>} : memref<640xf32, #tpu.memory_space<vmem>>, vector<16xf32>,
      %add3A_176 = arith.addf %get3A_173, %get3A_175 : vector<16xf32>
      %swap3A = arith.index_cast %mul3A_172 : i32 to index
      %swap3A_177 = tpu.vector_load %arg6[%swap3A] {strides = array<i32>} : memref<640xf32, #tpu.memory_space<vmem>>, vector<16xf32>,
      tpu.vector_store %arg6[%swap3A], %add3A_176 {strides = array<i32>} : memref<640xf32, #tpu.memory_space<vmem>>, vector<16xf32>,
      %scan3A_178 = arith.constant 0 : i32
      scf.yield %scan3A_178 : i32
    }
    %scan3A_73 = arith.constant 40 : i32
    %add3A_74 = arith.constant 71680 : i32
    %add3A_75 = arith.addi %add3A_74, %mul3A_20 : i32
    "tpu.region"() ({
      %run_scoped3A = tpu.sem_alloc : memref<!tpu.dma_semaphore, #tpu.memory_space<semaphore_mem>>
      %dma_start3A = tpu.memref_slice %arg10[%add3A_75] : memref<163840xf32, #tpu.memory_space<vmem_shared>> -> memref<640xf32, #tpu.memory_space<vmem_shared>>
      %dma_start3A_169 = tpu.memref_slice %arg10[%add3A_75] : memref<163840xf32, #tpu.memory_space<vmem_shared>> -> memref<640xf32, #tpu.memory_space<vmem_shared>>
      tpu.enqueue_dma source(%dma_start3A_169 : memref<640xf32, #tpu.memory_space<vmem_shared>>) target(%arg7 : memref<640xf32, #tpu.memory_space<vmem>>) target_semaphore(%run_scoped3A : memref<!tpu.dma_semaphore, #tpu.memory_space<semaphore_mem>>)
      %dma_wait3A = tpu.memref_slice %arg10[%add3A_75] : memref<163840xf32, #tpu.memory_space<vmem_shared>> -> memref<640xf32, #tpu.memory_space<vmem_shared>>
      %dma_wait3A_170 = tpu.memref_slice %arg10[%add3A_75] : memref<163840xf32, #tpu.memory_space<vmem_shared>> -> memref<640xf32, #tpu.memory_space<vmem_shared>>
      tpu.wait_dma2 semaphore(%run_scoped3A : memref<!tpu.dma_semaphore, #tpu.memory_space<semaphore_mem>>) src(%dma_wait3A_170 : memref<640xf32, #tpu.memory_space<vmem_shared>>) dst(%arg7 : memref<640xf32, #tpu.memory_space<vmem>>)
      tpu.yield
    }) : () -> ()
    %scan3A_76 = arith.constant 0 : i32
    %scan3A_77 = arith.constant 0 : i32
    %scan3A_78 = arith.constant 40 : i32
    %scan3A_79 = arith.addi %scan3A_77, %scan3A_78 : i32
    %scan3A_80 = arith.constant 1 : i32
    %scan3A_81 = scf.for %scan3A_169 = %scan3A_77 to %scan3A_79 step %scan3A_80 iter_args(%scan3A_170 = %scan3A_76) -> (i32)  : i32 {
      %mul3A_171 = arith.constant 16 : i32
      %mul3A_172 = arith.muli %scan3A_169, %mul3A_171 : i32
      %get3A = arith.index_cast %mul3A_172 : i32 to index
      %get3A_173 = tpu.vector_load %arg6[%get3A] {strides = array<i32>} : memref<640xf32, #tpu.memory_space<vmem>>, vector<16xf32>,
      %get3A_174 = arith.index_cast %mul3A_172 : i32 to index
      %get3A_175 = tpu.vector_load %arg7[%get3A_174] {strides = array<i32>} : memref<640xf32, #tpu.memory_space<vmem>>, vector<16xf32>,
      %add3A_176 = arith.addf %get3A_173, %get3A_175 : vector<16xf32>
      %swap3A = arith.index_cast %mul3A_172 : i32 to index
      %swap3A_177 = tpu.vector_load %arg6[%swap3A] {strides = array<i32>} : memref<640xf32, #tpu.memory_space<vmem>>, vector<16xf32>,
      tpu.vector_store %arg6[%swap3A], %add3A_176 {strides = array<i32>} : memref<640xf32, #tpu.memory_space<vmem>>, vector<16xf32>,
      %scan3A_178 = arith.constant 0 : i32
      scf.yield %scan3A_178 : i32
    }
    %scan3A_82 = arith.constant 40 : i32
    %add3A_83 = arith.constant 81920 : i32
    %add3A_84 = arith.addi %add3A_83, %mul3A_20 : i32
    "tpu.region"() ({
      %run_scoped3A = tpu.sem_alloc : memref<!tpu.dma_semaphore, #tpu.memory_space<semaphore_mem>>
      %dma_start3A = tpu.memref_slice %arg10[%add3A_84] : memref<163840xf32, #tpu.memory_space<vmem_shared>> -> memref<640xf32, #tpu.memory_space<vmem_shared>>
      %dma_start3A_169 = tpu.memref_slice %arg10[%add3A_84] : memref<163840xf32, #tpu.memory_space<vmem_shared>> -> memref<640xf32, #tpu.memory_space<vmem_shared>>
      tpu.enqueue_dma source(%dma_start3A_169 : memref<640xf32, #tpu.memory_space<vmem_shared>>) target(%arg7 : memref<640xf32, #tpu.memory_space<vmem>>) target_semaphore(%run_scoped3A : memref<!tpu.dma_semaphore, #tpu.memory_space<semaphore_mem>>)
      %dma_wait3A = tpu.memref_slice %arg10[%add3A_84] : memref<163840xf32, #tpu.memory_space<vmem_shared>> -> memref<640xf32, #tpu.memory_space<vmem_shared>>
      %dma_wait3A_170 = tpu.memref_slice %arg10[%add3A_84] : memref<163840xf32, #tpu.memory_space<vmem_shared>> -> memref<640xf32, #tpu.memory_space<vmem_shared>>
      tpu.wait_dma2 semaphore(%run_scoped3A : memref<!tpu.dma_semaphore, #tpu.memory_space<semaphore_mem>>) src(%dma_wait3A_170 : memref<640xf32, #tpu.memory_space<vmem_shared>>) dst(%arg7 : memref<640xf32, #tpu.memory_space<vmem>>)
      tpu.yield
    }) : () -> ()
    %scan3A_85 = arith.constant 0 : i32
    %scan3A_86 = arith.constant 0 : i32
    %scan3A_87 = arith.constant 40 : i32
    %scan3A_88 = arith.addi %scan3A_86, %scan3A_87 : i32
    %scan3A_89 = arith.constant 1 : i32
    %scan3A_90 = scf.for %scan3A_169 = %scan3A_86 to %scan3A_88 step %scan3A_89 iter_args(%scan3A_170 = %scan3A_85) -> (i32)  : i32 {
      %mul3A_171 = arith.constant 16 : i32
      %mul3A_172 = arith.muli %scan3A_169, %mul3A_171 : i32
      %get3A = arith.index_cast %mul3A_172 : i32 to index
      %get3A_173 = tpu.vector_load %arg6[%get3A] {strides = array<i32>} : memref<640xf32, #tpu.memory_space<vmem>>, vector<16xf32>,
      %get3A_174 = arith.index_cast %mul3A_172 : i32 to index
      %get3A_175 = tpu.vector_load %arg7[%get3A_174] {strides = array<i32>} : memref<640xf32, #tpu.memory_space<vmem>>, vector<16xf32>,
      %add3A_176 = arith.addf %get3A_173, %get3A_175 : vector<16xf32>
      %swap3A = arith.index_cast %mul3A_172 : i32 to index
      %swap3A_177 = tpu.vector_load %arg6[%swap3A] {strides = array<i32>} : memref<640xf32, #tpu.memory_space<vmem>>, vector<16xf32>,
      tpu.vector_store %arg6[%swap3A], %add3A_176 {strides = array<i32>} : memref<640xf32, #tpu.memory_space<vmem>>, vector<16xf32>,
      %scan3A_178 = arith.constant 0 : i32
      scf.yield %scan3A_178 : i32
    }
    %scan3A_91 = arith.constant 40 : i32
    %add3A_92 = arith.constant 92160 : i32
    %add3A_93 = arith.addi %add3A_92, %mul3A_20 : i32
    "tpu.region"() ({
      %run_scoped3A = tpu.sem_alloc : memref<!tpu.dma_semaphore, #tpu.memory_space<semaphore_mem>>
      %dma_start3A = tpu.memref_slice %arg10[%add3A_93] : memref<163840xf32, #tpu.memory_space<vmem_shared>> -> memref<640xf32, #tpu.memory_space<vmem_shared>>
      %dma_start3A_169 = tpu.memref_slice %arg10[%add3A_93] : memref<163840xf32, #tpu.memory_space<vmem_shared>> -> memref<640xf32, #tpu.memory_space<vmem_shared>>
      tpu.enqueue_dma source(%dma_start3A_169 : memref<640xf32, #tpu.memory_space<vmem_shared>>) target(%arg7 : memref<640xf32, #tpu.memory_space<vmem>>) target_semaphore(%run_scoped3A : memref<!tpu.dma_semaphore, #tpu.memory_space<semaphore_mem>>)
      %dma_wait3A = tpu.memref_slice %arg10[%add3A_93] : memref<163840xf32, #tpu.memory_space<vmem_shared>> -> memref<640xf32, #tpu.memory_space<vmem_shared>>
      %dma_wait3A_170 = tpu.memref_slice %arg10[%add3A_93] : memref<163840xf32, #tpu.memory_space<vmem_shared>> -> memref<640xf32, #tpu.memory_space<vmem_shared>>
      tpu.wait_dma2 semaphore(%run_scoped3A : memref<!tpu.dma_semaphore, #tpu.memory_space<semaphore_mem>>) src(%dma_wait3A_170 : memref<640xf32, #tpu.memory_space<vmem_shared>>) dst(%arg7 : memref<640xf32, #tpu.memory_space<vmem>>)
      tpu.yield
    }) : () -> ()
    %scan3A_94 = arith.constant 0 : i32
    %scan3A_95 = arith.constant 0 : i32
    %scan3A_96 = arith.constant 40 : i32
    %scan3A_97 = arith.addi %scan3A_95, %scan3A_96 : i32
    %scan3A_98 = arith.constant 1 : i32
    %scan3A_99 = scf.for %scan3A_169 = %scan3A_95 to %scan3A_97 step %scan3A_98 iter_args(%scan3A_170 = %scan3A_94) -> (i32)  : i32 {
      %mul3A_171 = arith.constant 16 : i32
      %mul3A_172 = arith.muli %scan3A_169, %mul3A_171 : i32
      %get3A = arith.index_cast %mul3A_172 : i32 to index
      %get3A_173 = tpu.vector_load %arg6[%get3A] {strides = array<i32>} : memref<640xf32, #tpu.memory_space<vmem>>, vector<16xf32>,
      %get3A_174 = arith.index_cast %mul3A_172 : i32 to index
      %get3A_175 = tpu.vector_load %arg7[%get3A_174] {strides = array<i32>} : memref<640xf32, #tpu.memory_space<vmem>>, vector<16xf32>,
      %add3A_176 = arith.addf %get3A_173, %get3A_175 : vector<16xf32>
      %swap3A = arith.index_cast %mul3A_172 : i32 to index
      %swap3A_177 = tpu.vector_load %arg6[%swap3A] {strides = array<i32>} : memref<640xf32, #tpu.memory_space<vmem>>, vector<16xf32>,
      tpu.vector_store %arg6[%swap3A], %add3A_176 {strides = array<i32>} : memref<640xf32, #tpu.memory_space<vmem>>, vector<16xf32>,
      %scan3A_178 = arith.constant 0 : i32
      scf.yield %scan3A_178 : i32
    }
    %scan3A_100 = arith.constant 40 : i32
    %add3A_101 = arith.constant 102400 : i32
    %add3A_102 = arith.addi %add3A_101, %mul3A_20 : i32
    "tpu.region"() ({
      %run_scoped3A = tpu.sem_alloc : memref<!tpu.dma_semaphore, #tpu.memory_space<semaphore_mem>>
      %dma_start3A = tpu.memref_slice %arg10[%add3A_102] : memref<163840xf32, #tpu.memory_space<vmem_shared>> -> memref<640xf32, #tpu.memory_space<vmem_shared>>
      %dma_start3A_169 = tpu.memref_slice %arg10[%add3A_102] : memref<163840xf32, #tpu.memory_space<vmem_shared>> -> memref<640xf32, #tpu.memory_space<vmem_shared>>
      tpu.enqueue_dma source(%dma_start3A_169 : memref<640xf32, #tpu.memory_space<vmem_shared>>) target(%arg7 : memref<640xf32, #tpu.memory_space<vmem>>) target_semaphore(%run_scoped3A : memref<!tpu.dma_semaphore, #tpu.memory_space<semaphore_mem>>)
      %dma_wait3A = tpu.memref_slice %arg10[%add3A_102] : memref<163840xf32, #tpu.memory_space<vmem_shared>> -> memref<640xf32, #tpu.memory_space<vmem_shared>>
      %dma_wait3A_170 = tpu.memref_slice %arg10[%add3A_102] : memref<163840xf32, #tpu.memory_space<vmem_shared>> -> memref<640xf32, #tpu.memory_space<vmem_shared>>
      tpu.wait_dma2 semaphore(%run_scoped3A : memref<!tpu.dma_semaphore, #tpu.memory_space<semaphore_mem>>) src(%dma_wait3A_170 : memref<640xf32, #tpu.memory_space<vmem_shared>>) dst(%arg7 : memref<640xf32, #tpu.memory_space<vmem>>)
      tpu.yield
    }) : () -> ()
    %scan3A_103 = arith.constant 0 : i32
    %scan3A_104 = arith.constant 0 : i32
    %scan3A_105 = arith.constant 40 : i32
    %scan3A_106 = arith.addi %scan3A_104, %scan3A_105 : i32
    %scan3A_107 = arith.constant 1 : i32
    %scan3A_108 = scf.for %scan3A_169 = %scan3A_104 to %scan3A_106 step %scan3A_107 iter_args(%scan3A_170 = %scan3A_103) -> (i32)  : i32 {
      %mul3A_171 = arith.constant 16 : i32
      %mul3A_172 = arith.muli %scan3A_169, %mul3A_171 : i32
      %get3A = arith.index_cast %mul3A_172 : i32 to index
      %get3A_173 = tpu.vector_load %arg6[%get3A] {strides = array<i32>} : memref<640xf32, #tpu.memory_space<vmem>>, vector<16xf32>,
      %get3A_174 = arith.index_cast %mul3A_172 : i32 to index
      %get3A_175 = tpu.vector_load %arg7[%get3A_174] {strides = array<i32>} : memref<640xf32, #tpu.memory_space<vmem>>, vector<16xf32>,
      %add3A_176 = arith.addf %get3A_173, %get3A_175 : vector<16xf32>
      %swap3A = arith.index_cast %mul3A_172 : i32 to index
      %swap3A_177 = tpu.vector_load %arg6[%swap3A] {strides = array<i32>} : memref<640xf32, #tpu.memory_space<vmem>>, vector<16xf32>,
      tpu.vector_store %arg6[%swap3A], %add3A_176 {strides = array<i32>} : memref<640xf32, #tpu.memory_space<vmem>>, vector<16xf32>,
      %scan3A_178 = arith.constant 0 : i32
      scf.yield %scan3A_178 : i32
    }
    %scan3A_109 = arith.constant 40 : i32
    %add3A_110 = arith.constant 112640 : i32
    %add3A_111 = arith.addi %add3A_110, %mul3A_20 : i32
    "tpu.region"() ({
      %run_scoped3A = tpu.sem_alloc : memref<!tpu.dma_semaphore, #tpu.memory_space<semaphore_mem>>
      %dma_start3A = tpu.memref_slice %arg10[%add3A_111] : memref<163840xf32, #tpu.memory_space<vmem_shared>> -> memref<640xf32, #tpu.memory_space<vmem_shared>>
      %dma_start3A_169 = tpu.memref_slice %arg10[%add3A_111] : memref<163840xf32, #tpu.memory_space<vmem_shared>> -> memref<640xf32, #tpu.memory_space<vmem_shared>>
      tpu.enqueue_dma source(%dma_start3A_169 : memref<640xf32, #tpu.memory_space<vmem_shared>>) target(%arg7 : memref<640xf32, #tpu.memory_space<vmem>>) target_semaphore(%run_scoped3A : memref<!tpu.dma_semaphore, #tpu.memory_space<semaphore_mem>>)
      %dma_wait3A = tpu.memref_slice %arg10[%add3A_111] : memref<163840xf32, #tpu.memory_space<vmem_shared>> -> memref<640xf32, #tpu.memory_space<vmem_shared>>
      %dma_wait3A_170 = tpu.memref_slice %arg10[%add3A_111] : memref<163840xf32, #tpu.memory_space<vmem_shared>> -> memref<640xf32, #tpu.memory_space<vmem_shared>>
      tpu.wait_dma2 semaphore(%run_scoped3A : memref<!tpu.dma_semaphore, #tpu.memory_space<semaphore_mem>>) src(%dma_wait3A_170 : memref<640xf32, #tpu.memory_space<vmem_shared>>) dst(%arg7 : memref<640xf32, #tpu.memory_space<vmem>>)
      tpu.yield
    }) : () -> ()
    %scan3A_112 = arith.constant 0 : i32
    %scan3A_113 = arith.constant 0 : i32
    %scan3A_114 = arith.constant 40 : i32
    %scan3A_115 = arith.addi %scan3A_113, %scan3A_114 : i32
    %scan3A_116 = arith.constant 1 : i32
    %scan3A_117 = scf.for %scan3A_169 = %scan3A_113 to %scan3A_115 step %scan3A_116 iter_args(%scan3A_170 = %scan3A_112) -> (i32)  : i32 {
      %mul3A_171 = arith.constant 16 : i32
      %mul3A_172 = arith.muli %scan3A_169, %mul3A_171 : i32
      %get3A = arith.index_cast %mul3A_172 : i32 to index
      %get3A_173 = tpu.vector_load %arg6[%get3A] {strides = array<i32>} : memref<640xf32, #tpu.memory_space<vmem>>, vector<16xf32>,
      %get3A_174 = arith.index_cast %mul3A_172 : i32 to index
      %get3A_175 = tpu.vector_load %arg7[%get3A_174] {strides = array<i32>} : memref<640xf32, #tpu.memory_space<vmem>>, vector<16xf32>,
      %add3A_176 = arith.addf %get3A_173, %get3A_175 : vector<16xf32>
      %swap3A = arith.index_cast %mul3A_172 : i32 to index
      %swap3A_177 = tpu.vector_load %arg6[%swap3A] {strides = array<i32>} : memref<640xf32, #tpu.memory_space<vmem>>, vector<16xf32>,
      tpu.vector_store %arg6[%swap3A], %add3A_176 {strides = array<i32>} : memref<640xf32, #tpu.memory_space<vmem>>, vector<16xf32>,
      %scan3A_178 = arith.constant 0 : i32
      scf.yield %scan3A_178 : i32
    }
    %scan3A_118 = arith.constant 40 : i32
    %add3A_119 = arith.constant 122880 : i32
    %add3A_120 = arith.addi %add3A_119, %mul3A_20 : i32
    "tpu.region"() ({
      %run_scoped3A = tpu.sem_alloc : memref<!tpu.dma_semaphore, #tpu.memory_space<semaphore_mem>>
      %dma_start3A = tpu.memref_slice %arg10[%add3A_120] : memref<163840xf32, #tpu.memory_space<vmem_shared>> -> memref<640xf32, #tpu.memory_space<vmem_shared>>
      %dma_start3A_169 = tpu.memref_slice %arg10[%add3A_120] : memref<163840xf32, #tpu.memory_space<vmem_shared>> -> memref<640xf32, #tpu.memory_space<vmem_shared>>
      tpu.enqueue_dma source(%dma_start3A_169 : memref<640xf32, #tpu.memory_space<vmem_shared>>) target(%arg7 : memref<640xf32, #tpu.memory_space<vmem>>) target_semaphore(%run_scoped3A : memref<!tpu.dma_semaphore, #tpu.memory_space<semaphore_mem>>)
      %dma_wait3A = tpu.memref_slice %arg10[%add3A_120] : memref<163840xf32, #tpu.memory_space<vmem_shared>> -> memref<640xf32, #tpu.memory_space<vmem_shared>>
      %dma_wait3A_170 = tpu.memref_slice %arg10[%add3A_120] : memref<163840xf32, #tpu.memory_space<vmem_shared>> -> memref<640xf32, #tpu.memory_space<vmem_shared>>
      tpu.wait_dma2 semaphore(%run_scoped3A : memref<!tpu.dma_semaphore, #tpu.memory_space<semaphore_mem>>) src(%dma_wait3A_170 : memref<640xf32, #tpu.memory_space<vmem_shared>>) dst(%arg7 : memref<640xf32, #tpu.memory_space<vmem>>)
      tpu.yield
    }) : () -> ()
    %scan3A_121 = arith.constant 0 : i32
    %scan3A_122 = arith.constant 0 : i32
    %scan3A_123 = arith.constant 40 : i32
    %scan3A_124 = arith.addi %scan3A_122, %scan3A_123 : i32
    %scan3A_125 = arith.constant 1 : i32
    %scan3A_126 = scf.for %scan3A_169 = %scan3A_122 to %scan3A_124 step %scan3A_125 iter_args(%scan3A_170 = %scan3A_121) -> (i32)  : i32 {
      %mul3A_171 = arith.constant 16 : i32
      %mul3A_172 = arith.muli %scan3A_169, %mul3A_171 : i32
      %get3A = arith.index_cast %mul3A_172 : i32 to index
      %get3A_173 = tpu.vector_load %arg6[%get3A] {strides = array<i32>} : memref<640xf32, #tpu.memory_space<vmem>>, vector<16xf32>,
      %get3A_174 = arith.index_cast %mul3A_172 : i32 to index
      %get3A_175 = tpu.vector_load %arg7[%get3A_174] {strides = array<i32>} : memref<640xf32, #tpu.memory_space<vmem>>, vector<16xf32>,
      %add3A_176 = arith.addf %get3A_173, %get3A_175 : vector<16xf32>
      %swap3A = arith.index_cast %mul3A_172 : i32 to index
      %swap3A_177 = tpu.vector_load %arg6[%swap3A] {strides = array<i32>} : memref<640xf32, #tpu.memory_space<vmem>>, vector<16xf32>,
      tpu.vector_store %arg6[%swap3A], %add3A_176 {strides = array<i32>} : memref<640xf32, #tpu.memory_space<vmem>>, vector<16xf32>,
      %scan3A_178 = arith.constant 0 : i32
      scf.yield %scan3A_178 : i32
    }
    %scan3A_127 = arith.constant 40 : i32
    %add3A_128 = arith.constant 133120 : i32
    %add3A_129 = arith.addi %add3A_128, %mul3A_20 : i32
    "tpu.region"() ({
      %run_scoped3A = tpu.sem_alloc : memref<!tpu.dma_semaphore, #tpu.memory_space<semaphore_mem>>
      %dma_start3A = tpu.memref_slice %arg10[%add3A_129] : memref<163840xf32, #tpu.memory_space<vmem_shared>> -> memref<640xf32, #tpu.memory_space<vmem_shared>>
      %dma_start3A_169 = tpu.memref_slice %arg10[%add3A_129] : memref<163840xf32, #tpu.memory_space<vmem_shared>> -> memref<640xf32, #tpu.memory_space<vmem_shared>>
      tpu.enqueue_dma source(%dma_start3A_169 : memref<640xf32, #tpu.memory_space<vmem_shared>>) target(%arg7 : memref<640xf32, #tpu.memory_space<vmem>>) target_semaphore(%run_scoped3A : memref<!tpu.dma_semaphore, #tpu.memory_space<semaphore_mem>>)
      %dma_wait3A = tpu.memref_slice %arg10[%add3A_129] : memref<163840xf32, #tpu.memory_space<vmem_shared>> -> memref<640xf32, #tpu.memory_space<vmem_shared>>
      %dma_wait3A_170 = tpu.memref_slice %arg10[%add3A_129] : memref<163840xf32, #tpu.memory_space<vmem_shared>> -> memref<640xf32, #tpu.memory_space<vmem_shared>>
      tpu.wait_dma2 semaphore(%run_scoped3A : memref<!tpu.dma_semaphore, #tpu.memory_space<semaphore_mem>>) src(%dma_wait3A_170 : memref<640xf32, #tpu.memory_space<vmem_shared>>) dst(%arg7 : memref<640xf32, #tpu.memory_space<vmem>>)
      tpu.yield
    }) : () -> ()
    %scan3A_130 = arith.constant 0 : i32
    %scan3A_131 = arith.constant 0 : i32
    %scan3A_132 = arith.constant 40 : i32
    %scan3A_133 = arith.addi %scan3A_131, %scan3A_132 : i32
    %scan3A_134 = arith.constant 1 : i32
    %scan3A_135 = scf.for %scan3A_169 = %scan3A_131 to %scan3A_133 step %scan3A_134 iter_args(%scan3A_170 = %scan3A_130) -> (i32)  : i32 {
      %mul3A_171 = arith.constant 16 : i32
      %mul3A_172 = arith.muli %scan3A_169, %mul3A_171 : i32
      %get3A = arith.index_cast %mul3A_172 : i32 to index
      %get3A_173 = tpu.vector_load %arg6[%get3A] {strides = array<i32>} : memref<640xf32, #tpu.memory_space<vmem>>, vector<16xf32>,
      %get3A_174 = arith.index_cast %mul3A_172 : i32 to index
      %get3A_175 = tpu.vector_load %arg7[%get3A_174] {strides = array<i32>} : memref<640xf32, #tpu.memory_space<vmem>>, vector<16xf32>,
      %add3A_176 = arith.addf %get3A_173, %get3A_175 : vector<16xf32>
      %swap3A = arith.index_cast %mul3A_172 : i32 to index
      %swap3A_177 = tpu.vector_load %arg6[%swap3A] {strides = array<i32>} : memref<640xf32, #tpu.memory_space<vmem>>, vector<16xf32>,
      tpu.vector_store %arg6[%swap3A], %add3A_176 {strides = array<i32>} : memref<640xf32, #tpu.memory_space<vmem>>, vector<16xf32>,
      %scan3A_178 = arith.constant 0 : i32
      scf.yield %scan3A_178 : i32
    }
    %scan3A_136 = arith.constant 40 : i32
    %add3A_137 = arith.constant 143360 : i32
    %add3A_138 = arith.addi %add3A_137, %mul3A_20 : i32
    "tpu.region"() ({
      %run_scoped3A = tpu.sem_alloc : memref<!tpu.dma_semaphore, #tpu.memory_space<semaphore_mem>>
      %dma_start3A = tpu.memref_slice %arg10[%add3A_138] : memref<163840xf32, #tpu.memory_space<vmem_shared>> -> memref<640xf32, #tpu.memory_space<vmem_shared>>
      %dma_start3A_169 = tpu.memref_slice %arg10[%add3A_138] : memref<163840xf32, #tpu.memory_space<vmem_shared>> -> memref<640xf32, #tpu.memory_space<vmem_shared>>
      tpu.enqueue_dma source(%dma_start3A_169 : memref<640xf32, #tpu.memory_space<vmem_shared>>) target(%arg7 : memref<640xf32, #tpu.memory_space<vmem>>) target_semaphore(%run_scoped3A : memref<!tpu.dma_semaphore, #tpu.memory_space<semaphore_mem>>)
      %dma_wait3A = tpu.memref_slice %arg10[%add3A_138] : memref<163840xf32, #tpu.memory_space<vmem_shared>> -> memref<640xf32, #tpu.memory_space<vmem_shared>>
      %dma_wait3A_170 = tpu.memref_slice %arg10[%add3A_138] : memref<163840xf32, #tpu.memory_space<vmem_shared>> -> memref<640xf32, #tpu.memory_space<vmem_shared>>
      tpu.wait_dma2 semaphore(%run_scoped3A : memref<!tpu.dma_semaphore, #tpu.memory_space<semaphore_mem>>) src(%dma_wait3A_170 : memref<640xf32, #tpu.memory_space<vmem_shared>>) dst(%arg7 : memref<640xf32, #tpu.memory_space<vmem>>)
      tpu.yield
    }) : () -> ()
    %scan3A_139 = arith.constant 0 : i32
    %scan3A_140 = arith.constant 0 : i32
    %scan3A_141 = arith.constant 40 : i32
    %scan3A_142 = arith.addi %scan3A_140, %scan3A_141 : i32
    %scan3A_143 = arith.constant 1 : i32
    %scan3A_144 = scf.for %scan3A_169 = %scan3A_140 to %scan3A_142 step %scan3A_143 iter_args(%scan3A_170 = %scan3A_139) -> (i32)  : i32 {
      %mul3A_171 = arith.constant 16 : i32
      %mul3A_172 = arith.muli %scan3A_169, %mul3A_171 : i32
      %get3A = arith.index_cast %mul3A_172 : i32 to index
      %get3A_173 = tpu.vector_load %arg6[%get3A] {strides = array<i32>} : memref<640xf32, #tpu.memory_space<vmem>>, vector<16xf32>,
      %get3A_174 = arith.index_cast %mul3A_172 : i32 to index
      %get3A_175 = tpu.vector_load %arg7[%get3A_174] {strides = array<i32>} : memref<640xf32, #tpu.memory_space<vmem>>, vector<16xf32>,
      %add3A_176 = arith.addf %get3A_173, %get3A_175 : vector<16xf32>
      %swap3A = arith.index_cast %mul3A_172 : i32 to index
      %swap3A_177 = tpu.vector_load %arg6[%swap3A] {strides = array<i32>} : memref<640xf32, #tpu.memory_space<vmem>>, vector<16xf32>,
      tpu.vector_store %arg6[%swap3A], %add3A_176 {strides = array<i32>} : memref<640xf32, #tpu.memory_space<vmem>>, vector<16xf32>,
      %scan3A_178 = arith.constant 0 : i32
      scf.yield %scan3A_178 : i32
    }
    %scan3A_145 = arith.constant 40 : i32
    %add3A_146 = arith.constant 153600 : i32
    %add3A_147 = arith.addi %add3A_146, %mul3A_20 : i32
    "tpu.region"() ({
      %run_scoped3A = tpu.sem_alloc : memref<!tpu.dma_semaphore, #tpu.memory_space<semaphore_mem>>
      %dma_start3A = tpu.memref_slice %arg10[%add3A_147] : memref<163840xf32, #tpu.memory_space<vmem_shared>> -> memref<640xf32, #tpu.memory_space<vmem_shared>>
      %dma_start3A_169 = tpu.memref_slice %arg10[%add3A_147] : memref<163840xf32, #tpu.memory_space<vmem_shared>> -> memref<640xf32, #tpu.memory_space<vmem_shared>>
      tpu.enqueue_dma source(%dma_start3A_169 : memref<640xf32, #tpu.memory_space<vmem_shared>>) target(%arg7 : memref<640xf32, #tpu.memory_space<vmem>>) target_semaphore(%run_scoped3A : memref<!tpu.dma_semaphore, #tpu.memory_space<semaphore_mem>>)
      %dma_wait3A = tpu.memref_slice %arg10[%add3A_147] : memref<163840xf32, #tpu.memory_space<vmem_shared>> -> memref<640xf32, #tpu.memory_space<vmem_shared>>
      %dma_wait3A_170 = tpu.memref_slice %arg10[%add3A_147] : memref<163840xf32, #tpu.memory_space<vmem_shared>> -> memref<640xf32, #tpu.memory_space<vmem_shared>>
      tpu.wait_dma2 semaphore(%run_scoped3A : memref<!tpu.dma_semaphore, #tpu.memory_space<semaphore_mem>>) src(%dma_wait3A_170 : memref<640xf32, #tpu.memory_space<vmem_shared>>) dst(%arg7 : memref<640xf32, #tpu.memory_space<vmem>>)
      tpu.yield
    }) : () -> ()
    %scan3A_148 = arith.constant 0 : i32
    %scan3A_149 = arith.constant 0 : i32
    %scan3A_150 = arith.constant 40 : i32
    %scan3A_151 = arith.addi %scan3A_149, %scan3A_150 : i32
    %scan3A_152 = arith.constant 1 : i32
    %scan3A_153 = scf.for %scan3A_169 = %scan3A_149 to %scan3A_151 step %scan3A_152 iter_args(%scan3A_170 = %scan3A_148) -> (i32)  : i32 {
      %mul3A_171 = arith.constant 16 : i32
      %mul3A_172 = arith.muli %scan3A_169, %mul3A_171 : i32
      %get3A = arith.index_cast %mul3A_172 : i32 to index
      %get3A_173 = tpu.vector_load %arg6[%get3A] {strides = array<i32>} : memref<640xf32, #tpu.memory_space<vmem>>, vector<16xf32>,
      %get3A_174 = arith.index_cast %mul3A_172 : i32 to index
      %get3A_175 = tpu.vector_load %arg7[%get3A_174] {strides = array<i32>} : memref<640xf32, #tpu.memory_space<vmem>>, vector<16xf32>,
      %add3A_176 = arith.addf %get3A_173, %get3A_175 : vector<16xf32>
      %swap3A = arith.index_cast %mul3A_172 : i32 to index
      %swap3A_177 = tpu.vector_load %arg6[%swap3A] {strides = array<i32>} : memref<640xf32, #tpu.memory_space<vmem>>, vector<16xf32>,
      tpu.vector_store %arg6[%swap3A], %add3A_176 {strides = array<i32>} : memref<640xf32, #tpu.memory_space<vmem>>, vector<16xf32>,
      %scan3A_178 = arith.constant 0 : i32
      scf.yield %scan3A_178 : i32
    }
    %scan3A_154 = arith.constant 40 : i32
    %scan3A_155 = arith.constant 0 : i32
    %scan3A_156 = arith.constant 0 : i32
    %scan3A_157 = arith.constant 40 : i32
    %scan3A_158 = arith.addi %scan3A_156, %scan3A_157 : i32
    %scan3A_159 = arith.constant 1 : i32
    %scan3A_160 = scf.for %scan3A_169 = %scan3A_156 to %scan3A_158 step %scan3A_159 iter_args(%scan3A_170 = %scan3A_155) -> (i32)  : i32 {
      %mul3A_171 = arith.constant 16 : i32
      %mul3A_172 = arith.muli %scan3A_169, %mul3A_171 : i32
      %get3A = arith.index_cast %mul3A_172 : i32 to index
      %get3A_173 = tpu.vector_load %arg6[%get3A] {strides = array<i32>} : memref<640xf32, #tpu.memory_space<vmem>>, vector<16xf32>,
      %add3A_174 = arith.constant 1.000000e+00 : f32
      %add3A_175 = vector.broadcast %add3A_174 : f32 to vector<16xf32>
      %add3A_176 = arith.addf %get3A_173, %add3A_175 : vector<16xf32>
      %bitcast3A = vector.bitcast %add3A_176 : vector<16xf32> to vector<16xi32>
      %shift_right_arithmetic3A = arith.constant 1 : i32
      %shift_right_arithmetic3A_177 = vector.broadcast %shift_right_arithmetic3A : i32 to vector<16xi32>
      %shift_right_arithmetic3A_178 = arith.shrsi %bitcast3A, %shift_right_arithmetic3A_177 : vector<16xi32>
      %sub3A = arith.constant 1597463007 : i32
      %sub3A_179 = vector.broadcast %sub3A : i32 to vector<16xi32>
      %sub3A_180 = arith.subi %sub3A_179, %shift_right_arithmetic3A_178 : vector<16xi32>
      %bitcast3A_181 = vector.bitcast %sub3A_180 : vector<16xi32> to vector<16xf32>
      %mul3A_182 = arith.constant 5.000000e-01 : f32
      %mul3A_183 = vector.broadcast %mul3A_182 : f32 to vector<16xf32>
      %mul3A_184 = arith.mulf %mul3A_183, %add3A_176 : vector<16xf32>
      %mul3A_185 = arith.mulf %mul3A_184, %bitcast3A_181 : vector<16xf32>
      %mul3A_186 = arith.mulf %mul3A_185, %bitcast3A_181 : vector<16xf32>
      %sub3A_187 = arith.constant 1.500000e+00 : f32
      %sub3A_188 = vector.broadcast %sub3A_187 : f32 to vector<16xf32>
      %sub3A_189 = arith.subf %sub3A_188, %mul3A_186 : vector<16xf32>
      %mul3A_190 = arith.mulf %bitcast3A_181, %sub3A_189 : vector<16xf32>
      %mul3A_191 = arith.constant 5.000000e-01 : f32
      %mul3A_192 = vector.broadcast %mul3A_191 : f32 to vector<16xf32>
      %mul3A_193 = arith.mulf %mul3A_192, %add3A_176 : vector<16xf32>
      %mul3A_194 = arith.mulf %mul3A_193, %mul3A_190 : vector<16xf32>
      %mul3A_195 = arith.mulf %mul3A_194, %mul3A_190 : vector<16xf32>
      %sub3A_196 = arith.constant 1.500000e+00 : f32
      %sub3A_197 = vector.broadcast %sub3A_196 : f32 to vector<16xf32>
      %sub3A_198 = arith.subf %sub3A_197, %mul3A_195 : vector<16xf32>
      %mul3A_199 = arith.mulf %mul3A_190, %sub3A_198 : vector<16xf32>
      %mul3A_200 = arith.constant 5.000000e-01 : f32
      %mul3A_201 = vector.broadcast %mul3A_200 : f32 to vector<16xf32>
      %mul3A_202 = arith.mulf %mul3A_201, %add3A_176 : vector<16xf32>
      %mul3A_203 = arith.mulf %mul3A_202, %mul3A_199 : vector<16xf32>
      %mul3A_204 = arith.mulf %mul3A_203, %mul3A_199 : vector<16xf32>
      %sub3A_205 = arith.constant 1.500000e+00 : f32
      %sub3A_206 = vector.broadcast %sub3A_205 : f32 to vector<16xf32>
      %sub3A_207 = arith.subf %sub3A_206, %mul3A_204 : vector<16xf32>
      %mul3A_208 = arith.mulf %mul3A_199, %sub3A_207 : vector<16xf32>
      %swap3A = arith.index_cast %mul3A_172 : i32 to index
      %swap3A_209 = tpu.vector_load %arg8[%swap3A] {strides = array<i32>} : memref<640xf32, #tpu.memory_space<vmem>>, vector<16xf32>,
      tpu.vector_store %arg8[%swap3A], %mul3A_208 {strides = array<i32>} : memref<640xf32, #tpu.memory_space<vmem>>, vector<16xf32>,
      %scan3A_210 = arith.constant 0 : i32
      scf.yield %scan3A_210 : i32
    }
    %scan3A_161 = arith.constant 40 : i32
    %scan3A_162 = arith.constant 0 : i32
    %scan3A_163 = arith.constant 0 : i32
    %scan3A_164 = arith.constant 40 : i32
    %scan3A_165 = arith.addi %scan3A_163, %scan3A_164 : i32
    %scan3A_166 = arith.constant 1 : i32
    %scan3A_167 = scf.for %scan3A_169 = %scan3A_163 to %scan3A_165 step %scan3A_166 iter_args(%scan3A_170 = %scan3A_162) -> (i32)  : i32 {
      %mul3A_171 = arith.constant 16 : i32
      %mul3A_172 = arith.muli %scan3A_169, %mul3A_171 : i32
      %get3A = arith.index_cast %mul3A_172 : i32 to index
      %get3A_173 = tpu.vector_load %arg8[%get3A] {strides = array<i32>} : memref<640xf32, #tpu.memory_space<vmem>>, vector<16xf32>,
      %slice3A = vector.extract_strided_slice %get3A_173 {offsets = [0], sizes = [1], strides = [1]} : vector<16xf32> to vector<1xf32>
      %squeeze3A = vector.extract %slice3A[0] : f32 from vector<1xf32>
      %broadcast_in_dim3A_174 = vector.broadcast %squeeze3A : f32 to vector<16xf32>
      %mul3A_175 = arith.constant 16 : i32
      %mul3A_176 = arith.muli %scan3A_169, %mul3A_175 : i32
      %add3A_177 = arith.constant 0 : i32
      %add3A_178 = arith.addi %mul3A_176, %add3A_177 : i32
      %swap3A = arith.index_cast %add3A_178 : i32 to index
      %swap3A_179 = arith.constant 0 : index
      %swap3A_180 = tpu.vector_load %arg9[%swap3A, %swap3A_179] {strides = array<i32>} : memref<640x128xf32, #tpu.memory_space<vmem>>, vector<16xf32>,
      tpu.vector_store %arg9[%swap3A, %swap3A_179], %broadcast_in_dim3A_174 {strides = array<i32>} : memref<640x128xf32, #tpu.memory_space<vmem>>, vector<16xf32>,
      %mul3A_181 = arith.constant 16 : i32
      %mul3A_182 = arith.muli %scan3A_169, %mul3A_181 : i32
      %add3A_183 = arith.constant 0 : i32
      %add3A_184 = arith.addi %mul3A_182, %add3A_183 : i32
      %swap3A_185 = arith.index_cast %add3A_184 : i32 to index
      %swap3A_186 = arith.constant 16 : index
      %swap3A_187 = tpu.vector_load %arg9[%swap3A_185, %swap3A_186] {strides = array<i32>} : memref<640x128xf32, #tpu.memory_space<vmem>>, vector<16xf32>,
      tpu.vector_store %arg9[%swap3A_185, %swap3A_186], %broadcast_in_dim3A_174 {strides = array<i32>} : memref<640x128xf32, #tpu.memory_space<vmem>>, vector<16xf32>,
      %mul3A_188 = arith.constant 16 : i32
      %mul3A_189 = arith.muli %scan3A_169, %mul3A_188 : i32
      %add3A_190 = arith.constant 0 : i32
      %add3A_191 = arith.addi %mul3A_189, %add3A_190 : i32
      %swap3A_192 = arith.index_cast %add3A_191 : i32 to index
      %swap3A_193 = arith.constant 32 : index
      %swap3A_194 = tpu.vector_load %arg9[%swap3A_192, %swap3A_193] {strides = array<i32>} : memref<640x128xf32, #tpu.memory_space<vmem>>, vector<16xf32>,
      tpu.vector_store %arg9[%swap3A_192, %swap3A_193], %broadcast_in_dim3A_174 {strides = array<i32>} : memref<640x128xf32, #tpu.memory_space<vmem>>, vector<16xf32>,
      %mul3A_195 = arith.constant 16 : i32
      %mul3A_196 = arith.muli %scan3A_169, %mul3A_195 : i32
      %add3A_197 = arith.constant 0 : i32
      %add3A_198 = arith.addi %mul3A_196, %add3A_197 : i32
      %swap3A_199 = arith.index_cast %add3A_198 : i32 to index
      %swap3A_200 = arith.constant 48 : index
      %swap3A_201 = tpu.vector_load %arg9[%swap3A_199, %swap3A_200] {strides = array<i32>} : memref<640x128xf32, #tpu.memory_space<vmem>>, vector<16xf32>,
      tpu.vector_store %arg9[%swap3A_199, %swap3A_200], %broadcast_in_dim3A_174 {strides = array<i32>} : memref<640x128xf32, #tpu.memory_space<vmem>>, vector<16xf32>,
      %mul3A_202 = arith.constant 16 : i32
      %mul3A_203 = arith.muli %scan3A_169, %mul3A_202 : i32
      %add3A_204 = arith.constant 0 : i32
      %add3A_205 = arith.addi %mul3A_203, %add3A_204 : i32
      %swap3A_206 = arith.index_cast %add3A_205 : i32 to index
      %swap3A_207 = arith.constant 64 : index
      %swap3A_208 = tpu.vector_load %arg9[%swap3A_206, %swap3A_207] {strides = array<i32>} : memref<640x128xf32, #tpu.memory_space<vmem>>, vector<16xf32>,
      tpu.vector_store %arg9[%swap3A_206, %swap3A_207], %broadcast_in_dim3A_174 {strides = array<i32>} : memref<640x128xf32, #tpu.memory_space<vmem>>, vector<16xf32>,
      %mul3A_209 = arith.constant 16 : i32
      %mul3A_210 = arith.muli %scan3A_169, %mul3A_209 : i32
      %add3A_211 = arith.constant 0 : i32
      %add3A_212 = arith.addi %mul3A_210, %add3A_211 : i32
      %swap3A_213 = arith.index_cast %add3A_212 : i32 to index
      %swap3A_214 = arith.constant 80 : index
      %swap3A_215 = tpu.vector_load %arg9[%swap3A_213, %swap3A_214] {strides = array<i32>} : memref<640x128xf32, #tpu.memory_space<vmem>>, vector<16xf32>,
      tpu.vector_store %arg9[%swap3A_213, %swap3A_214], %broadcast_in_dim3A_174 {strides = array<i32>} : memref<640x128xf32, #tpu.memory_space<vmem>>, vector<16xf32>,
      %mul3A_216 = arith.constant 16 : i32
      %mul3A_217 = arith.muli %scan3A_169, %mul3A_216 : i32
      %add3A_218 = arith.constant 0 : i32
      %add3A_219 = arith.addi %mul3A_217, %add3A_218 : i32
      %swap3A_220 = arith.index_cast %add3A_219 : i32 to index
      %swap3A_221 = arith.constant 96 : index
      %swap3A_222 = tpu.vector_load %arg9[%swap3A_220, %swap3A_221] {strides = array<i32>} : memref<640x128xf32, #tpu.memory_space<vmem>>, vector<16xf32>,
      tpu.vector_store %arg9[%swap3A_220, %swap3A_221], %broadcast_in_dim3A_174 {strides = array<i32>} : memref<640x128xf32, #tpu.memory_space<vmem>>, vector<16xf32>,
      %mul3A_223 = arith.constant 16 : i32
      %mul3A_224 = arith.muli %scan3A_169, %mul3A_223 : i32
      %add3A_225 = arith.constant 0 : i32
      %add3A_226 = arith.addi %mul3A_224, %add3A_225 : i32
      %swap3A_227 = arith.index_cast %add3A_226 : i32 to index
      %swap3A_228 = arith.constant 112 : index
      %swap3A_229 = tpu.vector_load %arg9[%swap3A_227, %swap3A_228] {strides = array<i32>} : memref<640x128xf32, #tpu.memory_space<vmem>>, vector<16xf32>,
      tpu.vector_store %arg9[%swap3A_227, %swap3A_228], %broadcast_in_dim3A_174 {strides = array<i32>} : memref<640x128xf32, #tpu.memory_space<vmem>>, vector<16xf32>,
      %slice3A_230 = vector.extract_strided_slice %get3A_173 {offsets = [1], sizes = [1], strides = [1]} : vector<16xf32> to vector<1xf32>
      %squeeze3A_231 = vector.extract %slice3A_230[0] : f32 from vector<1xf32>
      %broadcast_in_dim3A_232 = vector.broadcast %squeeze3A_231 : f32 to vector<16xf32>
      %mul3A_233 = arith.constant 16 : i32
      %mul3A_234 = arith.muli %scan3A_169, %mul3A_233 : i32
      %add3A_235 = arith.constant 1 : i32
      %add3A_236 = arith.addi %mul3A_234, %add3A_235 : i32
      %swap3A_237 = arith.index_cast %add3A_236 : i32 to index
      %swap3A_238 = arith.constant 0 : index
      %swap3A_239 = tpu.vector_load %arg9[%swap3A_237, %swap3A_238] {strides = array<i32>} : memref<640x128xf32, #tpu.memory_space<vmem>>, vector<16xf32>,
      tpu.vector_store %arg9[%swap3A_237, %swap3A_238], %broadcast_in_dim3A_232 {strides = array<i32>} : memref<640x128xf32, #tpu.memory_space<vmem>>, vector<16xf32>,
      %mul3A_240 = arith.constant 16 : i32
      %mul3A_241 = arith.muli %scan3A_169, %mul3A_240 : i32
      %add3A_242 = arith.constant 1 : i32
      %add3A_243 = arith.addi %mul3A_241, %add3A_242 : i32
      %swap3A_244 = arith.index_cast %add3A_243 : i32 to index
      %swap3A_245 = arith.constant 16 : index
      %swap3A_246 = tpu.vector_load %arg9[%swap3A_244, %swap3A_245] {strides = array<i32>} : memref<640x128xf32, #tpu.memory_space<vmem>>, vector<16xf32>,
      tpu.vector_store %arg9[%swap3A_244, %swap3A_245], %broadcast_in_dim3A_232 {strides = array<i32>} : memref<640x128xf32, #tpu.memory_space<vmem>>, vector<16xf32>,
      %mul3A_247 = arith.constant 16 : i32
      %mul3A_248 = arith.muli %scan3A_169, %mul3A_247 : i32
      %add3A_249 = arith.constant 1 : i32
      %add3A_250 = arith.addi %mul3A_248, %add3A_249 : i32
      %swap3A_251 = arith.index_cast %add3A_250 : i32 to index
      %swap3A_252 = arith.constant 32 : index
      %swap3A_253 = tpu.vector_load %arg9[%swap3A_251, %swap3A_252] {strides = array<i32>} : memref<640x128xf32, #tpu.memory_space<vmem>>, vector<16xf32>,
      tpu.vector_store %arg9[%swap3A_251, %swap3A_252], %broadcast_in_dim3A_232 {strides = array<i32>} : memref<640x128xf32, #tpu.memory_space<vmem>>, vector<16xf32>,
      %mul3A_254 = arith.constant 16 : i32
      %mul3A_255 = arith.muli %scan3A_169, %mul3A_254 : i32
      %add3A_256 = arith.constant 1 : i32
      %add3A_257 = arith.addi %mul3A_255, %add3A_256 : i32
      %swap3A_258 = arith.index_cast %add3A_257 : i32 to index
      %swap3A_259 = arith.constant 48 : index
      %swap3A_260 = tpu.vector_load %arg9[%swap3A_258, %swap3A_259] {strides = array<i32>} : memref<640x128xf32, #tpu.memory_space<vmem>>, vector<16xf32>,
      tpu.vector_store %arg9[%swap3A_258, %swap3A_259], %broadcast_in_dim3A_232 {strides = array<i32>} : memref<640x128xf32, #tpu.memory_space<vmem>>, vector<16xf32>,
      %mul3A_261 = arith.constant 16 : i32
      %mul3A_262 = arith.muli %scan3A_169, %mul3A_261 : i32
      %add3A_263 = arith.constant 1 : i32
      %add3A_264 = arith.addi %mul3A_262, %add3A_263 : i32
      %swap3A_265 = arith.index_cast %add3A_264 : i32 to index
      %swap3A_266 = arith.constant 64 : index
      %swap3A_267 = tpu.vector_load %arg9[%swap3A_265, %swap3A_266] {strides = array<i32>} : memref<640x128xf32, #tpu.memory_space<vmem>>, vector<16xf32>,
      tpu.vector_store %arg9[%swap3A_265, %swap3A_266], %broadcast_in_dim3A_232 {strides = array<i32>} : memref<640x128xf32, #tpu.memory_space<vmem>>, vector<16xf32>,
      %mul3A_268 = arith.constant 16 : i32
      %mul3A_269 = arith.muli %scan3A_169, %mul3A_268 : i32
      %add3A_270 = arith.constant 1 : i32
      %add3A_271 = arith.addi %mul3A_269, %add3A_270 : i32
      %swap3A_272 = arith.index_cast %add3A_271 : i32 to index
      %swap3A_273 = arith.constant 80 : index
      %swap3A_274 = tpu.vector_load %arg9[%swap3A_272, %swap3A_273] {strides = array<i32>} : memref<640x128xf32, #tpu.memory_space<vmem>>, vector<16xf32>,
      tpu.vector_store %arg9[%swap3A_272, %swap3A_273], %broadcast_in_dim3A_232 {strides = array<i32>} : memref<640x128xf32, #tpu.memory_space<vmem>>, vector<16xf32>,
      %mul3A_275 = arith.constant 16 : i32
      %mul3A_276 = arith.muli %scan3A_169, %mul3A_275 : i32
      %add3A_277 = arith.constant 1 : i32
      %add3A_278 = arith.addi %mul3A_276, %add3A_277 : i32
      %swap3A_279 = arith.index_cast %add3A_278 : i32 to index
      %swap3A_280 = arith.constant 96 : index
      %swap3A_281 = tpu.vector_load %arg9[%swap3A_279, %swap3A_280] {strides = array<i32>} : memref<640x128xf32, #tpu.memory_space<vmem>>, vector<16xf32>,
      tpu.vector_store %arg9[%swap3A_279, %swap3A_280], %broadcast_in_dim3A_232 {strides = array<i32>} : memref<640x128xf32, #tpu.memory_space<vmem>>, vector<16xf32>,
      %mul3A_282 = arith.constant 16 : i32
      %mul3A_283 = arith.muli %scan3A_169, %mul3A_282 : i32
      %add3A_284 = arith.constant 1 : i32
      %add3A_285 = arith.addi %mul3A_283, %add3A_284 : i32
      %swap3A_286 = arith.index_cast %add3A_285 : i32 to index
      %swap3A_287 = arith.constant 112 : index
      %swap3A_288 = tpu.vector_load %arg9[%swap3A_286, %swap3A_287] {strides = array<i32>} : memref<640x128xf32, #tpu.memory_space<vmem>>, vector<16xf32>,
      tpu.vector_store %arg9[%swap3A_286, %swap3A_287], %broadcast_in_dim3A_232 {strides = array<i32>} : memref<640x128xf32, #tpu.memory_space<vmem>>, vector<16xf32>,
      %slice3A_289 = vector.extract_strided_slice %get3A_173 {offsets = [2], sizes = [1], strides = [1]} : vector<16xf32> to vector<1xf32>
      %squeeze3A_290 = vector.extract %slice3A_289[0] : f32 from vector<1xf32>
      %broadcast_in_dim3A_291 = vector.broadcast %squeeze3A_290 : f32 to vector<16xf32>
      %mul3A_292 = arith.constant 16 : i32
      %mul3A_293 = arith.muli %scan3A_169, %mul3A_292 : i32
      %add3A_294 = arith.constant 2 : i32
      %add3A_295 = arith.addi %mul3A_293, %add3A_294 : i32
      %swap3A_296 = arith.index_cast %add3A_295 : i32 to index
      %swap3A_297 = arith.constant 0 : index
      %swap3A_298 = tpu.vector_load %arg9[%swap3A_296, %swap3A_297] {strides = array<i32>} : memref<640x128xf32, #tpu.memory_space<vmem>>, vector<16xf32>,
      tpu.vector_store %arg9[%swap3A_296, %swap3A_297], %broadcast_in_dim3A_291 {strides = array<i32>} : memref<640x128xf32, #tpu.memory_space<vmem>>, vector<16xf32>,
      %mul3A_299 = arith.constant 16 : i32
      %mul3A_300 = arith.muli %scan3A_169, %mul3A_299 : i32
      %add3A_301 = arith.constant 2 : i32
      %add3A_302 = arith.addi %mul3A_300, %add3A_301 : i32
      %swap3A_303 = arith.index_cast %add3A_302 : i32 to index
      %swap3A_304 = arith.constant 16 : index
      %swap3A_305 = tpu.vector_load %arg9[%swap3A_303, %swap3A_304] {strides = array<i32>} : memref<640x128xf32, #tpu.memory_space<vmem>>, vector<16xf32>,
      tpu.vector_store %arg9[%swap3A_303, %swap3A_304], %broadcast_in_dim3A_291 {strides = array<i32>} : memref<640x128xf32, #tpu.memory_space<vmem>>, vector<16xf32>,
      %mul3A_306 = arith.constant 16 : i32
      %mul3A_307 = arith.muli %scan3A_169, %mul3A_306 : i32
      %add3A_308 = arith.constant 2 : i32
      %add3A_309 = arith.addi %mul3A_307, %add3A_308 : i32
      %swap3A_310 = arith.index_cast %add3A_309 : i32 to index
      %swap3A_311 = arith.constant 32 : index
      %swap3A_312 = tpu.vector_load %arg9[%swap3A_310, %swap3A_311] {strides = array<i32>} : memref<640x128xf32, #tpu.memory_space<vmem>>, vector<16xf32>,
      tpu.vector_store %arg9[%swap3A_310, %swap3A_311], %broadcast_in_dim3A_291 {strides = array<i32>} : memref<640x128xf32, #tpu.memory_space<vmem>>, vector<16xf32>,
      %mul3A_313 = arith.constant 16 : i32
      %mul3A_314 = arith.muli %scan3A_169, %mul3A_313 : i32
      %add3A_315 = arith.constant 2 : i32
      %add3A_316 = arith.addi %mul3A_314, %add3A_315 : i32
      %swap3A_317 = arith.index_cast %add3A_316 : i32 to index
      %swap3A_318 = arith.constant 48 : index
      %swap3A_319 = tpu.vector_load %arg9[%swap3A_317, %swap3A_318] {strides = array<i32>} : memref<640x128xf32, #tpu.memory_space<vmem>>, vector<16xf32>,
      tpu.vector_store %arg9[%swap3A_317, %swap3A_318], %broadcast_in_dim3A_291 {strides = array<i32>} : memref<640x128xf32, #tpu.memory_space<vmem>>, vector<16xf32>,
      %mul3A_320 = arith.constant 16 : i32
      %mul3A_321 = arith.muli %scan3A_169, %mul3A_320 : i32
      %add3A_322 = arith.constant 2 : i32
      %add3A_323 = arith.addi %mul3A_321, %add3A_322 : i32
      %swap3A_324 = arith.index_cast %add3A_323 : i32 to index
      %swap3A_325 = arith.constant 64 : index
      %swap3A_326 = tpu.vector_load %arg9[%swap3A_324, %swap3A_325] {strides = array<i32>} : memref<640x128xf32, #tpu.memory_space<vmem>>, vector<16xf32>,
      tpu.vector_store %arg9[%swap3A_324, %swap3A_325], %broadcast_in_dim3A_291 {strides = array<i32>} : memref<640x128xf32, #tpu.memory_space<vmem>>, vector<16xf32>,
      %mul3A_327 = arith.constant 16 : i32
      %mul3A_328 = arith.muli %scan3A_169, %mul3A_327 : i32
      %add3A_329 = arith.constant 2 : i32
      %add3A_330 = arith.addi %mul3A_328, %add3A_329 : i32
      %swap3A_331 = arith.index_cast %add3A_330 : i32 to index
      %swap3A_332 = arith.constant 80 : index
      %swap3A_333 = tpu.vector_load %arg9[%swap3A_331, %swap3A_332] {strides = array<i32>} : memref<640x128xf32, #tpu.memory_space<vmem>>, vector<16xf32>,
      tpu.vector_store %arg9[%swap3A_331, %swap3A_332], %broadcast_in_dim3A_291 {strides = array<i32>} : memref<640x128xf32, #tpu.memory_space<vmem>>, vector<16xf32>,
      %mul3A_334 = arith.constant 16 : i32
      %mul3A_335 = arith.muli %scan3A_169, %mul3A_334 : i32
      %add3A_336 = arith.constant 2 : i32
      %add3A_337 = arith.addi %mul3A_335, %add3A_336 : i32
      %swap3A_338 = arith.index_cast %add3A_337 : i32 to index
      %swap3A_339 = arith.constant 96 : index
      %swap3A_340 = tpu.vector_load %arg9[%swap3A_338, %swap3A_339] {strides = array<i32>} : memref<640x128xf32, #tpu.memory_space<vmem>>, vector<16xf32>,
      tpu.vector_store %arg9[%swap3A_338, %swap3A_339], %broadcast_in_dim3A_291 {strides = array<i32>} : memref<640x128xf32, #tpu.memory_space<vmem>>, vector<16xf32>,
      %mul3A_341 = arith.constant 16 : i32
      %mul3A_342 = arith.muli %scan3A_169, %mul3A_341 : i32
      %add3A_343 = arith.constant 2 : i32
      %add3A_344 = arith.addi %mul3A_342, %add3A_343 : i32
      %swap3A_345 = arith.index_cast %add3A_344 : i32 to index
      %swap3A_346 = arith.constant 112 : index
      %swap3A_347 = tpu.vector_load %arg9[%swap3A_345, %swap3A_346] {strides = array<i32>} : memref<640x128xf32, #tpu.memory_space<vmem>>, vector<16xf32>,
      tpu.vector_store %arg9[%swap3A_345, %swap3A_346], %broadcast_in_dim3A_291 {strides = array<i32>} : memref<640x128xf32, #tpu.memory_space<vmem>>, vector<16xf32>,
      %slice3A_348 = vector.extract_strided_slice %get3A_173 {offsets = [3], sizes = [1], strides = [1]} : vector<16xf32> to vector<1xf32>
      %squeeze3A_349 = vector.extract %slice3A_348[0] : f32 from vector<1xf32>
      %broadcast_in_dim3A_350 = vector.broadcast %squeeze3A_349 : f32 to vector<16xf32>
      %mul3A_351 = arith.constant 16 : i32
      %mul3A_352 = arith.muli %scan3A_169, %mul3A_351 : i32
      %add3A_353 = arith.constant 3 : i32
      %add3A_354 = arith.addi %mul3A_352, %add3A_353 : i32
      %swap3A_355 = arith.index_cast %add3A_354 : i32 to index
      %swap3A_356 = arith.constant 0 : index
      %swap3A_357 = tpu.vector_load %arg9[%swap3A_355, %swap3A_356] {strides = array<i32>} : memref<640x128xf32, #tpu.memory_space<vmem>>, vector<16xf32>,
      tpu.vector_store %arg9[%swap3A_355, %swap3A_356], %broadcast_in_dim3A_350 {strides = array<i32>} : memref<640x128xf32, #tpu.memory_space<vmem>>, vector<16xf32>,
      %mul3A_358 = arith.constant 16 : i32
      %mul3A_359 = arith.muli %scan3A_169, %mul3A_358 : i32
      %add3A_360 = arith.constant 3 : i32
      %add3A_361 = arith.addi %mul3A_359, %add3A_360 : i32
      %swap3A_362 = arith.index_cast %add3A_361 : i32 to index
      %swap3A_363 = arith.constant 16 : index
      %swap3A_364 = tpu.vector_load %arg9[%swap3A_362, %swap3A_363] {strides = array<i32>} : memref<640x128xf32, #tpu.memory_space<vmem>>, vector<16xf32>,
      tpu.vector_store %arg9[%swap3A_362, %swap3A_363], %broadcast_in_dim3A_350 {strides = array<i32>} : memref<640x128xf32, #tpu.memory_space<vmem>>, vector<16xf32>,
      %mul3A_365 = arith.constant 16 : i32
      %mul3A_366 = arith.muli %scan3A_169, %mul3A_365 : i32
      %add3A_367 = arith.constant 3 : i32
      %add3A_368 = arith.addi %mul3A_366, %add3A_367 : i32
      %swap3A_369 = arith.index_cast %add3A_368 : i32 to index
      %swap3A_370 = arith.constant 32 : index
      %swap3A_371 = tpu.vector_load %arg9[%swap3A_369, %swap3A_370] {strides = array<i32>} : memref<640x128xf32, #tpu.memory_space<vmem>>, vector<16xf32>,
      tpu.vector_store %arg9[%swap3A_369, %swap3A_370], %broadcast_in_dim3A_350 {strides = array<i32>} : memref<640x128xf32, #tpu.memory_space<vmem>>, vector<16xf32>,
      %mul3A_372 = arith.constant 16 : i32
      %mul3A_373 = arith.muli %scan3A_169, %mul3A_372 : i32
      %add3A_374 = arith.constant 3 : i32
      %add3A_375 = arith.addi %mul3A_373, %add3A_374 : i32
      %swap3A_376 = arith.index_cast %add3A_375 : i32 to index
      %swap3A_377 = arith.constant 48 : index
      %swap3A_378 = tpu.vector_load %arg9[%swap3A_376, %swap3A_377] {strides = array<i32>} : memref<640x128xf32, #tpu.memory_space<vmem>>, vector<16xf32>,
      tpu.vector_store %arg9[%swap3A_376, %swap3A_377], %broadcast_in_dim3A_350 {strides = array<i32>} : memref<640x128xf32, #tpu.memory_space<vmem>>, vector<16xf32>,
      %mul3A_379 = arith.constant 16 : i32
      %mul3A_380 = arith.muli %scan3A_169, %mul3A_379 : i32
      %add3A_381 = arith.constant 3 : i32
      %add3A_382 = arith.addi %mul3A_380, %add3A_381 : i32
      %swap3A_383 = arith.index_cast %add3A_382 : i32 to index
      %swap3A_384 = arith.constant 64 : index
      %swap3A_385 = tpu.vector_load %arg9[%swap3A_383, %swap3A_384] {strides = array<i32>} : memref<640x128xf32, #tpu.memory_space<vmem>>, vector<16xf32>,
      tpu.vector_store %arg9[%swap3A_383, %swap3A_384], %broadcast_in_dim3A_350 {strides = array<i32>} : memref<640x128xf32, #tpu.memory_space<vmem>>, vector<16xf32>,
      %mul3A_386 = arith.constant 16 : i32
      %mul3A_387 = arith.muli %scan3A_169, %mul3A_386 : i32
      %add3A_388 = arith.constant 3 : i32
      %add3A_389 = arith.addi %mul3A_387, %add3A_388 : i32
      %swap3A_390 = arith.index_cast %add3A_389 : i32 to index
      %swap3A_391 = arith.constant 80 : index
      %swap3A_392 = tpu.vector_load %arg9[%swap3A_390, %swap3A_391] {strides = array<i32>} : memref<640x128xf32, #tpu.memory_space<vmem>>, vector<16xf32>,
      tpu.vector_store %arg9[%swap3A_390, %swap3A_391], %broadcast_in_dim3A_350 {strides = array<i32>} : memref<640x128xf32, #tpu.memory_space<vmem>>, vector<16xf32>,
      %mul3A_393 = arith.constant 16 : i32
      %mul3A_394 = arith.muli %scan3A_169, %mul3A_393 : i32
      %add3A_395 = arith.constant 3 : i32
      %add3A_396 = arith.addi %mul3A_394, %add3A_395 : i32
      %swap3A_397 = arith.index_cast %add3A_396 : i32 to index
      %swap3A_398 = arith.constant 96 : index
      %swap3A_399 = tpu.vector_load %arg9[%swap3A_397, %swap3A_398] {strides = array<i32>} : memref<640x128xf32, #tpu.memory_space<vmem>>, vector<16xf32>,
      tpu.vector_store %arg9[%swap3A_397, %swap3A_398], %broadcast_in_dim3A_350 {strides = array<i32>} : memref<640x128xf32, #tpu.memory_space<vmem>>, vector<16xf32>,
      %mul3A_400 = arith.constant 16 : i32
      %mul3A_401 = arith.muli %scan3A_169, %mul3A_400 : i32
      %add3A_402 = arith.constant 3 : i32
      %add3A_403 = arith.addi %mul3A_401, %add3A_402 : i32
      %swap3A_404 = arith.index_cast %add3A_403 : i32 to index
      %swap3A_405 = arith.constant 112 : index
      %swap3A_406 = tpu.vector_load %arg9[%swap3A_404, %swap3A_405] {strides = array<i32>} : memref<640x128xf32, #tpu.memory_space<vmem>>, vector<16xf32>,
      tpu.vector_store %arg9[%swap3A_404, %swap3A_405], %broadcast_in_dim3A_350 {strides = array<i32>} : memref<640x128xf32, #tpu.memory_space<vmem>>, vector<16xf32>,
      %slice3A_407 = vector.extract_strided_slice %get3A_173 {offsets = [4], sizes = [1], strides = [1]} : vector<16xf32> to vector<1xf32>
      %squeeze3A_408 = vector.extract %slice3A_407[0] : f32 from vector<1xf32>
      %broadcast_in_dim3A_409 = vector.broadcast %squeeze3A_408 : f32 to vector<16xf32>
      %mul3A_410 = arith.constant 16 : i32
      %mul3A_411 = arith.muli %scan3A_169, %mul3A_410 : i32
      %add3A_412 = arith.constant 4 : i32
      %add3A_413 = arith.addi %mul3A_411, %add3A_412 : i32
      %swap3A_414 = arith.index_cast %add3A_413 : i32 to index
      %swap3A_415 = arith.constant 0 : index
      %swap3A_416 = tpu.vector_load %arg9[%swap3A_414, %swap3A_415] {strides = array<i32>} : memref<640x128xf32, #tpu.memory_space<vmem>>, vector<16xf32>,
      tpu.vector_store %arg9[%swap3A_414, %swap3A_415], %broadcast_in_dim3A_409 {strides = array<i32>} : memref<640x128xf32, #tpu.memory_space<vmem>>, vector<16xf32>,
      %mul3A_417 = arith.constant 16 : i32
      %mul3A_418 = arith.muli %scan3A_169, %mul3A_417 : i32
      %add3A_419 = arith.constant 4 : i32
      %add3A_420 = arith.addi %mul3A_418, %add3A_419 : i32
      %swap3A_421 = arith.index_cast %add3A_420 : i32 to index
      %swap3A_422 = arith.constant 16 : index
      %swap3A_423 = tpu.vector_load %arg9[%swap3A_421, %swap3A_422] {strides = array<i32>} : memref<640x128xf32, #tpu.memory_space<vmem>>, vector<16xf32>,
      tpu.vector_store %arg9[%swap3A_421, %swap3A_422], %broadcast_in_dim3A_409 {strides = array<i32>} : memref<640x128xf32, #tpu.memory_space<vmem>>, vector<16xf32>,
      %mul3A_424 = arith.constant 16 : i32
      %mul3A_425 = arith.muli %scan3A_169, %mul3A_424 : i32
      %add3A_426 = arith.constant 4 : i32
      %add3A_427 = arith.addi %mul3A_425, %add3A_426 : i32
      %swap3A_428 = arith.index_cast %add3A_427 : i32 to index
      %swap3A_429 = arith.constant 32 : index
      %swap3A_430 = tpu.vector_load %arg9[%swap3A_428, %swap3A_429] {strides = array<i32>} : memref<640x128xf32, #tpu.memory_space<vmem>>, vector<16xf32>,
      tpu.vector_store %arg9[%swap3A_428, %swap3A_429], %broadcast_in_dim3A_409 {strides = array<i32>} : memref<640x128xf32, #tpu.memory_space<vmem>>, vector<16xf32>,
      %mul3A_431 = arith.constant 16 : i32
      %mul3A_432 = arith.muli %scan3A_169, %mul3A_431 : i32
      %add3A_433 = arith.constant 4 : i32
      %add3A_434 = arith.addi %mul3A_432, %add3A_433 : i32
      %swap3A_435 = arith.index_cast %add3A_434 : i32 to index
      %swap3A_436 = arith.constant 48 : index
      %swap3A_437 = tpu.vector_load %arg9[%swap3A_435, %swap3A_436] {strides = array<i32>} : memref<640x128xf32, #tpu.memory_space<vmem>>, vector<16xf32>,
      tpu.vector_store %arg9[%swap3A_435, %swap3A_436], %broadcast_in_dim3A_409 {strides = array<i32>} : memref<640x128xf32, #tpu.memory_space<vmem>>, vector<16xf32>,
      %mul3A_438 = arith.constant 16 : i32
      %mul3A_439 = arith.muli %scan3A_169, %mul3A_438 : i32
      %add3A_440 = arith.constant 4 : i32
      %add3A_441 = arith.addi %mul3A_439, %add3A_440 : i32
      %swap3A_442 = arith.index_cast %add3A_441 : i32 to index
      %swap3A_443 = arith.constant 64 : index
      %swap3A_444 = tpu.vector_load %arg9[%swap3A_442, %swap3A_443] {strides = array<i32>} : memref<640x128xf32, #tpu.memory_space<vmem>>, vector<16xf32>,
      tpu.vector_store %arg9[%swap3A_442, %swap3A_443], %broadcast_in_dim3A_409 {strides = array<i32>} : memref<640x128xf32, #tpu.memory_space<vmem>>, vector<16xf32>,
      %mul3A_445 = arith.constant 16 : i32
      %mul3A_446 = arith.muli %scan3A_169, %mul3A_445 : i32
      %add3A_447 = arith.constant 4 : i32
      %add3A_448 = arith.addi %mul3A_446, %add3A_447 : i32
      %swap3A_449 = arith.index_cast %add3A_448 : i32 to index
      %swap3A_450 = arith.constant 80 : index
      %swap3A_451 = tpu.vector_load %arg9[%swap3A_449, %swap3A_450] {strides = array<i32>} : memref<640x128xf32, #tpu.memory_space<vmem>>, vector<16xf32>,
      tpu.vector_store %arg9[%swap3A_449, %swap3A_450], %broadcast_in_dim3A_409 {strides = array<i32>} : memref<640x128xf32, #tpu.memory_space<vmem>>, vector<16xf32>,
      %mul3A_452 = arith.constant 16 : i32
      %mul3A_453 = arith.muli %scan3A_169, %mul3A_452 : i32
      %add3A_454 = arith.constant 4 : i32
      %add3A_455 = arith.addi %mul3A_453, %add3A_454 : i32
      %swap3A_456 = arith.index_cast %add3A_455 : i32 to index
      %swap3A_457 = arith.constant 96 : index
      %swap3A_458 = tpu.vector_load %arg9[%swap3A_456, %swap3A_457] {strides = array<i32>} : memref<640x128xf32, #tpu.memory_space<vmem>>, vector<16xf32>,
      tpu.vector_store %arg9[%swap3A_456, %swap3A_457], %broadcast_in_dim3A_409 {strides = array<i32>} : memref<640x128xf32, #tpu.memory_space<vmem>>, vector<16xf32>,
      %mul3A_459 = arith.constant 16 : i32
      %mul3A_460 = arith.muli %scan3A_169, %mul3A_459 : i32
      %add3A_461 = arith.constant 4 : i32
      %add3A_462 = arith.addi %mul3A_460, %add3A_461 : i32
      %swap3A_463 = arith.index_cast %add3A_462 : i32 to index
      %swap3A_464 = arith.constant 112 : index
      %swap3A_465 = tpu.vector_load %arg9[%swap3A_463, %swap3A_464] {strides = array<i32>} : memref<640x128xf32, #tpu.memory_space<vmem>>, vector<16xf32>,
      tpu.vector_store %arg9[%swap3A_463, %swap3A_464], %broadcast_in_dim3A_409 {strides = array<i32>} : memref<640x128xf32, #tpu.memory_space<vmem>>, vector<16xf32>,
      %slice3A_466 = vector.extract_strided_slice %get3A_173 {offsets = [5], sizes = [1], strides = [1]} : vector<16xf32> to vector<1xf32>
      %squeeze3A_467 = vector.extract %slice3A_466[0] : f32 from vector<1xf32>
      %broadcast_in_dim3A_468 = vector.broadcast %squeeze3A_467 : f32 to vector<16xf32>
      %mul3A_469 = arith.constant 16 : i32
      %mul3A_470 = arith.muli %scan3A_169, %mul3A_469 : i32
      %add3A_471 = arith.constant 5 : i32
      %add3A_472 = arith.addi %mul3A_470, %add3A_471 : i32
      %swap3A_473 = arith.index_cast %add3A_472 : i32 to index
      %swap3A_474 = arith.constant 0 : index
      %swap3A_475 = tpu.vector_load %arg9[%swap3A_473, %swap3A_474] {strides = array<i32>} : memref<640x128xf32, #tpu.memory_space<vmem>>, vector<16xf32>,
      tpu.vector_store %arg9[%swap3A_473, %swap3A_474], %broadcast_in_dim3A_468 {strides = array<i32>} : memref<640x128xf32, #tpu.memory_space<vmem>>, vector<16xf32>,
      %mul3A_476 = arith.constant 16 : i32
      %mul3A_477 = arith.muli %scan3A_169, %mul3A_476 : i32
      %add3A_478 = arith.constant 5 : i32
      %add3A_479 = arith.addi %mul3A_477, %add3A_478 : i32
      %swap3A_480 = arith.index_cast %add3A_479 : i32 to index
      %swap3A_481 = arith.constant 16 : index
      %swap3A_482 = tpu.vector_load %arg9[%swap3A_480, %swap3A_481] {strides = array<i32>} : memref<640x128xf32, #tpu.memory_space<vmem>>, vector<16xf32>,
      tpu.vector_store %arg9[%swap3A_480, %swap3A_481], %broadcast_in_dim3A_468 {strides = array<i32>} : memref<640x128xf32, #tpu.memory_space<vmem>>, vector<16xf32>,
      %mul3A_483 = arith.constant 16 : i32
      %mul3A_484 = arith.muli %scan3A_169, %mul3A_483 : i32
      %add3A_485 = arith.constant 5 : i32
      %add3A_486 = arith.addi %mul3A_484, %add3A_485 : i32
      %swap3A_487 = arith.index_cast %add3A_486 : i32 to index
      %swap3A_488 = arith.constant 32 : index
      %swap3A_489 = tpu.vector_load %arg9[%swap3A_487, %swap3A_488] {strides = array<i32>} : memref<640x128xf32, #tpu.memory_space<vmem>>, vector<16xf32>,
      tpu.vector_store %arg9[%swap3A_487, %swap3A_488], %broadcast_in_dim3A_468 {strides = array<i32>} : memref<640x128xf32, #tpu.memory_space<vmem>>, vector<16xf32>,
      %mul3A_490 = arith.constant 16 : i32
      %mul3A_491 = arith.muli %scan3A_169, %mul3A_490 : i32
      %add3A_492 = arith.constant 5 : i32
      %add3A_493 = arith.addi %mul3A_491, %add3A_492 : i32
      %swap3A_494 = arith.index_cast %add3A_493 : i32 to index
      %swap3A_495 = arith.constant 48 : index
      %swap3A_496 = tpu.vector_load %arg9[%swap3A_494, %swap3A_495] {strides = array<i32>} : memref<640x128xf32, #tpu.memory_space<vmem>>, vector<16xf32>,
      tpu.vector_store %arg9[%swap3A_494, %swap3A_495], %broadcast_in_dim3A_468 {strides = array<i32>} : memref<640x128xf32, #tpu.memory_space<vmem>>, vector<16xf32>,
      %mul3A_497 = arith.constant 16 : i32
      %mul3A_498 = arith.muli %scan3A_169, %mul3A_497 : i32
      %add3A_499 = arith.constant 5 : i32
      %add3A_500 = arith.addi %mul3A_498, %add3A_499 : i32
      %swap3A_501 = arith.index_cast %add3A_500 : i32 to index
      %swap3A_502 = arith.constant 64 : index
      %swap3A_503 = tpu.vector_load %arg9[%swap3A_501, %swap3A_502] {strides = array<i32>} : memref<640x128xf32, #tpu.memory_space<vmem>>, vector<16xf32>,
      tpu.vector_store %arg9[%swap3A_501, %swap3A_502], %broadcast_in_dim3A_468 {strides = array<i32>} : memref<640x128xf32, #tpu.memory_space<vmem>>, vector<16xf32>,
      %mul3A_504 = arith.constant 16 : i32
      %mul3A_505 = arith.muli %scan3A_169, %mul3A_504 : i32
      %add3A_506 = arith.constant 5 : i32
      %add3A_507 = arith.addi %mul3A_505, %add3A_506 : i32
      %swap3A_508 = arith.index_cast %add3A_507 : i32 to index
      %swap3A_509 = arith.constant 80 : index
      %swap3A_510 = tpu.vector_load %arg9[%swap3A_508, %swap3A_509] {strides = array<i32>} : memref<640x128xf32, #tpu.memory_space<vmem>>, vector<16xf32>,
      tpu.vector_store %arg9[%swap3A_508, %swap3A_509], %broadcast_in_dim3A_468 {strides = array<i32>} : memref<640x128xf32, #tpu.memory_space<vmem>>, vector<16xf32>,
      %mul3A_511 = arith.constant 16 : i32
      %mul3A_512 = arith.muli %scan3A_169, %mul3A_511 : i32
      %add3A_513 = arith.constant 5 : i32
      %add3A_514 = arith.addi %mul3A_512, %add3A_513 : i32
      %swap3A_515 = arith.index_cast %add3A_514 : i32 to index
      %swap3A_516 = arith.constant 96 : index
      %swap3A_517 = tpu.vector_load %arg9[%swap3A_515, %swap3A_516] {strides = array<i32>} : memref<640x128xf32, #tpu.memory_space<vmem>>, vector<16xf32>,
      tpu.vector_store %arg9[%swap3A_515, %swap3A_516], %broadcast_in_dim3A_468 {strides = array<i32>} : memref<640x128xf32, #tpu.memory_space<vmem>>, vector<16xf32>,
      %mul3A_518 = arith.constant 16 : i32
      %mul3A_519 = arith.muli %scan3A_169, %mul3A_518 : i32
      %add3A_520 = arith.constant 5 : i32
      %add3A_521 = arith.addi %mul3A_519, %add3A_520 : i32
      %swap3A_522 = arith.index_cast %add3A_521 : i32 to index
      %swap3A_523 = arith.constant 112 : index
      %swap3A_524 = tpu.vector_load %arg9[%swap3A_522, %swap3A_523] {strides = array<i32>} : memref<640x128xf32, #tpu.memory_space<vmem>>, vector<16xf32>,
      tpu.vector_store %arg9[%swap3A_522, %swap3A_523], %broadcast_in_dim3A_468 {strides = array<i32>} : memref<640x128xf32, #tpu.memory_space<vmem>>, vector<16xf32>,
      %slice3A_525 = vector.extract_strided_slice %get3A_173 {offsets = [6], sizes = [1], strides = [1]} : vector<16xf32> to vector<1xf32>
      %squeeze3A_526 = vector.extract %slice3A_525[0] : f32 from vector<1xf32>
      %broadcast_in_dim3A_527 = vector.broadcast %squeeze3A_526 : f32 to vector<16xf32>
      %mul3A_528 = arith.constant 16 : i32
      %mul3A_529 = arith.muli %scan3A_169, %mul3A_528 : i32
      %add3A_530 = arith.constant 6 : i32
      %add3A_531 = arith.addi %mul3A_529, %add3A_530 : i32
      %swap3A_532 = arith.index_cast %add3A_531 : i32 to index
      %swap3A_533 = arith.constant 0 : index
      %swap3A_534 = tpu.vector_load %arg9[%swap3A_532, %swap3A_533] {strides = array<i32>} : memref<640x128xf32, #tpu.memory_space<vmem>>, vector<16xf32>,
      tpu.vector_store %arg9[%swap3A_532, %swap3A_533], %broadcast_in_dim3A_527 {strides = array<i32>} : memref<640x128xf32, #tpu.memory_space<vmem>>, vector<16xf32>,
      %mul3A_535 = arith.constant 16 : i32
      %mul3A_536 = arith.muli %scan3A_169, %mul3A_535 : i32
      %add3A_537 = arith.constant 6 : i32
      %add3A_538 = arith.addi %mul3A_536, %add3A_537 : i32
      %swap3A_539 = arith.index_cast %add3A_538 : i32 to index
      %swap3A_540 = arith.constant 16 : index
      %swap3A_541 = tpu.vector_load %arg9[%swap3A_539, %swap3A_540] {strides = array<i32>} : memref<640x128xf32, #tpu.memory_space<vmem>>, vector<16xf32>,
      tpu.vector_store %arg9[%swap3A_539, %swap3A_540], %broadcast_in_dim3A_527 {strides = array<i32>} : memref<640x128xf32, #tpu.memory_space<vmem>>, vector<16xf32>,
      %mul3A_542 = arith.constant 16 : i32
      %mul3A_543 = arith.muli %scan3A_169, %mul3A_542 : i32
      %add3A_544 = arith.constant 6 : i32
      %add3A_545 = arith.addi %mul3A_543, %add3A_544 : i32
      %swap3A_546 = arith.index_cast %add3A_545 : i32 to index
      %swap3A_547 = arith.constant 32 : index
      %swap3A_548 = tpu.vector_load %arg9[%swap3A_546, %swap3A_547] {strides = array<i32>} : memref<640x128xf32, #tpu.memory_space<vmem>>, vector<16xf32>,
      tpu.vector_store %arg9[%swap3A_546, %swap3A_547], %broadcast_in_dim3A_527 {strides = array<i32>} : memref<640x128xf32, #tpu.memory_space<vmem>>, vector<16xf32>,
      %mul3A_549 = arith.constant 16 : i32
      %mul3A_550 = arith.muli %scan3A_169, %mul3A_549 : i32
      %add3A_551 = arith.constant 6 : i32
      %add3A_552 = arith.addi %mul3A_550, %add3A_551 : i32
      %swap3A_553 = arith.index_cast %add3A_552 : i32 to index
      %swap3A_554 = arith.constant 48 : index
      %swap3A_555 = tpu.vector_load %arg9[%swap3A_553, %swap3A_554] {strides = array<i32>} : memref<640x128xf32, #tpu.memory_space<vmem>>, vector<16xf32>,
      tpu.vector_store %arg9[%swap3A_553, %swap3A_554], %broadcast_in_dim3A_527 {strides = array<i32>} : memref<640x128xf32, #tpu.memory_space<vmem>>, vector<16xf32>,
      %mul3A_556 = arith.constant 16 : i32
      %mul3A_557 = arith.muli %scan3A_169, %mul3A_556 : i32
      %add3A_558 = arith.constant 6 : i32
      %add3A_559 = arith.addi %mul3A_557, %add3A_558 : i32
      %swap3A_560 = arith.index_cast %add3A_559 : i32 to index
      %swap3A_561 = arith.constant 64 : index
      %swap3A_562 = tpu.vector_load %arg9[%swap3A_560, %swap3A_561] {strides = array<i32>} : memref<640x128xf32, #tpu.memory_space<vmem>>, vector<16xf32>,
      tpu.vector_store %arg9[%swap3A_560, %swap3A_561], %broadcast_in_dim3A_527 {strides = array<i32>} : memref<640x128xf32, #tpu.memory_space<vmem>>, vector<16xf32>,
      %mul3A_563 = arith.constant 16 : i32
      %mul3A_564 = arith.muli %scan3A_169, %mul3A_563 : i32
      %add3A_565 = arith.constant 6 : i32
      %add3A_566 = arith.addi %mul3A_564, %add3A_565 : i32
      %swap3A_567 = arith.index_cast %add3A_566 : i32 to index
      %swap3A_568 = arith.constant 80 : index
      %swap3A_569 = tpu.vector_load %arg9[%swap3A_567, %swap3A_568] {strides = array<i32>} : memref<640x128xf32, #tpu.memory_space<vmem>>, vector<16xf32>,
      tpu.vector_store %arg9[%swap3A_567, %swap3A_568], %broadcast_in_dim3A_527 {strides = array<i32>} : memref<640x128xf32, #tpu.memory_space<vmem>>, vector<16xf32>,
      %mul3A_570 = arith.constant 16 : i32
      %mul3A_571 = arith.muli %scan3A_169, %mul3A_570 : i32
      %add3A_572 = arith.constant 6 : i32
      %add3A_573 = arith.addi %mul3A_571, %add3A_572 : i32
      %swap3A_574 = arith.index_cast %add3A_573 : i32 to index
      %swap3A_575 = arith.constant 96 : index
      %swap3A_576 = tpu.vector_load %arg9[%swap3A_574, %swap3A_575] {strides = array<i32>} : memref<640x128xf32, #tpu.memory_space<vmem>>, vector<16xf32>,
      tpu.vector_store %arg9[%swap3A_574, %swap3A_575], %broadcast_in_dim3A_527 {strides = array<i32>} : memref<640x128xf32, #tpu.memory_space<vmem>>, vector<16xf32>,
      %mul3A_577 = arith.constant 16 : i32
      %mul3A_578 = arith.muli %scan3A_169, %mul3A_577 : i32
      %add3A_579 = arith.constant 6 : i32
      %add3A_580 = arith.addi %mul3A_578, %add3A_579 : i32
      %swap3A_581 = arith.index_cast %add3A_580 : i32 to index
      %swap3A_582 = arith.constant 112 : index
      %swap3A_583 = tpu.vector_load %arg9[%swap3A_581, %swap3A_582] {strides = array<i32>} : memref<640x128xf32, #tpu.memory_space<vmem>>, vector<16xf32>,
      tpu.vector_store %arg9[%swap3A_581, %swap3A_582], %broadcast_in_dim3A_527 {strides = array<i32>} : memref<640x128xf32, #tpu.memory_space<vmem>>, vector<16xf32>,
      %slice3A_584 = vector.extract_strided_slice %get3A_173 {offsets = [7], sizes = [1], strides = [1]} : vector<16xf32> to vector<1xf32>
      %squeeze3A_585 = vector.extract %slice3A_584[0] : f32 from vector<1xf32>
      %broadcast_in_dim3A_586 = vector.broadcast %squeeze3A_585 : f32 to vector<16xf32>
      %mul3A_587 = arith.constant 16 : i32
      %mul3A_588 = arith.muli %scan3A_169, %mul3A_587 : i32
      %add3A_589 = arith.constant 7 : i32
      %add3A_590 = arith.addi %mul3A_588, %add3A_589 : i32
      %swap3A_591 = arith.index_cast %add3A_590 : i32 to index
      %swap3A_592 = arith.constant 0 : index
      %swap3A_593 = tpu.vector_load %arg9[%swap3A_591, %swap3A_592] {strides = array<i32>} : memref<640x128xf32, #tpu.memory_space<vmem>>, vector<16xf32>,
      tpu.vector_store %arg9[%swap3A_591, %swap3A_592], %broadcast_in_dim3A_586 {strides = array<i32>} : memref<640x128xf32, #tpu.memory_space<vmem>>, vector<16xf32>,
      %mul3A_594 = arith.constant 16 : i32
      %mul3A_595 = arith.muli %scan3A_169, %mul3A_594 : i32
      %add3A_596 = arith.constant 7 : i32
      %add3A_597 = arith.addi %mul3A_595, %add3A_596 : i32
      %swap3A_598 = arith.index_cast %add3A_597 : i32 to index
      %swap3A_599 = arith.constant 16 : index
      %swap3A_600 = tpu.vector_load %arg9[%swap3A_598, %swap3A_599] {strides = array<i32>} : memref<640x128xf32, #tpu.memory_space<vmem>>, vector<16xf32>,
      tpu.vector_store %arg9[%swap3A_598, %swap3A_599], %broadcast_in_dim3A_586 {strides = array<i32>} : memref<640x128xf32, #tpu.memory_space<vmem>>, vector<16xf32>,
      %mul3A_601 = arith.constant 16 : i32
      %mul3A_602 = arith.muli %scan3A_169, %mul3A_601 : i32
      %add3A_603 = arith.constant 7 : i32
      %add3A_604 = arith.addi %mul3A_602, %add3A_603 : i32
      %swap3A_605 = arith.index_cast %add3A_604 : i32 to index
      %swap3A_606 = arith.constant 32 : index
      %swap3A_607 = tpu.vector_load %arg9[%swap3A_605, %swap3A_606] {strides = array<i32>} : memref<640x128xf32, #tpu.memory_space<vmem>>, vector<16xf32>,
      tpu.vector_store %arg9[%swap3A_605, %swap3A_606], %broadcast_in_dim3A_586 {strides = array<i32>} : memref<640x128xf32, #tpu.memory_space<vmem>>, vector<16xf32>,
      %mul3A_608 = arith.constant 16 : i32
      %mul3A_609 = arith.muli %scan3A_169, %mul3A_608 : i32
      %add3A_610 = arith.constant 7 : i32
      %add3A_611 = arith.addi %mul3A_609, %add3A_610 : i32
      %swap3A_612 = arith.index_cast %add3A_611 : i32 to index
      %swap3A_613 = arith.constant 48 : index
      %swap3A_614 = tpu.vector_load %arg9[%swap3A_612, %swap3A_613] {strides = array<i32>} : memref<640x128xf32, #tpu.memory_space<vmem>>, vector<16xf32>,
      tpu.vector_store %arg9[%swap3A_612, %swap3A_613], %broadcast_in_dim3A_586 {strides = array<i32>} : memref<640x128xf32, #tpu.memory_space<vmem>>, vector<16xf32>,
      %mul3A_615 = arith.constant 16 : i32
      %mul3A_616 = arith.muli %scan3A_169, %mul3A_615 : i32
      %add3A_617 = arith.constant 7 : i32
      %add3A_618 = arith.addi %mul3A_616, %add3A_617 : i32
      %swap3A_619 = arith.index_cast %add3A_618 : i32 to index
      %swap3A_620 = arith.constant 64 : index
      %swap3A_621 = tpu.vector_load %arg9[%swap3A_619, %swap3A_620] {strides = array<i32>} : memref<640x128xf32, #tpu.memory_space<vmem>>, vector<16xf32>,
      tpu.vector_store %arg9[%swap3A_619, %swap3A_620], %broadcast_in_dim3A_586 {strides = array<i32>} : memref<640x128xf32, #tpu.memory_space<vmem>>, vector<16xf32>,
      %mul3A_622 = arith.constant 16 : i32
      %mul3A_623 = arith.muli %scan3A_169, %mul3A_622 : i32
      %add3A_624 = arith.constant 7 : i32
      %add3A_625 = arith.addi %mul3A_623, %add3A_624 : i32
      %swap3A_626 = arith.index_cast %add3A_625 : i32 to index
      %swap3A_627 = arith.constant 80 : index
      %swap3A_628 = tpu.vector_load %arg9[%swap3A_626, %swap3A_627] {strides = array<i32>} : memref<640x128xf32, #tpu.memory_space<vmem>>, vector<16xf32>,
      tpu.vector_store %arg9[%swap3A_626, %swap3A_627], %broadcast_in_dim3A_586 {strides = array<i32>} : memref<640x128xf32, #tpu.memory_space<vmem>>, vector<16xf32>,
      %mul3A_629 = arith.constant 16 : i32
      %mul3A_630 = arith.muli %scan3A_169, %mul3A_629 : i32
      %add3A_631 = arith.constant 7 : i32
      %add3A_632 = arith.addi %mul3A_630, %add3A_631 : i32
      %swap3A_633 = arith.index_cast %add3A_632 : i32 to index
      %swap3A_634 = arith.constant 96 : index
      %swap3A_635 = tpu.vector_load %arg9[%swap3A_633, %swap3A_634] {strides = array<i32>} : memref<640x128xf32, #tpu.memory_space<vmem>>, vector<16xf32>,
      tpu.vector_store %arg9[%swap3A_633, %swap3A_634], %broadcast_in_dim3A_586 {strides = array<i32>} : memref<640x128xf32, #tpu.memory_space<vmem>>, vector<16xf32>,
      %mul3A_636 = arith.constant 16 : i32
      %mul3A_637 = arith.muli %scan3A_169, %mul3A_636 : i32
      %add3A_638 = arith.constant 7 : i32
      %add3A_639 = arith.addi %mul3A_637, %add3A_638 : i32
      %swap3A_640 = arith.index_cast %add3A_639 : i32 to index
      %swap3A_641 = arith.constant 112 : index
      %swap3A_642 = tpu.vector_load %arg9[%swap3A_640, %swap3A_641] {strides = array<i32>} : memref<640x128xf32, #tpu.memory_space<vmem>>, vector<16xf32>,
      tpu.vector_store %arg9[%swap3A_640, %swap3A_641], %broadcast_in_dim3A_586 {strides = array<i32>} : memref<640x128xf32, #tpu.memory_space<vmem>>, vector<16xf32>,
      %slice3A_643 = vector.extract_strided_slice %get3A_173 {offsets = [8], sizes = [1], strides = [1]} : vector<16xf32> to vector<1xf32>
      %squeeze3A_644 = vector.extract %slice3A_643[0] : f32 from vector<1xf32>
      %broadcast_in_dim3A_645 = vector.broadcast %squeeze3A_644 : f32 to vector<16xf32>
      %mul3A_646 = arith.constant 16 : i32
      %mul3A_647 = arith.muli %scan3A_169, %mul3A_646 : i32
      %add3A_648 = arith.constant 8 : i32
      %add3A_649 = arith.addi %mul3A_647, %add3A_648 : i32
      %swap3A_650 = arith.index_cast %add3A_649 : i32 to index
      %swap3A_651 = arith.constant 0 : index
      %swap3A_652 = tpu.vector_load %arg9[%swap3A_650, %swap3A_651] {strides = array<i32>} : memref<640x128xf32, #tpu.memory_space<vmem>>, vector<16xf32>,
      tpu.vector_store %arg9[%swap3A_650, %swap3A_651], %broadcast_in_dim3A_645 {strides = array<i32>} : memref<640x128xf32, #tpu.memory_space<vmem>>, vector<16xf32>,
      %mul3A_653 = arith.constant 16 : i32
      %mul3A_654 = arith.muli %scan3A_169, %mul3A_653 : i32
      %add3A_655 = arith.constant 8 : i32
      %add3A_656 = arith.addi %mul3A_654, %add3A_655 : i32
      %swap3A_657 = arith.index_cast %add3A_656 : i32 to index
      %swap3A_658 = arith.constant 16 : index
      %swap3A_659 = tpu.vector_load %arg9[%swap3A_657, %swap3A_658] {strides = array<i32>} : memref<640x128xf32, #tpu.memory_space<vmem>>, vector<16xf32>,
      tpu.vector_store %arg9[%swap3A_657, %swap3A_658], %broadcast_in_dim3A_645 {strides = array<i32>} : memref<640x128xf32, #tpu.memory_space<vmem>>, vector<16xf32>,
      %mul3A_660 = arith.constant 16 : i32
      %mul3A_661 = arith.muli %scan3A_169, %mul3A_660 : i32
      %add3A_662 = arith.constant 8 : i32
      %add3A_663 = arith.addi %mul3A_661, %add3A_662 : i32
      %swap3A_664 = arith.index_cast %add3A_663 : i32 to index
      %swap3A_665 = arith.constant 32 : index
      %swap3A_666 = tpu.vector_load %arg9[%swap3A_664, %swap3A_665] {strides = array<i32>} : memref<640x128xf32, #tpu.memory_space<vmem>>, vector<16xf32>,
      tpu.vector_store %arg9[%swap3A_664, %swap3A_665], %broadcast_in_dim3A_645 {strides = array<i32>} : memref<640x128xf32, #tpu.memory_space<vmem>>, vector<16xf32>,
      %mul3A_667 = arith.constant 16 : i32
      %mul3A_668 = arith.muli %scan3A_169, %mul3A_667 : i32
      %add3A_669 = arith.constant 8 : i32
      %add3A_670 = arith.addi %mul3A_668, %add3A_669 : i32
      %swap3A_671 = arith.index_cast %add3A_670 : i32 to index
      %swap3A_672 = arith.constant 48 : index
      %swap3A_673 = tpu.vector_load %arg9[%swap3A_671, %swap3A_672] {strides = array<i32>} : memref<640x128xf32, #tpu.memory_space<vmem>>, vector<16xf32>,
      tpu.vector_store %arg9[%swap3A_671, %swap3A_672], %broadcast_in_dim3A_645 {strides = array<i32>} : memref<640x128xf32, #tpu.memory_space<vmem>>, vector<16xf32>,
      %mul3A_674 = arith.constant 16 : i32
      %mul3A_675 = arith.muli %scan3A_169, %mul3A_674 : i32
      %add3A_676 = arith.constant 8 : i32
      %add3A_677 = arith.addi %mul3A_675, %add3A_676 : i32
      %swap3A_678 = arith.index_cast %add3A_677 : i32 to index
      %swap3A_679 = arith.constant 64 : index
      %swap3A_680 = tpu.vector_load %arg9[%swap3A_678, %swap3A_679] {strides = array<i32>} : memref<640x128xf32, #tpu.memory_space<vmem>>, vector<16xf32>,
      tpu.vector_store %arg9[%swap3A_678, %swap3A_679], %broadcast_in_dim3A_645 {strides = array<i32>} : memref<640x128xf32, #tpu.memory_space<vmem>>, vector<16xf32>,
      %mul3A_681 = arith.constant 16 : i32
      %mul3A_682 = arith.muli %scan3A_169, %mul3A_681 : i32
      %add3A_683 = arith.constant 8 : i32
      %add3A_684 = arith.addi %mul3A_682, %add3A_683 : i32
      %swap3A_685 = arith.index_cast %add3A_684 : i32 to index
      %swap3A_686 = arith.constant 80 : index
      %swap3A_687 = tpu.vector_load %arg9[%swap3A_685, %swap3A_686] {strides = array<i32>} : memref<640x128xf32, #tpu.memory_space<vmem>>, vector<16xf32>,
      tpu.vector_store %arg9[%swap3A_685, %swap3A_686], %broadcast_in_dim3A_645 {strides = array<i32>} : memref<640x128xf32, #tpu.memory_space<vmem>>, vector<16xf32>,
      %mul3A_688 = arith.constant 16 : i32
      %mul3A_689 = arith.muli %scan3A_169, %mul3A_688 : i32
      %add3A_690 = arith.constant 8 : i32
      %add3A_691 = arith.addi %mul3A_689, %add3A_690 : i32
      %swap3A_692 = arith.index_cast %add3A_691 : i32 to index
      %swap3A_693 = arith.constant 96 : index
      %swap3A_694 = tpu.vector_load %arg9[%swap3A_692, %swap3A_693] {strides = array<i32>} : memref<640x128xf32, #tpu.memory_space<vmem>>, vector<16xf32>,
      tpu.vector_store %arg9[%swap3A_692, %swap3A_693], %broadcast_in_dim3A_645 {strides = array<i32>} : memref<640x128xf32, #tpu.memory_space<vmem>>, vector<16xf32>,
      %mul3A_695 = arith.constant 16 : i32
      %mul3A_696 = arith.muli %scan3A_169, %mul3A_695 : i32
      %add3A_697 = arith.constant 8 : i32
      %add3A_698 = arith.addi %mul3A_696, %add3A_697 : i32
      %swap3A_699 = arith.index_cast %add3A_698 : i32 to index
      %swap3A_700 = arith.constant 112 : index
      %swap3A_701 = tpu.vector_load %arg9[%swap3A_699, %swap3A_700] {strides = array<i32>} : memref<640x128xf32, #tpu.memory_space<vmem>>, vector<16xf32>,
      tpu.vector_store %arg9[%swap3A_699, %swap3A_700], %broadcast_in_dim3A_645 {strides = array<i32>} : memref<640x128xf32, #tpu.memory_space<vmem>>, vector<16xf32>,
      %slice3A_702 = vector.extract_strided_slice %get3A_173 {offsets = [9], sizes = [1], strides = [1]} : vector<16xf32> to vector<1xf32>
      %squeeze3A_703 = vector.extract %slice3A_702[0] : f32 from vector<1xf32>
      %broadcast_in_dim3A_704 = vector.broadcast %squeeze3A_703 : f32 to vector<16xf32>
      %mul3A_705 = arith.constant 16 : i32
      %mul3A_706 = arith.muli %scan3A_169, %mul3A_705 : i32
      %add3A_707 = arith.constant 9 : i32
      %add3A_708 = arith.addi %mul3A_706, %add3A_707 : i32
      %swap3A_709 = arith.index_cast %add3A_708 : i32 to index
      %swap3A_710 = arith.constant 0 : index
      %swap3A_711 = tpu.vector_load %arg9[%swap3A_709, %swap3A_710] {strides = array<i32>} : memref<640x128xf32, #tpu.memory_space<vmem>>, vector<16xf32>,
      tpu.vector_store %arg9[%swap3A_709, %swap3A_710], %broadcast_in_dim3A_704 {strides = array<i32>} : memref<640x128xf32, #tpu.memory_space<vmem>>, vector<16xf32>,
      %mul3A_712 = arith.constant 16 : i32
      %mul3A_713 = arith.muli %scan3A_169, %mul3A_712 : i32
      %add3A_714 = arith.constant 9 : i32
      %add3A_715 = arith.addi %mul3A_713, %add3A_714 : i32
      %swap3A_716 = arith.index_cast %add3A_715 : i32 to index
      %swap3A_717 = arith.constant 16 : index
      %swap3A_718 = tpu.vector_load %arg9[%swap3A_716, %swap3A_717] {strides = array<i32>} : memref<640x128xf32, #tpu.memory_space<vmem>>, vector<16xf32>,
      tpu.vector_store %arg9[%swap3A_716, %swap3A_717], %broadcast_in_dim3A_704 {strides = array<i32>} : memref<640x128xf32, #tpu.memory_space<vmem>>, vector<16xf32>,
      %mul3A_719 = arith.constant 16 : i32
      %mul3A_720 = arith.muli %scan3A_169, %mul3A_719 : i32
      %add3A_721 = arith.constant 9 : i32
      %add3A_722 = arith.addi %mul3A_720, %add3A_721 : i32
      %swap3A_723 = arith.index_cast %add3A_722 : i32 to index
      %swap3A_724 = arith.constant 32 : index
      %swap3A_725 = tpu.vector_load %arg9[%swap3A_723, %swap3A_724] {strides = array<i32>} : memref<640x128xf32, #tpu.memory_space<vmem>>, vector<16xf32>,
      tpu.vector_store %arg9[%swap3A_723, %swap3A_724], %broadcast_in_dim3A_704 {strides = array<i32>} : memref<640x128xf32, #tpu.memory_space<vmem>>, vector<16xf32>,
      %mul3A_726 = arith.constant 16 : i32
      %mul3A_727 = arith.muli %scan3A_169, %mul3A_726 : i32
      %add3A_728 = arith.constant 9 : i32
      %add3A_729 = arith.addi %mul3A_727, %add3A_728 : i32
      %swap3A_730 = arith.index_cast %add3A_729 : i32 to index
      %swap3A_731 = arith.constant 48 : index
      %swap3A_732 = tpu.vector_load %arg9[%swap3A_730, %swap3A_731] {strides = array<i32>} : memref<640x128xf32, #tpu.memory_space<vmem>>, vector<16xf32>,
      tpu.vector_store %arg9[%swap3A_730, %swap3A_731], %broadcast_in_dim3A_704 {strides = array<i32>} : memref<640x128xf32, #tpu.memory_space<vmem>>, vector<16xf32>,
      %mul3A_733 = arith.constant 16 : i32
      %mul3A_734 = arith.muli %scan3A_169, %mul3A_733 : i32
      %add3A_735 = arith.constant 9 : i32
      %add3A_736 = arith.addi %mul3A_734, %add3A_735 : i32
      %swap3A_737 = arith.index_cast %add3A_736 : i32 to index
      %swap3A_738 = arith.constant 64 : index
      %swap3A_739 = tpu.vector_load %arg9[%swap3A_737, %swap3A_738] {strides = array<i32>} : memref<640x128xf32, #tpu.memory_space<vmem>>, vector<16xf32>,
      tpu.vector_store %arg9[%swap3A_737, %swap3A_738], %broadcast_in_dim3A_704 {strides = array<i32>} : memref<640x128xf32, #tpu.memory_space<vmem>>, vector<16xf32>,
      %mul3A_740 = arith.constant 16 : i32
      %mul3A_741 = arith.muli %scan3A_169, %mul3A_740 : i32
      %add3A_742 = arith.constant 9 : i32
      %add3A_743 = arith.addi %mul3A_741, %add3A_742 : i32
      %swap3A_744 = arith.index_cast %add3A_743 : i32 to index
      %swap3A_745 = arith.constant 80 : index
      %swap3A_746 = tpu.vector_load %arg9[%swap3A_744, %swap3A_745] {strides = array<i32>} : memref<640x128xf32, #tpu.memory_space<vmem>>, vector<16xf32>,
      tpu.vector_store %arg9[%swap3A_744, %swap3A_745], %broadcast_in_dim3A_704 {strides = array<i32>} : memref<640x128xf32, #tpu.memory_space<vmem>>, vector<16xf32>,
      %mul3A_747 = arith.constant 16 : i32
      %mul3A_748 = arith.muli %scan3A_169, %mul3A_747 : i32
      %add3A_749 = arith.constant 9 : i32
      %add3A_750 = arith.addi %mul3A_748, %add3A_749 : i32
      %swap3A_751 = arith.index_cast %add3A_750 : i32 to index
      %swap3A_752 = arith.constant 96 : index
      %swap3A_753 = tpu.vector_load %arg9[%swap3A_751, %swap3A_752] {strides = array<i32>} : memref<640x128xf32, #tpu.memory_space<vmem>>, vector<16xf32>,
      tpu.vector_store %arg9[%swap3A_751, %swap3A_752], %broadcast_in_dim3A_704 {strides = array<i32>} : memref<640x128xf32, #tpu.memory_space<vmem>>, vector<16xf32>,
      %mul3A_754 = arith.constant 16 : i32
      %mul3A_755 = arith.muli %scan3A_169, %mul3A_754 : i32
      %add3A_756 = arith.constant 9 : i32
      %add3A_757 = arith.addi %mul3A_755, %add3A_756 : i32
      %swap3A_758 = arith.index_cast %add3A_757 : i32 to index
      %swap3A_759 = arith.constant 112 : index
      %swap3A_760 = tpu.vector_load %arg9[%swap3A_758, %swap3A_759] {strides = array<i32>} : memref<640x128xf32, #tpu.memory_space<vmem>>, vector<16xf32>,
      tpu.vector_store %arg9[%swap3A_758, %swap3A_759], %broadcast_in_dim3A_704 {strides = array<i32>} : memref<640x128xf32, #tpu.memory_space<vmem>>, vector<16xf32>,
      %slice3A_761 = vector.extract_strided_slice %get3A_173 {offsets = [10], sizes = [1], strides = [1]} : vector<16xf32> to vector<1xf32>
      %squeeze3A_762 = vector.extract %slice3A_761[0] : f32 from vector<1xf32>
      %broadcast_in_dim3A_763 = vector.broadcast %squeeze3A_762 : f32 to vector<16xf32>
      %mul3A_764 = arith.constant 16 : i32
      %mul3A_765 = arith.muli %scan3A_169, %mul3A_764 : i32
      %add3A_766 = arith.constant 10 : i32
      %add3A_767 = arith.addi %mul3A_765, %add3A_766 : i32
      %swap3A_768 = arith.index_cast %add3A_767 : i32 to index
      %swap3A_769 = arith.constant 0 : index
      %swap3A_770 = tpu.vector_load %arg9[%swap3A_768, %swap3A_769] {strides = array<i32>} : memref<640x128xf32, #tpu.memory_space<vmem>>, vector<16xf32>,
      tpu.vector_store %arg9[%swap3A_768, %swap3A_769], %broadcast_in_dim3A_763 {strides = array<i32>} : memref<640x128xf32, #tpu.memory_space<vmem>>, vector<16xf32>,
      %mul3A_771 = arith.constant 16 : i32
      %mul3A_772 = arith.muli %scan3A_169, %mul3A_771 : i32
      %add3A_773 = arith.constant 10 : i32
      %add3A_774 = arith.addi %mul3A_772, %add3A_773 : i32
      %swap3A_775 = arith.index_cast %add3A_774 : i32 to index
      %swap3A_776 = arith.constant 16 : index
      %swap3A_777 = tpu.vector_load %arg9[%swap3A_775, %swap3A_776] {strides = array<i32>} : memref<640x128xf32, #tpu.memory_space<vmem>>, vector<16xf32>,
      tpu.vector_store %arg9[%swap3A_775, %swap3A_776], %broadcast_in_dim3A_763 {strides = array<i32>} : memref<640x128xf32, #tpu.memory_space<vmem>>, vector<16xf32>,
      %mul3A_778 = arith.constant 16 : i32
      %mul3A_779 = arith.muli %scan3A_169, %mul3A_778 : i32
      %add3A_780 = arith.constant 10 : i32
      %add3A_781 = arith.addi %mul3A_779, %add3A_780 : i32
      %swap3A_782 = arith.index_cast %add3A_781 : i32 to index
      %swap3A_783 = arith.constant 32 : index
      %swap3A_784 = tpu.vector_load %arg9[%swap3A_782, %swap3A_783] {strides = array<i32>} : memref<640x128xf32, #tpu.memory_space<vmem>>, vector<16xf32>,
      tpu.vector_store %arg9[%swap3A_782, %swap3A_783], %broadcast_in_dim3A_763 {strides = array<i32>} : memref<640x128xf32, #tpu.memory_space<vmem>>, vector<16xf32>,
      %mul3A_785 = arith.constant 16 : i32
      %mul3A_786 = arith.muli %scan3A_169, %mul3A_785 : i32
      %add3A_787 = arith.constant 10 : i32
      %add3A_788 = arith.addi %mul3A_786, %add3A_787 : i32
      %swap3A_789 = arith.index_cast %add3A_788 : i32 to index
      %swap3A_790 = arith.constant 48 : index
      %swap3A_791 = tpu.vector_load %arg9[%swap3A_789, %swap3A_790] {strides = array<i32>} : memref<640x128xf32, #tpu.memory_space<vmem>>, vector<16xf32>,
      tpu.vector_store %arg9[%swap3A_789, %swap3A_790], %broadcast_in_dim3A_763 {strides = array<i32>} : memref<640x128xf32, #tpu.memory_space<vmem>>, vector<16xf32>,
      %mul3A_792 = arith.constant 16 : i32
      %mul3A_793 = arith.muli %scan3A_169, %mul3A_792 : i32
      %add3A_794 = arith.constant 10 : i32
      %add3A_795 = arith.addi %mul3A_793, %add3A_794 : i32
      %swap3A_796 = arith.index_cast %add3A_795 : i32 to index
      %swap3A_797 = arith.constant 64 : index
      %swap3A_798 = tpu.vector_load %arg9[%swap3A_796, %swap3A_797] {strides = array<i32>} : memref<640x128xf32, #tpu.memory_space<vmem>>, vector<16xf32>,
      tpu.vector_store %arg9[%swap3A_796, %swap3A_797], %broadcast_in_dim3A_763 {strides = array<i32>} : memref<640x128xf32, #tpu.memory_space<vmem>>, vector<16xf32>,
      %mul3A_799 = arith.constant 16 : i32
      %mul3A_800 = arith.muli %scan3A_169, %mul3A_799 : i32
      %add3A_801 = arith.constant 10 : i32
      %add3A_802 = arith.addi %mul3A_800, %add3A_801 : i32
      %swap3A_803 = arith.index_cast %add3A_802 : i32 to index
      %swap3A_804 = arith.constant 80 : index
      %swap3A_805 = tpu.vector_load %arg9[%swap3A_803, %swap3A_804] {strides = array<i32>} : memref<640x128xf32, #tpu.memory_space<vmem>>, vector<16xf32>,
      tpu.vector_store %arg9[%swap3A_803, %swap3A_804], %broadcast_in_dim3A_763 {strides = array<i32>} : memref<640x128xf32, #tpu.memory_space<vmem>>, vector<16xf32>,
      %mul3A_806 = arith.constant 16 : i32
      %mul3A_807 = arith.muli %scan3A_169, %mul3A_806 : i32
      %add3A_808 = arith.constant 10 : i32
      %add3A_809 = arith.addi %mul3A_807, %add3A_808 : i32
      %swap3A_810 = arith.index_cast %add3A_809 : i32 to index
      %swap3A_811 = arith.constant 96 : index
      %swap3A_812 = tpu.vector_load %arg9[%swap3A_810, %swap3A_811] {strides = array<i32>} : memref<640x128xf32, #tpu.memory_space<vmem>>, vector<16xf32>,
      tpu.vector_store %arg9[%swap3A_810, %swap3A_811], %broadcast_in_dim3A_763 {strides = array<i32>} : memref<640x128xf32, #tpu.memory_space<vmem>>, vector<16xf32>,
      %mul3A_813 = arith.constant 16 : i32
      %mul3A_814 = arith.muli %scan3A_169, %mul3A_813 : i32
      %add3A_815 = arith.constant 10 : i32
      %add3A_816 = arith.addi %mul3A_814, %add3A_815 : i32
      %swap3A_817 = arith.index_cast %add3A_816 : i32 to index
      %swap3A_818 = arith.constant 112 : index
      %swap3A_819 = tpu.vector_load %arg9[%swap3A_817, %swap3A_818] {strides = array<i32>} : memref<640x128xf32, #tpu.memory_space<vmem>>, vector<16xf32>,
      tpu.vector_store %arg9[%swap3A_817, %swap3A_818], %broadcast_in_dim3A_763 {strides = array<i32>} : memref<640x128xf32, #tpu.memory_space<vmem>>, vector<16xf32>,
      %slice3A_820 = vector.extract_strided_slice %get3A_173 {offsets = [11], sizes = [1], strides = [1]} : vector<16xf32> to vector<1xf32>
      %squeeze3A_821 = vector.extract %slice3A_820[0] : f32 from vector<1xf32>
      %broadcast_in_dim3A_822 = vector.broadcast %squeeze3A_821 : f32 to vector<16xf32>
      %mul3A_823 = arith.constant 16 : i32
      %mul3A_824 = arith.muli %scan3A_169, %mul3A_823 : i32
      %add3A_825 = arith.constant 11 : i32
      %add3A_826 = arith.addi %mul3A_824, %add3A_825 : i32
      %swap3A_827 = arith.index_cast %add3A_826 : i32 to index
      %swap3A_828 = arith.constant 0 : index
      %swap3A_829 = tpu.vector_load %arg9[%swap3A_827, %swap3A_828] {strides = array<i32>} : memref<640x128xf32, #tpu.memory_space<vmem>>, vector<16xf32>,
      tpu.vector_store %arg9[%swap3A_827, %swap3A_828], %broadcast_in_dim3A_822 {strides = array<i32>} : memref<640x128xf32, #tpu.memory_space<vmem>>, vector<16xf32>,
      %mul3A_830 = arith.constant 16 : i32
      %mul3A_831 = arith.muli %scan3A_169, %mul3A_830 : i32
      %add3A_832 = arith.constant 11 : i32
      %add3A_833 = arith.addi %mul3A_831, %add3A_832 : i32
      %swap3A_834 = arith.index_cast %add3A_833 : i32 to index
      %swap3A_835 = arith.constant 16 : index
      %swap3A_836 = tpu.vector_load %arg9[%swap3A_834, %swap3A_835] {strides = array<i32>} : memref<640x128xf32, #tpu.memory_space<vmem>>, vector<16xf32>,
      tpu.vector_store %arg9[%swap3A_834, %swap3A_835], %broadcast_in_dim3A_822 {strides = array<i32>} : memref<640x128xf32, #tpu.memory_space<vmem>>, vector<16xf32>,
      %mul3A_837 = arith.constant 16 : i32
      %mul3A_838 = arith.muli %scan3A_169, %mul3A_837 : i32
      %add3A_839 = arith.constant 11 : i32
      %add3A_840 = arith.addi %mul3A_838, %add3A_839 : i32
      %swap3A_841 = arith.index_cast %add3A_840 : i32 to index
      %swap3A_842 = arith.constant 32 : index
      %swap3A_843 = tpu.vector_load %arg9[%swap3A_841, %swap3A_842] {strides = array<i32>} : memref<640x128xf32, #tpu.memory_space<vmem>>, vector<16xf32>,
      tpu.vector_store %arg9[%swap3A_841, %swap3A_842], %broadcast_in_dim3A_822 {strides = array<i32>} : memref<640x128xf32, #tpu.memory_space<vmem>>, vector<16xf32>,
      %mul3A_844 = arith.constant 16 : i32
      %mul3A_845 = arith.muli %scan3A_169, %mul3A_844 : i32
      %add3A_846 = arith.constant 11 : i32
      %add3A_847 = arith.addi %mul3A_845, %add3A_846 : i32
      %swap3A_848 = arith.index_cast %add3A_847 : i32 to index
      %swap3A_849 = arith.constant 48 : index
      %swap3A_850 = tpu.vector_load %arg9[%swap3A_848, %swap3A_849] {strides = array<i32>} : memref<640x128xf32, #tpu.memory_space<vmem>>, vector<16xf32>,
      tpu.vector_store %arg9[%swap3A_848, %swap3A_849], %broadcast_in_dim3A_822 {strides = array<i32>} : memref<640x128xf32, #tpu.memory_space<vmem>>, vector<16xf32>,
      %mul3A_851 = arith.constant 16 : i32
      %mul3A_852 = arith.muli %scan3A_169, %mul3A_851 : i32
      %add3A_853 = arith.constant 11 : i32
      %add3A_854 = arith.addi %mul3A_852, %add3A_853 : i32
      %swap3A_855 = arith.index_cast %add3A_854 : i32 to index
      %swap3A_856 = arith.constant 64 : index
      %swap3A_857 = tpu.vector_load %arg9[%swap3A_855, %swap3A_856] {strides = array<i32>} : memref<640x128xf32, #tpu.memory_space<vmem>>, vector<16xf32>,
      tpu.vector_store %arg9[%swap3A_855, %swap3A_856], %broadcast_in_dim3A_822 {strides = array<i32>} : memref<640x128xf32, #tpu.memory_space<vmem>>, vector<16xf32>,
      %mul3A_858 = arith.constant 16 : i32
      %mul3A_859 = arith.muli %scan3A_169, %mul3A_858 : i32
      %add3A_860 = arith.constant 11 : i32
      %add3A_861 = arith.addi %mul3A_859, %add3A_860 : i32
      %swap3A_862 = arith.index_cast %add3A_861 : i32 to index
      %swap3A_863 = arith.constant 80 : index
      %swap3A_864 = tpu.vector_load %arg9[%swap3A_862, %swap3A_863] {strides = array<i32>} : memref<640x128xf32, #tpu.memory_space<vmem>>, vector<16xf32>,
      tpu.vector_store %arg9[%swap3A_862, %swap3A_863], %broadcast_in_dim3A_822 {strides = array<i32>} : memref<640x128xf32, #tpu.memory_space<vmem>>, vector<16xf32>,
      %mul3A_865 = arith.constant 16 : i32
      %mul3A_866 = arith.muli %scan3A_169, %mul3A_865 : i32
      %add3A_867 = arith.constant 11 : i32
      %add3A_868 = arith.addi %mul3A_866, %add3A_867 : i32
      %swap3A_869 = arith.index_cast %add3A_868 : i32 to index
      %swap3A_870 = arith.constant 96 : index
      %swap3A_871 = tpu.vector_load %arg9[%swap3A_869, %swap3A_870] {strides = array<i32>} : memref<640x128xf32, #tpu.memory_space<vmem>>, vector<16xf32>,
      tpu.vector_store %arg9[%swap3A_869, %swap3A_870], %broadcast_in_dim3A_822 {strides = array<i32>} : memref<640x128xf32, #tpu.memory_space<vmem>>, vector<16xf32>,
      %mul3A_872 = arith.constant 16 : i32
      %mul3A_873 = arith.muli %scan3A_169, %mul3A_872 : i32
      %add3A_874 = arith.constant 11 : i32
      %add3A_875 = arith.addi %mul3A_873, %add3A_874 : i32
      %swap3A_876 = arith.index_cast %add3A_875 : i32 to index
      %swap3A_877 = arith.constant 112 : index
      %swap3A_878 = tpu.vector_load %arg9[%swap3A_876, %swap3A_877] {strides = array<i32>} : memref<640x128xf32, #tpu.memory_space<vmem>>, vector<16xf32>,
      tpu.vector_store %arg9[%swap3A_876, %swap3A_877], %broadcast_in_dim3A_822 {strides = array<i32>} : memref<640x128xf32, #tpu.memory_space<vmem>>, vector<16xf32>,
      %slice3A_879 = vector.extract_strided_slice %get3A_173 {offsets = [12], sizes = [1], strides = [1]} : vector<16xf32> to vector<1xf32>
      %squeeze3A_880 = vector.extract %slice3A_879[0] : f32 from vector<1xf32>
      %broadcast_in_dim3A_881 = vector.broadcast %squeeze3A_880 : f32 to vector<16xf32>
      %mul3A_882 = arith.constant 16 : i32
      %mul3A_883 = arith.muli %scan3A_169, %mul3A_882 : i32
      %add3A_884 = arith.constant 12 : i32
      %add3A_885 = arith.addi %mul3A_883, %add3A_884 : i32
      %swap3A_886 = arith.index_cast %add3A_885 : i32 to index
      %swap3A_887 = arith.constant 0 : index
      %swap3A_888 = tpu.vector_load %arg9[%swap3A_886, %swap3A_887] {strides = array<i32>} : memref<640x128xf32, #tpu.memory_space<vmem>>, vector<16xf32>,
      tpu.vector_store %arg9[%swap3A_886, %swap3A_887], %broadcast_in_dim3A_881 {strides = array<i32>} : memref<640x128xf32, #tpu.memory_space<vmem>>, vector<16xf32>,
      %mul3A_889 = arith.constant 16 : i32
      %mul3A_890 = arith.muli %scan3A_169, %mul3A_889 : i32
      %add3A_891 = arith.constant 12 : i32
      %add3A_892 = arith.addi %mul3A_890, %add3A_891 : i32
      %swap3A_893 = arith.index_cast %add3A_892 : i32 to index
      %swap3A_894 = arith.constant 16 : index
      %swap3A_895 = tpu.vector_load %arg9[%swap3A_893, %swap3A_894] {strides = array<i32>} : memref<640x128xf32, #tpu.memory_space<vmem>>, vector<16xf32>,
      tpu.vector_store %arg9[%swap3A_893, %swap3A_894], %broadcast_in_dim3A_881 {strides = array<i32>} : memref<640x128xf32, #tpu.memory_space<vmem>>, vector<16xf32>,
      %mul3A_896 = arith.constant 16 : i32
      %mul3A_897 = arith.muli %scan3A_169, %mul3A_896 : i32
      %add3A_898 = arith.constant 12 : i32
      %add3A_899 = arith.addi %mul3A_897, %add3A_898 : i32
      %swap3A_900 = arith.index_cast %add3A_899 : i32 to index
      %swap3A_901 = arith.constant 32 : index
      %swap3A_902 = tpu.vector_load %arg9[%swap3A_900, %swap3A_901] {strides = array<i32>} : memref<640x128xf32, #tpu.memory_space<vmem>>, vector<16xf32>,
      tpu.vector_store %arg9[%swap3A_900, %swap3A_901], %broadcast_in_dim3A_881 {strides = array<i32>} : memref<640x128xf32, #tpu.memory_space<vmem>>, vector<16xf32>,
      %mul3A_903 = arith.constant 16 : i32
      %mul3A_904 = arith.muli %scan3A_169, %mul3A_903 : i32
      %add3A_905 = arith.constant 12 : i32
      %add3A_906 = arith.addi %mul3A_904, %add3A_905 : i32
      %swap3A_907 = arith.index_cast %add3A_906 : i32 to index
      %swap3A_908 = arith.constant 48 : index
      %swap3A_909 = tpu.vector_load %arg9[%swap3A_907, %swap3A_908] {strides = array<i32>} : memref<640x128xf32, #tpu.memory_space<vmem>>, vector<16xf32>,
      tpu.vector_store %arg9[%swap3A_907, %swap3A_908], %broadcast_in_dim3A_881 {strides = array<i32>} : memref<640x128xf32, #tpu.memory_space<vmem>>, vector<16xf32>,
      %mul3A_910 = arith.constant 16 : i32
      %mul3A_911 = arith.muli %scan3A_169, %mul3A_910 : i32
      %add3A_912 = arith.constant 12 : i32
      %add3A_913 = arith.addi %mul3A_911, %add3A_912 : i32
      %swap3A_914 = arith.index_cast %add3A_913 : i32 to index
      %swap3A_915 = arith.constant 64 : index
      %swap3A_916 = tpu.vector_load %arg9[%swap3A_914, %swap3A_915] {strides = array<i32>} : memref<640x128xf32, #tpu.memory_space<vmem>>, vector<16xf32>,
      tpu.vector_store %arg9[%swap3A_914, %swap3A_915], %broadcast_in_dim3A_881 {strides = array<i32>} : memref<640x128xf32, #tpu.memory_space<vmem>>, vector<16xf32>,
      %mul3A_917 = arith.constant 16 : i32
      %mul3A_918 = arith.muli %scan3A_169, %mul3A_917 : i32
      %add3A_919 = arith.constant 12 : i32
      %add3A_920 = arith.addi %mul3A_918, %add3A_919 : i32
      %swap3A_921 = arith.index_cast %add3A_920 : i32 to index
      %swap3A_922 = arith.constant 80 : index
      %swap3A_923 = tpu.vector_load %arg9[%swap3A_921, %swap3A_922] {strides = array<i32>} : memref<640x128xf32, #tpu.memory_space<vmem>>, vector<16xf32>,
      tpu.vector_store %arg9[%swap3A_921, %swap3A_922], %broadcast_in_dim3A_881 {strides = array<i32>} : memref<640x128xf32, #tpu.memory_space<vmem>>, vector<16xf32>,
      %mul3A_924 = arith.constant 16 : i32
      %mul3A_925 = arith.muli %scan3A_169, %mul3A_924 : i32
      %add3A_926 = arith.constant 12 : i32
      %add3A_927 = arith.addi %mul3A_925, %add3A_926 : i32
      %swap3A_928 = arith.index_cast %add3A_927 : i32 to index
      %swap3A_929 = arith.constant 96 : index
      %swap3A_930 = tpu.vector_load %arg9[%swap3A_928, %swap3A_929] {strides = array<i32>} : memref<640x128xf32, #tpu.memory_space<vmem>>, vector<16xf32>,
      tpu.vector_store %arg9[%swap3A_928, %swap3A_929], %broadcast_in_dim3A_881 {strides = array<i32>} : memref<640x128xf32, #tpu.memory_space<vmem>>, vector<16xf32>,
      %mul3A_931 = arith.constant 16 : i32
      %mul3A_932 = arith.muli %scan3A_169, %mul3A_931 : i32
      %add3A_933 = arith.constant 12 : i32
      %add3A_934 = arith.addi %mul3A_932, %add3A_933 : i32
      %swap3A_935 = arith.index_cast %add3A_934 : i32 to index
      %swap3A_936 = arith.constant 112 : index
      %swap3A_937 = tpu.vector_load %arg9[%swap3A_935, %swap3A_936] {strides = array<i32>} : memref<640x128xf32, #tpu.memory_space<vmem>>, vector<16xf32>,
      tpu.vector_store %arg9[%swap3A_935, %swap3A_936], %broadcast_in_dim3A_881 {strides = array<i32>} : memref<640x128xf32, #tpu.memory_space<vmem>>, vector<16xf32>,
      %slice3A_938 = vector.extract_strided_slice %get3A_173 {offsets = [13], sizes = [1], strides = [1]} : vector<16xf32> to vector<1xf32>
      %squeeze3A_939 = vector.extract %slice3A_938[0] : f32 from vector<1xf32>
      %broadcast_in_dim3A_940 = vector.broadcast %squeeze3A_939 : f32 to vector<16xf32>
      %mul3A_941 = arith.constant 16 : i32
      %mul3A_942 = arith.muli %scan3A_169, %mul3A_941 : i32
      %add3A_943 = arith.constant 13 : i32
      %add3A_944 = arith.addi %mul3A_942, %add3A_943 : i32
      %swap3A_945 = arith.index_cast %add3A_944 : i32 to index
      %swap3A_946 = arith.constant 0 : index
      %swap3A_947 = tpu.vector_load %arg9[%swap3A_945, %swap3A_946] {strides = array<i32>} : memref<640x128xf32, #tpu.memory_space<vmem>>, vector<16xf32>,
      tpu.vector_store %arg9[%swap3A_945, %swap3A_946], %broadcast_in_dim3A_940 {strides = array<i32>} : memref<640x128xf32, #tpu.memory_space<vmem>>, vector<16xf32>,
      %mul3A_948 = arith.constant 16 : i32
      %mul3A_949 = arith.muli %scan3A_169, %mul3A_948 : i32
      %add3A_950 = arith.constant 13 : i32
      %add3A_951 = arith.addi %mul3A_949, %add3A_950 : i32
      %swap3A_952 = arith.index_cast %add3A_951 : i32 to index
      %swap3A_953 = arith.constant 16 : index
      %swap3A_954 = tpu.vector_load %arg9[%swap3A_952, %swap3A_953] {strides = array<i32>} : memref<640x128xf32, #tpu.memory_space<vmem>>, vector<16xf32>,
      tpu.vector_store %arg9[%swap3A_952, %swap3A_953], %broadcast_in_dim3A_940 {strides = array<i32>} : memref<640x128xf32, #tpu.memory_space<vmem>>, vector<16xf32>,
      %mul3A_955 = arith.constant 16 : i32
      %mul3A_956 = arith.muli %scan3A_169, %mul3A_955 : i32
      %add3A_957 = arith.constant 13 : i32
      %add3A_958 = arith.addi %mul3A_956, %add3A_957 : i32
      %swap3A_959 = arith.index_cast %add3A_958 : i32 to index
      %swap3A_960 = arith.constant 32 : index
      %swap3A_961 = tpu.vector_load %arg9[%swap3A_959, %swap3A_960] {strides = array<i32>} : memref<640x128xf32, #tpu.memory_space<vmem>>, vector<16xf32>,
      tpu.vector_store %arg9[%swap3A_959, %swap3A_960], %broadcast_in_dim3A_940 {strides = array<i32>} : memref<640x128xf32, #tpu.memory_space<vmem>>, vector<16xf32>,
      %mul3A_962 = arith.constant 16 : i32
      %mul3A_963 = arith.muli %scan3A_169, %mul3A_962 : i32
      %add3A_964 = arith.constant 13 : i32
      %add3A_965 = arith.addi %mul3A_963, %add3A_964 : i32
      %swap3A_966 = arith.index_cast %add3A_965 : i32 to index
      %swap3A_967 = arith.constant 48 : index
      %swap3A_968 = tpu.vector_load %arg9[%swap3A_966, %swap3A_967] {strides = array<i32>} : memref<640x128xf32, #tpu.memory_space<vmem>>, vector<16xf32>,
      tpu.vector_store %arg9[%swap3A_966, %swap3A_967], %broadcast_in_dim3A_940 {strides = array<i32>} : memref<640x128xf32, #tpu.memory_space<vmem>>, vector<16xf32>,
      %mul3A_969 = arith.constant 16 : i32
      %mul3A_970 = arith.muli %scan3A_169, %mul3A_969 : i32
      %add3A_971 = arith.constant 13 : i32
      %add3A_972 = arith.addi %mul3A_970, %add3A_971 : i32
      %swap3A_973 = arith.index_cast %add3A_972 : i32 to index
      %swap3A_974 = arith.constant 64 : index
      %swap3A_975 = tpu.vector_load %arg9[%swap3A_973, %swap3A_974] {strides = array<i32>} : memref<640x128xf32, #tpu.memory_space<vmem>>, vector<16xf32>,
      tpu.vector_store %arg9[%swap3A_973, %swap3A_974], %broadcast_in_dim3A_940 {strides = array<i32>} : memref<640x128xf32, #tpu.memory_space<vmem>>, vector<16xf32>,
      %mul3A_976 = arith.constant 16 : i32
      %mul3A_977 = arith.muli %scan3A_169, %mul3A_976 : i32
      %add3A_978 = arith.constant 13 : i32
      %add3A_979 = arith.addi %mul3A_977, %add3A_978 : i32
      %swap3A_980 = arith.index_cast %add3A_979 : i32 to index
      %swap3A_981 = arith.constant 80 : index
      %swap3A_982 = tpu.vector_load %arg9[%swap3A_980, %swap3A_981] {strides = array<i32>} : memref<640x128xf32, #tpu.memory_space<vmem>>, vector<16xf32>,
      tpu.vector_store %arg9[%swap3A_980, %swap3A_981], %broadcast_in_dim3A_940 {strides = array<i32>} : memref<640x128xf32, #tpu.memory_space<vmem>>, vector<16xf32>,
      %mul3A_983 = arith.constant 16 : i32
      %mul3A_984 = arith.muli %scan3A_169, %mul3A_983 : i32
      %add3A_985 = arith.constant 13 : i32
      %add3A_986 = arith.addi %mul3A_984, %add3A_985 : i32
      %swap3A_987 = arith.index_cast %add3A_986 : i32 to index
      %swap3A_988 = arith.constant 96 : index
      %swap3A_989 = tpu.vector_load %arg9[%swap3A_987, %swap3A_988] {strides = array<i32>} : memref<640x128xf32, #tpu.memory_space<vmem>>, vector<16xf32>,
      tpu.vector_store %arg9[%swap3A_987, %swap3A_988], %broadcast_in_dim3A_940 {strides = array<i32>} : memref<640x128xf32, #tpu.memory_space<vmem>>, vector<16xf32>,
      %mul3A_990 = arith.constant 16 : i32
      %mul3A_991 = arith.muli %scan3A_169, %mul3A_990 : i32
      %add3A_992 = arith.constant 13 : i32
      %add3A_993 = arith.addi %mul3A_991, %add3A_992 : i32
      %swap3A_994 = arith.index_cast %add3A_993 : i32 to index
      %swap3A_995 = arith.constant 112 : index
      %swap3A_996 = tpu.vector_load %arg9[%swap3A_994, %swap3A_995] {strides = array<i32>} : memref<640x128xf32, #tpu.memory_space<vmem>>, vector<16xf32>,
      tpu.vector_store %arg9[%swap3A_994, %swap3A_995], %broadcast_in_dim3A_940 {strides = array<i32>} : memref<640x128xf32, #tpu.memory_space<vmem>>, vector<16xf32>,
      %slice3A_997 = vector.extract_strided_slice %get3A_173 {offsets = [14], sizes = [1], strides = [1]} : vector<16xf32> to vector<1xf32>
      %squeeze3A_998 = vector.extract %slice3A_997[0] : f32 from vector<1xf32>
      %broadcast_in_dim3A_999 = vector.broadcast %squeeze3A_998 : f32 to vector<16xf32>
      %mul3A_1000 = arith.constant 16 : i32
      %mul3A_1001 = arith.muli %scan3A_169, %mul3A_1000 : i32
      %add3A_1002 = arith.constant 14 : i32
      %add3A_1003 = arith.addi %mul3A_1001, %add3A_1002 : i32
      %swap3A_1004 = arith.index_cast %add3A_1003 : i32 to index
      %swap3A_1005 = arith.constant 0 : index
      %swap3A_1006 = tpu.vector_load %arg9[%swap3A_1004, %swap3A_1005] {strides = array<i32>} : memref<640x128xf32, #tpu.memory_space<vmem>>, vector<16xf32>,
      tpu.vector_store %arg9[%swap3A_1004, %swap3A_1005], %broadcast_in_dim3A_999 {strides = array<i32>} : memref<640x128xf32, #tpu.memory_space<vmem>>, vector<16xf32>,
      %mul3A_1007 = arith.constant 16 : i32
      %mul3A_1008 = arith.muli %scan3A_169, %mul3A_1007 : i32
      %add3A_1009 = arith.constant 14 : i32
      %add3A_1010 = arith.addi %mul3A_1008, %add3A_1009 : i32
      %swap3A_1011 = arith.index_cast %add3A_1010 : i32 to index
      %swap3A_1012 = arith.constant 16 : index
      %swap3A_1013 = tpu.vector_load %arg9[%swap3A_1011, %swap3A_1012] {strides = array<i32>} : memref<640x128xf32, #tpu.memory_space<vmem>>, vector<16xf32>,
      tpu.vector_store %arg9[%swap3A_1011, %swap3A_1012], %broadcast_in_dim3A_999 {strides = array<i32>} : memref<640x128xf32, #tpu.memory_space<vmem>>, vector<16xf32>,
      %mul3A_1014 = arith.constant 16 : i32
      %mul3A_1015 = arith.muli %scan3A_169, %mul3A_1014 : i32
      %add3A_1016 = arith.constant 14 : i32
      %add3A_1017 = arith.addi %mul3A_1015, %add3A_1016 : i32
      %swap3A_1018 = arith.index_cast %add3A_1017 : i32 to index
      %swap3A_1019 = arith.constant 32 : index
      %swap3A_1020 = tpu.vector_load %arg9[%swap3A_1018, %swap3A_1019] {strides = array<i32>} : memref<640x128xf32, #tpu.memory_space<vmem>>, vector<16xf32>,
      tpu.vector_store %arg9[%swap3A_1018, %swap3A_1019], %broadcast_in_dim3A_999 {strides = array<i32>} : memref<640x128xf32, #tpu.memory_space<vmem>>, vector<16xf32>,
      %mul3A_1021 = arith.constant 16 : i32
      %mul3A_1022 = arith.muli %scan3A_169, %mul3A_1021 : i32
      %add3A_1023 = arith.constant 14 : i32
      %add3A_1024 = arith.addi %mul3A_1022, %add3A_1023 : i32
      %swap3A_1025 = arith.index_cast %add3A_1024 : i32 to index
      %swap3A_1026 = arith.constant 48 : index
      %swap3A_1027 = tpu.vector_load %arg9[%swap3A_1025, %swap3A_1026] {strides = array<i32>} : memref<640x128xf32, #tpu.memory_space<vmem>>, vector<16xf32>,
      tpu.vector_store %arg9[%swap3A_1025, %swap3A_1026], %broadcast_in_dim3A_999 {strides = array<i32>} : memref<640x128xf32, #tpu.memory_space<vmem>>, vector<16xf32>,
      %mul3A_1028 = arith.constant 16 : i32
      %mul3A_1029 = arith.muli %scan3A_169, %mul3A_1028 : i32
      %add3A_1030 = arith.constant 14 : i32
      %add3A_1031 = arith.addi %mul3A_1029, %add3A_1030 : i32
      %swap3A_1032 = arith.index_cast %add3A_1031 : i32 to index
      %swap3A_1033 = arith.constant 64 : index
      %swap3A_1034 = tpu.vector_load %arg9[%swap3A_1032, %swap3A_1033] {strides = array<i32>} : memref<640x128xf32, #tpu.memory_space<vmem>>, vector<16xf32>,
      tpu.vector_store %arg9[%swap3A_1032, %swap3A_1033], %broadcast_in_dim3A_999 {strides = array<i32>} : memref<640x128xf32, #tpu.memory_space<vmem>>, vector<16xf32>,
      %mul3A_1035 = arith.constant 16 : i32
      %mul3A_1036 = arith.muli %scan3A_169, %mul3A_1035 : i32
      %add3A_1037 = arith.constant 14 : i32
      %add3A_1038 = arith.addi %mul3A_1036, %add3A_1037 : i32
      %swap3A_1039 = arith.index_cast %add3A_1038 : i32 to index
      %swap3A_1040 = arith.constant 80 : index
      %swap3A_1041 = tpu.vector_load %arg9[%swap3A_1039, %swap3A_1040] {strides = array<i32>} : memref<640x128xf32, #tpu.memory_space<vmem>>, vector<16xf32>,
      tpu.vector_store %arg9[%swap3A_1039, %swap3A_1040], %broadcast_in_dim3A_999 {strides = array<i32>} : memref<640x128xf32, #tpu.memory_space<vmem>>, vector<16xf32>,
      %mul3A_1042 = arith.constant 16 : i32
      %mul3A_1043 = arith.muli %scan3A_169, %mul3A_1042 : i32
      %add3A_1044 = arith.constant 14 : i32
      %add3A_1045 = arith.addi %mul3A_1043, %add3A_1044 : i32
      %swap3A_1046 = arith.index_cast %add3A_1045 : i32 to index
      %swap3A_1047 = arith.constant 96 : index
      %swap3A_1048 = tpu.vector_load %arg9[%swap3A_1046, %swap3A_1047] {strides = array<i32>} : memref<640x128xf32, #tpu.memory_space<vmem>>, vector<16xf32>,
      tpu.vector_store %arg9[%swap3A_1046, %swap3A_1047], %broadcast_in_dim3A_999 {strides = array<i32>} : memref<640x128xf32, #tpu.memory_space<vmem>>, vector<16xf32>,
      %mul3A_1049 = arith.constant 16 : i32
      %mul3A_1050 = arith.muli %scan3A_169, %mul3A_1049 : i32
      %add3A_1051 = arith.constant 14 : i32
      %add3A_1052 = arith.addi %mul3A_1050, %add3A_1051 : i32
      %swap3A_1053 = arith.index_cast %add3A_1052 : i32 to index
      %swap3A_1054 = arith.constant 112 : index
      %swap3A_1055 = tpu.vector_load %arg9[%swap3A_1053, %swap3A_1054] {strides = array<i32>} : memref<640x128xf32, #tpu.memory_space<vmem>>, vector<16xf32>,
      tpu.vector_store %arg9[%swap3A_1053, %swap3A_1054], %broadcast_in_dim3A_999 {strides = array<i32>} : memref<640x128xf32, #tpu.memory_space<vmem>>, vector<16xf32>,
      %slice3A_1056 = vector.extract_strided_slice %get3A_173 {offsets = [15], sizes = [1], strides = [1]} : vector<16xf32> to vector<1xf32>
      %squeeze3A_1057 = vector.extract %slice3A_1056[0] : f32 from vector<1xf32>
      %broadcast_in_dim3A_1058 = vector.broadcast %squeeze3A_1057 : f32 to vector<16xf32>
      %mul3A_1059 = arith.constant 16 : i32
      %mul3A_1060 = arith.muli %scan3A_169, %mul3A_1059 : i32
      %add3A_1061 = arith.constant 15 : i32
      %add3A_1062 = arith.addi %mul3A_1060, %add3A_1061 : i32
      %swap3A_1063 = arith.index_cast %add3A_1062 : i32 to index
      %swap3A_1064 = arith.constant 0 : index
      %swap3A_1065 = tpu.vector_load %arg9[%swap3A_1063, %swap3A_1064] {strides = array<i32>} : memref<640x128xf32, #tpu.memory_space<vmem>>, vector<16xf32>,
      tpu.vector_store %arg9[%swap3A_1063, %swap3A_1064], %broadcast_in_dim3A_1058 {strides = array<i32>} : memref<640x128xf32, #tpu.memory_space<vmem>>, vector<16xf32>,
      %mul3A_1066 = arith.constant 16 : i32
      %mul3A_1067 = arith.muli %scan3A_169, %mul3A_1066 : i32
      %add3A_1068 = arith.constant 15 : i32
      %add3A_1069 = arith.addi %mul3A_1067, %add3A_1068 : i32
      %swap3A_1070 = arith.index_cast %add3A_1069 : i32 to index
      %swap3A_1071 = arith.constant 16 : index
      %swap3A_1072 = tpu.vector_load %arg9[%swap3A_1070, %swap3A_1071] {strides = array<i32>} : memref<640x128xf32, #tpu.memory_space<vmem>>, vector<16xf32>,
      tpu.vector_store %arg9[%swap3A_1070, %swap3A_1071], %broadcast_in_dim3A_1058 {strides = array<i32>} : memref<640x128xf32, #tpu.memory_space<vmem>>, vector<16xf32>,
      %mul3A_1073 = arith.constant 16 : i32
      %mul3A_1074 = arith.muli %scan3A_169, %mul3A_1073 : i32
      %add3A_1075 = arith.constant 15 : i32
      %add3A_1076 = arith.addi %mul3A_1074, %add3A_1075 : i32
      %swap3A_1077 = arith.index_cast %add3A_1076 : i32 to index
      %swap3A_1078 = arith.constant 32 : index
      %swap3A_1079 = tpu.vector_load %arg9[%swap3A_1077, %swap3A_1078] {strides = array<i32>} : memref<640x128xf32, #tpu.memory_space<vmem>>, vector<16xf32>,
      tpu.vector_store %arg9[%swap3A_1077, %swap3A_1078], %broadcast_in_dim3A_1058 {strides = array<i32>} : memref<640x128xf32, #tpu.memory_space<vmem>>, vector<16xf32>,
      %mul3A_1080 = arith.constant 16 : i32
      %mul3A_1081 = arith.muli %scan3A_169, %mul3A_1080 : i32
      %add3A_1082 = arith.constant 15 : i32
      %add3A_1083 = arith.addi %mul3A_1081, %add3A_1082 : i32
      %swap3A_1084 = arith.index_cast %add3A_1083 : i32 to index
      %swap3A_1085 = arith.constant 48 : index
      %swap3A_1086 = tpu.vector_load %arg9[%swap3A_1084, %swap3A_1085] {strides = array<i32>} : memref<640x128xf32, #tpu.memory_space<vmem>>, vector<16xf32>,
      tpu.vector_store %arg9[%swap3A_1084, %swap3A_1085], %broadcast_in_dim3A_1058 {strides = array<i32>} : memref<640x128xf32, #tpu.memory_space<vmem>>, vector<16xf32>,
      %mul3A_1087 = arith.constant 16 : i32
      %mul3A_1088 = arith.muli %scan3A_169, %mul3A_1087 : i32
      %add3A_1089 = arith.constant 15 : i32
      %add3A_1090 = arith.addi %mul3A_1088, %add3A_1089 : i32
      %swap3A_1091 = arith.index_cast %add3A_1090 : i32 to index
      %swap3A_1092 = arith.constant 64 : index
      %swap3A_1093 = tpu.vector_load %arg9[%swap3A_1091, %swap3A_1092] {strides = array<i32>} : memref<640x128xf32, #tpu.memory_space<vmem>>, vector<16xf32>,
      tpu.vector_store %arg9[%swap3A_1091, %swap3A_1092], %broadcast_in_dim3A_1058 {strides = array<i32>} : memref<640x128xf32, #tpu.memory_space<vmem>>, vector<16xf32>,
      %mul3A_1094 = arith.constant 16 : i32
      %mul3A_1095 = arith.muli %scan3A_169, %mul3A_1094 : i32
      %add3A_1096 = arith.constant 15 : i32
      %add3A_1097 = arith.addi %mul3A_1095, %add3A_1096 : i32
      %swap3A_1098 = arith.index_cast %add3A_1097 : i32 to index
      %swap3A_1099 = arith.constant 80 : index
      %swap3A_1100 = tpu.vector_load %arg9[%swap3A_1098, %swap3A_1099] {strides = array<i32>} : memref<640x128xf32, #tpu.memory_space<vmem>>, vector<16xf32>,
      tpu.vector_store %arg9[%swap3A_1098, %swap3A_1099], %broadcast_in_dim3A_1058 {strides = array<i32>} : memref<640x128xf32, #tpu.memory_space<vmem>>, vector<16xf32>,
      %mul3A_1101 = arith.constant 16 : i32
      %mul3A_1102 = arith.muli %scan3A_169, %mul3A_1101 : i32
      %add3A_1103 = arith.constant 15 : i32
      %add3A_1104 = arith.addi %mul3A_1102, %add3A_1103 : i32
      %swap3A_1105 = arith.index_cast %add3A_1104 : i32 to index
      %swap3A_1106 = arith.constant 96 : index
      %swap3A_1107 = tpu.vector_load %arg9[%swap3A_1105, %swap3A_1106] {strides = array<i32>} : memref<640x128xf32, #tpu.memory_space<vmem>>, vector<16xf32>,
      tpu.vector_store %arg9[%swap3A_1105, %swap3A_1106], %broadcast_in_dim3A_1058 {strides = array<i32>} : memref<640x128xf32, #tpu.memory_space<vmem>>, vector<16xf32>,
      %mul3A_1108 = arith.constant 16 : i32
      %mul3A_1109 = arith.muli %scan3A_169, %mul3A_1108 : i32
      %add3A_1110 = arith.constant 15 : i32
      %add3A_1111 = arith.addi %mul3A_1109, %add3A_1110 : i32
      %swap3A_1112 = arith.index_cast %add3A_1111 : i32 to index
      %swap3A_1113 = arith.constant 112 : index
      %swap3A_1114 = tpu.vector_load %arg9[%swap3A_1112, %swap3A_1113] {strides = array<i32>} : memref<640x128xf32, #tpu.memory_space<vmem>>, vector<16xf32>,
      tpu.vector_store %arg9[%swap3A_1112, %swap3A_1113], %broadcast_in_dim3A_1058 {strides = array<i32>} : memref<640x128xf32, #tpu.memory_space<vmem>>, vector<16xf32>,
      %scan3A_1115 = arith.constant 0 : i32
      scf.yield %scan3A_1115 : i32
    }
    %scan3A_168 = arith.constant 40 : i32
    "tpu.region"() ({
      %run_scoped3A = tpu.sem_alloc : memref<!tpu.dma_semaphore, #tpu.memory_space<semaphore_mem>>
      %dma_start3A = arith.constant 0 : i32
      %dma_start3A_169 = tpu.memref_slice %arg3[%arg0, %mul3A_20, %dma_start3A] : memref<2x10240x128xf32, #tpu.memory_space<hbm>> -> memref<1x640x128xf32, #tpu.memory_space<hbm>>
      %dma_start3A_170 = tpu.memref_squeeze %dma_start3A_169 : memref<1x640x128xf32, #tpu.memory_space<hbm>> -> memref<640x128xf32, #tpu.memory_space<hbm>>
      %dma_start3A_171 = arith.constant 0 : i32
      %dma_start3A_172 = tpu.memref_slice %arg3[%arg0, %mul3A_20, %dma_start3A_171] : memref<2x10240x128xf32, #tpu.memory_space<hbm>> -> memref<1x640x128xf32, #tpu.memory_space<hbm>>
      %dma_start3A_173 = tpu.memref_squeeze %dma_start3A_172 : memref<1x640x128xf32, #tpu.memory_space<hbm>> -> memref<640x128xf32, #tpu.memory_space<hbm>>
      tpu.enqueue_dma source(%arg9 : memref<640x128xf32, #tpu.memory_space<vmem>>) target(%dma_start3A_173 : memref<640x128xf32, #tpu.memory_space<hbm>>) target_semaphore(%run_scoped3A : memref<!tpu.dma_semaphore, #tpu.memory_space<semaphore_mem>>)
      %dma_wait3A = arith.constant 0 : i32
      %dma_wait3A_174 = tpu.memref_slice %arg3[%arg0, %mul3A_20, %dma_wait3A] : memref<2x10240x128xf32, #tpu.memory_space<hbm>> -> memref<1x640x128xf32, #tpu.memory_space<hbm>>
      %dma_wait3A_175 = tpu.memref_squeeze %dma_wait3A_174 : memref<1x640x128xf32, #tpu.memory_space<hbm>> -> memref<640x128xf32, #tpu.memory_space<hbm>>
      %dma_wait3A_176 = arith.constant 0 : i32
      %dma_wait3A_177 = tpu.memref_slice %arg3[%arg0, %mul3A_20, %dma_wait3A_176] : memref<2x10240x128xf32, #tpu.memory_space<hbm>> -> memref<1x640x128xf32, #tpu.memory_space<hbm>>
      %dma_wait3A_178 = tpu.memref_squeeze %dma_wait3A_177 : memref<1x640x128xf32, #tpu.memory_space<hbm>> -> memref<640x128xf32, #tpu.memory_space<hbm>>
      tpu.wait_dma2 semaphore(%run_scoped3A : memref<!tpu.dma_semaphore, #tpu.memory_space<semaphore_mem>>) src(%arg9 : memref<640x128xf32, #tpu.memory_space<vmem>>) dst(%dma_wait3A_178 : memref<640x128xf32, #tpu.memory_space<hbm>>)
      tpu.yield
    }) : () -> ()
    return
  }
}

#map = affine_map<(d0, d1) -> (0)>
#map1 = affine_map<(d0, d1) -> (0, 0)>
#map2 = affine_map<(d0, d1) -> (0, 0, 0)>
module attributes {stable_mosaic.version = 14 : i64} {
  func.func @_sc_edge_acc(%arg0: i32, %arg1: i32, %arg2: memref<641536xi32, #tpu.memory_space<hbm>>, %arg3: memref<641536xi32, #tpu.memory_space<hbm>>, %arg4: memref<20000x128xf32, #tpu.memory_space<hbm>>, %arg5: memref<2x10240x128xf32, #tpu.memory_space<hbm>>, %arg6: memref<112xi32, #tpu.memory_space<vmem>>, %arg7: memref<112xi32, #tpu.memory_space<vmem>>, %arg8: memref<112xi32, #tpu.memory_space<vmem>>, %arg9: memref<112xi32, #tpu.memory_space<vmem>>, %arg10: memref<112xi32, #tpu.memory_space<vmem>>, %arg11: memref<112xi32, #tpu.memory_space<vmem>>, %arg12: memref<112x128xf32, #tpu.memory_space<vmem>>, %arg13: memref<112x128xf32, #tpu.memory_space<vmem>>, %arg14: memref<112x128xf32, #tpu.memory_space<vmem>>, %arg15: memref<10240x128xf32, #tpu.memory_space<vmem_shared>>, %arg16: memref<!tpu.dma_semaphore, #tpu.memory_space<semaphore_mem>>, %arg17: memref<!tpu.dma_semaphore, #tpu.memory_space<semaphore_mem>>, %arg18: memref<!tpu.dma_semaphore, #tpu.memory_space<semaphore_mem>>, %arg19: memref<!tpu.dma_semaphore, #tpu.memory_space<semaphore_mem>>, %arg20: memref<!tpu.dma_semaphore, #tpu.memory_space<semaphore_mem>>, %arg21: memref<!tpu.dma_semaphore, #tpu.memory_space<semaphore_mem>>, %arg22: memref<!tpu.dma_semaphore, #tpu.memory_space<semaphore_mem>>, %arg23: memref<!tpu.dma_semaphore, #tpu.memory_space<semaphore_mem>>, %arg24: memref<!tpu.dma_semaphore, #tpu.memory_space<semaphore_mem>>) attributes {dimension_semantics = [#tpu.dimension_semantics<core_parallel>, #tpu.dimension_semantics<subcore_parallel>], iteration_bounds = array<i64: 2, 16>, scalar_prefetch = 0 : i64, scratch_operands = 19 : i64, tpu.core_type = #tpu.core_type<sc_vector_subcore>, window_params = [{transform_indices = #map}, {transform_indices = #map}, {transform_indices = #map1}, {transform_indices = #map2}]} {
    %broadcast_in_dim3A = arith.constant 0.000000e+00 : f32
    %broadcast_in_dim3A_0 = vector.broadcast %broadcast_in_dim3A : f32 to vector<16xf32>
    %scan3A = arith.constant 0 : i32
    %scan3A_1 = arith.constant 0 : i32
    %scan3A_2 = arith.constant 64 : i32
    %scan3A_3 = arith.addi %scan3A_1, %scan3A_2 : i32
    %scan3A_4 = arith.constant 1 : i32
    %scan3A_5 = scf.for %scan3A_128 = %scan3A_1 to %scan3A_3 step %scan3A_4 iter_args(%scan3A_129 = %scan3A) -> (i32)  : i32 {
      %swap3A = arith.index_cast %scan3A_128 : i32 to index
      %swap3A_130 = arith.constant 0 : index
      %swap3A_131 = tpu.vector_load %arg12[%swap3A, %swap3A_130] {strides = array<i32>} : memref<112x128xf32, #tpu.memory_space<vmem>>, vector<16xf32>,
      tpu.vector_store %arg12[%swap3A, %swap3A_130], %broadcast_in_dim3A_0 {strides = array<i32>} : memref<112x128xf32, #tpu.memory_space<vmem>>, vector<16xf32>,
      %swap3A_132 = arith.index_cast %scan3A_128 : i32 to index
      %swap3A_133 = arith.constant 16 : index
      %swap3A_134 = tpu.vector_load %arg12[%swap3A_132, %swap3A_133] {strides = array<i32>} : memref<112x128xf32, #tpu.memory_space<vmem>>, vector<16xf32>,
      tpu.vector_store %arg12[%swap3A_132, %swap3A_133], %broadcast_in_dim3A_0 {strides = array<i32>} : memref<112x128xf32, #tpu.memory_space<vmem>>, vector<16xf32>,
      %swap3A_135 = arith.index_cast %scan3A_128 : i32 to index
      %swap3A_136 = arith.constant 32 : index
      %swap3A_137 = tpu.vector_load %arg12[%swap3A_135, %swap3A_136] {strides = array<i32>} : memref<112x128xf32, #tpu.memory_space<vmem>>, vector<16xf32>,
      tpu.vector_store %arg12[%swap3A_135, %swap3A_136], %broadcast_in_dim3A_0 {strides = array<i32>} : memref<112x128xf32, #tpu.memory_space<vmem>>, vector<16xf32>,
      %swap3A_138 = arith.index_cast %scan3A_128 : i32 to index
      %swap3A_139 = arith.constant 48 : index
      %swap3A_140 = tpu.vector_load %arg12[%swap3A_138, %swap3A_139] {strides = array<i32>} : memref<112x128xf32, #tpu.memory_space<vmem>>, vector<16xf32>,
      tpu.vector_store %arg12[%swap3A_138, %swap3A_139], %broadcast_in_dim3A_0 {strides = array<i32>} : memref<112x128xf32, #tpu.memory_space<vmem>>, vector<16xf32>,
      %swap3A_141 = arith.index_cast %scan3A_128 : i32 to index
      %swap3A_142 = arith.constant 64 : index
      %swap3A_143 = tpu.vector_load %arg12[%swap3A_141, %swap3A_142] {strides = array<i32>} : memref<112x128xf32, #tpu.memory_space<vmem>>, vector<16xf32>,
      tpu.vector_store %arg12[%swap3A_141, %swap3A_142], %broadcast_in_dim3A_0 {strides = array<i32>} : memref<112x128xf32, #tpu.memory_space<vmem>>, vector<16xf32>,
      %swap3A_144 = arith.index_cast %scan3A_128 : i32 to index
      %swap3A_145 = arith.constant 80 : index
      %swap3A_146 = tpu.vector_load %arg12[%swap3A_144, %swap3A_145] {strides = array<i32>} : memref<112x128xf32, #tpu.memory_space<vmem>>, vector<16xf32>,
      tpu.vector_store %arg12[%swap3A_144, %swap3A_145], %broadcast_in_dim3A_0 {strides = array<i32>} : memref<112x128xf32, #tpu.memory_space<vmem>>, vector<16xf32>,
      %swap3A_147 = arith.index_cast %scan3A_128 : i32 to index
      %swap3A_148 = arith.constant 96 : index
      %swap3A_149 = tpu.vector_load %arg12[%swap3A_147, %swap3A_148] {strides = array<i32>} : memref<112x128xf32, #tpu.memory_space<vmem>>, vector<16xf32>,
      tpu.vector_store %arg12[%swap3A_147, %swap3A_148], %broadcast_in_dim3A_0 {strides = array<i32>} : memref<112x128xf32, #tpu.memory_space<vmem>>, vector<16xf32>,
      %swap3A_150 = arith.index_cast %scan3A_128 : i32 to index
      %swap3A_151 = arith.constant 112 : index
      %swap3A_152 = tpu.vector_load %arg12[%swap3A_150, %swap3A_151] {strides = array<i32>} : memref<112x128xf32, #tpu.memory_space<vmem>>, vector<16xf32>,
      tpu.vector_store %arg12[%swap3A_150, %swap3A_151], %broadcast_in_dim3A_0 {strides = array<i32>} : memref<112x128xf32, #tpu.memory_space<vmem>>, vector<16xf32>,
      %scan3A_153 = arith.constant 0 : i32
      scf.yield %scan3A_153 : i32
    }
    %scan3A_6 = arith.constant 64 : i32
    %mul3A = arith.constant 640 : i32
    %mul3A_7 = arith.muli %arg1, %mul3A : i32
    %add3A = arith.constant 0 : i32
    %add3A_8 = arith.addi %mul3A_7, %add3A : i32
    "tpu.region"() ({
      %run_scoped3A = tpu.sem_alloc : memref<!tpu.dma_semaphore, #tpu.memory_space<semaphore_mem>>
      %dma_start3A_128 = arith.constant 0 : i32
      %dma_start3A_129 = arith.constant 0 : i32
      %dma_start3A_130 = tpu.memref_slice %arg12[%dma_start3A_128, %dma_start3A_129] : memref<112x128xf32, #tpu.memory_space<vmem>> -> memref<64x128xf32, #tpu.memory_space<vmem>>
      %dma_start3A_131 = arith.constant 0 : i32
      %dma_start3A_132 = tpu.memref_slice %arg15[%add3A_8, %dma_start3A_131] : memref<10240x128xf32, #tpu.memory_space<vmem_shared>> -> memref<64x128xf32, #tpu.memory_space<vmem_shared>>
      %dma_start3A_133 = arith.constant 0 : i32
      %dma_start3A_134 = tpu.memref_slice %arg15[%add3A_8, %dma_start3A_133] : memref<10240x128xf32, #tpu.memory_space<vmem_shared>> -> memref<64x128xf32, #tpu.memory_space<vmem_shared>>
      %dma_start3A_135 = arith.constant 0 : i32
      %dma_start3A_136 = arith.constant 0 : i32
      %dma_start3A_137 = tpu.memref_slice %arg12[%dma_start3A_135, %dma_start3A_136] : memref<112x128xf32, #tpu.memory_space<vmem>> -> memref<64x128xf32, #tpu.memory_space<vmem>>
      tpu.enqueue_dma source(%dma_start3A_137 : memref<64x128xf32, #tpu.memory_space<vmem>>) target(%dma_start3A_134 : memref<64x128xf32, #tpu.memory_space<vmem_shared>>) target_semaphore(%run_scoped3A : memref<!tpu.dma_semaphore, #tpu.memory_space<semaphore_mem>>)
      %dma_wait3A_138 = arith.constant 0 : i32
      %dma_wait3A_139 = arith.constant 0 : i32
      %dma_wait3A_140 = tpu.memref_slice %arg12[%dma_wait3A_138, %dma_wait3A_139] : memref<112x128xf32, #tpu.memory_space<vmem>> -> memref<64x128xf32, #tpu.memory_space<vmem>>
      %dma_wait3A_141 = arith.constant 0 : i32
      %dma_wait3A_142 = tpu.memref_slice %arg15[%add3A_8, %dma_wait3A_141] : memref<10240x128xf32, #tpu.memory_space<vmem_shared>> -> memref<64x128xf32, #tpu.memory_space<vmem_shared>>
      %dma_wait3A_143 = arith.constant 0 : i32
      %dma_wait3A_144 = tpu.memref_slice %arg15[%add3A_8, %dma_wait3A_143] : memref<10240x128xf32, #tpu.memory_space<vmem_shared>> -> memref<64x128xf32, #tpu.memory_space<vmem_shared>>
      %dma_wait3A_145 = arith.constant 0 : i32
      %dma_wait3A_146 = arith.constant 0 : i32
      %dma_wait3A_147 = tpu.memref_slice %arg12[%dma_wait3A_145, %dma_wait3A_146] : memref<112x128xf32, #tpu.memory_space<vmem>> -> memref<64x128xf32, #tpu.memory_space<vmem>>
      tpu.wait_dma2 semaphore(%run_scoped3A : memref<!tpu.dma_semaphore, #tpu.memory_space<semaphore_mem>>) src(%dma_wait3A_147 : memref<64x128xf32, #tpu.memory_space<vmem>>) dst(%dma_wait3A_144 : memref<64x128xf32, #tpu.memory_space<vmem_shared>>)
      tpu.yield
    }) : () -> ()
    %mul3A_9 = arith.constant 640 : i32
    %mul3A_10 = arith.muli %arg1, %mul3A_9 : i32
    %add3A_11 = arith.constant 64 : i32
    %add3A_12 = arith.addi %mul3A_10, %add3A_11 : i32
    "tpu.region"() ({
      %run_scoped3A = tpu.sem_alloc : memref<!tpu.dma_semaphore, #tpu.memory_space<semaphore_mem>>
      %dma_start3A_128 = arith.constant 0 : i32
      %dma_start3A_129 = arith.constant 0 : i32
      %dma_start3A_130 = tpu.memref_slice %arg12[%dma_start3A_128, %dma_start3A_129] : memref<112x128xf32, #tpu.memory_space<vmem>> -> memref<64x128xf32, #tpu.memory_space<vmem>>
      %dma_start3A_131 = arith.constant 0 : i32
      %dma_start3A_132 = tpu.memref_slice %arg15[%add3A_12, %dma_start3A_131] : memref<10240x128xf32, #tpu.memory_space<vmem_shared>> -> memref<64x128xf32, #tpu.memory_space<vmem_shared>>
      %dma_start3A_133 = arith.constant 0 : i32
      %dma_start3A_134 = tpu.memref_slice %arg15[%add3A_12, %dma_start3A_133] : memref<10240x128xf32, #tpu.memory_space<vmem_shared>> -> memref<64x128xf32, #tpu.memory_space<vmem_shared>>
      %dma_start3A_135 = arith.constant 0 : i32
      %dma_start3A_136 = arith.constant 0 : i32
      %dma_start3A_137 = tpu.memref_slice %arg12[%dma_start3A_135, %dma_start3A_136] : memref<112x128xf32, #tpu.memory_space<vmem>> -> memref<64x128xf32, #tpu.memory_space<vmem>>
      tpu.enqueue_dma source(%dma_start3A_137 : memref<64x128xf32, #tpu.memory_space<vmem>>) target(%dma_start3A_134 : memref<64x128xf32, #tpu.memory_space<vmem_shared>>) target_semaphore(%run_scoped3A : memref<!tpu.dma_semaphore, #tpu.memory_space<semaphore_mem>>)
      %dma_wait3A_138 = arith.constant 0 : i32
      %dma_wait3A_139 = arith.constant 0 : i32
      %dma_wait3A_140 = tpu.memref_slice %arg12[%dma_wait3A_138, %dma_wait3A_139] : memref<112x128xf32, #tpu.memory_space<vmem>> -> memref<64x128xf32, #tpu.memory_space<vmem>>
      %dma_wait3A_141 = arith.constant 0 : i32
      %dma_wait3A_142 = tpu.memref_slice %arg15[%add3A_12, %dma_wait3A_141] : memref<10240x128xf32, #tpu.memory_space<vmem_shared>> -> memref<64x128xf32, #tpu.memory_space<vmem_shared>>
      %dma_wait3A_143 = arith.constant 0 : i32
      %dma_wait3A_144 = tpu.memref_slice %arg15[%add3A_12, %dma_wait3A_143] : memref<10240x128xf32, #tpu.memory_space<vmem_shared>> -> memref<64x128xf32, #tpu.memory_space<vmem_shared>>
      %dma_wait3A_145 = arith.constant 0 : i32
      %dma_wait3A_146 = arith.constant 0 : i32
      %dma_wait3A_147 = tpu.memref_slice %arg12[%dma_wait3A_145, %dma_wait3A_146] : memref<112x128xf32, #tpu.memory_space<vmem>> -> memref<64x128xf32, #tpu.memory_space<vmem>>
      tpu.wait_dma2 semaphore(%run_scoped3A : memref<!tpu.dma_semaphore, #tpu.memory_space<semaphore_mem>>) src(%dma_wait3A_147 : memref<64x128xf32, #tpu.memory_space<vmem>>) dst(%dma_wait3A_144 : memref<64x128xf32, #tpu.memory_space<vmem_shared>>)
      tpu.yield
    }) : () -> ()
    %mul3A_13 = arith.constant 640 : i32
    %mul3A_14 = arith.muli %arg1, %mul3A_13 : i32
    %add3A_15 = arith.constant 128 : i32
    %add3A_16 = arith.addi %mul3A_14, %add3A_15 : i32
    "tpu.region"() ({
      %run_scoped3A = tpu.sem_alloc : memref<!tpu.dma_semaphore, #tpu.memory_space<semaphore_mem>>
      %dma_start3A_128 = arith.constant 0 : i32
      %dma_start3A_129 = arith.constant 0 : i32
      %dma_start3A_130 = tpu.memref_slice %arg12[%dma_start3A_128, %dma_start3A_129] : memref<112x128xf32, #tpu.memory_space<vmem>> -> memref<64x128xf32, #tpu.memory_space<vmem>>
      %dma_start3A_131 = arith.constant 0 : i32
      %dma_start3A_132 = tpu.memref_slice %arg15[%add3A_16, %dma_start3A_131] : memref<10240x128xf32, #tpu.memory_space<vmem_shared>> -> memref<64x128xf32, #tpu.memory_space<vmem_shared>>
      %dma_start3A_133 = arith.constant 0 : i32
      %dma_start3A_134 = tpu.memref_slice %arg15[%add3A_16, %dma_start3A_133] : memref<10240x128xf32, #tpu.memory_space<vmem_shared>> -> memref<64x128xf32, #tpu.memory_space<vmem_shared>>
      %dma_start3A_135 = arith.constant 0 : i32
      %dma_start3A_136 = arith.constant 0 : i32
      %dma_start3A_137 = tpu.memref_slice %arg12[%dma_start3A_135, %dma_start3A_136] : memref<112x128xf32, #tpu.memory_space<vmem>> -> memref<64x128xf32, #tpu.memory_space<vmem>>
      tpu.enqueue_dma source(%dma_start3A_137 : memref<64x128xf32, #tpu.memory_space<vmem>>) target(%dma_start3A_134 : memref<64x128xf32, #tpu.memory_space<vmem_shared>>) target_semaphore(%run_scoped3A : memref<!tpu.dma_semaphore, #tpu.memory_space<semaphore_mem>>)
      %dma_wait3A_138 = arith.constant 0 : i32
      %dma_wait3A_139 = arith.constant 0 : i32
      %dma_wait3A_140 = tpu.memref_slice %arg12[%dma_wait3A_138, %dma_wait3A_139] : memref<112x128xf32, #tpu.memory_space<vmem>> -> memref<64x128xf32, #tpu.memory_space<vmem>>
      %dma_wait3A_141 = arith.constant 0 : i32
      %dma_wait3A_142 = tpu.memref_slice %arg15[%add3A_16, %dma_wait3A_141] : memref<10240x128xf32, #tpu.memory_space<vmem_shared>> -> memref<64x128xf32, #tpu.memory_space<vmem_shared>>
      %dma_wait3A_143 = arith.constant 0 : i32
      %dma_wait3A_144 = tpu.memref_slice %arg15[%add3A_16, %dma_wait3A_143] : memref<10240x128xf32, #tpu.memory_space<vmem_shared>> -> memref<64x128xf32, #tpu.memory_space<vmem_shared>>
      %dma_wait3A_145 = arith.constant 0 : i32
      %dma_wait3A_146 = arith.constant 0 : i32
      %dma_wait3A_147 = tpu.memref_slice %arg12[%dma_wait3A_145, %dma_wait3A_146] : memref<112x128xf32, #tpu.memory_space<vmem>> -> memref<64x128xf32, #tpu.memory_space<vmem>>
      tpu.wait_dma2 semaphore(%run_scoped3A : memref<!tpu.dma_semaphore, #tpu.memory_space<semaphore_mem>>) src(%dma_wait3A_147 : memref<64x128xf32, #tpu.memory_space<vmem>>) dst(%dma_wait3A_144 : memref<64x128xf32, #tpu.memory_space<vmem_shared>>)
      tpu.yield
    }) : () -> ()
    %mul3A_17 = arith.constant 640 : i32
    %mul3A_18 = arith.muli %arg1, %mul3A_17 : i32
    %add3A_19 = arith.constant 192 : i32
    %add3A_20 = arith.addi %mul3A_18, %add3A_19 : i32
    "tpu.region"() ({
      %run_scoped3A = tpu.sem_alloc : memref<!tpu.dma_semaphore, #tpu.memory_space<semaphore_mem>>
      %dma_start3A_128 = arith.constant 0 : i32
      %dma_start3A_129 = arith.constant 0 : i32
      %dma_start3A_130 = tpu.memref_slice %arg12[%dma_start3A_128, %dma_start3A_129] : memref<112x128xf32, #tpu.memory_space<vmem>> -> memref<64x128xf32, #tpu.memory_space<vmem>>
      %dma_start3A_131 = arith.constant 0 : i32
      %dma_start3A_132 = tpu.memref_slice %arg15[%add3A_20, %dma_start3A_131] : memref<10240x128xf32, #tpu.memory_space<vmem_shared>> -> memref<64x128xf32, #tpu.memory_space<vmem_shared>>
      %dma_start3A_133 = arith.constant 0 : i32
      %dma_start3A_134 = tpu.memref_slice %arg15[%add3A_20, %dma_start3A_133] : memref<10240x128xf32, #tpu.memory_space<vmem_shared>> -> memref<64x128xf32, #tpu.memory_space<vmem_shared>>
      %dma_start3A_135 = arith.constant 0 : i32
      %dma_start3A_136 = arith.constant 0 : i32
      %dma_start3A_137 = tpu.memref_slice %arg12[%dma_start3A_135, %dma_start3A_136] : memref<112x128xf32, #tpu.memory_space<vmem>> -> memref<64x128xf32, #tpu.memory_space<vmem>>
      tpu.enqueue_dma source(%dma_start3A_137 : memref<64x128xf32, #tpu.memory_space<vmem>>) target(%dma_start3A_134 : memref<64x128xf32, #tpu.memory_space<vmem_shared>>) target_semaphore(%run_scoped3A : memref<!tpu.dma_semaphore, #tpu.memory_space<semaphore_mem>>)
      %dma_wait3A_138 = arith.constant 0 : i32
      %dma_wait3A_139 = arith.constant 0 : i32
      %dma_wait3A_140 = tpu.memref_slice %arg12[%dma_wait3A_138, %dma_wait3A_139] : memref<112x128xf32, #tpu.memory_space<vmem>> -> memref<64x128xf32, #tpu.memory_space<vmem>>
      %dma_wait3A_141 = arith.constant 0 : i32
      %dma_wait3A_142 = tpu.memref_slice %arg15[%add3A_20, %dma_wait3A_141] : memref<10240x128xf32, #tpu.memory_space<vmem_shared>> -> memref<64x128xf32, #tpu.memory_space<vmem_shared>>
      %dma_wait3A_143 = arith.constant 0 : i32
      %dma_wait3A_144 = tpu.memref_slice %arg15[%add3A_20, %dma_wait3A_143] : memref<10240x128xf32, #tpu.memory_space<vmem_shared>> -> memref<64x128xf32, #tpu.memory_space<vmem_shared>>
      %dma_wait3A_145 = arith.constant 0 : i32
      %dma_wait3A_146 = arith.constant 0 : i32
      %dma_wait3A_147 = tpu.memref_slice %arg12[%dma_wait3A_145, %dma_wait3A_146] : memref<112x128xf32, #tpu.memory_space<vmem>> -> memref<64x128xf32, #tpu.memory_space<vmem>>
      tpu.wait_dma2 semaphore(%run_scoped3A : memref<!tpu.dma_semaphore, #tpu.memory_space<semaphore_mem>>) src(%dma_wait3A_147 : memref<64x128xf32, #tpu.memory_space<vmem>>) dst(%dma_wait3A_144 : memref<64x128xf32, #tpu.memory_space<vmem_shared>>)
      tpu.yield
    }) : () -> ()
    %mul3A_21 = arith.constant 640 : i32
    %mul3A_22 = arith.muli %arg1, %mul3A_21 : i32
    %add3A_23 = arith.constant 256 : i32
    %add3A_24 = arith.addi %mul3A_22, %add3A_23 : i32
    "tpu.region"() ({
      %run_scoped3A = tpu.sem_alloc : memref<!tpu.dma_semaphore, #tpu.memory_space<semaphore_mem>>
      %dma_start3A_128 = arith.constant 0 : i32
      %dma_start3A_129 = arith.constant 0 : i32
      %dma_start3A_130 = tpu.memref_slice %arg12[%dma_start3A_128, %dma_start3A_129] : memref<112x128xf32, #tpu.memory_space<vmem>> -> memref<64x128xf32, #tpu.memory_space<vmem>>
      %dma_start3A_131 = arith.constant 0 : i32
      %dma_start3A_132 = tpu.memref_slice %arg15[%add3A_24, %dma_start3A_131] : memref<10240x128xf32, #tpu.memory_space<vmem_shared>> -> memref<64x128xf32, #tpu.memory_space<vmem_shared>>
      %dma_start3A_133 = arith.constant 0 : i32
      %dma_start3A_134 = tpu.memref_slice %arg15[%add3A_24, %dma_start3A_133] : memref<10240x128xf32, #tpu.memory_space<vmem_shared>> -> memref<64x128xf32, #tpu.memory_space<vmem_shared>>
      %dma_start3A_135 = arith.constant 0 : i32
      %dma_start3A_136 = arith.constant 0 : i32
      %dma_start3A_137 = tpu.memref_slice %arg12[%dma_start3A_135, %dma_start3A_136] : memref<112x128xf32, #tpu.memory_space<vmem>> -> memref<64x128xf32, #tpu.memory_space<vmem>>
      tpu.enqueue_dma source(%dma_start3A_137 : memref<64x128xf32, #tpu.memory_space<vmem>>) target(%dma_start3A_134 : memref<64x128xf32, #tpu.memory_space<vmem_shared>>) target_semaphore(%run_scoped3A : memref<!tpu.dma_semaphore, #tpu.memory_space<semaphore_mem>>)
      %dma_wait3A_138 = arith.constant 0 : i32
      %dma_wait3A_139 = arith.constant 0 : i32
      %dma_wait3A_140 = tpu.memref_slice %arg12[%dma_wait3A_138, %dma_wait3A_139] : memref<112x128xf32, #tpu.memory_space<vmem>> -> memref<64x128xf32, #tpu.memory_space<vmem>>
      %dma_wait3A_141 = arith.constant 0 : i32
      %dma_wait3A_142 = tpu.memref_slice %arg15[%add3A_24, %dma_wait3A_141] : memref<10240x128xf32, #tpu.memory_space<vmem_shared>> -> memref<64x128xf32, #tpu.memory_space<vmem_shared>>
      %dma_wait3A_143 = arith.constant 0 : i32
      %dma_wait3A_144 = tpu.memref_slice %arg15[%add3A_24, %dma_wait3A_143] : memref<10240x128xf32, #tpu.memory_space<vmem_shared>> -> memref<64x128xf32, #tpu.memory_space<vmem_shared>>
      %dma_wait3A_145 = arith.constant 0 : i32
      %dma_wait3A_146 = arith.constant 0 : i32
      %dma_wait3A_147 = tpu.memref_slice %arg12[%dma_wait3A_145, %dma_wait3A_146] : memref<112x128xf32, #tpu.memory_space<vmem>> -> memref<64x128xf32, #tpu.memory_space<vmem>>
      tpu.wait_dma2 semaphore(%run_scoped3A : memref<!tpu.dma_semaphore, #tpu.memory_space<semaphore_mem>>) src(%dma_wait3A_147 : memref<64x128xf32, #tpu.memory_space<vmem>>) dst(%dma_wait3A_144 : memref<64x128xf32, #tpu.memory_space<vmem_shared>>)
      tpu.yield
    }) : () -> ()
    %mul3A_25 = arith.constant 640 : i32
    %mul3A_26 = arith.muli %arg1, %mul3A_25 : i32
    %add3A_27 = arith.constant 320 : i32
    %add3A_28 = arith.addi %mul3A_26, %add3A_27 : i32
    "tpu.region"() ({
      %run_scoped3A = tpu.sem_alloc : memref<!tpu.dma_semaphore, #tpu.memory_space<semaphore_mem>>
      %dma_start3A_128 = arith.constant 0 : i32
      %dma_start3A_129 = arith.constant 0 : i32
      %dma_start3A_130 = tpu.memref_slice %arg12[%dma_start3A_128, %dma_start3A_129] : memref<112x128xf32, #tpu.memory_space<vmem>> -> memref<64x128xf32, #tpu.memory_space<vmem>>
      %dma_start3A_131 = arith.constant 0 : i32
      %dma_start3A_132 = tpu.memref_slice %arg15[%add3A_28, %dma_start3A_131] : memref<10240x128xf32, #tpu.memory_space<vmem_shared>> -> memref<64x128xf32, #tpu.memory_space<vmem_shared>>
      %dma_start3A_133 = arith.constant 0 : i32
      %dma_start3A_134 = tpu.memref_slice %arg15[%add3A_28, %dma_start3A_133] : memref<10240x128xf32, #tpu.memory_space<vmem_shared>> -> memref<64x128xf32, #tpu.memory_space<vmem_shared>>
      %dma_start3A_135 = arith.constant 0 : i32
      %dma_start3A_136 = arith.constant 0 : i32
      %dma_start3A_137 = tpu.memref_slice %arg12[%dma_start3A_135, %dma_start3A_136] : memref<112x128xf32, #tpu.memory_space<vmem>> -> memref<64x128xf32, #tpu.memory_space<vmem>>
      tpu.enqueue_dma source(%dma_start3A_137 : memref<64x128xf32, #tpu.memory_space<vmem>>) target(%dma_start3A_134 : memref<64x128xf32, #tpu.memory_space<vmem_shared>>) target_semaphore(%run_scoped3A : memref<!tpu.dma_semaphore, #tpu.memory_space<semaphore_mem>>)
      %dma_wait3A_138 = arith.constant 0 : i32
      %dma_wait3A_139 = arith.constant 0 : i32
      %dma_wait3A_140 = tpu.memref_slice %arg12[%dma_wait3A_138, %dma_wait3A_139] : memref<112x128xf32, #tpu.memory_space<vmem>> -> memref<64x128xf32, #tpu.memory_space<vmem>>
      %dma_wait3A_141 = arith.constant 0 : i32
      %dma_wait3A_142 = tpu.memref_slice %arg15[%add3A_28, %dma_wait3A_141] : memref<10240x128xf32, #tpu.memory_space<vmem_shared>> -> memref<64x128xf32, #tpu.memory_space<vmem_shared>>
      %dma_wait3A_143 = arith.constant 0 : i32
      %dma_wait3A_144 = tpu.memref_slice %arg15[%add3A_28, %dma_wait3A_143] : memref<10240x128xf32, #tpu.memory_space<vmem_shared>> -> memref<64x128xf32, #tpu.memory_space<vmem_shared>>
      %dma_wait3A_145 = arith.constant 0 : i32
      %dma_wait3A_146 = arith.constant 0 : i32
      %dma_wait3A_147 = tpu.memref_slice %arg12[%dma_wait3A_145, %dma_wait3A_146] : memref<112x128xf32, #tpu.memory_space<vmem>> -> memref<64x128xf32, #tpu.memory_space<vmem>>
      tpu.wait_dma2 semaphore(%run_scoped3A : memref<!tpu.dma_semaphore, #tpu.memory_space<semaphore_mem>>) src(%dma_wait3A_147 : memref<64x128xf32, #tpu.memory_space<vmem>>) dst(%dma_wait3A_144 : memref<64x128xf32, #tpu.memory_space<vmem_shared>>)
      tpu.yield
    }) : () -> ()
    %mul3A_29 = arith.constant 640 : i32
    %mul3A_30 = arith.muli %arg1, %mul3A_29 : i32
    %add3A_31 = arith.constant 384 : i32
    %add3A_32 = arith.addi %mul3A_30, %add3A_31 : i32
    "tpu.region"() ({
      %run_scoped3A = tpu.sem_alloc : memref<!tpu.dma_semaphore, #tpu.memory_space<semaphore_mem>>
      %dma_start3A_128 = arith.constant 0 : i32
      %dma_start3A_129 = arith.constant 0 : i32
      %dma_start3A_130 = tpu.memref_slice %arg12[%dma_start3A_128, %dma_start3A_129] : memref<112x128xf32, #tpu.memory_space<vmem>> -> memref<64x128xf32, #tpu.memory_space<vmem>>
      %dma_start3A_131 = arith.constant 0 : i32
      %dma_start3A_132 = tpu.memref_slice %arg15[%add3A_32, %dma_start3A_131] : memref<10240x128xf32, #tpu.memory_space<vmem_shared>> -> memref<64x128xf32, #tpu.memory_space<vmem_shared>>
      %dma_start3A_133 = arith.constant 0 : i32
      %dma_start3A_134 = tpu.memref_slice %arg15[%add3A_32, %dma_start3A_133] : memref<10240x128xf32, #tpu.memory_space<vmem_shared>> -> memref<64x128xf32, #tpu.memory_space<vmem_shared>>
      %dma_start3A_135 = arith.constant 0 : i32
      %dma_start3A_136 = arith.constant 0 : i32
      %dma_start3A_137 = tpu.memref_slice %arg12[%dma_start3A_135, %dma_start3A_136] : memref<112x128xf32, #tpu.memory_space<vmem>> -> memref<64x128xf32, #tpu.memory_space<vmem>>
      tpu.enqueue_dma source(%dma_start3A_137 : memref<64x128xf32, #tpu.memory_space<vmem>>) target(%dma_start3A_134 : memref<64x128xf32, #tpu.memory_space<vmem_shared>>) target_semaphore(%run_scoped3A : memref<!tpu.dma_semaphore, #tpu.memory_space<semaphore_mem>>)
      %dma_wait3A_138 = arith.constant 0 : i32
      %dma_wait3A_139 = arith.constant 0 : i32
      %dma_wait3A_140 = tpu.memref_slice %arg12[%dma_wait3A_138, %dma_wait3A_139] : memref<112x128xf32, #tpu.memory_space<vmem>> -> memref<64x128xf32, #tpu.memory_space<vmem>>
      %dma_wait3A_141 = arith.constant 0 : i32
      %dma_wait3A_142 = tpu.memref_slice %arg15[%add3A_32, %dma_wait3A_141] : memref<10240x128xf32, #tpu.memory_space<vmem_shared>> -> memref<64x128xf32, #tpu.memory_space<vmem_shared>>
      %dma_wait3A_143 = arith.constant 0 : i32
      %dma_wait3A_144 = tpu.memref_slice %arg15[%add3A_32, %dma_wait3A_143] : memref<10240x128xf32, #tpu.memory_space<vmem_shared>> -> memref<64x128xf32, #tpu.memory_space<vmem_shared>>
      %dma_wait3A_145 = arith.constant 0 : i32
      %dma_wait3A_146 = arith.constant 0 : i32
      %dma_wait3A_147 = tpu.memref_slice %arg12[%dma_wait3A_145, %dma_wait3A_146] : memref<112x128xf32, #tpu.memory_space<vmem>> -> memref<64x128xf32, #tpu.memory_space<vmem>>
      tpu.wait_dma2 semaphore(%run_scoped3A : memref<!tpu.dma_semaphore, #tpu.memory_space<semaphore_mem>>) src(%dma_wait3A_147 : memref<64x128xf32, #tpu.memory_space<vmem>>) dst(%dma_wait3A_144 : memref<64x128xf32, #tpu.memory_space<vmem_shared>>)
      tpu.yield
    }) : () -> ()
    %mul3A_33 = arith.constant 640 : i32
    %mul3A_34 = arith.muli %arg1, %mul3A_33 : i32
    %add3A_35 = arith.constant 448 : i32
    %add3A_36 = arith.addi %mul3A_34, %add3A_35 : i32
    "tpu.region"() ({
      %run_scoped3A = tpu.sem_alloc : memref<!tpu.dma_semaphore, #tpu.memory_space<semaphore_mem>>
      %dma_start3A_128 = arith.constant 0 : i32
      %dma_start3A_129 = arith.constant 0 : i32
      %dma_start3A_130 = tpu.memref_slice %arg12[%dma_start3A_128, %dma_start3A_129] : memref<112x128xf32, #tpu.memory_space<vmem>> -> memref<64x128xf32, #tpu.memory_space<vmem>>
      %dma_start3A_131 = arith.constant 0 : i32
      %dma_start3A_132 = tpu.memref_slice %arg15[%add3A_36, %dma_start3A_131] : memref<10240x128xf32, #tpu.memory_space<vmem_shared>> -> memref<64x128xf32, #tpu.memory_space<vmem_shared>>
      %dma_start3A_133 = arith.constant 0 : i32
      %dma_start3A_134 = tpu.memref_slice %arg15[%add3A_36, %dma_start3A_133] : memref<10240x128xf32, #tpu.memory_space<vmem_shared>> -> memref<64x128xf32, #tpu.memory_space<vmem_shared>>
      %dma_start3A_135 = arith.constant 0 : i32
      %dma_start3A_136 = arith.constant 0 : i32
      %dma_start3A_137 = tpu.memref_slice %arg12[%dma_start3A_135, %dma_start3A_136] : memref<112x128xf32, #tpu.memory_space<vmem>> -> memref<64x128xf32, #tpu.memory_space<vmem>>
      tpu.enqueue_dma source(%dma_start3A_137 : memref<64x128xf32, #tpu.memory_space<vmem>>) target(%dma_start3A_134 : memref<64x128xf32, #tpu.memory_space<vmem_shared>>) target_semaphore(%run_scoped3A : memref<!tpu.dma_semaphore, #tpu.memory_space<semaphore_mem>>)
      %dma_wait3A_138 = arith.constant 0 : i32
      %dma_wait3A_139 = arith.constant 0 : i32
      %dma_wait3A_140 = tpu.memref_slice %arg12[%dma_wait3A_138, %dma_wait3A_139] : memref<112x128xf32, #tpu.memory_space<vmem>> -> memref<64x128xf32, #tpu.memory_space<vmem>>
      %dma_wait3A_141 = arith.constant 0 : i32
      %dma_wait3A_142 = tpu.memref_slice %arg15[%add3A_36, %dma_wait3A_141] : memref<10240x128xf32, #tpu.memory_space<vmem_shared>> -> memref<64x128xf32, #tpu.memory_space<vmem_shared>>
      %dma_wait3A_143 = arith.constant 0 : i32
      %dma_wait3A_144 = tpu.memref_slice %arg15[%add3A_36, %dma_wait3A_143] : memref<10240x128xf32, #tpu.memory_space<vmem_shared>> -> memref<64x128xf32, #tpu.memory_space<vmem_shared>>
      %dma_wait3A_145 = arith.constant 0 : i32
      %dma_wait3A_146 = arith.constant 0 : i32
      %dma_wait3A_147 = tpu.memref_slice %arg12[%dma_wait3A_145, %dma_wait3A_146] : memref<112x128xf32, #tpu.memory_space<vmem>> -> memref<64x128xf32, #tpu.memory_space<vmem>>
      tpu.wait_dma2 semaphore(%run_scoped3A : memref<!tpu.dma_semaphore, #tpu.memory_space<semaphore_mem>>) src(%dma_wait3A_147 : memref<64x128xf32, #tpu.memory_space<vmem>>) dst(%dma_wait3A_144 : memref<64x128xf32, #tpu.memory_space<vmem_shared>>)
      tpu.yield
    }) : () -> ()
    %mul3A_37 = arith.constant 640 : i32
    %mul3A_38 = arith.muli %arg1, %mul3A_37 : i32
    %add3A_39 = arith.constant 512 : i32
    %add3A_40 = arith.addi %mul3A_38, %add3A_39 : i32
    "tpu.region"() ({
      %run_scoped3A = tpu.sem_alloc : memref<!tpu.dma_semaphore, #tpu.memory_space<semaphore_mem>>
      %dma_start3A_128 = arith.constant 0 : i32
      %dma_start3A_129 = arith.constant 0 : i32
      %dma_start3A_130 = tpu.memref_slice %arg12[%dma_start3A_128, %dma_start3A_129] : memref<112x128xf32, #tpu.memory_space<vmem>> -> memref<64x128xf32, #tpu.memory_space<vmem>>
      %dma_start3A_131 = arith.constant 0 : i32
      %dma_start3A_132 = tpu.memref_slice %arg15[%add3A_40, %dma_start3A_131] : memref<10240x128xf32, #tpu.memory_space<vmem_shared>> -> memref<64x128xf32, #tpu.memory_space<vmem_shared>>
      %dma_start3A_133 = arith.constant 0 : i32
      %dma_start3A_134 = tpu.memref_slice %arg15[%add3A_40, %dma_start3A_133] : memref<10240x128xf32, #tpu.memory_space<vmem_shared>> -> memref<64x128xf32, #tpu.memory_space<vmem_shared>>
      %dma_start3A_135 = arith.constant 0 : i32
      %dma_start3A_136 = arith.constant 0 : i32
      %dma_start3A_137 = tpu.memref_slice %arg12[%dma_start3A_135, %dma_start3A_136] : memref<112x128xf32, #tpu.memory_space<vmem>> -> memref<64x128xf32, #tpu.memory_space<vmem>>
      tpu.enqueue_dma source(%dma_start3A_137 : memref<64x128xf32, #tpu.memory_space<vmem>>) target(%dma_start3A_134 : memref<64x128xf32, #tpu.memory_space<vmem_shared>>) target_semaphore(%run_scoped3A : memref<!tpu.dma_semaphore, #tpu.memory_space<semaphore_mem>>)
      %dma_wait3A_138 = arith.constant 0 : i32
      %dma_wait3A_139 = arith.constant 0 : i32
      %dma_wait3A_140 = tpu.memref_slice %arg12[%dma_wait3A_138, %dma_wait3A_139] : memref<112x128xf32, #tpu.memory_space<vmem>> -> memref<64x128xf32, #tpu.memory_space<vmem>>
      %dma_wait3A_141 = arith.constant 0 : i32
      %dma_wait3A_142 = tpu.memref_slice %arg15[%add3A_40, %dma_wait3A_141] : memref<10240x128xf32, #tpu.memory_space<vmem_shared>> -> memref<64x128xf32, #tpu.memory_space<vmem_shared>>
      %dma_wait3A_143 = arith.constant 0 : i32
      %dma_wait3A_144 = tpu.memref_slice %arg15[%add3A_40, %dma_wait3A_143] : memref<10240x128xf32, #tpu.memory_space<vmem_shared>> -> memref<64x128xf32, #tpu.memory_space<vmem_shared>>
      %dma_wait3A_145 = arith.constant 0 : i32
      %dma_wait3A_146 = arith.constant 0 : i32
      %dma_wait3A_147 = tpu.memref_slice %arg12[%dma_wait3A_145, %dma_wait3A_146] : memref<112x128xf32, #tpu.memory_space<vmem>> -> memref<64x128xf32, #tpu.memory_space<vmem>>
      tpu.wait_dma2 semaphore(%run_scoped3A : memref<!tpu.dma_semaphore, #tpu.memory_space<semaphore_mem>>) src(%dma_wait3A_147 : memref<64x128xf32, #tpu.memory_space<vmem>>) dst(%dma_wait3A_144 : memref<64x128xf32, #tpu.memory_space<vmem_shared>>)
      tpu.yield
    }) : () -> ()
    %mul3A_41 = arith.constant 640 : i32
    %mul3A_42 = arith.muli %arg1, %mul3A_41 : i32
    %add3A_43 = arith.constant 576 : i32
    %add3A_44 = arith.addi %mul3A_42, %add3A_43 : i32
    "tpu.region"() ({
      %run_scoped3A = tpu.sem_alloc : memref<!tpu.dma_semaphore, #tpu.memory_space<semaphore_mem>>
      %dma_start3A_128 = arith.constant 0 : i32
      %dma_start3A_129 = arith.constant 0 : i32
      %dma_start3A_130 = tpu.memref_slice %arg12[%dma_start3A_128, %dma_start3A_129] : memref<112x128xf32, #tpu.memory_space<vmem>> -> memref<64x128xf32, #tpu.memory_space<vmem>>
      %dma_start3A_131 = arith.constant 0 : i32
      %dma_start3A_132 = tpu.memref_slice %arg15[%add3A_44, %dma_start3A_131] : memref<10240x128xf32, #tpu.memory_space<vmem_shared>> -> memref<64x128xf32, #tpu.memory_space<vmem_shared>>
      %dma_start3A_133 = arith.constant 0 : i32
      %dma_start3A_134 = tpu.memref_slice %arg15[%add3A_44, %dma_start3A_133] : memref<10240x128xf32, #tpu.memory_space<vmem_shared>> -> memref<64x128xf32, #tpu.memory_space<vmem_shared>>
      %dma_start3A_135 = arith.constant 0 : i32
      %dma_start3A_136 = arith.constant 0 : i32
      %dma_start3A_137 = tpu.memref_slice %arg12[%dma_start3A_135, %dma_start3A_136] : memref<112x128xf32, #tpu.memory_space<vmem>> -> memref<64x128xf32, #tpu.memory_space<vmem>>
      tpu.enqueue_dma source(%dma_start3A_137 : memref<64x128xf32, #tpu.memory_space<vmem>>) target(%dma_start3A_134 : memref<64x128xf32, #tpu.memory_space<vmem_shared>>) target_semaphore(%run_scoped3A : memref<!tpu.dma_semaphore, #tpu.memory_space<semaphore_mem>>)
      %dma_wait3A_138 = arith.constant 0 : i32
      %dma_wait3A_139 = arith.constant 0 : i32
      %dma_wait3A_140 = tpu.memref_slice %arg12[%dma_wait3A_138, %dma_wait3A_139] : memref<112x128xf32, #tpu.memory_space<vmem>> -> memref<64x128xf32, #tpu.memory_space<vmem>>
      %dma_wait3A_141 = arith.constant 0 : i32
      %dma_wait3A_142 = tpu.memref_slice %arg15[%add3A_44, %dma_wait3A_141] : memref<10240x128xf32, #tpu.memory_space<vmem_shared>> -> memref<64x128xf32, #tpu.memory_space<vmem_shared>>
      %dma_wait3A_143 = arith.constant 0 : i32
      %dma_wait3A_144 = tpu.memref_slice %arg15[%add3A_44, %dma_wait3A_143] : memref<10240x128xf32, #tpu.memory_space<vmem_shared>> -> memref<64x128xf32, #tpu.memory_space<vmem_shared>>
      %dma_wait3A_145 = arith.constant 0 : i32
      %dma_wait3A_146 = arith.constant 0 : i32
      %dma_wait3A_147 = tpu.memref_slice %arg12[%dma_wait3A_145, %dma_wait3A_146] : memref<112x128xf32, #tpu.memory_space<vmem>> -> memref<64x128xf32, #tpu.memory_space<vmem>>
      tpu.wait_dma2 semaphore(%run_scoped3A : memref<!tpu.dma_semaphore, #tpu.memory_space<semaphore_mem>>) src(%dma_wait3A_147 : memref<64x128xf32, #tpu.memory_space<vmem>>) dst(%dma_wait3A_144 : memref<64x128xf32, #tpu.memory_space<vmem_shared>>)
      tpu.yield
    }) : () -> ()
    %barrier3A = arith.constant 0 : index
    tpu.barrier barrier_id(%barrier3A)
    %mul3A_45 = arith.constant 320768 : i32
    %mul3A_46 = arith.muli %arg0, %mul3A_45 : i32
    %mul3A_47 = arith.constant 179 : i32
    %mul3A_48 = arith.muli %arg1, %mul3A_47 : i32
    %mul3A_49 = arith.constant 112 : i32
    %mul3A_50 = arith.muli %mul3A_48, %mul3A_49 : i32
    %add3A_51 = arith.addi %mul3A_46, %mul3A_50 : i32
    %add3A_52 = arith.constant 0 : i32
    %add3A_53 = arith.addi %add3A_51, %add3A_52 : i32
    %dma_start3A = tpu.memref_slice %arg2[%add3A_53] : memref<641536xi32, #tpu.memory_space<hbm>> -> memref<112xi32, #tpu.memory_space<hbm>>
    %dma_start3A_54 = tpu.memref_slice %arg2[%add3A_53] : memref<641536xi32, #tpu.memory_space<hbm>> -> memref<112xi32, #tpu.memory_space<hbm>>
    tpu.enqueue_dma source(%dma_start3A_54 : memref<112xi32, #tpu.memory_space<hbm>>) target(%arg6 : memref<112xi32, #tpu.memory_space<vmem>>) target_semaphore(%arg16 : memref<!tpu.dma_semaphore, #tpu.memory_space<semaphore_mem>>)
    %dma_start3A_55 = tpu.memref_slice %arg3[%add3A_53] : memref<641536xi32, #tpu.memory_space<hbm>> -> memref<112xi32, #tpu.memory_space<hbm>>
    %dma_start3A_56 = tpu.memref_slice %arg3[%add3A_53] : memref<641536xi32, #tpu.memory_space<hbm>> -> memref<112xi32, #tpu.memory_space<hbm>>
    tpu.enqueue_dma source(%dma_start3A_56 : memref<112xi32, #tpu.memory_space<hbm>>) target(%arg9 : memref<112xi32, #tpu.memory_space<vmem>>) target_semaphore(%arg16 : memref<!tpu.dma_semaphore, #tpu.memory_space<semaphore_mem>>)
    %add3A_57 = arith.constant 112 : i32
    %add3A_58 = arith.addi %add3A_51, %add3A_57 : i32
    %dma_start3A_59 = tpu.memref_slice %arg2[%add3A_58] : memref<641536xi32, #tpu.memory_space<hbm>> -> memref<112xi32, #tpu.memory_space<hbm>>
    %dma_start3A_60 = tpu.memref_slice %arg2[%add3A_58] : memref<641536xi32, #tpu.memory_space<hbm>> -> memref<112xi32, #tpu.memory_space<hbm>>
    tpu.enqueue_dma source(%dma_start3A_60 : memref<112xi32, #tpu.memory_space<hbm>>) target(%arg7 : memref<112xi32, #tpu.memory_space<vmem>>) target_semaphore(%arg17 : memref<!tpu.dma_semaphore, #tpu.memory_space<semaphore_mem>>)
    %dma_start3A_61 = tpu.memref_slice %arg3[%add3A_58] : memref<641536xi32, #tpu.memory_space<hbm>> -> memref<112xi32, #tpu.memory_space<hbm>>
    %dma_start3A_62 = tpu.memref_slice %arg3[%add3A_58] : memref<641536xi32, #tpu.memory_space<hbm>> -> memref<112xi32, #tpu.memory_space<hbm>>
    tpu.enqueue_dma source(%dma_start3A_62 : memref<112xi32, #tpu.memory_space<hbm>>) target(%arg10 : memref<112xi32, #tpu.memory_space<vmem>>) target_semaphore(%arg17 : memref<!tpu.dma_semaphore, #tpu.memory_space<semaphore_mem>>)
    %add3A_63 = arith.constant 0 : i32
    %add3A_64 = arith.addi %add3A_51, %add3A_63 : i32
    %dma_wait3A = tpu.memref_slice %arg2[%add3A_64] : memref<641536xi32, #tpu.memory_space<hbm>> -> memref<112xi32, #tpu.memory_space<hbm>>
    %dma_wait3A_65 = tpu.memref_slice %arg2[%add3A_64] : memref<641536xi32, #tpu.memory_space<hbm>> -> memref<112xi32, #tpu.memory_space<hbm>>
    tpu.wait_dma2 semaphore(%arg16 : memref<!tpu.dma_semaphore, #tpu.memory_space<semaphore_mem>>) src(%dma_wait3A_65 : memref<112xi32, #tpu.memory_space<hbm>>) dst(%arg6 : memref<112xi32, #tpu.memory_space<vmem>>)
    %dma_wait3A_66 = tpu.memref_slice %arg3[%add3A_64] : memref<641536xi32, #tpu.memory_space<hbm>> -> memref<112xi32, #tpu.memory_space<hbm>>
    %dma_wait3A_67 = tpu.memref_slice %arg3[%add3A_64] : memref<641536xi32, #tpu.memory_space<hbm>> -> memref<112xi32, #tpu.memory_space<hbm>>
    tpu.wait_dma2 semaphore(%arg16 : memref<!tpu.dma_semaphore, #tpu.memory_space<semaphore_mem>>) src(%dma_wait3A_67 : memref<112xi32, #tpu.memory_space<hbm>>) dst(%arg9 : memref<112xi32, #tpu.memory_space<vmem>>)
    %dma_start3A_68 = arith.constant 0 : i32
    %dma_start3A_69 = arith.constant 0 : i32
    %dma_start3A_70 = tpu.memref_slice %arg4[%dma_start3A_68, %dma_start3A_69] : memref<20000x128xf32, #tpu.memory_space<hbm>> -> memref<20000x128xf32, #tpu.memory_space<hbm>>
    tpu.enqueue_indirect_dma source(%dma_start3A_70 : memref<20000x128xf32, #tpu.memory_space<hbm>>) target(%arg12 : memref<112x128xf32, #tpu.memory_space<vmem>>) offsets(%arg6 : memref<112xi32, #tpu.memory_space<vmem>>) semaphore(%arg19 : memref<!tpu.dma_semaphore, #tpu.memory_space<semaphore_mem>>)
    %scan3A_71 = arith.constant 0 : i32
    %scan3A_72 = arith.constant 0 : i32
    %scan3A_73 = arith.constant 179 : i32
    %scan3A_74 = arith.addi %scan3A_72, %scan3A_73 : i32
    %scan3A_75 = arith.constant 1 : i32
    %scan3A_76 = scf.for %scan3A_128 = %scan3A_72 to %scan3A_74 step %scan3A_75 iter_args(%scan3A_129 = %scan3A_71) -> (i32)  : i32 {
      %jit3A = arith.constant 3 : i32
      %eq3A = arith.constant 0 : i32
      %eq3A_130 = arith.cmpi eq, %jit3A, %eq3A : i32
      %jit3A_131 = arith.constant 1 : i32
      %select_n3A = arith.select %eq3A_130, %jit3A_131, %jit3A : i32
      %rem3A = arith.remsi %scan3A_128, %select_n3A : i32
      %ne3A = arith.constant 0 : i32
      %ne3A_132 = arith.cmpi ne, %rem3A, %ne3A : i32
      %lt3A = arith.constant 0 : i32
      %lt3A_133 = arith.cmpi slt, %rem3A, %lt3A : i32
      %lt3A_134 = arith.constant 0 : i32
      %lt3A_135 = arith.cmpi slt, %select_n3A, %lt3A_134 : i32
      %ne3A_136 = arith.xori %lt3A_133, %lt3A_135 : i1
      %and3A = arith.andi %ne3A_136, %ne3A_132 : i1
      %add3A_137 = arith.addi %rem3A, %select_n3A : i32
      %select_n3A_138 = arith.select %and3A, %add3A_137, %rem3A : i32
      %eq3A_139 = arith.constant 0 : i32
      %eq3A_140 = arith.cmpi eq, %select_n3A_138, %eq3A_139 : i32
      %convert_element_type3A = arith.extui %eq3A_140 : i1 to i32
      %cond3A = arith.constant 0 : i32
      %cond3A_141 = arith.cmpi ne, %convert_element_type3A, %cond3A : i32
      scf.if %cond3A_141 {
        %dma_wait3A_185 = arith.constant 0 : i32
        %dma_wait3A_186 = arith.constant 0 : i32
        %dma_wait3A_187 = tpu.memref_slice %arg4[%dma_wait3A_185, %dma_wait3A_186] : memref<20000x128xf32, #tpu.memory_space<hbm>> -> memref<20000x128xf32, #tpu.memory_space<hbm>>
        tpu.wait_indirect_dma semaphore(%arg19 : memref<!tpu.dma_semaphore, #tpu.memory_space<semaphore_mem>>) src(%dma_wait3A_187 : memref<20000x128xf32, #tpu.memory_space<hbm>>) dst(%arg12 : memref<112x128xf32, #tpu.memory_space<vmem>>)
        %dma_start3A_188 = arith.constant 0 : i32
        %dma_start3A_189 = arith.constant 0 : i32
        %dma_start3A_190 = tpu.memref_slice %arg15[%dma_start3A_188, %dma_start3A_189] : memref<10240x128xf32, #tpu.memory_space<vmem_shared>> -> memref<10240x128xf32, #tpu.memory_space<vmem_shared>>
        tpu.enqueue_indirect_dma source(%arg12 : memref<112x128xf32, #tpu.memory_space<vmem>>) target(%dma_start3A_190 : memref<10240x128xf32, #tpu.memory_space<vmem_shared>>) offsets(%arg9 : memref<112xi32, #tpu.memory_space<vmem>>) semaphore(%arg22 : memref<!tpu.dma_semaphore, #tpu.memory_space<semaphore_mem>>) {add = true}
        %add3A_191 = arith.constant 1 : i32
        %add3A_192 = arith.addi %scan3A_128, %add3A_191 : i32
        %lt3A_193 = arith.constant 179 : i32
        %lt3A_194 = arith.cmpi slt, %add3A_192, %lt3A_193 : i32
        %convert_element_type3A_195 = arith.extui %lt3A_194 : i1 to i32
        %cond3A_196 = arith.constant 0 : i32
        %cond3A_197 = arith.cmpi ne, %convert_element_type3A_195, %cond3A_196 : i32
        scf.if %cond3A_197 {
          %add3A_205 = arith.constant 1 : i32
          %add3A_206 = arith.addi %scan3A_128, %add3A_205 : i32
          %mul3A_207 = arith.constant 112 : i32
          %mul3A_208 = arith.muli %add3A_206, %mul3A_207 : i32
          %add3A_209 = arith.addi %add3A_51, %mul3A_208 : i32
          %dma_wait3A_210 = tpu.memref_slice %arg2[%add3A_209] : memref<641536xi32, #tpu.memory_space<hbm>> -> memref<112xi32, #tpu.memory_space<hbm>>
          %dma_wait3A_211 = tpu.memref_slice %arg2[%add3A_209] : memref<641536xi32, #tpu.memory_space<hbm>> -> memref<112xi32, #tpu.memory_space<hbm>>
          tpu.wait_dma2 semaphore(%arg17 : memref<!tpu.dma_semaphore, #tpu.memory_space<semaphore_mem>>) src(%dma_wait3A_211 : memref<112xi32, #tpu.memory_space<hbm>>) dst(%arg7 : memref<112xi32, #tpu.memory_space<vmem>>)
          %dma_wait3A_212 = tpu.memref_slice %arg3[%add3A_209] : memref<641536xi32, #tpu.memory_space<hbm>> -> memref<112xi32, #tpu.memory_space<hbm>>
          %dma_wait3A_213 = tpu.memref_slice %arg3[%add3A_209] : memref<641536xi32, #tpu.memory_space<hbm>> -> memref<112xi32, #tpu.memory_space<hbm>>
          tpu.wait_dma2 semaphore(%arg17 : memref<!tpu.dma_semaphore, #tpu.memory_space<semaphore_mem>>) src(%dma_wait3A_213 : memref<112xi32, #tpu.memory_space<hbm>>) dst(%arg10 : memref<112xi32, #tpu.memory_space<vmem>>)
          %dma_start3A_214 = arith.constant 0 : i32
          %dma_start3A_215 = arith.constant 0 : i32
          %dma_start3A_216 = tpu.memref_slice %arg4[%dma_start3A_214, %dma_start3A_215] : memref<20000x128xf32, #tpu.memory_space<hbm>> -> memref<20000x128xf32, #tpu.memory_space<hbm>>
          tpu.enqueue_indirect_dma source(%dma_start3A_216 : memref<20000x128xf32, #tpu.memory_space<hbm>>) target(%arg13 : memref<112x128xf32, #tpu.memory_space<vmem>>) offsets(%arg7 : memref<112xi32, #tpu.memory_space<vmem>>) semaphore(%arg20 : memref<!tpu.dma_semaphore, #tpu.memory_space<semaphore_mem>>)
        } else {
        }
        %add3A_198 = arith.constant 2 : i32
        %add3A_199 = arith.addi %scan3A_128, %add3A_198 : i32
        %lt3A_200 = arith.constant 179 : i32
        %lt3A_201 = arith.cmpi slt, %add3A_199, %lt3A_200 : i32
        %convert_element_type3A_202 = arith.extui %lt3A_201 : i1 to i32
        %cond3A_203 = arith.constant 0 : i32
        %cond3A_204 = arith.cmpi ne, %convert_element_type3A_202, %cond3A_203 : i32
        scf.if %cond3A_204 {
          %add3A_205 = arith.constant 2 : i32
          %add3A_206 = arith.addi %scan3A_128, %add3A_205 : i32
          %ge3A = arith.constant 3 : i32
          %ge3A_207 = arith.cmpi sge, %add3A_206, %ge3A : i32
          %convert_element_type3A_208 = arith.extui %ge3A_207 : i1 to i32
          %cond3A_209 = arith.constant 0 : i32
          %cond3A_210 = arith.cmpi ne, %convert_element_type3A_208, %cond3A_209 : i32
          scf.if %cond3A_210 {
            %dma_wait3A_220 = arith.constant 0 : i32
            %dma_wait3A_221 = arith.constant 0 : i32
            %dma_wait3A_222 = tpu.memref_slice %arg15[%dma_wait3A_220, %dma_wait3A_221] : memref<10240x128xf32, #tpu.memory_space<vmem_shared>> -> memref<10240x128xf32, #tpu.memory_space<vmem_shared>>
            tpu.wait_indirect_dma semaphore(%arg24 : memref<!tpu.dma_semaphore, #tpu.memory_space<semaphore_mem>>) src(%arg14 : memref<112x128xf32, #tpu.memory_space<vmem>>) dst(%dma_wait3A_222 : memref<10240x128xf32, #tpu.memory_space<vmem_shared>>)
          } else {
          }
          %add3A_211 = arith.constant 2 : i32
          %add3A_212 = arith.addi %scan3A_128, %add3A_211 : i32
          %mul3A_213 = arith.constant 112 : i32
          %mul3A_214 = arith.muli %add3A_212, %mul3A_213 : i32
          %add3A_215 = arith.addi %add3A_51, %mul3A_214 : i32
          %dma_start3A_216 = tpu.memref_slice %arg2[%add3A_215] : memref<641536xi32, #tpu.memory_space<hbm>> -> memref<112xi32, #tpu.memory_space<hbm>>
          %dma_start3A_217 = tpu.memref_slice %arg2[%add3A_215] : memref<641536xi32, #tpu.memory_space<hbm>> -> memref<112xi32, #tpu.memory_space<hbm>>
          tpu.enqueue_dma source(%dma_start3A_217 : memref<112xi32, #tpu.memory_space<hbm>>) target(%arg8 : memref<112xi32, #tpu.memory_space<vmem>>) target_semaphore(%arg18 : memref<!tpu.dma_semaphore, #tpu.memory_space<semaphore_mem>>)
          %dma_start3A_218 = tpu.memref_slice %arg3[%add3A_215] : memref<641536xi32, #tpu.memory_space<hbm>> -> memref<112xi32, #tpu.memory_space<hbm>>
          %dma_start3A_219 = tpu.memref_slice %arg3[%add3A_215] : memref<641536xi32, #tpu.memory_space<hbm>> -> memref<112xi32, #tpu.memory_space<hbm>>
          tpu.enqueue_dma source(%dma_start3A_219 : memref<112xi32, #tpu.memory_space<hbm>>) target(%arg11 : memref<112xi32, #tpu.memory_space<vmem>>) target_semaphore(%arg18 : memref<!tpu.dma_semaphore, #tpu.memory_space<semaphore_mem>>)
        } else {
        }
      } else {
      }
      %jit3A_142 = arith.constant 3 : i32
      %eq3A_143 = arith.constant 0 : i32
      %eq3A_144 = arith.cmpi eq, %jit3A_142, %eq3A_143 : i32
      %jit3A_145 = arith.constant 1 : i32
      %select_n3A_146 = arith.select %eq3A_144, %jit3A_145, %jit3A_142 : i32
      %rem3A_147 = arith.remsi %scan3A_128, %select_n3A_146 : i32
      %ne3A_148 = arith.constant 0 : i32
      %ne3A_149 = arith.cmpi ne, %rem3A_147, %ne3A_148 : i32
      %lt3A_150 = arith.constant 0 : i32
      %lt3A_151 = arith.cmpi slt, %rem3A_147, %lt3A_150 : i32
      %lt3A_152 = arith.constant 0 : i32
      %lt3A_153 = arith.cmpi slt, %select_n3A_146, %lt3A_152 : i32
      %ne3A_154 = arith.xori %lt3A_151, %lt3A_153 : i1
      %and3A_155 = arith.andi %ne3A_154, %ne3A_149 : i1
      %add3A_156 = arith.addi %rem3A_147, %select_n3A_146 : i32
      %select_n3A_157 = arith.select %and3A_155, %add3A_156, %rem3A_147 : i32
      %eq3A_158 = arith.constant 1 : i32
      %eq3A_159 = arith.cmpi eq, %select_n3A_157, %eq3A_158 : i32
      %convert_element_type3A_160 = arith.extui %eq3A_159 : i1 to i32
      %cond3A_161 = arith.constant 0 : i32
      %cond3A_162 = arith.cmpi ne, %convert_element_type3A_160, %cond3A_161 : i32
      scf.if %cond3A_162 {
        %dma_wait3A_185 = arith.constant 0 : i32
        %dma_wait3A_186 = arith.constant 0 : i32
        %dma_wait3A_187 = tpu.memref_slice %arg4[%dma_wait3A_185, %dma_wait3A_186] : memref<20000x128xf32, #tpu.memory_space<hbm>> -> memref<20000x128xf32, #tpu.memory_space<hbm>>
        tpu.wait_indirect_dma semaphore(%arg20 : memref<!tpu.dma_semaphore, #tpu.memory_space<semaphore_mem>>) src(%dma_wait3A_187 : memref<20000x128xf32, #tpu.memory_space<hbm>>) dst(%arg13 : memref<112x128xf32, #tpu.memory_space<vmem>>)
        %dma_start3A_188 = arith.constant 0 : i32
        %dma_start3A_189 = arith.constant 0 : i32
        %dma_start3A_190 = tpu.memref_slice %arg15[%dma_start3A_188, %dma_start3A_189] : memref<10240x128xf32, #tpu.memory_space<vmem_shared>> -> memref<10240x128xf32, #tpu.memory_space<vmem_shared>>
        tpu.enqueue_indirect_dma source(%arg13 : memref<112x128xf32, #tpu.memory_space<vmem>>) target(%dma_start3A_190 : memref<10240x128xf32, #tpu.memory_space<vmem_shared>>) offsets(%arg10 : memref<112xi32, #tpu.memory_space<vmem>>) semaphore(%arg23 : memref<!tpu.dma_semaphore, #tpu.memory_space<semaphore_mem>>) {add = true}
        %add3A_191 = arith.constant 1 : i32
        %add3A_192 = arith.addi %scan3A_128, %add3A_191 : i32
        %lt3A_193 = arith.constant 179 : i32
        %lt3A_194 = arith.cmpi slt, %add3A_192, %lt3A_193 : i32
        %convert_element_type3A_195 = arith.extui %lt3A_194 : i1 to i32
        %cond3A_196 = arith.constant 0 : i32
        %cond3A_197 = arith.cmpi ne, %convert_element_type3A_195, %cond3A_196 : i32
        scf.if %cond3A_197 {
          %add3A_205 = arith.constant 1 : i32
          %add3A_206 = arith.addi %scan3A_128, %add3A_205 : i32
          %mul3A_207 = arith.constant 112 : i32
          %mul3A_208 = arith.muli %add3A_206, %mul3A_207 : i32
          %add3A_209 = arith.addi %add3A_51, %mul3A_208 : i32
          %dma_wait3A_210 = tpu.memref_slice %arg2[%add3A_209] : memref<641536xi32, #tpu.memory_space<hbm>> -> memref<112xi32, #tpu.memory_space<hbm>>
          %dma_wait3A_211 = tpu.memref_slice %arg2[%add3A_209] : memref<641536xi32, #tpu.memory_space<hbm>> -> memref<112xi32, #tpu.memory_space<hbm>>
          tpu.wait_dma2 semaphore(%arg18 : memref<!tpu.dma_semaphore, #tpu.memory_space<semaphore_mem>>) src(%dma_wait3A_211 : memref<112xi32, #tpu.memory_space<hbm>>) dst(%arg8 : memref<112xi32, #tpu.memory_space<vmem>>)
          %dma_wait3A_212 = tpu.memref_slice %arg3[%add3A_209] : memref<641536xi32, #tpu.memory_space<hbm>> -> memref<112xi32, #tpu.memory_space<hbm>>
          %dma_wait3A_213 = tpu.memref_slice %arg3[%add3A_209] : memref<641536xi32, #tpu.memory_space<hbm>> -> memref<112xi32, #tpu.memory_space<hbm>>
          tpu.wait_dma2 semaphore(%arg18 : memref<!tpu.dma_semaphore, #tpu.memory_space<semaphore_mem>>) src(%dma_wait3A_213 : memref<112xi32, #tpu.memory_space<hbm>>) dst(%arg11 : memref<112xi32, #tpu.memory_space<vmem>>)
          %dma_start3A_214 = arith.constant 0 : i32
          %dma_start3A_215 = arith.constant 0 : i32
          %dma_start3A_216 = tpu.memref_slice %arg4[%dma_start3A_214, %dma_start3A_215] : memref<20000x128xf32, #tpu.memory_space<hbm>> -> memref<20000x128xf32, #tpu.memory_space<hbm>>
          tpu.enqueue_indirect_dma source(%dma_start3A_216 : memref<20000x128xf32, #tpu.memory_space<hbm>>) target(%arg14 : memref<112x128xf32, #tpu.memory_space<vmem>>) offsets(%arg8 : memref<112xi32, #tpu.memory_space<vmem>>) semaphore(%arg21 : memref<!tpu.dma_semaphore, #tpu.memory_space<semaphore_mem>>)
        } else {
        }
        %add3A_198 = arith.constant 2 : i32
        %add3A_199 = arith.addi %scan3A_128, %add3A_198 : i32
        %lt3A_200 = arith.constant 179 : i32
        %lt3A_201 = arith.cmpi slt, %add3A_199, %lt3A_200 : i32
        %convert_element_type3A_202 = arith.extui %lt3A_201 : i1 to i32
        %cond3A_203 = arith.constant 0 : i32
        %cond3A_204 = arith.cmpi ne, %convert_element_type3A_202, %cond3A_203 : i32
        scf.if %cond3A_204 {
          %add3A_205 = arith.constant 2 : i32
          %add3A_206 = arith.addi %scan3A_128, %add3A_205 : i32
          %ge3A = arith.constant 3 : i32
          %ge3A_207 = arith.cmpi sge, %add3A_206, %ge3A : i32
          %convert_element_type3A_208 = arith.extui %ge3A_207 : i1 to i32
          %cond3A_209 = arith.constant 0 : i32
          %cond3A_210 = arith.cmpi ne, %convert_element_type3A_208, %cond3A_209 : i32
          scf.if %cond3A_210 {
            %dma_wait3A_220 = arith.constant 0 : i32
            %dma_wait3A_221 = arith.constant 0 : i32
            %dma_wait3A_222 = tpu.memref_slice %arg15[%dma_wait3A_220, %dma_wait3A_221] : memref<10240x128xf32, #tpu.memory_space<vmem_shared>> -> memref<10240x128xf32, #tpu.memory_space<vmem_shared>>
            tpu.wait_indirect_dma semaphore(%arg22 : memref<!tpu.dma_semaphore, #tpu.memory_space<semaphore_mem>>) src(%arg12 : memref<112x128xf32, #tpu.memory_space<vmem>>) dst(%dma_wait3A_222 : memref<10240x128xf32, #tpu.memory_space<vmem_shared>>)
          } else {
          }
          %add3A_211 = arith.constant 2 : i32
          %add3A_212 = arith.addi %scan3A_128, %add3A_211 : i32
          %mul3A_213 = arith.constant 112 : i32
          %mul3A_214 = arith.muli %add3A_212, %mul3A_213 : i32
          %add3A_215 = arith.addi %add3A_51, %mul3A_214 : i32
          %dma_start3A_216 = tpu.memref_slice %arg2[%add3A_215] : memref<641536xi32, #tpu.memory_space<hbm>> -> memref<112xi32, #tpu.memory_space<hbm>>
          %dma_start3A_217 = tpu.memref_slice %arg2[%add3A_215] : memref<641536xi32, #tpu.memory_space<hbm>> -> memref<112xi32, #tpu.memory_space<hbm>>
          tpu.enqueue_dma source(%dma_start3A_217 : memref<112xi32, #tpu.memory_space<hbm>>) target(%arg6 : memref<112xi32, #tpu.memory_space<vmem>>) target_semaphore(%arg16 : memref<!tpu.dma_semaphore, #tpu.memory_space<semaphore_mem>>)
          %dma_start3A_218 = tpu.memref_slice %arg3[%add3A_215] : memref<641536xi32, #tpu.memory_space<hbm>> -> memref<112xi32, #tpu.memory_space<hbm>>
          %dma_start3A_219 = tpu.memref_slice %arg3[%add3A_215] : memref<641536xi32, #tpu.memory_space<hbm>> -> memref<112xi32, #tpu.memory_space<hbm>>
          tpu.enqueue_dma source(%dma_start3A_219 : memref<112xi32, #tpu.memory_space<hbm>>) target(%arg9 : memref<112xi32, #tpu.memory_space<vmem>>) target_semaphore(%arg16 : memref<!tpu.dma_semaphore, #tpu.memory_space<semaphore_mem>>)
        } else {
        }
      } else {
      }
      %jit3A_163 = arith.constant 3 : i32
      %eq3A_164 = arith.constant 0 : i32
      %eq3A_165 = arith.cmpi eq, %jit3A_163, %eq3A_164 : i32
      %jit3A_166 = arith.constant 1 : i32
      %select_n3A_167 = arith.select %eq3A_165, %jit3A_166, %jit3A_163 : i32
      %rem3A_168 = arith.remsi %scan3A_128, %select_n3A_167 : i32
      %ne3A_169 = arith.constant 0 : i32
      %ne3A_170 = arith.cmpi ne, %rem3A_168, %ne3A_169 : i32
      %lt3A_171 = arith.constant 0 : i32
      %lt3A_172 = arith.cmpi slt, %rem3A_168, %lt3A_171 : i32
      %lt3A_173 = arith.constant 0 : i32
      %lt3A_174 = arith.cmpi slt, %select_n3A_167, %lt3A_173 : i32
      %ne3A_175 = arith.xori %lt3A_172, %lt3A_174 : i1
      %and3A_176 = arith.andi %ne3A_175, %ne3A_170 : i1
      %add3A_177 = arith.addi %rem3A_168, %select_n3A_167 : i32
      %select_n3A_178 = arith.select %and3A_176, %add3A_177, %rem3A_168 : i32
      %eq3A_179 = arith.constant 2 : i32
      %eq3A_180 = arith.cmpi eq, %select_n3A_178, %eq3A_179 : i32
      %convert_element_type3A_181 = arith.extui %eq3A_180 : i1 to i32
      %cond3A_182 = arith.constant 0 : i32
      %cond3A_183 = arith.cmpi ne, %convert_element_type3A_181, %cond3A_182 : i32
      scf.if %cond3A_183 {
        %dma_wait3A_185 = arith.constant 0 : i32
        %dma_wait3A_186 = arith.constant 0 : i32
        %dma_wait3A_187 = tpu.memref_slice %arg4[%dma_wait3A_185, %dma_wait3A_186] : memref<20000x128xf32, #tpu.memory_space<hbm>> -> memref<20000x128xf32, #tpu.memory_space<hbm>>
        tpu.wait_indirect_dma semaphore(%arg21 : memref<!tpu.dma_semaphore, #tpu.memory_space<semaphore_mem>>) src(%dma_wait3A_187 : memref<20000x128xf32, #tpu.memory_space<hbm>>) dst(%arg14 : memref<112x128xf32, #tpu.memory_space<vmem>>)
        %dma_start3A_188 = arith.constant 0 : i32
        %dma_start3A_189 = arith.constant 0 : i32
        %dma_start3A_190 = tpu.memref_slice %arg15[%dma_start3A_188, %dma_start3A_189] : memref<10240x128xf32, #tpu.memory_space<vmem_shared>> -> memref<10240x128xf32, #tpu.memory_space<vmem_shared>>
        tpu.enqueue_indirect_dma source(%arg14 : memref<112x128xf32, #tpu.memory_space<vmem>>) target(%dma_start3A_190 : memref<10240x128xf32, #tpu.memory_space<vmem_shared>>) offsets(%arg11 : memref<112xi32, #tpu.memory_space<vmem>>) semaphore(%arg24 : memref<!tpu.dma_semaphore, #tpu.memory_space<semaphore_mem>>) {add = true}
        %add3A_191 = arith.constant 1 : i32
        %add3A_192 = arith.addi %scan3A_128, %add3A_191 : i32
        %lt3A_193 = arith.constant 179 : i32
        %lt3A_194 = arith.cmpi slt, %add3A_192, %lt3A_193 : i32
        %convert_element_type3A_195 = arith.extui %lt3A_194 : i1 to i32
        %cond3A_196 = arith.constant 0 : i32
        %cond3A_197 = arith.cmpi ne, %convert_element_type3A_195, %cond3A_196 : i32
        scf.if %cond3A_197 {
          %add3A_205 = arith.constant 1 : i32
          %add3A_206 = arith.addi %scan3A_128, %add3A_205 : i32
          %mul3A_207 = arith.constant 112 : i32
          %mul3A_208 = arith.muli %add3A_206, %mul3A_207 : i32
          %add3A_209 = arith.addi %add3A_51, %mul3A_208 : i32
          %dma_wait3A_210 = tpu.memref_slice %arg2[%add3A_209] : memref<641536xi32, #tpu.memory_space<hbm>> -> memref<112xi32, #tpu.memory_space<hbm>>
          %dma_wait3A_211 = tpu.memref_slice %arg2[%add3A_209] : memref<641536xi32, #tpu.memory_space<hbm>> -> memref<112xi32, #tpu.memory_space<hbm>>
          tpu.wait_dma2 semaphore(%arg16 : memref<!tpu.dma_semaphore, #tpu.memory_space<semaphore_mem>>) src(%dma_wait3A_211 : memref<112xi32, #tpu.memory_space<hbm>>) dst(%arg6 : memref<112xi32, #tpu.memory_space<vmem>>)
          %dma_wait3A_212 = tpu.memref_slice %arg3[%add3A_209] : memref<641536xi32, #tpu.memory_space<hbm>> -> memref<112xi32, #tpu.memory_space<hbm>>
          %dma_wait3A_213 = tpu.memref_slice %arg3[%add3A_209] : memref<641536xi32, #tpu.memory_space<hbm>> -> memref<112xi32, #tpu.memory_space<hbm>>
          tpu.wait_dma2 semaphore(%arg16 : memref<!tpu.dma_semaphore, #tpu.memory_space<semaphore_mem>>) src(%dma_wait3A_213 : memref<112xi32, #tpu.memory_space<hbm>>) dst(%arg9 : memref<112xi32, #tpu.memory_space<vmem>>)
          %dma_start3A_214 = arith.constant 0 : i32
          %dma_start3A_215 = arith.constant 0 : i32
          %dma_start3A_216 = tpu.memref_slice %arg4[%dma_start3A_214, %dma_start3A_215] : memref<20000x128xf32, #tpu.memory_space<hbm>> -> memref<20000x128xf32, #tpu.memory_space<hbm>>
          tpu.enqueue_indirect_dma source(%dma_start3A_216 : memref<20000x128xf32, #tpu.memory_space<hbm>>) target(%arg12 : memref<112x128xf32, #tpu.memory_space<vmem>>) offsets(%arg6 : memref<112xi32, #tpu.memory_space<vmem>>) semaphore(%arg19 : memref<!tpu.dma_semaphore, #tpu.memory_space<semaphore_mem>>)
        } else {
        }
        %add3A_198 = arith.constant 2 : i32
        %add3A_199 = arith.addi %scan3A_128, %add3A_198 : i32
        %lt3A_200 = arith.constant 179 : i32
        %lt3A_201 = arith.cmpi slt, %add3A_199, %lt3A_200 : i32
        %convert_element_type3A_202 = arith.extui %lt3A_201 : i1 to i32
        %cond3A_203 = arith.constant 0 : i32
        %cond3A_204 = arith.cmpi ne, %convert_element_type3A_202, %cond3A_203 : i32
        scf.if %cond3A_204 {
          %add3A_205 = arith.constant 2 : i32
          %add3A_206 = arith.addi %scan3A_128, %add3A_205 : i32
          %ge3A = arith.constant 3 : i32
          %ge3A_207 = arith.cmpi sge, %add3A_206, %ge3A : i32
          %convert_element_type3A_208 = arith.extui %ge3A_207 : i1 to i32
          %cond3A_209 = arith.constant 0 : i32
          %cond3A_210 = arith.cmpi ne, %convert_element_type3A_208, %cond3A_209 : i32
          scf.if %cond3A_210 {
            %dma_wait3A_220 = arith.constant 0 : i32
            %dma_wait3A_221 = arith.constant 0 : i32
            %dma_wait3A_222 = tpu.memref_slice %arg15[%dma_wait3A_220, %dma_wait3A_221] : memref<10240x128xf32, #tpu.memory_space<vmem_shared>> -> memref<10240x128xf32, #tpu.memory_space<vmem_shared>>
            tpu.wait_indirect_dma semaphore(%arg23 : memref<!tpu.dma_semaphore, #tpu.memory_space<semaphore_mem>>) src(%arg13 : memref<112x128xf32, #tpu.memory_space<vmem>>) dst(%dma_wait3A_222 : memref<10240x128xf32, #tpu.memory_space<vmem_shared>>)
          } else {
          }
          %add3A_211 = arith.constant 2 : i32
          %add3A_212 = arith.addi %scan3A_128, %add3A_211 : i32
          %mul3A_213 = arith.constant 112 : i32
          %mul3A_214 = arith.muli %add3A_212, %mul3A_213 : i32
          %add3A_215 = arith.addi %add3A_51, %mul3A_214 : i32
          %dma_start3A_216 = tpu.memref_slice %arg2[%add3A_215] : memref<641536xi32, #tpu.memory_space<hbm>> -> memref<112xi32, #tpu.memory_space<hbm>>
          %dma_start3A_217 = tpu.memref_slice %arg2[%add3A_215] : memref<641536xi32, #tpu.memory_space<hbm>> -> memref<112xi32, #tpu.memory_space<hbm>>
          tpu.enqueue_dma source(%dma_start3A_217 : memref<112xi32, #tpu.memory_space<hbm>>) target(%arg7 : memref<112xi32, #tpu.memory_space<vmem>>) target_semaphore(%arg17 : memref<!tpu.dma_semaphore, #tpu.memory_space<semaphore_mem>>)
          %dma_start3A_218 = tpu.memref_slice %arg3[%add3A_215] : memref<641536xi32, #tpu.memory_space<hbm>> -> memref<112xi32, #tpu.memory_space<hbm>>
          %dma_start3A_219 = tpu.memref_slice %arg3[%add3A_215] : memref<641536xi32, #tpu.memory_space<hbm>> -> memref<112xi32, #tpu.memory_space<hbm>>
          tpu.enqueue_dma source(%dma_start3A_219 : memref<112xi32, #tpu.memory_space<hbm>>) target(%arg10 : memref<112xi32, #tpu.memory_space<vmem>>) target_semaphore(%arg17 : memref<!tpu.dma_semaphore, #tpu.memory_space<semaphore_mem>>)
        } else {
        }
      } else {
      }
      %scan3A_184 = arith.constant 0 : i32
      scf.yield %scan3A_184 : i32
    }
    %scan3A_77 = arith.constant 179 : i32
    %dma_wait3A_78 = arith.constant 0 : i32
    %dma_wait3A_79 = arith.constant 0 : i32
    %dma_wait3A_80 = tpu.memref_slice %arg15[%dma_wait3A_78, %dma_wait3A_79] : memref<10240x128xf32, #tpu.memory_space<vmem_shared>> -> memref<10240x128xf32, #tpu.memory_space<vmem_shared>>
    tpu.wait_indirect_dma semaphore(%arg22 : memref<!tpu.dma_semaphore, #tpu.memory_space<semaphore_mem>>) src(%arg12 : memref<112x128xf32, #tpu.memory_space<vmem>>) dst(%dma_wait3A_80 : memref<10240x128xf32, #tpu.memory_space<vmem_shared>>)
    %dma_wait3A_81 = arith.constant 0 : i32
    %dma_wait3A_82 = arith.constant 0 : i32
    %dma_wait3A_83 = tpu.memref_slice %arg15[%dma_wait3A_81, %dma_wait3A_82] : memref<10240x128xf32, #tpu.memory_space<vmem_shared>> -> memref<10240x128xf32, #tpu.memory_space<vmem_shared>>
    tpu.wait_indirect_dma semaphore(%arg23 : memref<!tpu.dma_semaphore, #tpu.memory_space<semaphore_mem>>) src(%arg13 : memref<112x128xf32, #tpu.memory_space<vmem>>) dst(%dma_wait3A_83 : memref<10240x128xf32, #tpu.memory_space<vmem_shared>>)
    %dma_wait3A_84 = arith.constant 0 : i32
    %dma_wait3A_85 = arith.constant 0 : i32
    %dma_wait3A_86 = tpu.memref_slice %arg15[%dma_wait3A_84, %dma_wait3A_85] : memref<10240x128xf32, #tpu.memory_space<vmem_shared>> -> memref<10240x128xf32, #tpu.memory_space<vmem_shared>>
    tpu.wait_indirect_dma semaphore(%arg24 : memref<!tpu.dma_semaphore, #tpu.memory_space<semaphore_mem>>) src(%arg14 : memref<112x128xf32, #tpu.memory_space<vmem>>) dst(%dma_wait3A_86 : memref<10240x128xf32, #tpu.memory_space<vmem_shared>>)
    %barrier3A_87 = arith.constant 0 : index
    tpu.barrier barrier_id(%barrier3A_87)
    %mul3A_88 = arith.constant 640 : i32
    %mul3A_89 = arith.muli %arg1, %mul3A_88 : i32
    %add3A_90 = arith.constant 0 : i32
    %add3A_91 = arith.addi %mul3A_89, %add3A_90 : i32
    "tpu.region"() ({
      %run_scoped3A = tpu.sem_alloc : memref<!tpu.dma_semaphore, #tpu.memory_space<semaphore_mem>>
      %dma_start3A_128 = arith.constant 0 : i32
      %dma_start3A_129 = arith.constant 0 : i32
      %dma_start3A_130 = tpu.memref_slice %arg12[%dma_start3A_128, %dma_start3A_129] : memref<112x128xf32, #tpu.memory_space<vmem>> -> memref<64x128xf32, #tpu.memory_space<vmem>>
      %dma_start3A_131 = arith.constant 0 : i32
      %dma_start3A_132 = tpu.memref_slice %arg15[%add3A_91, %dma_start3A_131] : memref<10240x128xf32, #tpu.memory_space<vmem_shared>> -> memref<64x128xf32, #tpu.memory_space<vmem_shared>>
      %dma_start3A_133 = arith.constant 0 : i32
      %dma_start3A_134 = arith.constant 0 : i32
      %dma_start3A_135 = tpu.memref_slice %arg12[%dma_start3A_133, %dma_start3A_134] : memref<112x128xf32, #tpu.memory_space<vmem>> -> memref<64x128xf32, #tpu.memory_space<vmem>>
      %dma_start3A_136 = arith.constant 0 : i32
      %dma_start3A_137 = tpu.memref_slice %arg15[%add3A_91, %dma_start3A_136] : memref<10240x128xf32, #tpu.memory_space<vmem_shared>> -> memref<64x128xf32, #tpu.memory_space<vmem_shared>>
      tpu.enqueue_dma source(%dma_start3A_137 : memref<64x128xf32, #tpu.memory_space<vmem_shared>>) target(%dma_start3A_135 : memref<64x128xf32, #tpu.memory_space<vmem>>) target_semaphore(%run_scoped3A : memref<!tpu.dma_semaphore, #tpu.memory_space<semaphore_mem>>)
      %dma_wait3A_138 = arith.constant 0 : i32
      %dma_wait3A_139 = arith.constant 0 : i32
      %dma_wait3A_140 = tpu.memref_slice %arg12[%dma_wait3A_138, %dma_wait3A_139] : memref<112x128xf32, #tpu.memory_space<vmem>> -> memref<64x128xf32, #tpu.memory_space<vmem>>
      %dma_wait3A_141 = arith.constant 0 : i32
      %dma_wait3A_142 = tpu.memref_slice %arg15[%add3A_91, %dma_wait3A_141] : memref<10240x128xf32, #tpu.memory_space<vmem_shared>> -> memref<64x128xf32, #tpu.memory_space<vmem_shared>>
      %dma_wait3A_143 = arith.constant 0 : i32
      %dma_wait3A_144 = arith.constant 0 : i32
      %dma_wait3A_145 = tpu.memref_slice %arg12[%dma_wait3A_143, %dma_wait3A_144] : memref<112x128xf32, #tpu.memory_space<vmem>> -> memref<64x128xf32, #tpu.memory_space<vmem>>
      %dma_wait3A_146 = arith.constant 0 : i32
      %dma_wait3A_147 = tpu.memref_slice %arg15[%add3A_91, %dma_wait3A_146] : memref<10240x128xf32, #tpu.memory_space<vmem_shared>> -> memref<64x128xf32, #tpu.memory_space<vmem_shared>>
      tpu.wait_dma2 semaphore(%run_scoped3A : memref<!tpu.dma_semaphore, #tpu.memory_space<semaphore_mem>>) src(%dma_wait3A_147 : memref<64x128xf32, #tpu.memory_space<vmem_shared>>) dst(%dma_wait3A_145 : memref<64x128xf32, #tpu.memory_space<vmem>>)
      tpu.yield
    }) : () -> ()
    "tpu.region"() ({
      %run_scoped3A = tpu.sem_alloc : memref<!tpu.dma_semaphore, #tpu.memory_space<semaphore_mem>>
      %dma_start3A_128 = arith.constant 0 : i32
      %dma_start3A_129 = arith.constant 0 : i32
      %dma_start3A_130 = tpu.memref_slice %arg12[%dma_start3A_128, %dma_start3A_129] : memref<112x128xf32, #tpu.memory_space<vmem>> -> memref<64x128xf32, #tpu.memory_space<vmem>>
      %dma_start3A_131 = arith.constant 0 : i32
      %dma_start3A_132 = tpu.memref_slice %arg5[%arg0, %add3A_91, %dma_start3A_131] : memref<2x10240x128xf32, #tpu.memory_space<hbm>> -> memref<1x64x128xf32, #tpu.memory_space<hbm>>
      %dma_start3A_133 = tpu.memref_squeeze %dma_start3A_132 : memref<1x64x128xf32, #tpu.memory_space<hbm>> -> memref<64x128xf32, #tpu.memory_space<hbm>>
      %dma_start3A_134 = arith.constant 0 : i32
      %dma_start3A_135 = tpu.memref_slice %arg5[%arg0, %add3A_91, %dma_start3A_134] : memref<2x10240x128xf32, #tpu.memory_space<hbm>> -> memref<1x64x128xf32, #tpu.memory_space<hbm>>
      %dma_start3A_136 = tpu.memref_squeeze %dma_start3A_135 : memref<1x64x128xf32, #tpu.memory_space<hbm>> -> memref<64x128xf32, #tpu.memory_space<hbm>>
      %dma_start3A_137 = arith.constant 0 : i32
      %dma_start3A_138 = arith.constant 0 : i32
      %dma_start3A_139 = tpu.memref_slice %arg12[%dma_start3A_137, %dma_start3A_138] : memref<112x128xf32, #tpu.memory_space<vmem>> -> memref<64x128xf32, #tpu.memory_space<vmem>>
      tpu.enqueue_dma source(%dma_start3A_139 : memref<64x128xf32, #tpu.memory_space<vmem>>) target(%dma_start3A_136 : memref<64x128xf32, #tpu.memory_space<hbm>>) target_semaphore(%run_scoped3A : memref<!tpu.dma_semaphore, #tpu.memory_space<semaphore_mem>>)
      %dma_wait3A_140 = arith.constant 0 : i32
      %dma_wait3A_141 = arith.constant 0 : i32
      %dma_wait3A_142 = tpu.memref_slice %arg12[%dma_wait3A_140, %dma_wait3A_141] : memref<112x128xf32, #tpu.memory_space<vmem>> -> memref<64x128xf32, #tpu.memory_space<vmem>>
      %dma_wait3A_143 = arith.constant 0 : i32
      %dma_wait3A_144 = tpu.memref_slice %arg5[%arg0, %add3A_91, %dma_wait3A_143] : memref<2x10240x128xf32, #tpu.memory_space<hbm>> -> memref<1x64x128xf32, #tpu.memory_space<hbm>>
      %dma_wait3A_145 = tpu.memref_squeeze %dma_wait3A_144 : memref<1x64x128xf32, #tpu.memory_space<hbm>> -> memref<64x128xf32, #tpu.memory_space<hbm>>
      %dma_wait3A_146 = arith.constant 0 : i32
      %dma_wait3A_147 = tpu.memref_slice %arg5[%arg0, %add3A_91, %dma_wait3A_146] : memref<2x10240x128xf32, #tpu.memory_space<hbm>> -> memref<1x64x128xf32, #tpu.memory_space<hbm>>
      %dma_wait3A_148 = tpu.memref_squeeze %dma_wait3A_147 : memref<1x64x128xf32, #tpu.memory_space<hbm>> -> memref<64x128xf32, #tpu.memory_space<hbm>>
      %dma_wait3A_149 = arith.constant 0 : i32
      %dma_wait3A_150 = arith.constant 0 : i32
      %dma_wait3A_151 = tpu.memref_slice %arg12[%dma_wait3A_149, %dma_wait3A_150] : memref<112x128xf32, #tpu.memory_space<vmem>> -> memref<64x128xf32, #tpu.memory_space<vmem>>
      tpu.wait_dma2 semaphore(%run_scoped3A : memref<!tpu.dma_semaphore, #tpu.memory_space<semaphore_mem>>) src(%dma_wait3A_151 : memref<64x128xf32, #tpu.memory_space<vmem>>) dst(%dma_wait3A_148 : memref<64x128xf32, #tpu.memory_space<hbm>>)
      tpu.yield
    }) : () -> ()
    %mul3A_92 = arith.constant 640 : i32
    %mul3A_93 = arith.muli %arg1, %mul3A_92 : i32
    %add3A_94 = arith.constant 64 : i32
    %add3A_95 = arith.addi %mul3A_93, %add3A_94 : i32
    "tpu.region"() ({
      %run_scoped3A = tpu.sem_alloc : memref<!tpu.dma_semaphore, #tpu.memory_space<semaphore_mem>>
      %dma_start3A_128 = arith.constant 0 : i32
      %dma_start3A_129 = arith.constant 0 : i32
      %dma_start3A_130 = tpu.memref_slice %arg12[%dma_start3A_128, %dma_start3A_129] : memref<112x128xf32, #tpu.memory_space<vmem>> -> memref<64x128xf32, #tpu.memory_space<vmem>>
      %dma_start3A_131 = arith.constant 0 : i32
      %dma_start3A_132 = tpu.memref_slice %arg15[%add3A_95, %dma_start3A_131] : memref<10240x128xf32, #tpu.memory_space<vmem_shared>> -> memref<64x128xf32, #tpu.memory_space<vmem_shared>>
      %dma_start3A_133 = arith.constant 0 : i32
      %dma_start3A_134 = arith.constant 0 : i32
      %dma_start3A_135 = tpu.memref_slice %arg12[%dma_start3A_133, %dma_start3A_134] : memref<112x128xf32, #tpu.memory_space<vmem>> -> memref<64x128xf32, #tpu.memory_space<vmem>>
      %dma_start3A_136 = arith.constant 0 : i32
      %dma_start3A_137 = tpu.memref_slice %arg15[%add3A_95, %dma_start3A_136] : memref<10240x128xf32, #tpu.memory_space<vmem_shared>> -> memref<64x128xf32, #tpu.memory_space<vmem_shared>>
      tpu.enqueue_dma source(%dma_start3A_137 : memref<64x128xf32, #tpu.memory_space<vmem_shared>>) target(%dma_start3A_135 : memref<64x128xf32, #tpu.memory_space<vmem>>) target_semaphore(%run_scoped3A : memref<!tpu.dma_semaphore, #tpu.memory_space<semaphore_mem>>)
      %dma_wait3A_138 = arith.constant 0 : i32
      %dma_wait3A_139 = arith.constant 0 : i32
      %dma_wait3A_140 = tpu.memref_slice %arg12[%dma_wait3A_138, %dma_wait3A_139] : memref<112x128xf32, #tpu.memory_space<vmem>> -> memref<64x128xf32, #tpu.memory_space<vmem>>
      %dma_wait3A_141 = arith.constant 0 : i32
      %dma_wait3A_142 = tpu.memref_slice %arg15[%add3A_95, %dma_wait3A_141] : memref<10240x128xf32, #tpu.memory_space<vmem_shared>> -> memref<64x128xf32, #tpu.memory_space<vmem_shared>>
      %dma_wait3A_143 = arith.constant 0 : i32
      %dma_wait3A_144 = arith.constant 0 : i32
      %dma_wait3A_145 = tpu.memref_slice %arg12[%dma_wait3A_143, %dma_wait3A_144] : memref<112x128xf32, #tpu.memory_space<vmem>> -> memref<64x128xf32, #tpu.memory_space<vmem>>
      %dma_wait3A_146 = arith.constant 0 : i32
      %dma_wait3A_147 = tpu.memref_slice %arg15[%add3A_95, %dma_wait3A_146] : memref<10240x128xf32, #tpu.memory_space<vmem_shared>> -> memref<64x128xf32, #tpu.memory_space<vmem_shared>>
      tpu.wait_dma2 semaphore(%run_scoped3A : memref<!tpu.dma_semaphore, #tpu.memory_space<semaphore_mem>>) src(%dma_wait3A_147 : memref<64x128xf32, #tpu.memory_space<vmem_shared>>) dst(%dma_wait3A_145 : memref<64x128xf32, #tpu.memory_space<vmem>>)
      tpu.yield
    }) : () -> ()
    "tpu.region"() ({
      %run_scoped3A = tpu.sem_alloc : memref<!tpu.dma_semaphore, #tpu.memory_space<semaphore_mem>>
      %dma_start3A_128 = arith.constant 0 : i32
      %dma_start3A_129 = arith.constant 0 : i32
      %dma_start3A_130 = tpu.memref_slice %arg12[%dma_start3A_128, %dma_start3A_129] : memref<112x128xf32, #tpu.memory_space<vmem>> -> memref<64x128xf32, #tpu.memory_space<vmem>>
      %dma_start3A_131 = arith.constant 0 : i32
      %dma_start3A_132 = tpu.memref_slice %arg5[%arg0, %add3A_95, %dma_start3A_131] : memref<2x10240x128xf32, #tpu.memory_space<hbm>> -> memref<1x64x128xf32, #tpu.memory_space<hbm>>
      %dma_start3A_133 = tpu.memref_squeeze %dma_start3A_132 : memref<1x64x128xf32, #tpu.memory_space<hbm>> -> memref<64x128xf32, #tpu.memory_space<hbm>>
      %dma_start3A_134 = arith.constant 0 : i32
      %dma_start3A_135 = tpu.memref_slice %arg5[%arg0, %add3A_95, %dma_start3A_134] : memref<2x10240x128xf32, #tpu.memory_space<hbm>> -> memref<1x64x128xf32, #tpu.memory_space<hbm>>
      %dma_start3A_136 = tpu.memref_squeeze %dma_start3A_135 : memref<1x64x128xf32, #tpu.memory_space<hbm>> -> memref<64x128xf32, #tpu.memory_space<hbm>>
      %dma_start3A_137 = arith.constant 0 : i32
      %dma_start3A_138 = arith.constant 0 : i32
      %dma_start3A_139 = tpu.memref_slice %arg12[%dma_start3A_137, %dma_start3A_138] : memref<112x128xf32, #tpu.memory_space<vmem>> -> memref<64x128xf32, #tpu.memory_space<vmem>>
      tpu.enqueue_dma source(%dma_start3A_139 : memref<64x128xf32, #tpu.memory_space<vmem>>) target(%dma_start3A_136 : memref<64x128xf32, #tpu.memory_space<hbm>>) target_semaphore(%run_scoped3A : memref<!tpu.dma_semaphore, #tpu.memory_space<semaphore_mem>>)
      %dma_wait3A_140 = arith.constant 0 : i32
      %dma_wait3A_141 = arith.constant 0 : i32
      %dma_wait3A_142 = tpu.memref_slice %arg12[%dma_wait3A_140, %dma_wait3A_141] : memref<112x128xf32, #tpu.memory_space<vmem>> -> memref<64x128xf32, #tpu.memory_space<vmem>>
      %dma_wait3A_143 = arith.constant 0 : i32
      %dma_wait3A_144 = tpu.memref_slice %arg5[%arg0, %add3A_95, %dma_wait3A_143] : memref<2x10240x128xf32, #tpu.memory_space<hbm>> -> memref<1x64x128xf32, #tpu.memory_space<hbm>>
      %dma_wait3A_145 = tpu.memref_squeeze %dma_wait3A_144 : memref<1x64x128xf32, #tpu.memory_space<hbm>> -> memref<64x128xf32, #tpu.memory_space<hbm>>
      %dma_wait3A_146 = arith.constant 0 : i32
      %dma_wait3A_147 = tpu.memref_slice %arg5[%arg0, %add3A_95, %dma_wait3A_146] : memref<2x10240x128xf32, #tpu.memory_space<hbm>> -> memref<1x64x128xf32, #tpu.memory_space<hbm>>
      %dma_wait3A_148 = tpu.memref_squeeze %dma_wait3A_147 : memref<1x64x128xf32, #tpu.memory_space<hbm>> -> memref<64x128xf32, #tpu.memory_space<hbm>>
      %dma_wait3A_149 = arith.constant 0 : i32
      %dma_wait3A_150 = arith.constant 0 : i32
      %dma_wait3A_151 = tpu.memref_slice %arg12[%dma_wait3A_149, %dma_wait3A_150] : memref<112x128xf32, #tpu.memory_space<vmem>> -> memref<64x128xf32, #tpu.memory_space<vmem>>
      tpu.wait_dma2 semaphore(%run_scoped3A : memref<!tpu.dma_semaphore, #tpu.memory_space<semaphore_mem>>) src(%dma_wait3A_151 : memref<64x128xf32, #tpu.memory_space<vmem>>) dst(%dma_wait3A_148 : memref<64x128xf32, #tpu.memory_space<hbm>>)
      tpu.yield
    }) : () -> ()
    %mul3A_96 = arith.constant 640 : i32
    %mul3A_97 = arith.muli %arg1, %mul3A_96 : i32
    %add3A_98 = arith.constant 128 : i32
    %add3A_99 = arith.addi %mul3A_97, %add3A_98 : i32
    "tpu.region"() ({
      %run_scoped3A = tpu.sem_alloc : memref<!tpu.dma_semaphore, #tpu.memory_space<semaphore_mem>>
      %dma_start3A_128 = arith.constant 0 : i32
      %dma_start3A_129 = arith.constant 0 : i32
      %dma_start3A_130 = tpu.memref_slice %arg12[%dma_start3A_128, %dma_start3A_129] : memref<112x128xf32, #tpu.memory_space<vmem>> -> memref<64x128xf32, #tpu.memory_space<vmem>>
      %dma_start3A_131 = arith.constant 0 : i32
      %dma_start3A_132 = tpu.memref_slice %arg15[%add3A_99, %dma_start3A_131] : memref<10240x128xf32, #tpu.memory_space<vmem_shared>> -> memref<64x128xf32, #tpu.memory_space<vmem_shared>>
      %dma_start3A_133 = arith.constant 0 : i32
      %dma_start3A_134 = arith.constant 0 : i32
      %dma_start3A_135 = tpu.memref_slice %arg12[%dma_start3A_133, %dma_start3A_134] : memref<112x128xf32, #tpu.memory_space<vmem>> -> memref<64x128xf32, #tpu.memory_space<vmem>>
      %dma_start3A_136 = arith.constant 0 : i32
      %dma_start3A_137 = tpu.memref_slice %arg15[%add3A_99, %dma_start3A_136] : memref<10240x128xf32, #tpu.memory_space<vmem_shared>> -> memref<64x128xf32, #tpu.memory_space<vmem_shared>>
      tpu.enqueue_dma source(%dma_start3A_137 : memref<64x128xf32, #tpu.memory_space<vmem_shared>>) target(%dma_start3A_135 : memref<64x128xf32, #tpu.memory_space<vmem>>) target_semaphore(%run_scoped3A : memref<!tpu.dma_semaphore, #tpu.memory_space<semaphore_mem>>)
      %dma_wait3A_138 = arith.constant 0 : i32
      %dma_wait3A_139 = arith.constant 0 : i32
      %dma_wait3A_140 = tpu.memref_slice %arg12[%dma_wait3A_138, %dma_wait3A_139] : memref<112x128xf32, #tpu.memory_space<vmem>> -> memref<64x128xf32, #tpu.memory_space<vmem>>
      %dma_wait3A_141 = arith.constant 0 : i32
      %dma_wait3A_142 = tpu.memref_slice %arg15[%add3A_99, %dma_wait3A_141] : memref<10240x128xf32, #tpu.memory_space<vmem_shared>> -> memref<64x128xf32, #tpu.memory_space<vmem_shared>>
      %dma_wait3A_143 = arith.constant 0 : i32
      %dma_wait3A_144 = arith.constant 0 : i32
      %dma_wait3A_145 = tpu.memref_slice %arg12[%dma_wait3A_143, %dma_wait3A_144] : memref<112x128xf32, #tpu.memory_space<vmem>> -> memref<64x128xf32, #tpu.memory_space<vmem>>
      %dma_wait3A_146 = arith.constant 0 : i32
      %dma_wait3A_147 = tpu.memref_slice %arg15[%add3A_99, %dma_wait3A_146] : memref<10240x128xf32, #tpu.memory_space<vmem_shared>> -> memref<64x128xf32, #tpu.memory_space<vmem_shared>>
      tpu.wait_dma2 semaphore(%run_scoped3A : memref<!tpu.dma_semaphore, #tpu.memory_space<semaphore_mem>>) src(%dma_wait3A_147 : memref<64x128xf32, #tpu.memory_space<vmem_shared>>) dst(%dma_wait3A_145 : memref<64x128xf32, #tpu.memory_space<vmem>>)
      tpu.yield
    }) : () -> ()
    "tpu.region"() ({
      %run_scoped3A = tpu.sem_alloc : memref<!tpu.dma_semaphore, #tpu.memory_space<semaphore_mem>>
      %dma_start3A_128 = arith.constant 0 : i32
      %dma_start3A_129 = arith.constant 0 : i32
      %dma_start3A_130 = tpu.memref_slice %arg12[%dma_start3A_128, %dma_start3A_129] : memref<112x128xf32, #tpu.memory_space<vmem>> -> memref<64x128xf32, #tpu.memory_space<vmem>>
      %dma_start3A_131 = arith.constant 0 : i32
      %dma_start3A_132 = tpu.memref_slice %arg5[%arg0, %add3A_99, %dma_start3A_131] : memref<2x10240x128xf32, #tpu.memory_space<hbm>> -> memref<1x64x128xf32, #tpu.memory_space<hbm>>
      %dma_start3A_133 = tpu.memref_squeeze %dma_start3A_132 : memref<1x64x128xf32, #tpu.memory_space<hbm>> -> memref<64x128xf32, #tpu.memory_space<hbm>>
      %dma_start3A_134 = arith.constant 0 : i32
      %dma_start3A_135 = tpu.memref_slice %arg5[%arg0, %add3A_99, %dma_start3A_134] : memref<2x10240x128xf32, #tpu.memory_space<hbm>> -> memref<1x64x128xf32, #tpu.memory_space<hbm>>
      %dma_start3A_136 = tpu.memref_squeeze %dma_start3A_135 : memref<1x64x128xf32, #tpu.memory_space<hbm>> -> memref<64x128xf32, #tpu.memory_space<hbm>>
      %dma_start3A_137 = arith.constant 0 : i32
      %dma_start3A_138 = arith.constant 0 : i32
      %dma_start3A_139 = tpu.memref_slice %arg12[%dma_start3A_137, %dma_start3A_138] : memref<112x128xf32, #tpu.memory_space<vmem>> -> memref<64x128xf32, #tpu.memory_space<vmem>>
      tpu.enqueue_dma source(%dma_start3A_139 : memref<64x128xf32, #tpu.memory_space<vmem>>) target(%dma_start3A_136 : memref<64x128xf32, #tpu.memory_space<hbm>>) target_semaphore(%run_scoped3A : memref<!tpu.dma_semaphore, #tpu.memory_space<semaphore_mem>>)
      %dma_wait3A_140 = arith.constant 0 : i32
      %dma_wait3A_141 = arith.constant 0 : i32
      %dma_wait3A_142 = tpu.memref_slice %arg12[%dma_wait3A_140, %dma_wait3A_141] : memref<112x128xf32, #tpu.memory_space<vmem>> -> memref<64x128xf32, #tpu.memory_space<vmem>>
      %dma_wait3A_143 = arith.constant 0 : i32
      %dma_wait3A_144 = tpu.memref_slice %arg5[%arg0, %add3A_99, %dma_wait3A_143] : memref<2x10240x128xf32, #tpu.memory_space<hbm>> -> memref<1x64x128xf32, #tpu.memory_space<hbm>>
      %dma_wait3A_145 = tpu.memref_squeeze %dma_wait3A_144 : memref<1x64x128xf32, #tpu.memory_space<hbm>> -> memref<64x128xf32, #tpu.memory_space<hbm>>
      %dma_wait3A_146 = arith.constant 0 : i32
      %dma_wait3A_147 = tpu.memref_slice %arg5[%arg0, %add3A_99, %dma_wait3A_146] : memref<2x10240x128xf32, #tpu.memory_space<hbm>> -> memref<1x64x128xf32, #tpu.memory_space<hbm>>
      %dma_wait3A_148 = tpu.memref_squeeze %dma_wait3A_147 : memref<1x64x128xf32, #tpu.memory_space<hbm>> -> memref<64x128xf32, #tpu.memory_space<hbm>>
      %dma_wait3A_149 = arith.constant 0 : i32
      %dma_wait3A_150 = arith.constant 0 : i32
      %dma_wait3A_151 = tpu.memref_slice %arg12[%dma_wait3A_149, %dma_wait3A_150] : memref<112x128xf32, #tpu.memory_space<vmem>> -> memref<64x128xf32, #tpu.memory_space<vmem>>
      tpu.wait_dma2 semaphore(%run_scoped3A : memref<!tpu.dma_semaphore, #tpu.memory_space<semaphore_mem>>) src(%dma_wait3A_151 : memref<64x128xf32, #tpu.memory_space<vmem>>) dst(%dma_wait3A_148 : memref<64x128xf32, #tpu.memory_space<hbm>>)
      tpu.yield
    }) : () -> ()
    %mul3A_100 = arith.constant 640 : i32
    %mul3A_101 = arith.muli %arg1, %mul3A_100 : i32
    %add3A_102 = arith.constant 192 : i32
    %add3A_103 = arith.addi %mul3A_101, %add3A_102 : i32
    "tpu.region"() ({
      %run_scoped3A = tpu.sem_alloc : memref<!tpu.dma_semaphore, #tpu.memory_space<semaphore_mem>>
      %dma_start3A_128 = arith.constant 0 : i32
      %dma_start3A_129 = arith.constant 0 : i32
      %dma_start3A_130 = tpu.memref_slice %arg12[%dma_start3A_128, %dma_start3A_129] : memref<112x128xf32, #tpu.memory_space<vmem>> -> memref<64x128xf32, #tpu.memory_space<vmem>>
      %dma_start3A_131 = arith.constant 0 : i32
      %dma_start3A_132 = tpu.memref_slice %arg15[%add3A_103, %dma_start3A_131] : memref<10240x128xf32, #tpu.memory_space<vmem_shared>> -> memref<64x128xf32, #tpu.memory_space<vmem_shared>>
      %dma_start3A_133 = arith.constant 0 : i32
      %dma_start3A_134 = arith.constant 0 : i32
      %dma_start3A_135 = tpu.memref_slice %arg12[%dma_start3A_133, %dma_start3A_134] : memref<112x128xf32, #tpu.memory_space<vmem>> -> memref<64x128xf32, #tpu.memory_space<vmem>>
      %dma_start3A_136 = arith.constant 0 : i32
      %dma_start3A_137 = tpu.memref_slice %arg15[%add3A_103, %dma_start3A_136] : memref<10240x128xf32, #tpu.memory_space<vmem_shared>> -> memref<64x128xf32, #tpu.memory_space<vmem_shared>>
      tpu.enqueue_dma source(%dma_start3A_137 : memref<64x128xf32, #tpu.memory_space<vmem_shared>>) target(%dma_start3A_135 : memref<64x128xf32, #tpu.memory_space<vmem>>) target_semaphore(%run_scoped3A : memref<!tpu.dma_semaphore, #tpu.memory_space<semaphore_mem>>)
      %dma_wait3A_138 = arith.constant 0 : i32
      %dma_wait3A_139 = arith.constant 0 : i32
      %dma_wait3A_140 = tpu.memref_slice %arg12[%dma_wait3A_138, %dma_wait3A_139] : memref<112x128xf32, #tpu.memory_space<vmem>> -> memref<64x128xf32, #tpu.memory_space<vmem>>
      %dma_wait3A_141 = arith.constant 0 : i32
      %dma_wait3A_142 = tpu.memref_slice %arg15[%add3A_103, %dma_wait3A_141] : memref<10240x128xf32, #tpu.memory_space<vmem_shared>> -> memref<64x128xf32, #tpu.memory_space<vmem_shared>>
      %dma_wait3A_143 = arith.constant 0 : i32
      %dma_wait3A_144 = arith.constant 0 : i32
      %dma_wait3A_145 = tpu.memref_slice %arg12[%dma_wait3A_143, %dma_wait3A_144] : memref<112x128xf32, #tpu.memory_space<vmem>> -> memref<64x128xf32, #tpu.memory_space<vmem>>
      %dma_wait3A_146 = arith.constant 0 : i32
      %dma_wait3A_147 = tpu.memref_slice %arg15[%add3A_103, %dma_wait3A_146] : memref<10240x128xf32, #tpu.memory_space<vmem_shared>> -> memref<64x128xf32, #tpu.memory_space<vmem_shared>>
      tpu.wait_dma2 semaphore(%run_scoped3A : memref<!tpu.dma_semaphore, #tpu.memory_space<semaphore_mem>>) src(%dma_wait3A_147 : memref<64x128xf32, #tpu.memory_space<vmem_shared>>) dst(%dma_wait3A_145 : memref<64x128xf32, #tpu.memory_space<vmem>>)
      tpu.yield
    }) : () -> ()
    "tpu.region"() ({
      %run_scoped3A = tpu.sem_alloc : memref<!tpu.dma_semaphore, #tpu.memory_space<semaphore_mem>>
      %dma_start3A_128 = arith.constant 0 : i32
      %dma_start3A_129 = arith.constant 0 : i32
      %dma_start3A_130 = tpu.memref_slice %arg12[%dma_start3A_128, %dma_start3A_129] : memref<112x128xf32, #tpu.memory_space<vmem>> -> memref<64x128xf32, #tpu.memory_space<vmem>>
      %dma_start3A_131 = arith.constant 0 : i32
      %dma_start3A_132 = tpu.memref_slice %arg5[%arg0, %add3A_103, %dma_start3A_131] : memref<2x10240x128xf32, #tpu.memory_space<hbm>> -> memref<1x64x128xf32, #tpu.memory_space<hbm>>
      %dma_start3A_133 = tpu.memref_squeeze %dma_start3A_132 : memref<1x64x128xf32, #tpu.memory_space<hbm>> -> memref<64x128xf32, #tpu.memory_space<hbm>>
      %dma_start3A_134 = arith.constant 0 : i32
      %dma_start3A_135 = tpu.memref_slice %arg5[%arg0, %add3A_103, %dma_start3A_134] : memref<2x10240x128xf32, #tpu.memory_space<hbm>> -> memref<1x64x128xf32, #tpu.memory_space<hbm>>
      %dma_start3A_136 = tpu.memref_squeeze %dma_start3A_135 : memref<1x64x128xf32, #tpu.memory_space<hbm>> -> memref<64x128xf32, #tpu.memory_space<hbm>>
      %dma_start3A_137 = arith.constant 0 : i32
      %dma_start3A_138 = arith.constant 0 : i32
      %dma_start3A_139 = tpu.memref_slice %arg12[%dma_start3A_137, %dma_start3A_138] : memref<112x128xf32, #tpu.memory_space<vmem>> -> memref<64x128xf32, #tpu.memory_space<vmem>>
      tpu.enqueue_dma source(%dma_start3A_139 : memref<64x128xf32, #tpu.memory_space<vmem>>) target(%dma_start3A_136 : memref<64x128xf32, #tpu.memory_space<hbm>>) target_semaphore(%run_scoped3A : memref<!tpu.dma_semaphore, #tpu.memory_space<semaphore_mem>>)
      %dma_wait3A_140 = arith.constant 0 : i32
      %dma_wait3A_141 = arith.constant 0 : i32
      %dma_wait3A_142 = tpu.memref_slice %arg12[%dma_wait3A_140, %dma_wait3A_141] : memref<112x128xf32, #tpu.memory_space<vmem>> -> memref<64x128xf32, #tpu.memory_space<vmem>>
      %dma_wait3A_143 = arith.constant 0 : i32
      %dma_wait3A_144 = tpu.memref_slice %arg5[%arg0, %add3A_103, %dma_wait3A_143] : memref<2x10240x128xf32, #tpu.memory_space<hbm>> -> memref<1x64x128xf32, #tpu.memory_space<hbm>>
      %dma_wait3A_145 = tpu.memref_squeeze %dma_wait3A_144 : memref<1x64x128xf32, #tpu.memory_space<hbm>> -> memref<64x128xf32, #tpu.memory_space<hbm>>
      %dma_wait3A_146 = arith.constant 0 : i32
      %dma_wait3A_147 = tpu.memref_slice %arg5[%arg0, %add3A_103, %dma_wait3A_146] : memref<2x10240x128xf32, #tpu.memory_space<hbm>> -> memref<1x64x128xf32, #tpu.memory_space<hbm>>
      %dma_wait3A_148 = tpu.memref_squeeze %dma_wait3A_147 : memref<1x64x128xf32, #tpu.memory_space<hbm>> -> memref<64x128xf32, #tpu.memory_space<hbm>>
      %dma_wait3A_149 = arith.constant 0 : i32
      %dma_wait3A_150 = arith.constant 0 : i32
      %dma_wait3A_151 = tpu.memref_slice %arg12[%dma_wait3A_149, %dma_wait3A_150] : memref<112x128xf32, #tpu.memory_space<vmem>> -> memref<64x128xf32, #tpu.memory_space<vmem>>
      tpu.wait_dma2 semaphore(%run_scoped3A : memref<!tpu.dma_semaphore, #tpu.memory_space<semaphore_mem>>) src(%dma_wait3A_151 : memref<64x128xf32, #tpu.memory_space<vmem>>) dst(%dma_wait3A_148 : memref<64x128xf32, #tpu.memory_space<hbm>>)
      tpu.yield
    }) : () -> ()
    %mul3A_104 = arith.constant 640 : i32
    %mul3A_105 = arith.muli %arg1, %mul3A_104 : i32
    %add3A_106 = arith.constant 256 : i32
    %add3A_107 = arith.addi %mul3A_105, %add3A_106 : i32
    "tpu.region"() ({
      %run_scoped3A = tpu.sem_alloc : memref<!tpu.dma_semaphore, #tpu.memory_space<semaphore_mem>>
      %dma_start3A_128 = arith.constant 0 : i32
      %dma_start3A_129 = arith.constant 0 : i32
      %dma_start3A_130 = tpu.memref_slice %arg12[%dma_start3A_128, %dma_start3A_129] : memref<112x128xf32, #tpu.memory_space<vmem>> -> memref<64x128xf32, #tpu.memory_space<vmem>>
      %dma_start3A_131 = arith.constant 0 : i32
      %dma_start3A_132 = tpu.memref_slice %arg15[%add3A_107, %dma_start3A_131] : memref<10240x128xf32, #tpu.memory_space<vmem_shared>> -> memref<64x128xf32, #tpu.memory_space<vmem_shared>>
      %dma_start3A_133 = arith.constant 0 : i32
      %dma_start3A_134 = arith.constant 0 : i32
      %dma_start3A_135 = tpu.memref_slice %arg12[%dma_start3A_133, %dma_start3A_134] : memref<112x128xf32, #tpu.memory_space<vmem>> -> memref<64x128xf32, #tpu.memory_space<vmem>>
      %dma_start3A_136 = arith.constant 0 : i32
      %dma_start3A_137 = tpu.memref_slice %arg15[%add3A_107, %dma_start3A_136] : memref<10240x128xf32, #tpu.memory_space<vmem_shared>> -> memref<64x128xf32, #tpu.memory_space<vmem_shared>>
      tpu.enqueue_dma source(%dma_start3A_137 : memref<64x128xf32, #tpu.memory_space<vmem_shared>>) target(%dma_start3A_135 : memref<64x128xf32, #tpu.memory_space<vmem>>) target_semaphore(%run_scoped3A : memref<!tpu.dma_semaphore, #tpu.memory_space<semaphore_mem>>)
      %dma_wait3A_138 = arith.constant 0 : i32
      %dma_wait3A_139 = arith.constant 0 : i32
      %dma_wait3A_140 = tpu.memref_slice %arg12[%dma_wait3A_138, %dma_wait3A_139] : memref<112x128xf32, #tpu.memory_space<vmem>> -> memref<64x128xf32, #tpu.memory_space<vmem>>
      %dma_wait3A_141 = arith.constant 0 : i32
      %dma_wait3A_142 = tpu.memref_slice %arg15[%add3A_107, %dma_wait3A_141] : memref<10240x128xf32, #tpu.memory_space<vmem_shared>> -> memref<64x128xf32, #tpu.memory_space<vmem_shared>>
      %dma_wait3A_143 = arith.constant 0 : i32
      %dma_wait3A_144 = arith.constant 0 : i32
      %dma_wait3A_145 = tpu.memref_slice %arg12[%dma_wait3A_143, %dma_wait3A_144] : memref<112x128xf32, #tpu.memory_space<vmem>> -> memref<64x128xf32, #tpu.memory_space<vmem>>
      %dma_wait3A_146 = arith.constant 0 : i32
      %dma_wait3A_147 = tpu.memref_slice %arg15[%add3A_107, %dma_wait3A_146] : memref<10240x128xf32, #tpu.memory_space<vmem_shared>> -> memref<64x128xf32, #tpu.memory_space<vmem_shared>>
      tpu.wait_dma2 semaphore(%run_scoped3A : memref<!tpu.dma_semaphore, #tpu.memory_space<semaphore_mem>>) src(%dma_wait3A_147 : memref<64x128xf32, #tpu.memory_space<vmem_shared>>) dst(%dma_wait3A_145 : memref<64x128xf32, #tpu.memory_space<vmem>>)
      tpu.yield
    }) : () -> ()
    "tpu.region"() ({
      %run_scoped3A = tpu.sem_alloc : memref<!tpu.dma_semaphore, #tpu.memory_space<semaphore_mem>>
      %dma_start3A_128 = arith.constant 0 : i32
      %dma_start3A_129 = arith.constant 0 : i32
      %dma_start3A_130 = tpu.memref_slice %arg12[%dma_start3A_128, %dma_start3A_129] : memref<112x128xf32, #tpu.memory_space<vmem>> -> memref<64x128xf32, #tpu.memory_space<vmem>>
      %dma_start3A_131 = arith.constant 0 : i32
      %dma_start3A_132 = tpu.memref_slice %arg5[%arg0, %add3A_107, %dma_start3A_131] : memref<2x10240x128xf32, #tpu.memory_space<hbm>> -> memref<1x64x128xf32, #tpu.memory_space<hbm>>
      %dma_start3A_133 = tpu.memref_squeeze %dma_start3A_132 : memref<1x64x128xf32, #tpu.memory_space<hbm>> -> memref<64x128xf32, #tpu.memory_space<hbm>>
      %dma_start3A_134 = arith.constant 0 : i32
      %dma_start3A_135 = tpu.memref_slice %arg5[%arg0, %add3A_107, %dma_start3A_134] : memref<2x10240x128xf32, #tpu.memory_space<hbm>> -> memref<1x64x128xf32, #tpu.memory_space<hbm>>
      %dma_start3A_136 = tpu.memref_squeeze %dma_start3A_135 : memref<1x64x128xf32, #tpu.memory_space<hbm>> -> memref<64x128xf32, #tpu.memory_space<hbm>>
      %dma_start3A_137 = arith.constant 0 : i32
      %dma_start3A_138 = arith.constant 0 : i32
      %dma_start3A_139 = tpu.memref_slice %arg12[%dma_start3A_137, %dma_start3A_138] : memref<112x128xf32, #tpu.memory_space<vmem>> -> memref<64x128xf32, #tpu.memory_space<vmem>>
      tpu.enqueue_dma source(%dma_start3A_139 : memref<64x128xf32, #tpu.memory_space<vmem>>) target(%dma_start3A_136 : memref<64x128xf32, #tpu.memory_space<hbm>>) target_semaphore(%run_scoped3A : memref<!tpu.dma_semaphore, #tpu.memory_space<semaphore_mem>>)
      %dma_wait3A_140 = arith.constant 0 : i32
      %dma_wait3A_141 = arith.constant 0 : i32
      %dma_wait3A_142 = tpu.memref_slice %arg12[%dma_wait3A_140, %dma_wait3A_141] : memref<112x128xf32, #tpu.memory_space<vmem>> -> memref<64x128xf32, #tpu.memory_space<vmem>>
      %dma_wait3A_143 = arith.constant 0 : i32
      %dma_wait3A_144 = tpu.memref_slice %arg5[%arg0, %add3A_107, %dma_wait3A_143] : memref<2x10240x128xf32, #tpu.memory_space<hbm>> -> memref<1x64x128xf32, #tpu.memory_space<hbm>>
      %dma_wait3A_145 = tpu.memref_squeeze %dma_wait3A_144 : memref<1x64x128xf32, #tpu.memory_space<hbm>> -> memref<64x128xf32, #tpu.memory_space<hbm>>
      %dma_wait3A_146 = arith.constant 0 : i32
      %dma_wait3A_147 = tpu.memref_slice %arg5[%arg0, %add3A_107, %dma_wait3A_146] : memref<2x10240x128xf32, #tpu.memory_space<hbm>> -> memref<1x64x128xf32, #tpu.memory_space<hbm>>
      %dma_wait3A_148 = tpu.memref_squeeze %dma_wait3A_147 : memref<1x64x128xf32, #tpu.memory_space<hbm>> -> memref<64x128xf32, #tpu.memory_space<hbm>>
      %dma_wait3A_149 = arith.constant 0 : i32
      %dma_wait3A_150 = arith.constant 0 : i32
      %dma_wait3A_151 = tpu.memref_slice %arg12[%dma_wait3A_149, %dma_wait3A_150] : memref<112x128xf32, #tpu.memory_space<vmem>> -> memref<64x128xf32, #tpu.memory_space<vmem>>
      tpu.wait_dma2 semaphore(%run_scoped3A : memref<!tpu.dma_semaphore, #tpu.memory_space<semaphore_mem>>) src(%dma_wait3A_151 : memref<64x128xf32, #tpu.memory_space<vmem>>) dst(%dma_wait3A_148 : memref<64x128xf32, #tpu.memory_space<hbm>>)
      tpu.yield
    }) : () -> ()
    %mul3A_108 = arith.constant 640 : i32
    %mul3A_109 = arith.muli %arg1, %mul3A_108 : i32
    %add3A_110 = arith.constant 320 : i32
    %add3A_111 = arith.addi %mul3A_109, %add3A_110 : i32
    "tpu.region"() ({
      %run_scoped3A = tpu.sem_alloc : memref<!tpu.dma_semaphore, #tpu.memory_space<semaphore_mem>>
      %dma_start3A_128 = arith.constant 0 : i32
      %dma_start3A_129 = arith.constant 0 : i32
      %dma_start3A_130 = tpu.memref_slice %arg12[%dma_start3A_128, %dma_start3A_129] : memref<112x128xf32, #tpu.memory_space<vmem>> -> memref<64x128xf32, #tpu.memory_space<vmem>>
      %dma_start3A_131 = arith.constant 0 : i32
      %dma_start3A_132 = tpu.memref_slice %arg15[%add3A_111, %dma_start3A_131] : memref<10240x128xf32, #tpu.memory_space<vmem_shared>> -> memref<64x128xf32, #tpu.memory_space<vmem_shared>>
      %dma_start3A_133 = arith.constant 0 : i32
      %dma_start3A_134 = arith.constant 0 : i32
      %dma_start3A_135 = tpu.memref_slice %arg12[%dma_start3A_133, %dma_start3A_134] : memref<112x128xf32, #tpu.memory_space<vmem>> -> memref<64x128xf32, #tpu.memory_space<vmem>>
      %dma_start3A_136 = arith.constant 0 : i32
      %dma_start3A_137 = tpu.memref_slice %arg15[%add3A_111, %dma_start3A_136] : memref<10240x128xf32, #tpu.memory_space<vmem_shared>> -> memref<64x128xf32, #tpu.memory_space<vmem_shared>>
      tpu.enqueue_dma source(%dma_start3A_137 : memref<64x128xf32, #tpu.memory_space<vmem_shared>>) target(%dma_start3A_135 : memref<64x128xf32, #tpu.memory_space<vmem>>) target_semaphore(%run_scoped3A : memref<!tpu.dma_semaphore, #tpu.memory_space<semaphore_mem>>)
      %dma_wait3A_138 = arith.constant 0 : i32
      %dma_wait3A_139 = arith.constant 0 : i32
      %dma_wait3A_140 = tpu.memref_slice %arg12[%dma_wait3A_138, %dma_wait3A_139] : memref<112x128xf32, #tpu.memory_space<vmem>> -> memref<64x128xf32, #tpu.memory_space<vmem>>
      %dma_wait3A_141 = arith.constant 0 : i32
      %dma_wait3A_142 = tpu.memref_slice %arg15[%add3A_111, %dma_wait3A_141] : memref<10240x128xf32, #tpu.memory_space<vmem_shared>> -> memref<64x128xf32, #tpu.memory_space<vmem_shared>>
      %dma_wait3A_143 = arith.constant 0 : i32
      %dma_wait3A_144 = arith.constant 0 : i32
      %dma_wait3A_145 = tpu.memref_slice %arg12[%dma_wait3A_143, %dma_wait3A_144] : memref<112x128xf32, #tpu.memory_space<vmem>> -> memref<64x128xf32, #tpu.memory_space<vmem>>
      %dma_wait3A_146 = arith.constant 0 : i32
      %dma_wait3A_147 = tpu.memref_slice %arg15[%add3A_111, %dma_wait3A_146] : memref<10240x128xf32, #tpu.memory_space<vmem_shared>> -> memref<64x128xf32, #tpu.memory_space<vmem_shared>>
      tpu.wait_dma2 semaphore(%run_scoped3A : memref<!tpu.dma_semaphore, #tpu.memory_space<semaphore_mem>>) src(%dma_wait3A_147 : memref<64x128xf32, #tpu.memory_space<vmem_shared>>) dst(%dma_wait3A_145 : memref<64x128xf32, #tpu.memory_space<vmem>>)
      tpu.yield
    }) : () -> ()
    "tpu.region"() ({
      %run_scoped3A = tpu.sem_alloc : memref<!tpu.dma_semaphore, #tpu.memory_space<semaphore_mem>>
      %dma_start3A_128 = arith.constant 0 : i32
      %dma_start3A_129 = arith.constant 0 : i32
      %dma_start3A_130 = tpu.memref_slice %arg12[%dma_start3A_128, %dma_start3A_129] : memref<112x128xf32, #tpu.memory_space<vmem>> -> memref<64x128xf32, #tpu.memory_space<vmem>>
      %dma_start3A_131 = arith.constant 0 : i32
      %dma_start3A_132 = tpu.memref_slice %arg5[%arg0, %add3A_111, %dma_start3A_131] : memref<2x10240x128xf32, #tpu.memory_space<hbm>> -> memref<1x64x128xf32, #tpu.memory_space<hbm>>
      %dma_start3A_133 = tpu.memref_squeeze %dma_start3A_132 : memref<1x64x128xf32, #tpu.memory_space<hbm>> -> memref<64x128xf32, #tpu.memory_space<hbm>>
      %dma_start3A_134 = arith.constant 0 : i32
      %dma_start3A_135 = tpu.memref_slice %arg5[%arg0, %add3A_111, %dma_start3A_134] : memref<2x10240x128xf32, #tpu.memory_space<hbm>> -> memref<1x64x128xf32, #tpu.memory_space<hbm>>
      %dma_start3A_136 = tpu.memref_squeeze %dma_start3A_135 : memref<1x64x128xf32, #tpu.memory_space<hbm>> -> memref<64x128xf32, #tpu.memory_space<hbm>>
      %dma_start3A_137 = arith.constant 0 : i32
      %dma_start3A_138 = arith.constant 0 : i32
      %dma_start3A_139 = tpu.memref_slice %arg12[%dma_start3A_137, %dma_start3A_138] : memref<112x128xf32, #tpu.memory_space<vmem>> -> memref<64x128xf32, #tpu.memory_space<vmem>>
      tpu.enqueue_dma source(%dma_start3A_139 : memref<64x128xf32, #tpu.memory_space<vmem>>) target(%dma_start3A_136 : memref<64x128xf32, #tpu.memory_space<hbm>>) target_semaphore(%run_scoped3A : memref<!tpu.dma_semaphore, #tpu.memory_space<semaphore_mem>>)
      %dma_wait3A_140 = arith.constant 0 : i32
      %dma_wait3A_141 = arith.constant 0 : i32
      %dma_wait3A_142 = tpu.memref_slice %arg12[%dma_wait3A_140, %dma_wait3A_141] : memref<112x128xf32, #tpu.memory_space<vmem>> -> memref<64x128xf32, #tpu.memory_space<vmem>>
      %dma_wait3A_143 = arith.constant 0 : i32
      %dma_wait3A_144 = tpu.memref_slice %arg5[%arg0, %add3A_111, %dma_wait3A_143] : memref<2x10240x128xf32, #tpu.memory_space<hbm>> -> memref<1x64x128xf32, #tpu.memory_space<hbm>>
      %dma_wait3A_145 = tpu.memref_squeeze %dma_wait3A_144 : memref<1x64x128xf32, #tpu.memory_space<hbm>> -> memref<64x128xf32, #tpu.memory_space<hbm>>
      %dma_wait3A_146 = arith.constant 0 : i32
      %dma_wait3A_147 = tpu.memref_slice %arg5[%arg0, %add3A_111, %dma_wait3A_146] : memref<2x10240x128xf32, #tpu.memory_space<hbm>> -> memref<1x64x128xf32, #tpu.memory_space<hbm>>
      %dma_wait3A_148 = tpu.memref_squeeze %dma_wait3A_147 : memref<1x64x128xf32, #tpu.memory_space<hbm>> -> memref<64x128xf32, #tpu.memory_space<hbm>>
      %dma_wait3A_149 = arith.constant 0 : i32
      %dma_wait3A_150 = arith.constant 0 : i32
      %dma_wait3A_151 = tpu.memref_slice %arg12[%dma_wait3A_149, %dma_wait3A_150] : memref<112x128xf32, #tpu.memory_space<vmem>> -> memref<64x128xf32, #tpu.memory_space<vmem>>
      tpu.wait_dma2 semaphore(%run_scoped3A : memref<!tpu.dma_semaphore, #tpu.memory_space<semaphore_mem>>) src(%dma_wait3A_151 : memref<64x128xf32, #tpu.memory_space<vmem>>) dst(%dma_wait3A_148 : memref<64x128xf32, #tpu.memory_space<hbm>>)
      tpu.yield
    }) : () -> ()
    %mul3A_112 = arith.constant 640 : i32
    %mul3A_113 = arith.muli %arg1, %mul3A_112 : i32
    %add3A_114 = arith.constant 384 : i32
    %add3A_115 = arith.addi %mul3A_113, %add3A_114 : i32
    "tpu.region"() ({
      %run_scoped3A = tpu.sem_alloc : memref<!tpu.dma_semaphore, #tpu.memory_space<semaphore_mem>>
      %dma_start3A_128 = arith.constant 0 : i32
      %dma_start3A_129 = arith.constant 0 : i32
      %dma_start3A_130 = tpu.memref_slice %arg12[%dma_start3A_128, %dma_start3A_129] : memref<112x128xf32, #tpu.memory_space<vmem>> -> memref<64x128xf32, #tpu.memory_space<vmem>>
      %dma_start3A_131 = arith.constant 0 : i32
      %dma_start3A_132 = tpu.memref_slice %arg15[%add3A_115, %dma_start3A_131] : memref<10240x128xf32, #tpu.memory_space<vmem_shared>> -> memref<64x128xf32, #tpu.memory_space<vmem_shared>>
      %dma_start3A_133 = arith.constant 0 : i32
      %dma_start3A_134 = arith.constant 0 : i32
      %dma_start3A_135 = tpu.memref_slice %arg12[%dma_start3A_133, %dma_start3A_134] : memref<112x128xf32, #tpu.memory_space<vmem>> -> memref<64x128xf32, #tpu.memory_space<vmem>>
      %dma_start3A_136 = arith.constant 0 : i32
      %dma_start3A_137 = tpu.memref_slice %arg15[%add3A_115, %dma_start3A_136] : memref<10240x128xf32, #tpu.memory_space<vmem_shared>> -> memref<64x128xf32, #tpu.memory_space<vmem_shared>>
      tpu.enqueue_dma source(%dma_start3A_137 : memref<64x128xf32, #tpu.memory_space<vmem_shared>>) target(%dma_start3A_135 : memref<64x128xf32, #tpu.memory_space<vmem>>) target_semaphore(%run_scoped3A : memref<!tpu.dma_semaphore, #tpu.memory_space<semaphore_mem>>)
      %dma_wait3A_138 = arith.constant 0 : i32
      %dma_wait3A_139 = arith.constant 0 : i32
      %dma_wait3A_140 = tpu.memref_slice %arg12[%dma_wait3A_138, %dma_wait3A_139] : memref<112x128xf32, #tpu.memory_space<vmem>> -> memref<64x128xf32, #tpu.memory_space<vmem>>
      %dma_wait3A_141 = arith.constant 0 : i32
      %dma_wait3A_142 = tpu.memref_slice %arg15[%add3A_115, %dma_wait3A_141] : memref<10240x128xf32, #tpu.memory_space<vmem_shared>> -> memref<64x128xf32, #tpu.memory_space<vmem_shared>>
      %dma_wait3A_143 = arith.constant 0 : i32
      %dma_wait3A_144 = arith.constant 0 : i32
      %dma_wait3A_145 = tpu.memref_slice %arg12[%dma_wait3A_143, %dma_wait3A_144] : memref<112x128xf32, #tpu.memory_space<vmem>> -> memref<64x128xf32, #tpu.memory_space<vmem>>
      %dma_wait3A_146 = arith.constant 0 : i32
      %dma_wait3A_147 = tpu.memref_slice %arg15[%add3A_115, %dma_wait3A_146] : memref<10240x128xf32, #tpu.memory_space<vmem_shared>> -> memref<64x128xf32, #tpu.memory_space<vmem_shared>>
      tpu.wait_dma2 semaphore(%run_scoped3A : memref<!tpu.dma_semaphore, #tpu.memory_space<semaphore_mem>>) src(%dma_wait3A_147 : memref<64x128xf32, #tpu.memory_space<vmem_shared>>) dst(%dma_wait3A_145 : memref<64x128xf32, #tpu.memory_space<vmem>>)
      tpu.yield
    }) : () -> ()
    "tpu.region"() ({
      %run_scoped3A = tpu.sem_alloc : memref<!tpu.dma_semaphore, #tpu.memory_space<semaphore_mem>>
      %dma_start3A_128 = arith.constant 0 : i32
      %dma_start3A_129 = arith.constant 0 : i32
      %dma_start3A_130 = tpu.memref_slice %arg12[%dma_start3A_128, %dma_start3A_129] : memref<112x128xf32, #tpu.memory_space<vmem>> -> memref<64x128xf32, #tpu.memory_space<vmem>>
      %dma_start3A_131 = arith.constant 0 : i32
      %dma_start3A_132 = tpu.memref_slice %arg5[%arg0, %add3A_115, %dma_start3A_131] : memref<2x10240x128xf32, #tpu.memory_space<hbm>> -> memref<1x64x128xf32, #tpu.memory_space<hbm>>
      %dma_start3A_133 = tpu.memref_squeeze %dma_start3A_132 : memref<1x64x128xf32, #tpu.memory_space<hbm>> -> memref<64x128xf32, #tpu.memory_space<hbm>>
      %dma_start3A_134 = arith.constant 0 : i32
      %dma_start3A_135 = tpu.memref_slice %arg5[%arg0, %add3A_115, %dma_start3A_134] : memref<2x10240x128xf32, #tpu.memory_space<hbm>> -> memref<1x64x128xf32, #tpu.memory_space<hbm>>
      %dma_start3A_136 = tpu.memref_squeeze %dma_start3A_135 : memref<1x64x128xf32, #tpu.memory_space<hbm>> -> memref<64x128xf32, #tpu.memory_space<hbm>>
      %dma_start3A_137 = arith.constant 0 : i32
      %dma_start3A_138 = arith.constant 0 : i32
      %dma_start3A_139 = tpu.memref_slice %arg12[%dma_start3A_137, %dma_start3A_138] : memref<112x128xf32, #tpu.memory_space<vmem>> -> memref<64x128xf32, #tpu.memory_space<vmem>>
      tpu.enqueue_dma source(%dma_start3A_139 : memref<64x128xf32, #tpu.memory_space<vmem>>) target(%dma_start3A_136 : memref<64x128xf32, #tpu.memory_space<hbm>>) target_semaphore(%run_scoped3A : memref<!tpu.dma_semaphore, #tpu.memory_space<semaphore_mem>>)
      %dma_wait3A_140 = arith.constant 0 : i32
      %dma_wait3A_141 = arith.constant 0 : i32
      %dma_wait3A_142 = tpu.memref_slice %arg12[%dma_wait3A_140, %dma_wait3A_141] : memref<112x128xf32, #tpu.memory_space<vmem>> -> memref<64x128xf32, #tpu.memory_space<vmem>>
      %dma_wait3A_143 = arith.constant 0 : i32
      %dma_wait3A_144 = tpu.memref_slice %arg5[%arg0, %add3A_115, %dma_wait3A_143] : memref<2x10240x128xf32, #tpu.memory_space<hbm>> -> memref<1x64x128xf32, #tpu.memory_space<hbm>>
      %dma_wait3A_145 = tpu.memref_squeeze %dma_wait3A_144 : memref<1x64x128xf32, #tpu.memory_space<hbm>> -> memref<64x128xf32, #tpu.memory_space<hbm>>
      %dma_wait3A_146 = arith.constant 0 : i32
      %dma_wait3A_147 = tpu.memref_slice %arg5[%arg0, %add3A_115, %dma_wait3A_146] : memref<2x10240x128xf32, #tpu.memory_space<hbm>> -> memref<1x64x128xf32, #tpu.memory_space<hbm>>
      %dma_wait3A_148 = tpu.memref_squeeze %dma_wait3A_147 : memref<1x64x128xf32, #tpu.memory_space<hbm>> -> memref<64x128xf32, #tpu.memory_space<hbm>>
      %dma_wait3A_149 = arith.constant 0 : i32
      %dma_wait3A_150 = arith.constant 0 : i32
      %dma_wait3A_151 = tpu.memref_slice %arg12[%dma_wait3A_149, %dma_wait3A_150] : memref<112x128xf32, #tpu.memory_space<vmem>> -> memref<64x128xf32, #tpu.memory_space<vmem>>
      tpu.wait_dma2 semaphore(%run_scoped3A : memref<!tpu.dma_semaphore, #tpu.memory_space<semaphore_mem>>) src(%dma_wait3A_151 : memref<64x128xf32, #tpu.memory_space<vmem>>) dst(%dma_wait3A_148 : memref<64x128xf32, #tpu.memory_space<hbm>>)
      tpu.yield
    }) : () -> ()
    %mul3A_116 = arith.constant 640 : i32
    %mul3A_117 = arith.muli %arg1, %mul3A_116 : i32
    %add3A_118 = arith.constant 448 : i32
    %add3A_119 = arith.addi %mul3A_117, %add3A_118 : i32
    "tpu.region"() ({
      %run_scoped3A = tpu.sem_alloc : memref<!tpu.dma_semaphore, #tpu.memory_space<semaphore_mem>>
      %dma_start3A_128 = arith.constant 0 : i32
      %dma_start3A_129 = arith.constant 0 : i32
      %dma_start3A_130 = tpu.memref_slice %arg12[%dma_start3A_128, %dma_start3A_129] : memref<112x128xf32, #tpu.memory_space<vmem>> -> memref<64x128xf32, #tpu.memory_space<vmem>>
      %dma_start3A_131 = arith.constant 0 : i32
      %dma_start3A_132 = tpu.memref_slice %arg15[%add3A_119, %dma_start3A_131] : memref<10240x128xf32, #tpu.memory_space<vmem_shared>> -> memref<64x128xf32, #tpu.memory_space<vmem_shared>>
      %dma_start3A_133 = arith.constant 0 : i32
      %dma_start3A_134 = arith.constant 0 : i32
      %dma_start3A_135 = tpu.memref_slice %arg12[%dma_start3A_133, %dma_start3A_134] : memref<112x128xf32, #tpu.memory_space<vmem>> -> memref<64x128xf32, #tpu.memory_space<vmem>>
      %dma_start3A_136 = arith.constant 0 : i32
      %dma_start3A_137 = tpu.memref_slice %arg15[%add3A_119, %dma_start3A_136] : memref<10240x128xf32, #tpu.memory_space<vmem_shared>> -> memref<64x128xf32, #tpu.memory_space<vmem_shared>>
      tpu.enqueue_dma source(%dma_start3A_137 : memref<64x128xf32, #tpu.memory_space<vmem_shared>>) target(%dma_start3A_135 : memref<64x128xf32, #tpu.memory_space<vmem>>) target_semaphore(%run_scoped3A : memref<!tpu.dma_semaphore, #tpu.memory_space<semaphore_mem>>)
      %dma_wait3A_138 = arith.constant 0 : i32
      %dma_wait3A_139 = arith.constant 0 : i32
      %dma_wait3A_140 = tpu.memref_slice %arg12[%dma_wait3A_138, %dma_wait3A_139] : memref<112x128xf32, #tpu.memory_space<vmem>> -> memref<64x128xf32, #tpu.memory_space<vmem>>
      %dma_wait3A_141 = arith.constant 0 : i32
      %dma_wait3A_142 = tpu.memref_slice %arg15[%add3A_119, %dma_wait3A_141] : memref<10240x128xf32, #tpu.memory_space<vmem_shared>> -> memref<64x128xf32, #tpu.memory_space<vmem_shared>>
      %dma_wait3A_143 = arith.constant 0 : i32
      %dma_wait3A_144 = arith.constant 0 : i32
      %dma_wait3A_145 = tpu.memref_slice %arg12[%dma_wait3A_143, %dma_wait3A_144] : memref<112x128xf32, #tpu.memory_space<vmem>> -> memref<64x128xf32, #tpu.memory_space<vmem>>
      %dma_wait3A_146 = arith.constant 0 : i32
      %dma_wait3A_147 = tpu.memref_slice %arg15[%add3A_119, %dma_wait3A_146] : memref<10240x128xf32, #tpu.memory_space<vmem_shared>> -> memref<64x128xf32, #tpu.memory_space<vmem_shared>>
      tpu.wait_dma2 semaphore(%run_scoped3A : memref<!tpu.dma_semaphore, #tpu.memory_space<semaphore_mem>>) src(%dma_wait3A_147 : memref<64x128xf32, #tpu.memory_space<vmem_shared>>) dst(%dma_wait3A_145 : memref<64x128xf32, #tpu.memory_space<vmem>>)
      tpu.yield
    }) : () -> ()
    "tpu.region"() ({
      %run_scoped3A = tpu.sem_alloc : memref<!tpu.dma_semaphore, #tpu.memory_space<semaphore_mem>>
      %dma_start3A_128 = arith.constant 0 : i32
      %dma_start3A_129 = arith.constant 0 : i32
      %dma_start3A_130 = tpu.memref_slice %arg12[%dma_start3A_128, %dma_start3A_129] : memref<112x128xf32, #tpu.memory_space<vmem>> -> memref<64x128xf32, #tpu.memory_space<vmem>>
      %dma_start3A_131 = arith.constant 0 : i32
      %dma_start3A_132 = tpu.memref_slice %arg5[%arg0, %add3A_119, %dma_start3A_131] : memref<2x10240x128xf32, #tpu.memory_space<hbm>> -> memref<1x64x128xf32, #tpu.memory_space<hbm>>
      %dma_start3A_133 = tpu.memref_squeeze %dma_start3A_132 : memref<1x64x128xf32, #tpu.memory_space<hbm>> -> memref<64x128xf32, #tpu.memory_space<hbm>>
      %dma_start3A_134 = arith.constant 0 : i32
      %dma_start3A_135 = tpu.memref_slice %arg5[%arg0, %add3A_119, %dma_start3A_134] : memref<2x10240x128xf32, #tpu.memory_space<hbm>> -> memref<1x64x128xf32, #tpu.memory_space<hbm>>
      %dma_start3A_136 = tpu.memref_squeeze %dma_start3A_135 : memref<1x64x128xf32, #tpu.memory_space<hbm>> -> memref<64x128xf32, #tpu.memory_space<hbm>>
      %dma_start3A_137 = arith.constant 0 : i32
      %dma_start3A_138 = arith.constant 0 : i32
      %dma_start3A_139 = tpu.memref_slice %arg12[%dma_start3A_137, %dma_start3A_138] : memref<112x128xf32, #tpu.memory_space<vmem>> -> memref<64x128xf32, #tpu.memory_space<vmem>>
      tpu.enqueue_dma source(%dma_start3A_139 : memref<64x128xf32, #tpu.memory_space<vmem>>) target(%dma_start3A_136 : memref<64x128xf32, #tpu.memory_space<hbm>>) target_semaphore(%run_scoped3A : memref<!tpu.dma_semaphore, #tpu.memory_space<semaphore_mem>>)
      %dma_wait3A_140 = arith.constant 0 : i32
      %dma_wait3A_141 = arith.constant 0 : i32
      %dma_wait3A_142 = tpu.memref_slice %arg12[%dma_wait3A_140, %dma_wait3A_141] : memref<112x128xf32, #tpu.memory_space<vmem>> -> memref<64x128xf32, #tpu.memory_space<vmem>>
      %dma_wait3A_143 = arith.constant 0 : i32
      %dma_wait3A_144 = tpu.memref_slice %arg5[%arg0, %add3A_119, %dma_wait3A_143] : memref<2x10240x128xf32, #tpu.memory_space<hbm>> -> memref<1x64x128xf32, #tpu.memory_space<hbm>>
      %dma_wait3A_145 = tpu.memref_squeeze %dma_wait3A_144 : memref<1x64x128xf32, #tpu.memory_space<hbm>> -> memref<64x128xf32, #tpu.memory_space<hbm>>
      %dma_wait3A_146 = arith.constant 0 : i32
      %dma_wait3A_147 = tpu.memref_slice %arg5[%arg0, %add3A_119, %dma_wait3A_146] : memref<2x10240x128xf32, #tpu.memory_space<hbm>> -> memref<1x64x128xf32, #tpu.memory_space<hbm>>
      %dma_wait3A_148 = tpu.memref_squeeze %dma_wait3A_147 : memref<1x64x128xf32, #tpu.memory_space<hbm>> -> memref<64x128xf32, #tpu.memory_space<hbm>>
      %dma_wait3A_149 = arith.constant 0 : i32
      %dma_wait3A_150 = arith.constant 0 : i32
      %dma_wait3A_151 = tpu.memref_slice %arg12[%dma_wait3A_149, %dma_wait3A_150] : memref<112x128xf32, #tpu.memory_space<vmem>> -> memref<64x128xf32, #tpu.memory_space<vmem>>
      tpu.wait_dma2 semaphore(%run_scoped3A : memref<!tpu.dma_semaphore, #tpu.memory_space<semaphore_mem>>) src(%dma_wait3A_151 : memref<64x128xf32, #tpu.memory_space<vmem>>) dst(%dma_wait3A_148 : memref<64x128xf32, #tpu.memory_space<hbm>>)
      tpu.yield
    }) : () -> ()
    %mul3A_120 = arith.constant 640 : i32
    %mul3A_121 = arith.muli %arg1, %mul3A_120 : i32
    %add3A_122 = arith.constant 512 : i32
    %add3A_123 = arith.addi %mul3A_121, %add3A_122 : i32
    "tpu.region"() ({
      %run_scoped3A = tpu.sem_alloc : memref<!tpu.dma_semaphore, #tpu.memory_space<semaphore_mem>>
      %dma_start3A_128 = arith.constant 0 : i32
      %dma_start3A_129 = arith.constant 0 : i32
      %dma_start3A_130 = tpu.memref_slice %arg12[%dma_start3A_128, %dma_start3A_129] : memref<112x128xf32, #tpu.memory_space<vmem>> -> memref<64x128xf32, #tpu.memory_space<vmem>>
      %dma_start3A_131 = arith.constant 0 : i32
      %dma_start3A_132 = tpu.memref_slice %arg15[%add3A_123, %dma_start3A_131] : memref<10240x128xf32, #tpu.memory_space<vmem_shared>> -> memref<64x128xf32, #tpu.memory_space<vmem_shared>>
      %dma_start3A_133 = arith.constant 0 : i32
      %dma_start3A_134 = arith.constant 0 : i32
      %dma_start3A_135 = tpu.memref_slice %arg12[%dma_start3A_133, %dma_start3A_134] : memref<112x128xf32, #tpu.memory_space<vmem>> -> memref<64x128xf32, #tpu.memory_space<vmem>>
      %dma_start3A_136 = arith.constant 0 : i32
      %dma_start3A_137 = tpu.memref_slice %arg15[%add3A_123, %dma_start3A_136] : memref<10240x128xf32, #tpu.memory_space<vmem_shared>> -> memref<64x128xf32, #tpu.memory_space<vmem_shared>>
      tpu.enqueue_dma source(%dma_start3A_137 : memref<64x128xf32, #tpu.memory_space<vmem_shared>>) target(%dma_start3A_135 : memref<64x128xf32, #tpu.memory_space<vmem>>) target_semaphore(%run_scoped3A : memref<!tpu.dma_semaphore, #tpu.memory_space<semaphore_mem>>)
      %dma_wait3A_138 = arith.constant 0 : i32
      %dma_wait3A_139 = arith.constant 0 : i32
      %dma_wait3A_140 = tpu.memref_slice %arg12[%dma_wait3A_138, %dma_wait3A_139] : memref<112x128xf32, #tpu.memory_space<vmem>> -> memref<64x128xf32, #tpu.memory_space<vmem>>
      %dma_wait3A_141 = arith.constant 0 : i32
      %dma_wait3A_142 = tpu.memref_slice %arg15[%add3A_123, %dma_wait3A_141] : memref<10240x128xf32, #tpu.memory_space<vmem_shared>> -> memref<64x128xf32, #tpu.memory_space<vmem_shared>>
      %dma_wait3A_143 = arith.constant 0 : i32
      %dma_wait3A_144 = arith.constant 0 : i32
      %dma_wait3A_145 = tpu.memref_slice %arg12[%dma_wait3A_143, %dma_wait3A_144] : memref<112x128xf32, #tpu.memory_space<vmem>> -> memref<64x128xf32, #tpu.memory_space<vmem>>
      %dma_wait3A_146 = arith.constant 0 : i32
      %dma_wait3A_147 = tpu.memref_slice %arg15[%add3A_123, %dma_wait3A_146] : memref<10240x128xf32, #tpu.memory_space<vmem_shared>> -> memref<64x128xf32, #tpu.memory_space<vmem_shared>>
      tpu.wait_dma2 semaphore(%run_scoped3A : memref<!tpu.dma_semaphore, #tpu.memory_space<semaphore_mem>>) src(%dma_wait3A_147 : memref<64x128xf32, #tpu.memory_space<vmem_shared>>) dst(%dma_wait3A_145 : memref<64x128xf32, #tpu.memory_space<vmem>>)
      tpu.yield
    }) : () -> ()
    "tpu.region"() ({
      %run_scoped3A = tpu.sem_alloc : memref<!tpu.dma_semaphore, #tpu.memory_space<semaphore_mem>>
      %dma_start3A_128 = arith.constant 0 : i32
      %dma_start3A_129 = arith.constant 0 : i32
      %dma_start3A_130 = tpu.memref_slice %arg12[%dma_start3A_128, %dma_start3A_129] : memref<112x128xf32, #tpu.memory_space<vmem>> -> memref<64x128xf32, #tpu.memory_space<vmem>>
      %dma_start3A_131 = arith.constant 0 : i32
      %dma_start3A_132 = tpu.memref_slice %arg5[%arg0, %add3A_123, %dma_start3A_131] : memref<2x10240x128xf32, #tpu.memory_space<hbm>> -> memref<1x64x128xf32, #tpu.memory_space<hbm>>
      %dma_start3A_133 = tpu.memref_squeeze %dma_start3A_132 : memref<1x64x128xf32, #tpu.memory_space<hbm>> -> memref<64x128xf32, #tpu.memory_space<hbm>>
      %dma_start3A_134 = arith.constant 0 : i32
      %dma_start3A_135 = tpu.memref_slice %arg5[%arg0, %add3A_123, %dma_start3A_134] : memref<2x10240x128xf32, #tpu.memory_space<hbm>> -> memref<1x64x128xf32, #tpu.memory_space<hbm>>
      %dma_start3A_136 = tpu.memref_squeeze %dma_start3A_135 : memref<1x64x128xf32, #tpu.memory_space<hbm>> -> memref<64x128xf32, #tpu.memory_space<hbm>>
      %dma_start3A_137 = arith.constant 0 : i32
      %dma_start3A_138 = arith.constant 0 : i32
      %dma_start3A_139 = tpu.memref_slice %arg12[%dma_start3A_137, %dma_start3A_138] : memref<112x128xf32, #tpu.memory_space<vmem>> -> memref<64x128xf32, #tpu.memory_space<vmem>>
      tpu.enqueue_dma source(%dma_start3A_139 : memref<64x128xf32, #tpu.memory_space<vmem>>) target(%dma_start3A_136 : memref<64x128xf32, #tpu.memory_space<hbm>>) target_semaphore(%run_scoped3A : memref<!tpu.dma_semaphore, #tpu.memory_space<semaphore_mem>>)
      %dma_wait3A_140 = arith.constant 0 : i32
      %dma_wait3A_141 = arith.constant 0 : i32
      %dma_wait3A_142 = tpu.memref_slice %arg12[%dma_wait3A_140, %dma_wait3A_141] : memref<112x128xf32, #tpu.memory_space<vmem>> -> memref<64x128xf32, #tpu.memory_space<vmem>>
      %dma_wait3A_143 = arith.constant 0 : i32
      %dma_wait3A_144 = tpu.memref_slice %arg5[%arg0, %add3A_123, %dma_wait3A_143] : memref<2x10240x128xf32, #tpu.memory_space<hbm>> -> memref<1x64x128xf32, #tpu.memory_space<hbm>>
      %dma_wait3A_145 = tpu.memref_squeeze %dma_wait3A_144 : memref<1x64x128xf32, #tpu.memory_space<hbm>> -> memref<64x128xf32, #tpu.memory_space<hbm>>
      %dma_wait3A_146 = arith.constant 0 : i32
      %dma_wait3A_147 = tpu.memref_slice %arg5[%arg0, %add3A_123, %dma_wait3A_146] : memref<2x10240x128xf32, #tpu.memory_space<hbm>> -> memref<1x64x128xf32, #tpu.memory_space<hbm>>
      %dma_wait3A_148 = tpu.memref_squeeze %dma_wait3A_147 : memref<1x64x128xf32, #tpu.memory_space<hbm>> -> memref<64x128xf32, #tpu.memory_space<hbm>>
      %dma_wait3A_149 = arith.constant 0 : i32
      %dma_wait3A_150 = arith.constant 0 : i32
      %dma_wait3A_151 = tpu.memref_slice %arg12[%dma_wait3A_149, %dma_wait3A_150] : memref<112x128xf32, #tpu.memory_space<vmem>> -> memref<64x128xf32, #tpu.memory_space<vmem>>
      tpu.wait_dma2 semaphore(%run_scoped3A : memref<!tpu.dma_semaphore, #tpu.memory_space<semaphore_mem>>) src(%dma_wait3A_151 : memref<64x128xf32, #tpu.memory_space<vmem>>) dst(%dma_wait3A_148 : memref<64x128xf32, #tpu.memory_space<hbm>>)
      tpu.yield
    }) : () -> ()
    %mul3A_124 = arith.constant 640 : i32
    %mul3A_125 = arith.muli %arg1, %mul3A_124 : i32
    %add3A_126 = arith.constant 576 : i32
    %add3A_127 = arith.addi %mul3A_125, %add3A_126 : i32
    "tpu.region"() ({
      %run_scoped3A = tpu.sem_alloc : memref<!tpu.dma_semaphore, #tpu.memory_space<semaphore_mem>>
      %dma_start3A_128 = arith.constant 0 : i32
      %dma_start3A_129 = arith.constant 0 : i32
      %dma_start3A_130 = tpu.memref_slice %arg12[%dma_start3A_128, %dma_start3A_129] : memref<112x128xf32, #tpu.memory_space<vmem>> -> memref<64x128xf32, #tpu.memory_space<vmem>>
      %dma_start3A_131 = arith.constant 0 : i32
      %dma_start3A_132 = tpu.memref_slice %arg15[%add3A_127, %dma_start3A_131] : memref<10240x128xf32, #tpu.memory_space<vmem_shared>> -> memref<64x128xf32, #tpu.memory_space<vmem_shared>>
      %dma_start3A_133 = arith.constant 0 : i32
      %dma_start3A_134 = arith.constant 0 : i32
      %dma_start3A_135 = tpu.memref_slice %arg12[%dma_start3A_133, %dma_start3A_134] : memref<112x128xf32, #tpu.memory_space<vmem>> -> memref<64x128xf32, #tpu.memory_space<vmem>>
      %dma_start3A_136 = arith.constant 0 : i32
      %dma_start3A_137 = tpu.memref_slice %arg15[%add3A_127, %dma_start3A_136] : memref<10240x128xf32, #tpu.memory_space<vmem_shared>> -> memref<64x128xf32, #tpu.memory_space<vmem_shared>>
      tpu.enqueue_dma source(%dma_start3A_137 : memref<64x128xf32, #tpu.memory_space<vmem_shared>>) target(%dma_start3A_135 : memref<64x128xf32, #tpu.memory_space<vmem>>) target_semaphore(%run_scoped3A : memref<!tpu.dma_semaphore, #tpu.memory_space<semaphore_mem>>)
      %dma_wait3A_138 = arith.constant 0 : i32
      %dma_wait3A_139 = arith.constant 0 : i32
      %dma_wait3A_140 = tpu.memref_slice %arg12[%dma_wait3A_138, %dma_wait3A_139] : memref<112x128xf32, #tpu.memory_space<vmem>> -> memref<64x128xf32, #tpu.memory_space<vmem>>
      %dma_wait3A_141 = arith.constant 0 : i32
      %dma_wait3A_142 = tpu.memref_slice %arg15[%add3A_127, %dma_wait3A_141] : memref<10240x128xf32, #tpu.memory_space<vmem_shared>> -> memref<64x128xf32, #tpu.memory_space<vmem_shared>>
      %dma_wait3A_143 = arith.constant 0 : i32
      %dma_wait3A_144 = arith.constant 0 : i32
      %dma_wait3A_145 = tpu.memref_slice %arg12[%dma_wait3A_143, %dma_wait3A_144] : memref<112x128xf32, #tpu.memory_space<vmem>> -> memref<64x128xf32, #tpu.memory_space<vmem>>
      %dma_wait3A_146 = arith.constant 0 : i32
      %dma_wait3A_147 = tpu.memref_slice %arg15[%add3A_127, %dma_wait3A_146] : memref<10240x128xf32, #tpu.memory_space<vmem_shared>> -> memref<64x128xf32, #tpu.memory_space<vmem_shared>>
      tpu.wait_dma2 semaphore(%run_scoped3A : memref<!tpu.dma_semaphore, #tpu.memory_space<semaphore_mem>>) src(%dma_wait3A_147 : memref<64x128xf32, #tpu.memory_space<vmem_shared>>) dst(%dma_wait3A_145 : memref<64x128xf32, #tpu.memory_space<vmem>>)
      tpu.yield
    }) : () -> ()
    "tpu.region"() ({
      %run_scoped3A = tpu.sem_alloc : memref<!tpu.dma_semaphore, #tpu.memory_space<semaphore_mem>>
      %dma_start3A_128 = arith.constant 0 : i32
      %dma_start3A_129 = arith.constant 0 : i32
      %dma_start3A_130 = tpu.memref_slice %arg12[%dma_start3A_128, %dma_start3A_129] : memref<112x128xf32, #tpu.memory_space<vmem>> -> memref<64x128xf32, #tpu.memory_space<vmem>>
      %dma_start3A_131 = arith.constant 0 : i32
      %dma_start3A_132 = tpu.memref_slice %arg5[%arg0, %add3A_127, %dma_start3A_131] : memref<2x10240x128xf32, #tpu.memory_space<hbm>> -> memref<1x64x128xf32, #tpu.memory_space<hbm>>
      %dma_start3A_133 = tpu.memref_squeeze %dma_start3A_132 : memref<1x64x128xf32, #tpu.memory_space<hbm>> -> memref<64x128xf32, #tpu.memory_space<hbm>>
      %dma_start3A_134 = arith.constant 0 : i32
      %dma_start3A_135 = tpu.memref_slice %arg5[%arg0, %add3A_127, %dma_start3A_134] : memref<2x10240x128xf32, #tpu.memory_space<hbm>> -> memref<1x64x128xf32, #tpu.memory_space<hbm>>
      %dma_start3A_136 = tpu.memref_squeeze %dma_start3A_135 : memref<1x64x128xf32, #tpu.memory_space<hbm>> -> memref<64x128xf32, #tpu.memory_space<hbm>>
      %dma_start3A_137 = arith.constant 0 : i32
      %dma_start3A_138 = arith.constant 0 : i32
      %dma_start3A_139 = tpu.memref_slice %arg12[%dma_start3A_137, %dma_start3A_138] : memref<112x128xf32, #tpu.memory_space<vmem>> -> memref<64x128xf32, #tpu.memory_space<vmem>>
      tpu.enqueue_dma source(%dma_start3A_139 : memref<64x128xf32, #tpu.memory_space<vmem>>) target(%dma_start3A_136 : memref<64x128xf32, #tpu.memory_space<hbm>>) target_semaphore(%run_scoped3A : memref<!tpu.dma_semaphore, #tpu.memory_space<semaphore_mem>>)
      %dma_wait3A_140 = arith.constant 0 : i32
      %dma_wait3A_141 = arith.constant 0 : i32
      %dma_wait3A_142 = tpu.memref_slice %arg12[%dma_wait3A_140, %dma_wait3A_141] : memref<112x128xf32, #tpu.memory_space<vmem>> -> memref<64x128xf32, #tpu.memory_space<vmem>>
      %dma_wait3A_143 = arith.constant 0 : i32
      %dma_wait3A_144 = tpu.memref_slice %arg5[%arg0, %add3A_127, %dma_wait3A_143] : memref<2x10240x128xf32, #tpu.memory_space<hbm>> -> memref<1x64x128xf32, #tpu.memory_space<hbm>>
      %dma_wait3A_145 = tpu.memref_squeeze %dma_wait3A_144 : memref<1x64x128xf32, #tpu.memory_space<hbm>> -> memref<64x128xf32, #tpu.memory_space<hbm>>
      %dma_wait3A_146 = arith.constant 0 : i32
      %dma_wait3A_147 = tpu.memref_slice %arg5[%arg0, %add3A_127, %dma_wait3A_146] : memref<2x10240x128xf32, #tpu.memory_space<hbm>> -> memref<1x64x128xf32, #tpu.memory_space<hbm>>
      %dma_wait3A_148 = tpu.memref_squeeze %dma_wait3A_147 : memref<1x64x128xf32, #tpu.memory_space<hbm>> -> memref<64x128xf32, #tpu.memory_space<hbm>>
      %dma_wait3A_149 = arith.constant 0 : i32
      %dma_wait3A_150 = arith.constant 0 : i32
      %dma_wait3A_151 = tpu.memref_slice %arg12[%dma_wait3A_149, %dma_wait3A_150] : memref<112x128xf32, #tpu.memory_space<vmem>> -> memref<64x128xf32, #tpu.memory_space<vmem>>
      tpu.wait_dma2 semaphore(%run_scoped3A : memref<!tpu.dma_semaphore, #tpu.memory_space<semaphore_mem>>) src(%dma_wait3A_151 : memref<64x128xf32, #tpu.memory_space<vmem>>) dst(%dma_wait3A_148 : memref<64x128xf32, #tpu.memory_space<hbm>>)
      tpu.yield
    }) : () -> ()
    return
  }
}

module attributes {stable_mosaic.version = 14 : i64} {
  func.func @_tc_prep_body(%arg0: i32, %arg1: memref<400x128xf32, #tpu.memory_space<vmem>>, %arg2: memref<400x128xf32, #tpu.memory_space<vmem>>, %arg3: memref<400x128xf32, #tpu.memory_space<vmem>>, %arg4: memref<400x128xf32, #tpu.memory_space<vmem>>, %arg5: memref<128x128xf32, #tpu.memory_space<vmem>>, %arg6: memref<2x400x128xf32, #tpu.memory_space<vmem>>, %arg7: memref<2x400x128xf32, #tpu.memory_space<vmem>>) attributes {dimension_semantics = [#tpu.dimension_semantics<arbitrary>], iteration_bounds = array<i64: 25>, scalar_prefetch = 0 : i64, scratch_operands = 0 : i64, tpu.core_type = #tpu.core_type<tc>, window_params = [{transform_indices = @transform_0, window_bounds = array<i64: 400, 128>}, {transform_indices = @transform_1, window_bounds = array<i64: 400, 128>}, {transform_indices = @transform_2, window_bounds = array<i64: 400, 128>}, {transform_indices = @transform_3, window_bounds = array<i64: 400, 128>}, {pipeline_mode = #tpu.pipeline_mode<synchronous>, transform_indices = @transform_4, window_bounds = array<i64: 128, 128>}, {transform_indices = @transform_5, window_bounds = array<i64: 2, 400, 128>}, {transform_indices = @transform_6, window_bounds = array<i64: 2, 400, 128>}]} {
    %get3A = arith.constant 0 : index
    %get3A_0 = arith.constant 0 : index
    %get3A_1 = vector.load %arg5[%get3A, %get3A_0] : memref<128x128xf32, #tpu.memory_space<vmem>>, vector<128x128xf32>
    %get3A_2 = arith.constant 0 : index
    %get3A_3 = arith.constant 0 : index
    %get3A_4 = vector.load %arg1[%get3A_2, %get3A_3] : memref<400x128xf32, #tpu.memory_space<vmem>>, vector<400x128xf32>
    %get3A_5 = arith.constant 0 : index
    %get3A_6 = arith.constant 0 : index
    %get3A_7 = vector.load %arg2[%get3A_5, %get3A_6] : memref<400x128xf32, #tpu.memory_space<vmem>>, vector<400x128xf32>
    %mul3A = arith.constant 8.000000e-01 : f32
    %mul3A_8 = vector.broadcast %mul3A : f32 to vector<400x128xf32>
    %mul3A_9 = arith.mulf %mul3A_8, %get3A_7 : vector<400x128xf32>
    %add3A = arith.addf %get3A_4, %mul3A_9 : vector<400x128xf32>
    %get3A_10 = arith.constant 0 : index
    %get3A_11 = arith.constant 0 : index
    %get3A_12 = vector.load %arg3[%get3A_10, %get3A_11] : memref<400x128xf32, #tpu.memory_space<vmem>>, vector<400x128xf32>
    %get3A_13 = arith.constant 0 : index
    %get3A_14 = arith.constant 0 : index
    %get3A_15 = vector.load %arg4[%get3A_13, %get3A_14] : memref<400x128xf32, #tpu.memory_space<vmem>>, vector<400x128xf32>
    %mul3A_16 = arith.constant 8.000000e-01 : f32
    %mul3A_17 = vector.broadcast %mul3A_16 : f32 to vector<400x128xf32>
    %mul3A_18 = arith.mulf %mul3A_17, %get3A_15 : vector<400x128xf32>
    %add3A_19 = arith.addf %get3A_12, %mul3A_18 : vector<400x128xf32>
    %dot_general3A = arith.constant dense<0.000000e+00> : vector<400x128xf32>
    %dot_general3A_20 = tpu.matmul %add3A, %get3A_1, %dot_general3A {dimension_numbers = #tpu.dot_dimension_numbers<[1], [0], [0], [1], [0, 0, 1, 1], [], []>, transpose_lhs_hint = false} : vector<400x128xf32>, vector<128x128xf32>, vector<400x128xf32> -> vector<400x128xf32>
    %get3A_21 = arith.constant 0 : index
    %get3A_22 = arith.constant 0 : index
    %get3A_23 = arith.constant 0 : index
    %get3A_24 = vector.load %arg6[%get3A_21, %get3A_22, %get3A_23] : memref<2x400x128xf32, #tpu.memory_space<vmem>>, vector<1x400x128xf32>
    %get3A_25 = vector.shape_cast %get3A_24 : vector<1x400x128xf32> to vector<400x128xf32>
    %mul3A_26 = arith.mulf %dot_general3A_20, %get3A_25 : vector<400x128xf32>
    %swap3A = arith.constant 0 : index
    %swap3A_27 = arith.constant 0 : index
    %swap3A_28 = arith.constant 0 : index
    %swap3A_29 = vector.load %arg7[%swap3A, %swap3A_27, %swap3A_28] : memref<2x400x128xf32, #tpu.memory_space<vmem>>, vector<1x400x128xf32>
    %swap3A_30 = vector.shape_cast %swap3A_29 : vector<1x400x128xf32> to vector<400x128xf32>
    %swap3A_31 = vector.shape_cast %mul3A_26 : vector<400x128xf32> to vector<1x400x128xf32>
    tpu.vector_store %arg7[%swap3A, %swap3A_27, %swap3A_28], %swap3A_31 {strides = array<i32>} : memref<2x400x128xf32, #tpu.memory_space<vmem>>, vector<1x400x128xf32>,
    %dot_general3A_32 = arith.constant dense<0.000000e+00> : vector<400x128xf32>
    %dot_general3A_33 = tpu.matmul %add3A_19, %get3A_1, %dot_general3A_32 {dimension_numbers = #tpu.dot_dimension_numbers<[1], [0], [0], [1], [0, 0, 1, 1], [], []>, transpose_lhs_hint = false} : vector<400x128xf32>, vector<128x128xf32>, vector<400x128xf32> -> vector<400x128xf32>
    %get3A_34 = arith.constant 1 : index
    %get3A_35 = arith.constant 0 : index
    %get3A_36 = arith.constant 0 : index
    %get3A_37 = vector.load %arg6[%get3A_34, %get3A_35, %get3A_36] : memref<2x400x128xf32, #tpu.memory_space<vmem>>, vector<1x400x128xf32>
    %get3A_38 = vector.shape_cast %get3A_37 : vector<1x400x128xf32> to vector<400x128xf32>
    %mul3A_39 = arith.mulf %dot_general3A_33, %get3A_38 : vector<400x128xf32>
    %swap3A_40 = arith.constant 1 : index
    %swap3A_41 = arith.constant 0 : index
    %swap3A_42 = arith.constant 0 : index
    %swap3A_43 = vector.load %arg7[%swap3A_40, %swap3A_41, %swap3A_42] : memref<2x400x128xf32, #tpu.memory_space<vmem>>, vector<1x400x128xf32>
    %swap3A_44 = vector.shape_cast %swap3A_43 : vector<1x400x128xf32> to vector<400x128xf32>
    %swap3A_45 = vector.shape_cast %mul3A_39 : vector<400x128xf32> to vector<1x400x128xf32>
    tpu.vector_store %arg7[%swap3A_40, %swap3A_41, %swap3A_42], %swap3A_45 {strides = array<i32>} : memref<2x400x128xf32, #tpu.memory_space<vmem>>, vector<1x400x128xf32>,
    return
  }
  func.func @transform_0(%arg0: i32) -> (i32, i32) {
    %c0_i32 = arith.constant 0 : i32
    %c0_i32_0 = arith.constant 0 : i32
    return %arg0, %c0_i32 : i32, i32
  }
  func.func @transform_1(%arg0: i32) -> (i32, i32) {
    %c0_i32 = arith.constant 0 : i32
    %c0_i32_0 = arith.constant 0 : i32
    return %arg0, %c0_i32 : i32, i32
  }
  func.func @transform_2(%arg0: i32) -> (i32, i32) {
    %c0_i32 = arith.constant 0 : i32
    %c0_i32_0 = arith.constant 0 : i32
    return %arg0, %c0_i32 : i32, i32
  }
  func.func @transform_3(%arg0: i32) -> (i32, i32) {
    %c0_i32 = arith.constant 0 : i32
    %c0_i32_0 = arith.constant 0 : i32
    return %arg0, %c0_i32 : i32, i32
  }
  func.func @transform_4(%arg0: i32) -> (i32, i32) {
    %c0_i32 = arith.constant 0 : i32
    %c0_i32_0 = arith.constant 0 : i32
    %c0_i32_1 = arith.constant 0 : i32
    return %c0_i32, %c0_i32_0 : i32, i32
  }
  func.func @transform_5(%arg0: i32) -> (i32, i32, i32) {
    %c0_i32 = arith.constant 0 : i32
    %c0_i32_0 = arith.constant 0 : i32
    %c0_i32_1 = arith.constant 0 : i32
    return %c0_i32, %arg0, %c0_i32_0 : i32, i32, i32
  }
  func.func @transform_6(%arg0: i32) -> (i32, i32, i32) {
    %c0_i32 = arith.constant 0 : i32
    %c0_i32_0 = arith.constant 0 : i32
    %c0_i32_1 = arith.constant 0 : i32
    return %c0_i32, %arg0, %c0_i32_0 : i32, i32, i32
  }
}

module attributes {stable_mosaic.version = 14 : i64} {
  func.func @_tc_finish_body(%arg0: i32, %arg1: memref<2x400x128xf32, #tpu.memory_space<vmem>>, %arg2: memref<2x400x128xf32, #tpu.memory_space<vmem>>, %arg3: memref<2x400x128xf32, #tpu.memory_space<vmem>>, %arg4: memref<128xf32, #tpu.memory_space<vmem>>, %arg5: memref<2x400x128xf32, #tpu.memory_space<vmem>>) attributes {dimension_semantics = [#tpu.dimension_semantics<arbitrary>], iteration_bounds = array<i64: 25>, scalar_prefetch = 0 : i64, scratch_operands = 0 : i64, tpu.core_type = #tpu.core_type<tc>, window_params = [{transform_indices = @transform_0, window_bounds = array<i64: 2, 400, 128>}, {transform_indices = @transform_1, window_bounds = array<i64: 2, 400, 128>}, {transform_indices = @transform_2, window_bounds = array<i64: 2, 400, 128>}, {pipeline_mode = #tpu.pipeline_mode<synchronous>, transform_indices = @transform_3, window_bounds = array<i64: 128>}, {transform_indices = @transform_4, window_bounds = array<i64: 2, 400, 128>}]} {
    %get3A = arith.constant 0 : index
    %get3A_0 = arith.constant 0 : index
    %get3A_1 = arith.constant 0 : index
    %get3A_2 = vector.load %arg1[%get3A, %get3A_0, %get3A_1] : memref<2x400x128xf32, #tpu.memory_space<vmem>>, vector<2x400x128xf32>
    %get3A_3 = arith.constant 0 : index
    %get3A_4 = arith.constant 0 : index
    %get3A_5 = arith.constant 0 : index
    %get3A_6 = vector.load %arg2[%get3A_3, %get3A_4, %get3A_5] : memref<2x400x128xf32, #tpu.memory_space<vmem>>, vector<2x400x128xf32>
    %add3A = arith.addf %get3A_2, %get3A_6 : vector<2x400x128xf32>
    %get3A_7 = arith.constant 0 : index
    %get3A_8 = arith.constant 0 : index
    %get3A_9 = arith.constant 0 : index
    %get3A_10 = vector.load %arg3[%get3A_7, %get3A_8, %get3A_9] : memref<2x400x128xf32, #tpu.memory_space<vmem>>, vector<2x400x128xf32>
    %mul3A = arith.mulf %add3A, %get3A_10 : vector<2x400x128xf32>
    %get3A_11 = arith.constant 0 : index
    %get3A_12 = vector.load %arg4[%get3A_11] : memref<128xf32, #tpu.memory_space<vmem>>, vector<128xf32>
    %broadcast_in_dim3A = vector.shape_cast %get3A_12 : vector<128xf32> to vector<1x1x128xf32>
    %add3A_13 = vector.broadcast %broadcast_in_dim3A : vector<1x1x128xf32> to vector<2x400x128xf32>
    %add3A_14 = arith.addf %mul3A, %add3A_13 : vector<2x400x128xf32>
    %mul3A_15 = arith.constant 0.00999999977 : f32
    %mul3A_16 = vector.broadcast %mul3A_15 : f32 to vector<2x400x128xf32>
    %mul3A_17 = arith.mulf %mul3A_16, %add3A_14 : vector<2x400x128xf32>
    %max3A = arith.maximumf %add3A_14, %mul3A_17 : vector<2x400x128xf32>
    %swap3A = arith.constant 0 : index
    %swap3A_18 = arith.constant 0 : index
    %swap3A_19 = arith.constant 0 : index
    %swap3A_20 = vector.load %arg5[%swap3A, %swap3A_18, %swap3A_19] : memref<2x400x128xf32, #tpu.memory_space<vmem>>, vector<2x400x128xf32>
    tpu.vector_store %arg5[%swap3A, %swap3A_18, %swap3A_19], %max3A {strides = array<i32>} : memref<2x400x128xf32, #tpu.memory_space<vmem>>, vector<2x400x128xf32>,
    return
  }
  func.func @transform_0(%arg0: i32) -> (i32, i32, i32) {
    %c0_i32 = arith.constant 0 : i32
    %c0_i32_0 = arith.constant 0 : i32
    %c0_i32_1 = arith.constant 0 : i32
    return %c0_i32, %arg0, %c0_i32_0 : i32, i32, i32
  }
  func.func @transform_1(%arg0: i32) -> (i32, i32, i32) {
    %c0_i32 = arith.constant 0 : i32
    %c0_i32_0 = arith.constant 0 : i32
    %c0_i32_1 = arith.constant 0 : i32
    return %c0_i32, %arg0, %c0_i32_0 : i32, i32, i32
  }
  func.func @transform_2(%arg0: i32) -> (i32, i32, i32) {
    %c0_i32 = arith.constant 0 : i32
    %c0_i32_0 = arith.constant 0 : i32
    %c0_i32_1 = arith.constant 0 : i32
    return %c0_i32, %arg0, %c0_i32_0 : i32, i32, i32
  }
  func.func @transform_3(%arg0: i32) -> i32 {
    %c0_i32 = arith.constant 0 : i32
    %c0_i32_0 = arith.constant 0 : i32
    return %c0_i32 : i32
  }
  func.func @transform_4(%arg0: i32) -> (i32, i32, i32) {
    %c0_i32 = arith.constant 0 : i32
    %c0_i32_0 = arith.constant 0 : i32
    %c0_i32_1 = arith.constant 0 : i32
    return %c0_i32, %arg0, %c0_i32_0 : i32, i32, i32
  }
}

</mosaic_0001>

<sc_bundles>
// kernel: kernel.6.cloned.1.call-start
scs
__scs_entry_jumppad:
0x0: {  	(pc) =	sbr.rel $0x88, $3  }
0x1: {  	(tag) =	ssettag $0x0;
	lr =	simm.s32 $0x1  }
0x2: {  	[smem:$0x3F99] =	sst lr;
	_ =	strace $0xD0000000  }
0x3: {  	_ = 	snop  }
0x4: {  	_ = 	snop  }
0x5: {  	_ = 	snop  }
0x6: {  	_ = 	snop  }
0x7: {  	_ = 	snop  }
__scs_overlays_trampoline_lowered:
0x8: {  	[smem:$0x3FA8] =	sst s0  }
0x9: {  	[smem:$0x3FA9] =	sst s1  }
0xa: {  	[smem:$0x3FAA] =	sst s2  }
0xb: {  	[smem:$0x3FAB] =	sst s3  }
0xc: {  	[smem:$0x3FAC] =	sst s4  }
0xd: {  	[smem:$0x3FAD] =	sst s5  }
0xe: {  	[smem:$0x3FAE] =	sst s6  }
0xf: {  	[smem:$0x3FAF] =	sst s7  }
0x10: {  	[smem:$0x3FB0] =	sst s8  }
0x11: {  	[smem:$0x3FB1] =	sst s9;
	s0 =	simm.s32 @!p0 $0x0  }
0x12: {  	s1 =	sld [smem:$0x3F97];
	s0 =	simm.s32 @p0 $0x1  }
0x13: {  	[smem:$0x3FB2] =	sst s0;
	s0 =	simm.s32 @!p1 $0x0  }
0x14: {  	s2 =	sld [smem:$0x3F96];
	s0 =	simm.s32 @p1 $0x1  }
0x15: {  	[smem:$0x3FB3] =	sst s0;
	s0 =	simm.s32 @!p2 $0x0  }
0x16: {  	s3 =	sld [smem:$0x3FDB];
	s0 =	simm.s32 @p2 $0x1  }
0x17: {  	s4 =	simm.s32 $0x1BF5;
	[smem:$0x3FB5] =	sst s0  }
0x18: {  	s0 =	sld [smem:$0x3F98];
	_ =	swait.ge [sflag:s4], $0x0  }
0x19: {  	s7 =	sld [smem:$0x3F99]  }
0x1a: {  	s8 =	sadd.s32 $0xFFFFE003, lr  }
0x1b: {  	s9 =	sadd.s32 $0xFFFFFEF7, lr;
	s5 =	simm.s32 $0xFFFFFFFF;
	p2 =	slt.u32 s8, $0xFFFFF086  }
0x1c: {  	p1 =	slt.u32 s9, $0xF7A;
	s5 =	simm.s32 @!p2 $0x0  }
0x1d: {  	s5 =	simm.s32 @p1 $0x1;
	p0 =	seq.s32 s7, s2  }
0x1e: {  	s7 =	smul.u32 @!p0 $0xF7A, s2;
	p2 =	seq.s32 @!p0 s5, $0x0  }
0x1f: {  	s9 =	smul.u32 $0xF7A, s1;
	s8 =	simm.s32 @!p0 $0x1BF5;
	p2 =	por !p2, p0  }
0x20: {  	[sflag:s8] =	ssyncset.s32 @!p0 $0xFFFFF086;
	s6 =	sadd.s32 @!p0 s3, s7;
	s7 =	simm.s32 @!p0 $0x108  }
0x21: {  	s3 =	sadd.s32 s3, s9;
	s6 =	sadd.s32 @!p0 $0x88, s6;
	s7 =	simm.s32 @p2 $0x1082  }
0x22: {  	[simem:s7], [sflag:s8] =	dma.local @!p0 [hbm:s6], $0xF7A  }
0x23: {  	s9 =	sor.u32 $0xD0000000, s2;
	s6 =	simm.s32 $0x108;
	_ =	swait.ge @!p0 [sflag:s8], $0x0  }
0x24: {  	s3 =	sadd.s32 $0x88, s3;
	s6 =	simm.s32 @!p1 $0x1082;
	[sflag:s4] =	ssyncset.s32 $0xFFFFF086  }
0x25: {  	[simem:s6], [sflag:s4] =	dma.local [hbm:s3], $0xF7A  }
0x26: {  	[smem:$0x3F99] =	sst s1;
	(tag) =	ssettag s2;
	_ =	strace s9  }
0x27: {  	s1 =	sld [smem:$0x3FA9]  }
0x28: {  	s2 =	sld [smem:$0x3FAA]  }
0x29: {  	s4 =	sld [smem:$0x3FAC]  }
0x2a: {  	p0 =	seq.s32 s5, $0x0;
	s5 =	sld [smem:$0x3FAD]  }
0x2b: {  	s6 =	sld [smem:$0x3FAE]  }
0x2c: {  	s7 =	sld [smem:$0x3FAF]  }
0x2d: {  	s3 =	simm.s32 $0x108;
	s8 =	sld [smem:$0x3FB0]  }
0x2e: {  	s3 =	simm.s32 @!p0 $0x1082;
	s9 =	sld [smem:$0x3FB1]  }
0x2f: {  	lr =	sadd.s32 s0, s3;
	s0 =	sld [smem:$0x3FA8]  }
0x30: {  	s3 =	sld [smem:$0x3FAB]  }
0x31: {  	[smem:$0x3FB4] =	sst s10  }
0x32: {  	s10 =	sld [smem:$0x3FB2];
	_ =	sdelay $0x3  }
0x33: {  	p0 =	seq.s32 s10, $0x1;
	s10 =	sld [smem:$0x3FB4];
	_ =	sdelay $0x3  }
0x34: {  	[smem:$0x3FB4] =	sst s10  }
0x35: {  	s10 =	sld [smem:$0x3FB3];
	_ =	sdelay $0x3  }
0x36: {  	p1 =	seq.s32 s10, $0x1;
	s10 =	sld [smem:$0x3FB4];
	_ =	sdelay $0x3  }
0x37: {  	[smem:$0x3FB4] =	sst s10  }
0x38: {  	s10 =	sld [smem:$0x3FB5]  }
0x39: {  	_ = 	snop;
	(pc) =	sbr.ind lr, $3  }
0x3a: {  	_ = 	snop  }
0x3b: {  	_ = 	snop  }
0x3c: {  	p2 =	seq.s32 s10, $0x1;
	s10 =	sld [smem:$0x3FB4]  }
0x3d: {  	_ =	shalt  }
0x3e: {  	_ =	shalt  }
0x3f: {  	_ =	shalt  }
0x40: {  	_ =	shalt  }
0x41: {  	_ =	shalt  }
0x42: {  	_ =	shalt  }
0x43: {  	_ =	shalt  }
0x44: {  	_ =	shalt  }
0x45: {  	_ =	shalt  }
0x46: {  	_ =	shalt  }
0x47: {  	_ =	shalt  }
0x48: {  	_ =	shalt  }
0x49: {  	_ =	shalt  }
0x4a: {  	_ =	shalt  }
0x4b: {  	_ =	shalt  }
0x4c: {  	_ =	shalt  }
0x4d: {  	_ =	shalt  }
0x4e: {  	_ =	shalt  }
0x4f: {  	_ =	shalt  }
0x50: {  	_ =	shalt  }
0x51: {  	_ =	shalt  }
0x52: {  	_ =	shalt  }
0x53: {  	_ =	shalt  }
0x54: {  	_ =	shalt  }
0x55: {  	_ =	shalt  }
0x56: {  	_ =	shalt  }
0x57: {  	_ =	shalt  }
0x58: {  	_ =	shalt  }
0x59: {  	_ =	shalt  }
0x5a: {  	_ =	shalt  }
0x5b: {  	_ =	shalt  }
0x5c: {  	_ =	shalt  }
0x5d: {  	_ =	shalt  }
0x5e: {  	_ =	shalt  }
0x5f: {  	_ =	shalt  }
0x60: {  	_ =	shalt  }
0x61: {  	_ =	shalt  }
0x62: {  	_ =	shalt  }
0x63: {  	_ =	shalt  }
0x64: {  	_ =	shalt  }
0x65: {  	_ =	shalt  }
0x66: {  	_ =	shalt  }
0x67: {  	_ =	shalt  }
0x68: {  	_ =	shalt  }
0x69: {  	_ =	shalt  }
0x6a: {  	_ =	shalt  }
0x6b: {  	_ =	shalt  }
0x6c: {  	_ =	shalt  }
0x6d: {  	_ =	shalt  }
0x6e: {  	_ =	shalt  }
0x6f: {  	_ =	shalt  }
0x70: {  	_ =	shalt  }
0x71: {  	_ =	shalt  }
0x72: {  	_ =	shalt  }
0x73: {  	_ =	shalt  }
0x74: {  	_ =	shalt  }
0x75: {  	_ =	shalt  }
0x76: {  	_ =	shalt  }
0x77: {  	_ =	shalt  }
0x78: {  	_ =	shalt  }
0x79: {  	_ =	shalt  }
0x7a: {  	_ =	shalt  }
0x7b: {  	_ =	shalt  }
0x7c: {  	_ =	shalt  }
0x7d: {  	_ =	shalt  }
0x7e: {  	_ =	shalt  }
0x7f: {  	_ =	shalt  }
0x80: {  	_ =	shalt  }
0x81: {  	_ =	shalt  }
0x82: {  	_ =	shalt  }
0x83: {  	_ =	shalt  }
0x84: {  	_ =	shalt  }
0x85: {  	_ =	shalt  }
0x86: {  	_ =	shalt  }
0x87: {  	_ =	shalt  }
.Lfunc_end0:
.L_simem_size_0:
called_computation_lowered:
.L_overlay_start_0:
0x88: {  	s2 =	sld [smem:$0x3FD9]  }
0x89: {  	s3 =	sld [smem:$0x3FFE];
	_ =	sdelay $0x1  }
0x8a: {  	s1 =	srdreg.scid  }
0x8b: {  	s0 =	sand.u32 $0x1, s1  }
0x8c: {  	s14 =	sshll.u32 s0, $0xA;
	s2 =	sadd.s32 s3, s2  }
0x8d: {  	s2 =	sadd.s32 s2, s14  }
0x8e: {  	[smem:$0x3FC0] =	sst s2  }
0x8f: {  	_ = 	snop  }
0x90: {  	s2 =	sld [smem:$0x3FD0];
	_ =	sdelay $0x2  }
0x91: {  	s15 =	simm.s32 $0xA;
	s4 =	simm.s32 $0x10  }
0x92: {  	[smem:s4], [sflag:s15] =	dma.local [hbm:s2], $0x1  }
0x93: {  	_ =	swait.eq [sflag:s15], $0x1  }
0x94: {  	[sflag:s15] =	ssyncset.done $0x0  }
0x95: {  	[sflag:s15] =	ssyncadd.s32 $0xFFFFFFFF  }
0x96: {  	s16 =	sld [smem:$0x12];
	(tm) =	ssettm $0x1  }
0x97: {  	s17 =	sld [smem:$0x3FFB];
	_ =	sdelay $0x3  }
0x98: {  	_ =	strace s17  }
0x99: {  	s3 =	sld [smem:$0x3FFC];
	_ =	sdelay $0x3  }
0x9a: {  	_ =	strace s3  }
0x9b: {  	s3 =	sld [smem:$0x3FFD];
	_ =	sdelay $0x3  }
0x9c: {  	_ =	strace s3  }
0x9d: {  	_ =	strace $0x8FFFFFFF  }
0x9e: {  	s18 =	sld [smem:$0x3FDB];
	_ =	sdelay $0x1  }
0x9f: {  	s19 =	simm.s32 $_scs_section_size  }
0xa0: {  	s5 =	simm.s32 $_size__tile_overlayer_lowered;
	s6 =	simm.s32 $_tile_overlayer_lowered  }
0xa1: {  	s22 =	simm.s32 $0x1BFF;
	s21 =	sshll.u32 s6, $0x1;
	s3 =	sadd.s32 s19, s18  }
0xa2: {  	s7 =	simm.s32 $0x0;
	s20 =	sshll.u32 s5, $0x1;
	s5 =	sadd.s32 s21, s3  }
0xa3: {  	[timem:s7], [sflag:s22] =	dma.local [hbm:s5], s20  }
0xa4: {  	_ =	swait.ge [sflag:s22], s20  }
0xa5: {  	s4 =	ssub.s32 $0x0, s20;
	[sflag:s22] =	ssyncset.done $0x0  }
0xa6: {  	[sflag:s22] =	ssyncadd.s32 s4;
	_ =	sdelay $0x1  }
0xa7: {  	s23 =	simm.s32 $0x1B8B  }
0xa8: {  	_ =	swait.ge [sflag:s23], $0x1  }
0xa9: {  	[sflag:s23] =	ssyncset.done $0x0  }
0xaa: {  	s25 =	simm.s32 $0x1B8E;
	s24 =	sld [smem:$0x3FFE];
	[sflag:s23] =	ssyncadd.s32 $0xFFFFFFFF  }
0xab: {  	s26 =	simm.s32 $execute0_lowered;
	[smem:$0x3FD2] =	sst s25  }
0xac: {  	s5 =	sshll.u32 s26, $0x1;
	_ =	strace $0x80000046;
	[dreg:$0x1] =	wrdreg $0xFFFFFFFF  }
0xad: {  	s28 =	simm.s32 $_size_execute0_lowered;
	s3 =	sadd.s32 s3, s5;
	[dreg:$0x0] =	wrdreg $0x0  }
0xae: {  	s5 =	sshll.u32 s28, $0x1;
	[dreg:$0x2] =	wrdreg s3  }
0xaf: {  	[dreg:$0x3] =	wrdreg s5  }
0xb0: {  	[dreg:$0x4] =	wrdreg $0xC0  }
0xb1: {  	_ =	task [dreg:s7], $0x5FFFF  }
0xb2: {  	[dreg:$0x1] =	wrdreg $0xFFFFFFFF  }
0xb3: {  	[dreg:$0x0] =	wrdreg $0x60  }
0xb4: {  	[dreg:$0x2] =	wrdreg s16  }
0xb5: {  	[dreg:$0x3] =	wrdreg s24  }
0xb6: {  	[dreg:$0x4] =	wrdreg $0x17B000  }
0xb7: {  	[dreg:$0x5] =	wrdreg $0x9  }
0xb8: {  	_ =	task.clear_ibuf [dreg:s7], $0x6FFFF;
	_ =	strace $0x90000046  }
0xb9: {  	s29 =	simm.s32 $0x9;
	_ =	strace $0x80000048  }
0xba: {  	_ =	swait.ge [sflag:s29], $0x1  }
0xbb: {  	[sflag:s29] =	ssyncadd.s32 $0xFFFFFFFF  }
0xbc: {  	_ =	strace $0x90000048  }
0xbd: {  	_ =	sfence  }
0xbe: {  	s30 =	sld [smem:$0x0];
	_ =	sdelay $0x2  }
0xbf: {  	s31 =	sshll.u32 s1, $0xD;
	s1 =	sshrl.u32 s1, $0x2  }
0xc0: {  	s3 =	sand.u32 $0x4000, s31;
	s1 =	sadd.s32 s1, s30  }
0xc1: {  	s0 =	sor.u32 s3, s0;
	s1 =	sshll.u32 s1, $0x11  }
0xc2: {  	s0 =	sor.u32 s1, s0  }
0xc3: {  	s0 =	sadd.s32 $0x8F2B, s0  }
0xc4: {  	[sflag:s0] =	ssyncadd.remote.s32 $0x1  }
0xc5: {  	_ =	sfence.sel $0xFFFF  }
0xc6: {  	[dreg:$0x0] =	wrdreg $0xFFFFFFFF;
	(pc) =	sbr.abs _section_cstart, $3  }
0xc7: {  	[dreg:$0x1] =	wrdreg $0xFFFFFFFF  }
0xc8: {  	_ =	task.clear_ibuf [dreg:s7], $0x2FFFF;
	_ =	strace $0x9FFFFFFF  }
0xc9: {  	(tm) =	ssettm $0x7FFFFFFF  }
tec
execute0_lowered:
.L_overlay_start_1:
0x0: {  	(tag) =	ssettag $0x1  }
0x1: {  	s0 =	rddreg [dreg:$0x0];
	s7 =	stileid.u32  }
0x2: {  	s1 =	srdreg.scid;
	s5 =	smul.u32 $0x14000, s7  }
0x3: {  	s2 =	rddreg [dreg:$0x1];
	s18 =	smul.u32 $0x4E50, s7  }
0x4: {  	s4 =	rddreg [dreg:$0x2];
	s19 =	smul.u32 $0xA00, s7  }
0x5: {  	s6 =	simm.s32 $0x0;
	s1 =	sand.u32 $0x1, s1;
	s7 =	smul.u32 $0xA000, s7  }
0x6: {  	s30 =	simm.s32 $0x1;
	s31 =	simm.s32 $0xB80;
	s3 =	smul.u32 $0x140000, s1  }
0x7: {  	[smem:$0x7FF] =	sst s6;
	s20 =	ssub.s32 $0x2, s1;
	s1 =	smul.u32 $0x4E500, s1  }
0x8: {  	_ =	strace $0x80000047;
	s8 =	sshrl.u32 s20, $0x1;
	s6 =	sshrl.u32 s19, $0x2  }
0x9: {  	s7 =	sshrl.u32 s7, $0x2;
	s3 =	sadd.s32 s5, s3;
	s1 =	sadd.s32 s18, s1  }
0xa: {  	s8 =	ssub.s32 s20, s8;
	s3 =	sshrl.u32 s3, $0x3;
	s1 =	sshrl.u32 s1, $0x3  }
0xb: {  	s2 =	sadd.s32 s3, s2;
	s3 =	sadd.s32 s6, s4;
	s4 =	sadd.s32 s7, s4  }
0xc: {  	[dreg:$0x4] =	wrdreg s4;
	s21 =	sadd.s32 $0x2800, s3;
	s22 =	sadd.s32 $0x5000, s3  }
0xd: {  	s23 =	sadd.s32 $0x7800, s3;
	s24 =	sadd.s32 $0xA000, s3;
	s25 =	sadd.s32 $0xC800, s3  }
0xe: {  	s26 =	sadd.s32 $0xF000, s3;
	s11 =	sadd.s32 $0x11800, s3;
	[dreg:$0x5] =	wrdreg s21  }
0xf: {  	s12 =	sadd.s32 $0x14000, s3;
	s13 =	sadd.s32 $0x16800, s3;
	[dreg:$0x6] =	wrdreg s22  }
0x10: {  	s14 =	sadd.s32 $0x19000, s3;
	s15 =	sadd.s32 $0x1B800, s3;
	[dreg:$0x7] =	wrdreg s23  }
0x11: {  	s16 =	sadd.s32 $0x1E000, s3;
	s17 =	sadd.s32 $0x20800, s3;
	[dreg:$0x8] =	wrdreg s24  }
0x12: {  	s18 =	sadd.s32 $0x23000, s3;
	s19 =	sadd.s32 $0x25800, s3;
	[dreg:$0x9] =	wrdreg s25  }
0x13: {  	s20 =	sadd.s32 $0x2200, s2;
	[dreg:$0xa] =	wrdreg s26;
	s21 =	smax.u32 s8, $0x1  }
0x14: {  	s22 =	sadd.s32 s0, s1;
	s0 =	simm.s32 $0x3600;
	s1 =	simm.s32 $0x0  }
0x15: {  	s23 =	sadd.s32 $0x166, s22;
	s24 =	sadd.s32 $0x2CC, s22;
	s25 =	sadd.s32 $0x432, s22  }
0x16: {  	v0 =	vimm.f32 $0.0e+00;
	v1 =	vimm.f32 $1.000000000e+00;
	s26 =	sadd.s32 $0x598, s22;
	s28 =	sadd.s32 $0x6FE, s22;
	s29 =	sadd.s32 $0x864, s22  }
.LBB2_1:
0x17: {  	s2 =	simm.s32 $0x40;
	s4 =	simm.s32 $0x0  }
.LBB2_2:
0x18: {  	p0 =	sne.s32 s2, $0x9FC0;
	[tilespmem:s4+$0xB80] =	vst v0;
	s4 =	smov.u32 s2;
	s2 =	sadd.s32 $0x40, s2  }
.Ltmp0:
0x19: {  	(pc) =	sbr.rel @p0 .LBB2_2-.Ltmp0, $2  }
0x1a: {  	_ =	sdelay $0x2  }
0x1b: {  	s4 =	sshra.s32 s4, $0x2  }
0x1c: {  	[tilespmem:s4+$0xB80] =	vst v0;
	s2 =	simm.s32 $0x0  }
0x1d: {  	[tilespmem:s2], [sflag:$0x1] =	stream.linear.gather [hbm4b:s22+s2], $0xB30, $0x38;
	[tilespmem:$0x1A300] =	vst v63  }
0x1e: {  	_ =	swait.ge [sflag:s30], $0xB30  }
0x1f: {  	[sflag:s30] =	ssyncset.done $0x0  }
0x20: {  	s4 =	simm.s32 $0x0;
	s2 =	simm.s32 $0x40;
	[sflag:s30] =	ssyncadd.s32 $0xFFFFF4D0  }
.LBB2_4:
0x21: {  	p0 =	sne.s32 s2, $0x2C80;
	v2 =	vld [tilespmem:s4+$0x0];
	_ =	sdelay $0x3  }
.Ltmp1:
0x22: {  	(pc) =	sbr.rel @p0 .LBB2_4-.Ltmp1, $2  }
0x23: {  	_ =	sdelay $0x2  }
0x24: {  	s4 =	sshra.s32 s2, $0x2;
	s2 =	sadd.s32 $0x40, s2;
	[tilespmem:v2+s31+$0x0] =	vst.idx.add.f32.msk $0xffff, v1  }
0x25: {  	v2 =	vld [tilespmem:s4+$0x0];
	_ =	sdelay $0x7  }
0x26: {  	s2 =	simm.s32 $0x0;
	[tilespmem:v2+s31+$0x0] =	vst.idx.add.f32.msk $0xffff, v1  }
0x27: {  	[tilespmem:s2], [sflag:$0x1] =	stream.linear.gather [hbm4b:s23+s2], $0xB30, $0x38;
	[tilespmem:$0x1A300] =	vst v63  }
0x28: {  	_ =	swait.ge [sflag:s30], $0xB30  }
0x29: {  	[sflag:s30] =	ssyncset.done $0x0  }
0x2a: {  	s4 =	simm.s32 $0x0;
	s2 =	simm.s32 $0x40;
	[sflag:s30] =	ssyncadd.s32 $0xFFFFF4D0  }
.LBB2_6:
0x2b: {  	p0 =	sne.s32 s2, $0x2C80;
	v2 =	vld [tilespmem:s4+$0x0];
	_ =	sdelay $0x3  }
.Ltmp2:
0x2c: {  	(pc) =	sbr.rel @p0 .LBB2_6-.Ltmp2, $2  }
0x2d: {  	_ =	sdelay $0x2  }
0x2e: {  	s4 =	sshra.s32 s2, $0x2;
	s2 =	sadd.s32 $0x40, s2;
	[tilespmem:v2+s31+$0x0] =	vst.idx.add.f32.msk $0xffff, v1  }
0x2f: {  	v2 =	vld [tilespmem:s4+$0x0];
	_ =	sdelay $0x7  }
0x30: {  	s2 =	simm.s32 $0x0;
	[tilespmem:v2+s31+$0x0] =	vst.idx.add.f32.msk $0xffff, v1  }
0x31: {  	[tilespmem:s2], [sflag:$0x1] =	stream.linear.gather [hbm4b:s24+s2], $0xB30, $0x38;
	[tilespmem:$0x1A300] =	vst v63  }
0x32: {  	_ =	swait.ge [sflag:s30], $0xB30  }
0x33: {  	[sflag:s30] =	ssyncset.done $0x0  }
0x34: {  	s4 =	simm.s32 $0x0;
	s2 =	simm.s32 $0x40;
	[sflag:s30] =	ssyncadd.s32 $0xFFFFF4D0  }
.LBB2_8:
0x35: {  	p0 =	sne.s32 s2, $0x2C80;
	v2 =	vld [tilespmem:s4+$0x0];
	_ =	sdelay $0x3  }
.Ltmp3:
0x36: {  	(pc) =	sbr.rel @p0 .LBB2_8-.Ltmp3, $2  }
0x37: {  	_ =	sdelay $0x2  }
0x38: {  	s4 =	sshra.s32 s2, $0x2;
	s2 =	sadd.s32 $0x40, s2;
	[tilespmem:v2+s31+$0x0] =	vst.idx.add.f32.msk $0xffff, v1  }
0x39: {  	v2 =	vld [tilespmem:s4+$0x0];
	_ =	sdelay $0x7  }
0x3a: {  	s2 =	simm.s32 $0x0;
	[tilespmem:v2+s31+$0x0] =	vst.idx.add.f32.msk $0xffff, v1  }
0x3b: {  	[tilespmem:s2], [sflag:$0x1] =	stream.linear.gather [hbm4b:s25+s2], $0xB30, $0x38;
	[tilespmem:$0x1A300] =	vst v63  }
0x3c: {  	_ =	swait.ge [sflag:s30], $0xB30  }
0x3d: {  	[sflag:s30] =	ssyncset.done $0x0  }
0x3e: {  	s4 =	simm.s32 $0x0;
	s2 =	simm.s32 $0x40;
	[sflag:s30] =	ssyncadd.s32 $0xFFFFF4D0  }
.LBB2_10:
0x3f: {  	p0 =	sne.s32 s2, $0x2C80;
	v2 =	vld [tilespmem:s4+$0x0];
	_ =	sdelay $0x3  }
.Ltmp4:
0x40: {  	(pc) =	sbr.rel @p0 .LBB2_10-.Ltmp4, $2  }
0x41: {  	_ =	sdelay $0x2  }
0x42: {  	s4 =	sshra.s32 s2, $0x2;
	s2 =	sadd.s32 $0x40, s2;
	[tilespmem:v2+s31+$0x0] =	vst.idx.add.f32.msk $0xffff, v1  }
0x43: {  	v2 =	vld [tilespmem:s4+$0x0];
	_ =	sdelay $0x7  }
0x44: {  	s2 =	simm.s32 $0x0;
	[tilespmem:v2+s31+$0x0] =	vst.idx.add.f32.msk $0xffff, v1  }
0x45: {  	[tilespmem:s2], [sflag:$0x1] =	stream.linear.gather [hbm4b:s26+s2], $0xB30, $0x38;
	[tilespmem:$0x1A300] =	vst v63  }
0x46: {  	_ =	swait.ge [sflag:s30], $0xB30  }
0x47: {  	[sflag:s30] =	ssyncset.done $0x0  }
0x48: {  	s4 =	simm.s32 $0x0;
	s2 =	simm.s32 $0x40;
	[sflag:s30] =	ssyncadd.s32 $0xFFFFF4D0  }
.LBB2_12:
0x49: {  	p0 =	sne.s32 s2, $0x2C80;
	v2 =	vld [tilespmem:s4+$0x0];
	_ =	sdelay $0x3  }
.Ltmp5:
0x4a: {  	(pc) =	sbr.rel @p0 .LBB2_12-.Ltmp5, $2  }
0x4b: {  	_ =	sdelay $0x2  }
0x4c: {  	s4 =	sshra.s32 s2, $0x2;
	s2 =	sadd.s32 $0x40, s2;
	[tilespmem:v2+s31+$0x0] =	vst.idx.add.f32.msk $0xffff, v1  }
0x4d: {  	v2 =	vld [tilespmem:s4+$0x0];
	_ =	sdelay $0x7  }
0x4e: {  	s2 =	simm.s32 $0x0;
	[tilespmem:v2+s31+$0x0] =	vst.idx.add.f32.msk $0xffff, v1  }
0x4f: {  	[tilespmem:s2], [sflag:$0x1] =	stream.linear.gather [hbm4b:s28+s2], $0xB30, $0x38;
	[tilespmem:$0x1A300] =	vst v63  }
0x50: {  	_ =	swait.ge [sflag:s30], $0xB30  }
0x51: {  	[sflag:s30] =	ssyncset.done $0x0  }
0x52: {  	s4 =	simm.s32 $0x0;
	s2 =	simm.s32 $0x40;
	[sflag:s30] =	ssyncadd.s32 $0xFFFFF4D0  }
.LBB2_14:
0x53: {  	p0 =	sne.s32 s2, $0x2C80;
	v2 =	vld [tilespmem:s4+$0x0];
	_ =	sdelay $0x3  }
.Ltmp6:
0x54: {  	(pc) =	sbr.rel @p0 .LBB2_14-.Ltmp6, $2  }
0x55: {  	_ =	sdelay $0x2  }
0x56: {  	s4 =	sshra.s32 s2, $0x2;
	s2 =	sadd.s32 $0x40, s2;
	[tilespmem:v2+s31+$0x0] =	vst.idx.add.f32.msk $0xffff, v1  }
0x57: {  	v2 =	vld [tilespmem:s4+$0x0];
	_ =	sdelay $0x7  }
0x58: {  	s2 =	simm.s32 $0x0;
	[tilespmem:v2+s31+$0x0] =	vst.idx.add.f32.msk $0xffff, v1  }
0x59: {  	[tilespmem:s2], [sflag:$0x1] =	stream.linear.gather [hbm4b:s29+s2], $0xB30, $0x38;
	[tilespmem:$0x1A300] =	vst v63  }
0x5a: {  	_ =	swait.ge [sflag:s30], $0xB30  }
0x5b: {  	[sflag:s30] =	ssyncset.done $0x0  }
0x5c: {  	s4 =	simm.s32 $0x0;
	s2 =	simm.s32 $0x40;
	[sflag:s30] =	ssyncadd.s32 $0xFFFFF4D0  }
.LBB2_16:
0x5d: {  	p0 =	sne.s32 s2, $0x2C80;
	v2 =	vld [tilespmem:s4+$0x0];
	_ =	sdelay $0x3  }
.Ltmp7:
0x5e: {  	(pc) =	sbr.rel @p0 .LBB2_16-.Ltmp7, $2  }
0x5f: {  	_ =	sdelay $0x2  }
0x60: {  	s4 =	sshra.s32 s2, $0x2;
	s2 =	sadd.s32 $0x40, s2;
	[tilespmem:v2+s31+$0x0] =	vst.idx.add.f32.msk $0xffff, v1  }
0x61: {  	v2 =	vld [tilespmem:s4+$0x0];
	_ =	sdelay $0x7  }
0x62: {  	s2 =	rddreg [dreg:$0x4];
	[tilespmem:v2+s31+$0x0] =	vst.idx.add.f32.msk $0xffff, v1  }
0x63: {  	[spmem:s2] =	stream.linear.scatter [tilespmem:s31], [sflag:$0x1], $0x2800, $0x38;
	[tilespmem:$0x1A300] =	vst v63  }
0x64: {  	_ =	swait.ge [sflag:s30], $0x2800  }
0x65: {  	[sflag:s30] =	ssyncset.done $0x0  }
0x66: {  	[sflag:s30] =	ssyncadd.s32 $0xFFFFD800  }
0x67: {  	s9 =	simm.s32 $0x3380;
	[bflag:$0x0] =	sbarrier.arrive $0xFFFF  }
0x68: {  	[tilespmem:s9], [sflag:$0x1] =	stream.linear.gather [spmem:s3], $0x280, $0x38;
	[tilespmem:$0x1A300] =	vst v63  }
0x69: {  	_ =	swait.ge [sflag:s30], $0x280  }
0x6a: {  	[sflag:s30] =	ssyncset.done $0x0  }
0x6b: {  	s10 =	rddreg [dreg:$0x5];
	[sflag:s30] =	ssyncadd.s32 $0xFFFFFD80  }
0x6c: {  	[tilespmem:s0], [sflag:$0x1] =	stream.linear.gather [spmem:s10], $0x280, $0x38;
	[tilespmem:$0x1A300] =	vst v63  }
0x6d: {  	_ =	swait.ge [sflag:s30], $0x280  }
0x6e: {  	[sflag:s30] =	ssyncset.done $0x0  }
0x6f: {  	s2 =	simm.s32 $0x0;
	[sflag:s30] =	ssyncadd.s32 $0xFFFFFD80  }
0x70: {  	s4 =	simm.s32 $0x40;
	v2 =	vld [tilespmem:s2+$0x3600]  }
.LBB2_18:
0x71: {  	p0 =	sne.s32 s4, $0x9C0;
	v3 =	vld [tilespmem:s2+$0x3380];
	_ =	sdelay $0x2  }
.Ltmp8:
0x72: {  	(pc) =	sbr.rel @p0 .LBB2_18-.Ltmp8, $4  }
0x73: {  	_ = 	snop  }
0x74: {  	v3 =	vadd.f32 v2, v3  }
0x75: {  	s5 =	sshra.s32 s4, $0x2  }
0x76: {  	s4 =	sadd.s32 $0x40, s4;
	v2 =	vld [tilespmem:s5+$0x3600];
	[tilespmem:s2+$0x3380] =	vst v3;
	s2 =	smov.u32 s5  }
0x77: {  	v3 =	vld [tilespmem:s2+$0x3380];
	_ =	sdelay $0x4  }
0x78: {  	v2 =	vadd.f32 v2, v3;
	_ =	sdelay $0x1  }
0x79: {  	s10 =	rddreg [dreg:$0x6];
	[tilespmem:s2+$0x3380] =	vst v2  }
0x7a: {  	[tilespmem:s0], [sflag:$0x1] =	stream.linear.gather [spmem:s10], $0x280, $0x38;
	[tilespmem:$0x1A300] =	vst v63  }
0x7b: {  	_ =	swait.ge [sflag:s30], $0x280  }
0x7c: {  	[sflag:s30] =	ssyncset.done $0x0  }
0x7d: {  	s2 =	simm.s32 $0x0;
	[sflag:s30] =	ssyncadd.s32 $0xFFFFFD80  }
0x7e: {  	s4 =	simm.s32 $0x40;
	v2 =	vld [tilespmem:s2+$0x3600]  }
.LBB2_20:
0x7f: {  	p0 =	sne.s32 s4, $0x9C0;
	v3 =	vld [tilespmem:s2+$0x3380];
	_ =	sdelay $0x2  }
.Ltmp9:
0x80: {  	(pc) =	sbr.rel @p0 .LBB2_20-.Ltmp9, $4  }
0x81: {  	_ = 	snop  }
0x82: {  	v3 =	vadd.f32 v2, v3  }
0x83: {  	s5 =	sshra.s32 s4, $0x2  }
0x84: {  	s4 =	sadd.s32 $0x40, s4;
	v2 =	vld [tilespmem:s5+$0x3600];
	[tilespmem:s2+$0x3380] =	vst v3;
	s2 =	smov.u32 s5  }
0x85: {  	v3 =	vld [tilespmem:s2+$0x3380];
	_ =	sdelay $0x4  }
0x86: {  	v2 =	vadd.f32 v2, v3;
	_ =	sdelay $0x1  }
0x87: {  	s10 =	rddreg [dreg:$0x7];
	[tilespmem:s2+$0x3380] =	vst v2  }
0x88: {  	[tilespmem:s0], [sflag:$0x1] =	stream.linear.gather [spmem:s10], $0x280, $0x38;
	[tilespmem:$0x1A300] =	vst v63  }
0x89: {  	_ =	swait.ge [sflag:s30], $0x280  }
0x8a: {  	[sflag:s30] =	ssyncset.done $0x0  }
0x8b: {  	s2 =	simm.s32 $0x0;
	[sflag:s30] =	ssyncadd.s32 $0xFFFFFD80  }
0x8c: {  	s4 =	simm.s32 $0x40;
	v2 =	vld [tilespmem:s2+$0x3600]  }
.LBB2_22:
0x8d: {  	p0 =	sne.s32 s4, $0x9C0;
	v3 =	vld [tilespmem:s2+$0x3380];
	_ =	sdelay $0x2  }
.Ltmp10:
0x8e: {  	(pc) =	sbr.rel @p0 .LBB2_22-.Ltmp10, $4  }
0x8f: {  	_ = 	snop  }
0x90: {  	v3 =	vadd.f32 v2, v3  }
0x91: {  	s5 =	sshra.s32 s4, $0x2  }
0x92: {  	s4 =	sadd.s32 $0x40, s4;
	v2 =	vld [tilespmem:s5+$0x3600];
	[tilespmem:s2+$0x3380] =	vst v3;
	s2 =	smov.u32 s5  }
0x93: {  	v3 =	vld [tilespmem:s2+$0x3380];
	_ =	sdelay $0x4  }
0x94: {  	v2 =	vadd.f32 v2, v3;
	_ =	sdelay $0x1  }
0x95: {  	s10 =	rddreg [dreg:$0x8];
	[tilespmem:s2+$0x3380] =	vst v2  }
0x96: {  	[tilespmem:s0], [sflag:$0x1] =	stream.linear.gather [spmem:s10], $0x280, $0x38;
	[tilespmem:$0x1A300] =	vst v63  }
0x97: {  	_ =	swait.ge [sflag:s30], $0x280  }
0x98: {  	[sflag:s30] =	ssyncset.done $0x0  }
0x99: {  	s2 =	simm.s32 $0x0;
	[sflag:s30] =	ssyncadd.s32 $0xFFFFFD80  }
0x9a: {  	s4 =	simm.s32 $0x40;
	v2 =	vld [tilespmem:s2+$0x3600]  }
.LBB2_24:
0x9b: {  	p0 =	sne.s32 s4, $0x9C0;
	v3 =	vld [tilespmem:s2+$0x3380];
	_ =	sdelay $0x2  }
.Ltmp11:
0x9c: {  	(pc) =	sbr.rel @p0 .LBB2_24-.Ltmp11, $4  }
0x9d: {  	_ = 	snop  }
0x9e: {  	v3 =	vadd.f32 v2, v3  }
0x9f: {  	s5 =	sshra.s32 s4, $0x2  }
0xa0: {  	s4 =	sadd.s32 $0x40, s4;
	v2 =	vld [tilespmem:s5+$0x3600];
	[tilespmem:s2+$0x3380] =	vst v3;
	s2 =	smov.u32 s5  }
0xa1: {  	v3 =	vld [tilespmem:s2+$0x3380];
	_ =	sdelay $0x4  }
0xa2: {  	v2 =	vadd.f32 v2, v3;
	_ =	sdelay $0x1  }
0xa3: {  	s10 =	rddreg [dreg:$0x9];
	[tilespmem:s2+$0x3380] =	vst v2  }
0xa4: {  	[tilespmem:s0], [sflag:$0x1] =	stream.linear.gather [spmem:s10], $0x280, $0x38;
	[tilespmem:$0x1A300] =	vst v63  }
0xa5: {  	_ =	swait.ge [sflag:s30], $0x280  }
0xa6: {  	[sflag:s30] =	ssyncset.done $0x0  }
0xa7: {  	s2 =	simm.s32 $0x0;
	[sflag:s30] =	ssyncadd.s32 $0xFFFFFD80  }
0xa8: {  	s4 =	simm.s32 $0x40;
	v2 =	vld [tilespmem:s2+$0x3600]  }
.LBB2_26:
0xa9: {  	p0 =	sne.s32 s4, $0x9C0;
	v3 =	vld [tilespmem:s2+$0x3380];
	_ =	sdelay $0x2  }
.Ltmp12:
0xaa: {  	(pc) =	sbr.rel @p0 .LBB2_26-.Ltmp12, $4  }
0xab: {  	_ = 	snop  }
0xac: {  	v3 =	vadd.f32 v2, v3  }
0xad: {  	s5 =	sshra.s32 s4, $0x2  }
0xae: {  	s4 =	sadd.s32 $0x40, s4;
	v2 =	vld [tilespmem:s5+$0x3600];
	[tilespmem:s2+$0x3380] =	vst v3;
	s2 =	smov.u32 s5  }
0xaf: {  	v3 =	vld [tilespmem:s2+$0x3380];
	_ =	sdelay $0x4  }
0xb0: {  	v2 =	vadd.f32 v2, v3;
	_ =	sdelay $0x1  }
0xb1: {  	s10 =	rddreg [dreg:$0xa];
	[tilespmem:s2+$0x3380] =	vst v2  }
0xb2: {  	[tilespmem:s0], [sflag:$0x1] =	stream.linear.gather [spmem:s10], $0x280, $0x38;
	[tilespmem:$0x1A300] =	vst v63  }
0xb3: {  	_ =	swait.ge [sflag:s30], $0x280  }
0xb4: {  	[sflag:s30] =	ssyncset.done $0x0  }
0xb5: {  	s2 =	simm.s32 $0x0;
	[sflag:s30] =	ssyncadd.s32 $0xFFFFFD80  }
0xb6: {  	s4 =	simm.s32 $0x40;
	v2 =	vld [tilespmem:s2+$0x3600]  }
.LBB2_28:
0xb7: {  	p0 =	sne.s32 s4, $0x9C0;
	v3 =	vld [tilespmem:s2+$0x3380];
	_ =	sdelay $0x2  }
.Ltmp13:
0xb8: {  	(pc) =	sbr.rel @p0 .LBB2_28-.Ltmp13, $4  }
0xb9: {  	_ = 	snop  }
0xba: {  	v3 =	vadd.f32 v2, v3  }
0xbb: {  	s5 =	sshra.s32 s4, $0x2  }
0xbc: {  	s4 =	sadd.s32 $0x40, s4;
	v2 =	vld [tilespmem:s5+$0x3600];
	[tilespmem:s2+$0x3380] =	vst v3;
	s2 =	smov.u32 s5  }
0xbd: {  	v3 =	vld [tilespmem:s2+$0x3380];
	_ =	sdelay $0x4  }
0xbe: {  	v2 =	vadd.f32 v2, v3;
	_ =	sdelay $0x1  }
0xbf: {  	[tilespmem:s2+$0x3380] =	vst v2  }
0xc0: {  	[tilespmem:s0], [sflag:$0x1] =	stream.linear.gather [spmem:s11], $0x280, $0x38;
	[tilespmem:$0x1A300] =	vst v63  }
0xc1: {  	_ =	swait.ge [sflag:s30], $0x280  }
0xc2: {  	[sflag:s30] =	ssyncset.done $0x0  }
0xc3: {  	s2 =	simm.s32 $0x0;
	[sflag:s30] =	ssyncadd.s32 $0xFFFFFD80  }
0xc4: {  	s4 =	simm.s32 $0x40;
	v2 =	vld [tilespmem:s2+$0x3600]  }
.LBB2_30:
0xc5: {  	p0 =	sne.s32 s4, $0x9C0;
	v3 =	vld [tilespmem:s2+$0x3380];
	_ =	sdelay $0x2  }
.Ltmp14:
0xc6: {  	(pc) =	sbr.rel @p0 .LBB2_30-.Ltmp14, $4  }
0xc7: {  	_ = 	snop  }
0xc8: {  	v3 =	vadd.f32 v2, v3  }
0xc9: {  	s5 =	sshra.s32 s4, $0x2  }
0xca: {  	s4 =	sadd.s32 $0x40, s4;
	v2 =	vld [tilespmem:s5+$0x3600];
	[tilespmem:s2+$0x3380] =	vst v3;
	s2 =	smov.u32 s5  }
0xcb: {  	v3 =	vld [tilespmem:s2+$0x3380];
	_ =	sdelay $0x4  }
0xcc: {  	v2 =	vadd.f32 v2, v3;
	_ =	sdelay $0x1  }
0xcd: {  	[tilespmem:s2+$0x3380] =	vst v2  }
0xce: {  	[tilespmem:s0], [sflag:$0x1] =	stream.linear.gather [spmem:s12], $0x280, $0x38;
	[tilespmem:$0x1A300] =	vst v63  }
0xcf: {  	_ =	swait.ge [sflag:s30], $0x280  }
0xd0: {  	[sflag:s30] =	ssyncset.done $0x0  }
0xd1: {  	s2 =	simm.s32 $0x0;
	[sflag:s30] =	ssyncadd.s32 $0xFFFFFD80  }
0xd2: {  	s4 =	simm.s32 $0x40;
	v2 =	vld [tilespmem:s2+$0x3600]  }
.LBB2_32:
0xd3: {  	p0 =	sne.s32 s4, $0x9C0;
	v3 =	vld [tilespmem:s2+$0x3380];
	_ =	sdelay $0x2  }
.Ltmp15:
0xd4: {  	(pc) =	sbr.rel @p0 .LBB2_32-.Ltmp15, $4  }
0xd5: {  	_ = 	snop  }
0xd6: {  	v3 =	vadd.f32 v2, v3  }
0xd7: {  	s5 =	sshra.s32 s4, $0x2  }
0xd8: {  	s4 =	sadd.s32 $0x40, s4;
	v2 =	vld [tilespmem:s5+$0x3600];
	[tilespmem:s2+$0x3380] =	vst v3;
	s2 =	smov.u32 s5  }
0xd9: {  	v3 =	vld [tilespmem:s2+$0x3380];
	_ =	sdelay $0x4  }
0xda: {  	v2 =	vadd.f32 v2, v3;
	_ =	sdelay $0x1  }
0xdb: {  	[tilespmem:s2+$0x3380] =	vst v2  }
0xdc: {  	[tilespmem:s0], [sflag:$0x1] =	stream.linear.gather [spmem:s13], $0x280, $0x38;
	[tilespmem:$0x1A300] =	vst v63  }
0xdd: {  	_ =	swait.ge [sflag:s30], $0x280  }
0xde: {  	[sflag:s30] =	ssyncset.done $0x0  }
0xdf: {  	s2 =	simm.s32 $0x0;
	[sflag:s30] =	ssyncadd.s32 $0xFFFFFD80  }
0xe0: {  	s4 =	simm.s32 $0x40;
	v2 =	vld [tilespmem:s2+$0x3600]  }
.LBB2_34:
0xe1: {  	p0 =	sne.s32 s4, $0x9C0;
	v3 =	vld [tilespmem:s2+$0x3380];
	_ =	sdelay $0x2  }
.Ltmp16:
0xe2: {  	(pc) =	sbr.rel @p0 .LBB2_34-.Ltmp16, $4  }
0xe3: {  	_ = 	snop  }
0xe4: {  	v3 =	vadd.f32 v2, v3  }
0xe5: {  	s5 =	sshra.s32 s4, $0x2  }
0xe6: {  	s4 =	sadd.s32 $0x40, s4;
	v2 =	vld [tilespmem:s5+$0x3600];
	[tilespmem:s2+$0x3380] =	vst v3;
	s2 =	smov.u32 s5  }
0xe7: {  	v3 =	vld [tilespmem:s2+$0x3380];
	_ =	sdelay $0x4  }
0xe8: {  	v2 =	vadd.f32 v2, v3;
	_ =	sdelay $0x1  }
0xe9: {  	[tilespmem:s2+$0x3380] =	vst v2  }
0xea: {  	[tilespmem:s0], [sflag:$0x1] =	stream.linear.gather [spmem:s14], $0x280, $0x38;
	[tilespmem:$0x1A300] =	vst v63  }
0xeb: {  	_ =	swait.ge [sflag:s30], $0x280  }
0xec: {  	[sflag:s30] =	ssyncset.done $0x0  }
0xed: {  	s2 =	simm.s32 $0x0;
	[sflag:s30] =	ssyncadd.s32 $0xFFFFFD80  }
0xee: {  	s4 =	simm.s32 $0x40;
	v2 =	vld [tilespmem:s2+$0x3600]  }
.LBB2_36:
0xef: {  	p0 =	sne.s32 s4, $0x9C0;
	v3 =	vld [tilespmem:s2+$0x3380];
	_ =	sdelay $0x2  }
.Ltmp17:
0xf0: {  	(pc) =	sbr.rel @p0 .LBB2_36-.Ltmp17, $4  }
0xf1: {  	_ = 	snop  }
0xf2: {  	v3 =	vadd.f32 v2, v3  }
0xf3: {  	s5 =	sshra.s32 s4, $0x2  }
0xf4: {  	s4 =	sadd.s32 $0x40, s4;
	v2 =	vld [tilespmem:s5+$0x3600];
	[tilespmem:s2+$0x3380] =	vst v3;
	s2 =	smov.u32 s5  }
0xf5: {  	v3 =	vld [tilespmem:s2+$0x3380];
	_ =	sdelay $0x4  }
0xf6: {  	v2 =	vadd.f32 v2, v3;
	_ =	sdelay $0x1  }
0xf7: {  	[tilespmem:s2+$0x3380] =	vst v2  }
0xf8: {  	[tilespmem:s0], [sflag:$0x1] =	stream.linear.gather [spmem:s15], $0x280, $0x38;
	[tilespmem:$0x1A300] =	vst v63  }
0xf9: {  	_ =	swait.ge [sflag:s30], $0x280  }
0xfa: {  	[sflag:s30] =	ssyncset.done $0x0  }
0xfb: {  	s2 =	simm.s32 $0x0;
	[sflag:s30] =	ssyncadd.s32 $0xFFFFFD80  }
0xfc: {  	s4 =	simm.s32 $0x40;
	v2 =	vld [tilespmem:s2+$0x3600]  }
.LBB2_38:
0xfd: {  	p0 =	sne.s32 s4, $0x9C0;
	v3 =	vld [tilespmem:s2+$0x3380];
	_ =	sdelay $0x2  }
.Ltmp18:
0xfe: {  	(pc) =	sbr.rel @p0 .LBB2_38-.Ltmp18, $4  }
0xff: {  	_ = 	snop  }
0x100: {  	v3 =	vadd.f32 v2, v3  }
0x101: {  	s5 =	sshra.s32 s4, $0x2  }
0x102: {  	s4 =	sadd.s32 $0x40, s4;
	v2 =	vld [tilespmem:s5+$0x3600];
	[tilespmem:s2+$0x3380] =	vst v3;
	s2 =	smov.u32 s5  }
0x103: {  	v3 =	vld [tilespmem:s2+$0x3380];
	_ =	sdelay $0x4  }
0x104: {  	v2 =	vadd.f32 v2, v3;
	_ =	sdelay $0x1  }
0x105: {  	[tilespmem:s2+$0x3380] =	vst v2  }
0x106: {  	[tilespmem:s0], [sflag:$0x1] =	stream.linear.gather [spmem:s16], $0x280, $0x38;
	[tilespmem:$0x1A300] =	vst v63  }
0x107: {  	_ =	swait.ge [sflag:s30], $0x280  }
0x108: {  	[sflag:s30] =	ssyncset.done $0x0  }
0x109: {  	s2 =	simm.s32 $0x0;
	[sflag:s30] =	ssyncadd.s32 $0xFFFFFD80  }
0x10a: {  	s4 =	simm.s32 $0x40;
	v2 =	vld [tilespmem:s2+$0x3600]  }
.LBB2_40:
0x10b: {  	p0 =	sne.s32 s4, $0x9C0;
	v3 =	vld [tilespmem:s2+$0x3380];
	_ =	sdelay $0x2  }
.Ltmp19:
0x10c: {  	(pc) =	sbr.rel @p0 .LBB2_40-.Ltmp19, $4  }
0x10d: {  	_ = 	snop  }
0x10e: {  	v3 =	vadd.f32 v2, v3  }
0x10f: {  	s5 =	sshra.s32 s4, $0x2  }
0x110: {  	s4 =	sadd.s32 $0x40, s4;
	v2 =	vld [tilespmem:s5+$0x3600];
	[tilespmem:s2+$0x3380] =	vst v3;
	s2 =	smov.u32 s5  }
0x111: {  	v3 =	vld [tilespmem:s2+$0x3380];
	_ =	sdelay $0x4  }
0x112: {  	v2 =	vadd.f32 v2, v3;
	_ =	sdelay $0x1  }
0x113: {  	[tilespmem:s2+$0x3380] =	vst v2  }
0x114: {  	[tilespmem:s0], [sflag:$0x1] =	stream.linear.gather [spmem:s17], $0x280, $0x38;
	[tilespmem:$0x1A300] =	vst v63  }
0x115: {  	_ =	swait.ge [sflag:s30], $0x280  }
0x116: {  	[sflag:s30] =	ssyncset.done $0x0  }
0x117: {  	s2 =	simm.s32 $0x0;
	[sflag:s30] =	ssyncadd.s32 $0xFFFFFD80  }
0x118: {  	s4 =	simm.s32 $0x40;
	v2 =	vld [tilespmem:s2+$0x3600]  }
.LBB2_42:
0x119: {  	p0 =	sne.s32 s4, $0x9C0;
	v3 =	vld [tilespmem:s2+$0x3380];
	_ =	sdelay $0x2  }
.Ltmp20:
0x11a: {  	(pc) =	sbr.rel @p0 .LBB2_42-.Ltmp20, $4  }
0x11b: {  	_ = 	snop  }
0x11c: {  	v3 =	vadd.f32 v2, v3  }
0x11d: {  	s5 =	sshra.s32 s4, $0x2  }
0x11e: {  	s4 =	sadd.s32 $0x40, s4;
	v2 =	vld [tilespmem:s5+$0x3600];
	[tilespmem:s2+$0x3380] =	vst v3;
	s2 =	smov.u32 s5  }
0x11f: {  	v3 =	vld [tilespmem:s2+$0x3380];
	_ =	sdelay $0x4  }
0x120: {  	v2 =	vadd.f32 v2, v3;
	_ =	sdelay $0x1  }
0x121: {  	[tilespmem:s2+$0x3380] =	vst v2  }
0x122: {  	[tilespmem:s0], [sflag:$0x1] =	stream.linear.gather [spmem:s18], $0x280, $0x38;
	[tilespmem:$0x1A300] =	vst v63  }
0x123: {  	_ =	swait.ge [sflag:s30], $0x280  }
0x124: {  	[sflag:s30] =	ssyncset.done $0x0  }
0x125: {  	s2 =	simm.s32 $0x0;
	[sflag:s30] =	ssyncadd.s32 $0xFFFFFD80  }
0x126: {  	s4 =	simm.s32 $0x40;
	v2 =	vld [tilespmem:s2+$0x3600]  }
.LBB2_44:
0x127: {  	p0 =	sne.s32 s4, $0x9C0;
	v3 =	vld [tilespmem:s2+$0x3380];
	_ =	sdelay $0x2  }
.Ltmp21:
0x128: {  	(pc) =	sbr.rel @p0 .LBB2_44-.Ltmp21, $4  }
0x129: {  	_ = 	snop  }
0x12a: {  	v3 =	vadd.f32 v2, v3  }
0x12b: {  	s5 =	sshra.s32 s4, $0x2  }
0x12c: {  	s4 =	sadd.s32 $0x40, s4;
	v2 =	vld [tilespmem:s5+$0x3600];
	[tilespmem:s2+$0x3380] =	vst v3;
	s2 =	smov.u32 s5  }
0x12d: {  	v3 =	vld [tilespmem:s2+$0x3380];
	_ =	sdelay $0x4  }
0x12e: {  	v2 =	vadd.f32 v2, v3;
	_ =	sdelay $0x1  }
0x12f: {  	[tilespmem:s2+$0x3380] =	vst v2  }
0x130: {  	[tilespmem:s0], [sflag:$0x1] =	stream.linear.gather [spmem:s19], $0x280, $0x38;
	[tilespmem:$0x1A300] =	vst v63  }
0x131: {  	_ =	swait.ge [sflag:s30], $0x280  }
0x132: {  	[sflag:s30] =	ssyncset.done $0x0  }
0x133: {  	s2 =	simm.s32 $0x0;
	[sflag:s30] =	ssyncadd.s32 $0xFFFFFD80  }
0x134: {  	s5 =	simm.s32 $0x40;
	s4 =	simm.s32 $0x0;
	v2 =	vld [tilespmem:s2+$0x3600]  }
.LBB2_46:
0x135: {  	p0 =	sne.s32 s5, $0x9C0;
	v3 =	vld [tilespmem:s4+$0x3380];
	_ =	sdelay $0x2  }
.Ltmp22:
0x136: {  	(pc) =	sbr.rel @p0 .LBB2_46-.Ltmp22, $4  }
0x137: {  	_ = 	snop  }
0x138: {  	v3 =	vadd.f32 v2, v3  }
0x139: {  	s6 =	sshra.s32 s5, $0x2  }
0x13a: {  	s5 =	sadd.s32 $0x40, s5;
	v2 =	vld [tilespmem:s6+$0x3600];
	[tilespmem:s4+$0x3380] =	vst v3;
	s4 =	smov.u32 s6  }
0x13b: {  	v3 =	vld [tilespmem:s4+$0x3380];
	_ =	sdelay $0x4  }
0x13c: {  	v2 =	vadd.f32 v2, v3;
	_ =	sdelay $0x1  }
0x13d: {  	[tilespmem:s4+$0x3380] =	vst v2  }
0x13e: {  	v2 =	vld [tilespmem:s2+$0x3380];
	_ =	sdelay $0x4  }
0x13f: {  	s4 =	simm.s32 $0x10;
	v2 =	vadd.f32 $1.000000000e+00, v2  }
0x140: {  	v3 =	vld [tilespmem:s4+$0x3380]  }
0x141: {  	v4 =	vshra.s32 v2, $0x1;
	v5 =	vmul.f32 $5.000000000e-01, v2  }
0x142: {  	v2 =	vsub.s32 $0x5F3759DF, v4  }
0x143: {  	v4 =	vmul.f32 v2, v5  }
0x144: {  	s5 =	simm.s32 $0x20  }
0x145: {  	v6 =	vld [tilespmem:s5+$0x3380];
	v3 =	vadd.f32 $1.000000000e+00, v3;
	v4 =	vmul.f32 v2, v4;
	_ =	sdelay $0x1  }
0x146: {  	v7 =	vshra.s32 v3, $0x1;
	v9 =	vmul.f32 $5.000000000e-01, v3;
	v3 =	vsub.f32 $1.500000000e+00, v4  }
0x147: {  	v4 =	vsub.s32 $0x5F3759DF, v7  }
0x148: {  	v7 =	vmul.f32 v4, v9;
	v3 =	vmul.f32 v2, v3  }
0x149: {  	s6 =	simm.s32 $0x30;
	v2 =	vadd.f32 $1.000000000e+00, v6  }
0x14a: {  	v6 =	vld [tilespmem:s6+$0x3380];
	v7 =	vmul.f32 v4, v7;
	v8 =	vmul.f32 v3, v5  }
0x14b: {  	v10 =	vshra.s32 v2, $0x1;
	v2 =	vmul.f32 $5.000000000e-01, v2  }
0x14c: {  	v7 =	vsub.f32 $1.500000000e+00, v7;
	v10 =	vsub.s32 $0x5F3759DF, v10;
	v8 =	vmul.f32 v8, v3  }
0x14d: {  	v11 =	vmul.f32 v10, v2  }
0x14e: {  	v4 =	vmul.f32 v4, v7;
	v7 =	vsub.f32 $1.500000000e+00, v8  }
0x14f: {  	v6 =	vadd.f32 $1.000000000e+00, v6;
	v11 =	vmul.f32 v10, v11  }
0x150: {  	s7 =	simm.s32 $0x40;
	v12 =	vmul.f32 v4, v9;
	v7 =	vmul.f32 v7, v3  }
0x151: {  	v8 =	vld [tilespmem:s7+$0x3380];
	v13 =	vshra.s32 v6, $0x1;
	v3 =	vmul.f32 $5.000000000e-01, v6;
	v6 =	vsub.f32 $1.500000000e+00, v11  }
0x152: {  	v14 =	vsub.s32 $0x5F3759DF, v13;
	v11 =	vmul.f32 v12, v4;
	v5 =	vmul.f32 v7, v5  }
0x153: {  	v12 =	vmul.f32 v14, v3;
	v6 =	vmul.f32 v10, v6  }
0x154: {  	v5 =	vmul.f32 v5, v7  }
0x155: {  	v10 =	vsub.f32 $1.500000000e+00, v11;
	v11 =	vmul.f32 v14, v12;
	v12 =	vmul.f32 v6, v2  }
0x156: {  	s8 =	simm.s32 $0x50;
	v8 =	vadd.f32 $1.000000000e+00, v8  }
0x157: {  	v4 =	vmul.f32 v10, v4;
	v15 =	vsub.f32 $1.500000000e+00, v5;
	v10 =	vmul.f32 v12, v6;
	v12 =	vld [tilespmem:s8+$0x3380]  }
0x158: {  	v13 =	vshra.s32 v8, $0x1;
	v5 =	vmul.f32 $5.000000000e-01, v8;
	v16 =	vsub.f32 $1.500000000e+00, v11  }
0x159: {  	v8 =	vsub.s32 $0x5F3759DF, v13;
	v11 =	vmul.f32 v4, v9;
	v7 =	vmul.f32 v15, v7  }
0x15a: {  	s9 =	simm.s32 $0x180;
	v13 =	vmul.f32 v8, v5;
	v9 =	vmul.f32 v14, v16  }
.LBB2_48:
0x15b: {  	s10 =	sshra.s32 s9, $0x2  }
0x15c: {  	v14 =	vadd.f32 $1.000000000e+00, v12;
	v10 =	vsub.f32 $1.500000000e+00, v10;
	v11 =	vmul.f32 v11, v4;
	[tilespmem:s2+$0x3880] =	vst v7;
	s2 =	smov.u32 s4;
	s4 =	smov.u32 s5;
	p0 =	sne.s32 s9, $0x9C0  }
.Ltmp23:
0x15d: {  	s5 =	smov.u32 s6;
	s6 =	smov.u32 s7;
	v12 =	vld [tilespmem:s10+$0x3380];
	v7 =	vmul.f32 v8, v13;
	v13 =	vmul.f32 v9, v3;
	(pc) =	sbr.rel @p0 .LBB2_48-.Ltmp23, $4  }
0x15e: {  	s9 =	sadd.s32 $0x40, s9;
	s7 =	smov.u32 s8;
	v15 =	vshra.s32 v14, $0x1;
	v16 =	vmul.f32 v10, v6;
	v17 =	vsub.f32 $1.500000000e+00, v11;
	v6 =	vmovc v9  }
0x15f: {  	s8 =	smov.u32 s10;
	v14 =	vmul.f32 $5.000000000e-01, v14;
	v9 =	vsub.f32 $1.500000000e+00, v7;
	v10 =	vmul.f32 v13, v6  }
0x160: {  	v15 =	vsub.s32 $0x5F3759DF, v15;
	v11 =	vmul.f32 v16, v2;
	v7 =	vmul.f32 v17, v4;
	v4 =	vmovc v16;
	v2 =	vmovc v3  }
0x161: {  	v13 =	vmul.f32 v15, v14;
	v3 =	vmovc v5;
	v5 =	vmovc v14;
	v9 =	vmul.f32 v8, v9;
	v8 =	vmov v15  }
0x162: {  	v12 =	vadd.f32 $1.000000000e+00, v12;
	_ =	sdelay $0x1  }
0x163: {  	v14 =	vshra.s32 v12, $0x1;
	v12 =	vmul.f32 $5.000000000e-01, v12  }
0x164: {  	v14 =	vsub.s32 $0x5F3759DF, v14  }
0x165: {  	v15 =	vmul.f32 v14, v12  }
0x166: {  	v13 =	vmul.f32 v8, v13  }
0x167: {  	v15 =	vmul.f32 v14, v15  }
0x168: {  	v13 =	vsub.f32 $1.500000000e+00, v13  }
0x169: {  	v15 =	vsub.f32 $1.500000000e+00, v15  }
0x16a: {  	v46 =	vmul.f32 v8, v13  }
0x16b: {  	v47 =	vmul.f32 v9, v3;
	v14 =	vmul.f32 v14, v15  }
0x16c: {  	v48 =	vmul.f32 v46, v5  }
0x16d: {  	v13 =	vmul.f32 v47, v9;
	v16 =	vmul.f32 v14, v12  }
0x16e: {  	v10 =	vsub.f32 $1.500000000e+00, v10;
	v15 =	vmul.f32 v48, v46  }
0x16f: {  	v13 =	vsub.f32 $1.500000000e+00, v13;
	v16 =	vmul.f32 v16, v14  }
0x170: {  	v6 =	vmul.f32 v10, v6;
	v49 =	vsub.f32 $1.500000000e+00, v15  }
0x171: {  	v11 =	vmul.f32 v11, v4;
	v50 =	vmul.f32 v13, v9;
	v51 =	vsub.f32 $1.500000000e+00, v16  }
0x172: {  	v2 =	vmul.f32 v6, v2;
	v8 =	vmul.f32 v49, v46  }
0x173: {  	v3 =	vmul.f32 v50, v3;
	v52 =	vmul.f32 v51, v14  }
0x174: {  	v2 =	vmul.f32 v2, v6;
	v53 =	vmul.f32 v8, v5  }
0x175: {  	v11 =	vsub.f32 $1.500000000e+00, v11;
	v3 =	vmul.f32 v3, v50;
	v12 =	vmul.f32 v52, v12  }
0x176: {  	v2 =	vsub.f32 $1.500000000e+00, v2;
	v5 =	vmul.f32 v53, v8  }
0x177: {  	v54 =	vmul.f32 v11, v4;
	v3 =	vsub.f32 $1.500000000e+00, v3;
	v55 =	vmul.f32 v12, v52  }
0x178: {  	[tilespmem:s2+$0x3880] =	vst v7;
	v2 =	vmul.f32 v2, v6;
	v5 =	vsub.f32 $1.500000000e+00, v5  }
0x179: {  	[tilespmem:s4+$0x3880] =	vst v54;
	v3 =	vmul.f32 v3, v50;
	v56 =	vsub.f32 $1.500000000e+00, v55  }
0x17a: {  	[tilespmem:s5+$0x3880] =	vst v2;
	v2 =	vmul.f32 v5, v8  }
0x17b: {  	[tilespmem:s6+$0x3880] =	vst v3;
	v3 =	vmul.f32 v56, v52  }
0x17c: {  	[tilespmem:s7+$0x3880] =	vst v2  }
0x17d: {  	s10 =	simm.s32 $0x0;
	[tilespmem:s8+$0x3880] =	vst v3  }
0x17e: {  	v2 =	vld [tilespmem:s10+$0x3880];
	_ =	sdelay $0x4  }
0x17f: {  	v3 =	vbroadcast v2, $0x0  }
0x180: {  	s2 =	simm.s32 $0x3F00  }
0x181: {  	[tilespmem:s2+$0xFFFFFC00] =	vst v3  }
0x182: {  	[tilespmem:s2+$0xFFFFFC10] =	vst v3  }
0x183: {  	[tilespmem:s2+$0xFFFFFC20] =	vst v3  }
0x184: {  	[tilespmem:s2+$0xFFFFFC30] =	vst v3  }
0x185: {  	[tilespmem:s2+$0xFFFFFC40] =	vst v3  }
0x186: {  	[tilespmem:s2+$0xFFFFFC50] =	vst v3  }
0x187: {  	v57 =	vbroadcast v2, $0x1;
	[tilespmem:s2+$0xFFFFFC60] =	vst v3  }
0x188: {  	[tilespmem:s2+$0xFFFFFC70] =	vst v3  }
0x189: {  	[tilespmem:s2+$0xFFFFFC80] =	vst v57  }
0x18a: {  	[tilespmem:s2+$0xFFFFFC90] =	vst v57  }
0x18b: {  	[tilespmem:s2+$0xFFFFFCA0] =	vst v57  }
0x18c: {  	[tilespmem:s2+$0xFFFFFCB0] =	vst v57  }
0x18d: {  	[tilespmem:s2+$0xFFFFFCC0] =	vst v57  }
0x18e: {  	[tilespmem:s2+$0xFFFFFCD0] =	vst v57  }
0x18f: {  	v58 =	vbroadcast v2, $0x3;
	[tilespmem:s2+$0xFFFFFCE0] =	vst v57  }
0x190: {  	[tilespmem:s2+$0xFFFFFCF0] =	vst v57  }
0x191: {  	[tilespmem:s2+$0xFFFFFD80] =	vst v58  }
0x192: {  	[tilespmem:s2+$0xFFFFFD90] =	vst v58  }
0x193: {  	[tilespmem:s2+$0xFFFFFDA0] =	vst v58  }
0x194: {  	[tilespmem:s2+$0xFFFFFDB0] =	vst v58  }
0x195: {  	[tilespmem:s2+$0xFFFFFDC0] =	vst v58  }
0x196: {  	[tilespmem:s2+$0xFFFFFDD0] =	vst v58  }
0x197: {  	v59 =	vbroadcast v2, $0x5;
	[tilespmem:s2+$0xFFFFFDE0] =	vst v58  }
0x198: {  	[tilespmem:s2+$0xFFFFFDF0] =	vst v58  }
0x199: {  	[tilespmem:s2+$0xFFFFFE80] =	vst v59  }
0x19a: {  	[tilespmem:s2+$0xFFFFFE90] =	vst v59  }
0x19b: {  	[tilespmem:s2+$0xFFFFFEA0] =	vst v59  }
0x19c: {  	[tilespmem:s2+$0xFFFFFEB0] =	vst v59  }
0x19d: {  	[tilespmem:s2+$0xFFFFFEC0] =	vst v59  }
0x19e: {  	[tilespmem:s2+$0xFFFFFED0] =	vst v59  }
0x19f: {  	v60 =	vbroadcast v2, $0x7;
	[tilespmem:s2+$0xFFFFFEE0] =	vst v59  }
0x1a0: {  	[tilespmem:s2+$0xFFFFFEF0] =	vst v59  }
0x1a1: {  	[tilespmem:s2+$0xFFFFFF80] =	vst v60  }
0x1a2: {  	[tilespmem:s2+$0xFFFFFF90] =	vst v60  }
0x1a3: {  	[tilespmem:s2+$0xFFFFFFA0] =	vst v60  }
0x1a4: {  	[tilespmem:s2+$0xFFFFFFB0] =	vst v60  }
0x1a5: {  	[tilespmem:s2+$0xFFFFFFC0] =	vst v60  }
0x1a6: {  	[tilespmem:s2+$0xFFFFFFD0] =	vst v60  }
0x1a7: {  	v61 =	vbroadcast v2, $0x9;
	[tilespmem:s2+$0xFFFFFFE0] =	vst v60  }
0x1a8: {  	[tilespmem:s2+$0xFFFFFFF0] =	vst v60  }
0x1a9: {  	[tilespmem:s2+$0x80] =	vst v61  }
0x1aa: {  	[tilespmem:s2+$0x90] =	vst v61  }
0x1ab: {  	[tilespmem:s2+$0xA0] =	vst v61  }
0x1ac: {  	[tilespmem:s2+$0xB0] =	vst v61  }
0x1ad: {  	[tilespmem:s2+$0xC0] =	vst v61  }
0x1ae: {  	[tilespmem:s2+$0xD0] =	vst v61  }
0x1af: {  	v62 =	vbroadcast v2, $0xB;
	[tilespmem:s2+$0xE0] =	vst v61  }
0x1b0: {  	[tilespmem:s2+$0xF0] =	vst v61  }
0x1b1: {  	[tilespmem:s2+$0x180] =	vst v62  }
0x1b2: {  	[tilespmem:s2+$0x190] =	vst v62  }
0x1b3: {  	[tilespmem:s2+$0x1A0] =	vst v62  }
0x1b4: {  	[tilespmem:s2+$0x1B0] =	vst v62  }
0x1b5: {  	[tilespmem:s2+$0x1C0] =	vst v62  }
0x1b6: {  	[tilespmem:s2+$0x1D0] =	vst v62  }
0x1b7: {  	v63 =	vbroadcast v2, $0xD;
	[tilespmem:s2+$0x1E0] =	vst v62  }
0x1b8: {  	[tilespmem:s2+$0x1F0] =	vst v62  }
0x1b9: {  	v3 =	vbroadcast v2, $0x2;
	[tilespmem:s2+$0x280] =	vst v63  }
0x1ba: {  	[tilespmem:s2+$0x290] =	vst v63  }
0x1bb: {  	[tilespmem:s2+$0xFFFFFD00] =	vst v3  }
0x1bc: {  	[tilespmem:s2+$0xFFFFFD10] =	vst v3  }
0x1bd: {  	[tilespmem:s2+$0xFFFFFD20] =	vst v3  }
0x1be: {  	[tilespmem:s2+$0xFFFFFD30] =	vst v3  }
0x1bf: {  	[tilespmem:s2+$0xFFFFFD40] =	vst v3  }
0x1c0: {  	[tilespmem:s2+$0xFFFFFD50] =	vst v3  }
0x1c1: {  	[tilespmem:s2+$0xFFFFFD60] =	vst v3  }
0x1c2: {  	[tilespmem:s2+$0xFFFFFD70] =	vst v3;
	v3 =	vbroadcast v2, $0x4  }
0x1c3: {  	[tilespmem:s2+$0x2A0] =	vst v63  }
0x1c4: {  	[tilespmem:s2+$0xFFFFFE00] =	vst v3  }
0x1c5: {  	[tilespmem:s2+$0xFFFFFE10] =	vst v3  }
0x1c6: {  	[tilespmem:s2+$0xFFFFFE20] =	vst v3  }
0x1c7: {  	[tilespmem:s2+$0xFFFFFE30] =	vst v3  }
0x1c8: {  	[tilespmem:s2+$0xFFFFFE40] =	vst v3  }
0x1c9: {  	[tilespmem:s2+$0xFFFFFE50] =	vst v3  }
0x1ca: {  	[tilespmem:s2+$0xFFFFFE60] =	vst v3  }
0x1cb: {  	[tilespmem:s2+$0xFFFFFE70] =	vst v3;
	v3 =	vbroadcast v2, $0x6  }
0x1cc: {  	[tilespmem:s2+$0x2B0] =	vst v63  }
0x1cd: {  	[tilespmem:s2+$0xFFFFFF00] =	vst v3  }
0x1ce: {  	[tilespmem:s2+$0xFFFFFF10] =	vst v3  }
0x1cf: {  	[tilespmem:s2+$0xFFFFFF20] =	vst v3  }
0x1d0: {  	[tilespmem:s2+$0xFFFFFF30] =	vst v3  }
0x1d1: {  	[tilespmem:s2+$0xFFFFFF40] =	vst v3  }
0x1d2: {  	[tilespmem:s2+$0xFFFFFF50] =	vst v3  }
0x1d3: {  	[tilespmem:s2+$0xFFFFFF60] =	vst v3  }
0x1d4: {  	[tilespmem:s2+$0xFFFFFF70] =	vst v3;
	v3 =	vbroadcast v2, $0x8  }
0x1d5: {  	[tilespmem:s2+$0x2C0] =	vst v63  }
0x1d6: {  	[tilespmem:s2+$0x0] =	vst v3  }
0x1d7: {  	[tilespmem:s2+$0x10] =	vst v3  }
0x1d8: {  	[tilespmem:s2+$0x20] =	vst v3  }
0x1d9: {  	[tilespmem:s2+$0x30] =	vst v3  }
0x1da: {  	[tilespmem:s2+$0x40] =	vst v3  }
0x1db: {  	[tilespmem:s2+$0x50] =	vst v3  }
0x1dc: {  	[tilespmem:s2+$0x60] =	vst v3  }
0x1dd: {  	[tilespmem:s2+$0x70] =	vst v3;
	v3 =	vbroadcast v2, $0xA  }
0x1de: {  	[tilespmem:s2+$0x2D0] =	vst v63  }
0x1df: {  	[tilespmem:s2+$0x100] =	vst v3  }
0x1e0: {  	[tilespmem:s2+$0x110] =	vst v3  }
0x1e1: {  	[tilespmem:s2+$0x120] =	vst v3  }
0x1e2: {  	[tilespmem:s2+$0x130] =	vst v3  }
0x1e3: {  	[tilespmem:s2+$0x140] =	vst v3  }
0x1e4: {  	[tilespmem:s2+$0x150] =	vst v3  }
0x1e5: {  	[tilespmem:s2+$0x160] =	vst v3  }
0x1e6: {  	[tilespmem:s2+$0x170] =	vst v3;
	v3 =	vbroadcast v2, $0xC  }
0x1e7: {  	[tilespmem:s2+$0x2E0] =	vst v63  }
0x1e8: {  	[tilespmem:s2+$0x200] =	vst v3  }
0x1e9: {  	[tilespmem:s2+$0x210] =	vst v3  }
0x1ea: {  	[tilespmem:s2+$0x220] =	vst v3  }
0x1eb: {  	[tilespmem:s2+$0x230] =	vst v3  }
0x1ec: {  	[tilespmem:s2+$0x240] =	vst v3  }
0x1ed: {  	[tilespmem:s2+$0x250] =	vst v3  }
0x1ee: {  	[tilespmem:s2+$0x260] =	vst v3  }
0x1ef: {  	[tilespmem:s2+$0x270] =	vst v3;
	v3 =	vbroadcast v2, $0xE  }
0x1f0: {  	[tilespmem:s2+$0x2F0] =	vst v63  }
0x1f1: {  	[tilespmem:s2+$0x300] =	vst v3  }
0x1f2: {  	[tilespmem:s2+$0x310] =	vst v3  }
0x1f3: {  	[tilespmem:s2+$0x320] =	vst v3  }
0x1f4: {  	[tilespmem:s2+$0x330] =	vst v3  }
0x1f5: {  	[tilespmem:s2+$0x340] =	vst v3  }
0x1f6: {  	[tilespmem:s2+$0x350] =	vst v3  }
0x1f7: {  	v2 =	vbroadcast v2, $0xF;
	[tilespmem:s2+$0x360] =	vst v3  }
0x1f8: {  	[tilespmem:s2+$0x370] =	vst v3  }
0x1f9: {  	[tilespmem:s2+$0x380] =	vst v2  }
0x1fa: {  	[tilespmem:s2+$0x390] =	vst v2  }
0x1fb: {  	[tilespmem:s2+$0x3A0] =	vst v2  }
0x1fc: {  	[tilespmem:s2+$0x3B0] =	vst v2  }
0x1fd: {  	[tilespmem:s2+$0x3C0] =	vst v2  }
0x1fe: {  	[tilespmem:s2+$0x3D0] =	vst v2  }
0x1ff: {  	[tilespmem:s2+$0x3E0] =	vst v2  }
0x200: {  	s4 =	simm.s32 $0x80;
	s5 =	simm.s32 $0x10;
	[tilespmem:s2+$0x3F0] =	vst v2  }
.LBB2_50:
0x201: {  	p0 =	sne.s32 s4, $0x9C0;
	v2 =	vld [tilespmem:s5+$0x3880];
	_ =	sdelay $0x4  }
0x202: {  	v11 =	vbroadcast v2, $0x0;
	v12 =	vbroadcast v2, $0x1  }
0x203: {  	s2 =	sadd.s32 $0x800, s2;
	v13 =	vbroadcast v2, $0x2;
	v14 =	vbroadcast v2, $0x3  }
0x204: {  	v15 =	vbroadcast v2, $0x4;
	v16 =	vbroadcast v2, $0x5;
	[tilespmem:s2+$0xFFFFFC00] =	vst v11  }
0x205: {  	v17 =	vbroadcast v2, $0x6;
	v10 =	vbroadcast v2, $0x7;
	[tilespmem:s2+$0xFFFFFC10] =	vst v11  }
0x206: {  	v9 =	vbroadcast v2, $0x8;
	v8 =	vbroadcast v2, $0x9;
	[tilespmem:s2+$0xFFFFFC20] =	vst v11  }
0x207: {  	v7 =	vbroadcast v2, $0xA;
	v6 =	vbroadcast v2, $0xB;
	[tilespmem:s2+$0xFFFFFC30] =	vst v11  }
0x208: {  	v5 =	vbroadcast v2, $0xC;
	v4 =	vbroadcast v2, $0xD;
	[tilespmem:s2+$0xFFFFFC40] =	vst v11  }
0x209: {  	v3 =	vbroadcast v2, $0xE;
	v2 =	vbroadcast v2, $0xF;
	[tilespmem:s2+$0xFFFFFC50] =	vst v11  }
0x20a: {  	[tilespmem:s2+$0xFFFFFC60] =	vst v11  }
0x20b: {  	[tilespmem:s2+$0xFFFFFC70] =	vst v11  }
0x20c: {  	[tilespmem:s2+$0xFFFFFC80] =	vst v12  }
0x20d: {  	[tilespmem:s2+$0xFFFFFC90] =	vst v12  }
0x20e: {  	[tilespmem:s2+$0xFFFFFCA0] =	vst v12  }
0x20f: {  	[tilespmem:s2+$0xFFFFFCB0] =	vst v12  }
0x210: {  	[tilespmem:s2+$0xFFFFFCC0] =	vst v12  }
0x211: {  	[tilespmem:s2+$0xFFFFFCD0] =	vst v12  }
0x212: {  	[tilespmem:s2+$0xFFFFFCE0] =	vst v12  }
0x213: {  	[tilespmem:s2+$0xFFFFFCF0] =	vst v12  }
0x214: {  	[tilespmem:s2+$0xFFFFFD00] =	vst v13  }
0x215: {  	[tilespmem:s2+$0xFFFFFD10] =	vst v13  }
0x216: {  	[tilespmem:s2+$0xFFFFFD20] =	vst v13  }
0x217: {  	[tilespmem:s2+$0xFFFFFD30] =	vst v13  }
0x218: {  	[tilespmem:s2+$0xFFFFFD40] =	vst v13  }
0x219: {  	[tilespmem:s2+$0xFFFFFD50] =	vst v13  }
0x21a: {  	[tilespmem:s2+$0xFFFFFD60] =	vst v13  }
0x21b: {  	[tilespmem:s2+$0xFFFFFD70] =	vst v13  }
0x21c: {  	[tilespmem:s2+$0xFFFFFD80] =	vst v14  }
0x21d: {  	[tilespmem:s2+$0xFFFFFD90] =	vst v14  }
0x21e: {  	[tilespmem:s2+$0xFFFFFDA0] =	vst v14  }
0x21f: {  	[tilespmem:s2+$0xFFFFFDB0] =	vst v14  }
0x220: {  	[tilespmem:s2+$0xFFFFFDC0] =	vst v14  }
0x221: {  	[tilespmem:s2+$0xFFFFFDD0] =	vst v14  }
0x222: {  	[tilespmem:s2+$0xFFFFFDE0] =	vst v14  }
0x223: {  	[tilespmem:s2+$0xFFFFFDF0] =	vst v14  }
0x224: {  	[tilespmem:s2+$0xFFFFFE00] =	vst v15  }
0x225: {  	[tilespmem:s2+$0xFFFFFE10] =	vst v15  }
0x226: {  	[tilespmem:s2+$0xFFFFFE20] =	vst v15  }
0x227: {  	[tilespmem:s2+$0xFFFFFE30] =	vst v15  }
0x228: {  	[tilespmem:s2+$0xFFFFFE40] =	vst v15  }
0x229: {  	[tilespmem:s2+$0xFFFFFE50] =	vst v15  }
0x22a: {  	[tilespmem:s2+$0xFFFFFE60] =	vst v15  }
0x22b: {  	[tilespmem:s2+$0xFFFFFE70] =	vst v15  }
0x22c: {  	[tilespmem:s2+$0xFFFFFE80] =	vst v16  }
0x22d: {  	[tilespmem:s2+$0xFFFFFE90] =	vst v16  }
0x22e: {  	[tilespmem:s2+$0xFFFFFEA0] =	vst v16  }
0x22f: {  	[tilespmem:s2+$0xFFFFFEB0] =	vst v16  }
0x230: {  	[tilespmem:s2+$0xFFFFFEC0] =	vst v16  }
0x231: {  	[tilespmem:s2+$0xFFFFFED0] =	vst v16  }
0x232: {  	[tilespmem:s2+$0xFFFFFEE0] =	vst v16  }
0x233: {  	[tilespmem:s2+$0xFFFFFEF0] =	vst v16  }
0x234: {  	[tilespmem:s2+$0xFFFFFF00] =	vst v17  }
0x235: {  	[tilespmem:s2+$0xFFFFFF10] =	vst v17  }
0x236: {  	[tilespmem:s2+$0xFFFFFF20] =	vst v17  }
0x237: {  	[tilespmem:s2+$0xFFFFFF30] =	vst v17  }
0x238: {  	[tilespmem:s2+$0xFFFFFF40] =	vst v17  }
0x239: {  	[tilespmem:s2+$0xFFFFFF50] =	vst v17  }
0x23a: {  	[tilespmem:s2+$0xFFFFFF60] =	vst v17  }
0x23b: {  	[tilespmem:s2+$0xFFFFFF70] =	vst v17  }
0x23c: {  	[tilespmem:s2+$0xFFFFFF80] =	vst v10  }
0x23d: {  	[tilespmem:s2+$0xFFFFFF90] =	vst v10  }
0x23e: {  	[tilespmem:s2+$0xFFFFFFA0] =	vst v10  }
0x23f: {  	[tilespmem:s2+$0xFFFFFFB0] =	vst v10  }
0x240: {  	[tilespmem:s2+$0xFFFFFFC0] =	vst v10  }
0x241: {  	[tilespmem:s2+$0xFFFFFFD0] =	vst v10  }
0x242: {  	[tilespmem:s2+$0xFFFFFFE0] =	vst v10  }
0x243: {  	[tilespmem:s2+$0xFFFFFFF0] =	vst v10  }
0x244: {  	[tilespmem:s2+$0x0] =	vst v9  }
0x245: {  	[tilespmem:s2+$0x10] =	vst v9  }
0x246: {  	[tilespmem:s2+$0x20] =	vst v9  }
0x247: {  	[tilespmem:s2+$0x30] =	vst v9  }
0x248: {  	[tilespmem:s2+$0x40] =	vst v9  }
0x249: {  	[tilespmem:s2+$0x50] =	vst v9  }
0x24a: {  	[tilespmem:s2+$0x60] =	vst v9  }
0x24b: {  	[tilespmem:s2+$0x70] =	vst v9  }
0x24c: {  	[tilespmem:s2+$0x80] =	vst v8  }
0x24d: {  	[tilespmem:s2+$0x90] =	vst v8  }
0x24e: {  	[tilespmem:s2+$0xA0] =	vst v8  }
0x24f: {  	[tilespmem:s2+$0xB0] =	vst v8  }
0x250: {  	[tilespmem:s2+$0xC0] =	vst v8  }
0x251: {  	[tilespmem:s2+$0xD0] =	vst v8  }
0x252: {  	[tilespmem:s2+$0xE0] =	vst v8  }
0x253: {  	[tilespmem:s2+$0xF0] =	vst v8  }
0x254: {  	[tilespmem:s2+$0x100] =	vst v7  }
0x255: {  	[tilespmem:s2+$0x110] =	vst v7  }
0x256: {  	[tilespmem:s2+$0x120] =	vst v7  }
0x257: {  	[tilespmem:s2+$0x130] =	vst v7  }
0x258: {  	[tilespmem:s2+$0x140] =	vst v7  }
0x259: {  	[tilespmem:s2+$0x150] =	vst v7  }
0x25a: {  	[tilespmem:s2+$0x160] =	vst v7  }
0x25b: {  	[tilespmem:s2+$0x170] =	vst v7  }
0x25c: {  	[tilespmem:s2+$0x180] =	vst v6  }
0x25d: {  	[tilespmem:s2+$0x190] =	vst v6  }
0x25e: {  	[tilespmem:s2+$0x1A0] =	vst v6  }
0x25f: {  	[tilespmem:s2+$0x1B0] =	vst v6  }
0x260: {  	[tilespmem:s2+$0x1C0] =	vst v6  }
0x261: {  	[tilespmem:s2+$0x1D0] =	vst v6  }
0x262: {  	[tilespmem:s2+$0x1E0] =	vst v6  }
0x263: {  	[tilespmem:s2+$0x1F0] =	vst v6  }
0x264: {  	[tilespmem:s2+$0x200] =	vst v5  }
0x265: {  	[tilespmem:s2+$0x210] =	vst v5  }
0x266: {  	[tilespmem:s2+$0x220] =	vst v5  }
0x267: {  	[tilespmem:s2+$0x230] =	vst v5  }
0x268: {  	[tilespmem:s2+$0x240] =	vst v5  }
0x269: {  	[tilespmem:s2+$0x250] =	vst v5  }
0x26a: {  	[tilespmem:s2+$0x260] =	vst v5  }
0x26b: {  	[tilespmem:s2+$0x270] =	vst v5  }
0x26c: {  	[tilespmem:s2+$0x280] =	vst v4  }
0x26d: {  	[tilespmem:s2+$0x290] =	vst v4  }
0x26e: {  	[tilespmem:s2+$0x2A0] =	vst v4  }
0x26f: {  	[tilespmem:s2+$0x2B0] =	vst v4  }
0x270: {  	[tilespmem:s2+$0x2C0] =	vst v4  }
0x271: {  	[tilespmem:s2+$0x2D0] =	vst v4  }
0x272: {  	[tilespmem:s2+$0x2E0] =	vst v4  }
0x273: {  	[tilespmem:s2+$0x2F0] =	vst v4  }
0x274: {  	[tilespmem:s2+$0x300] =	vst v3  }
0x275: {  	[tilespmem:s2+$0x310] =	vst v3  }
0x276: {  	[tilespmem:s2+$0x320] =	vst v3  }
0x277: {  	[tilespmem:s2+$0x330] =	vst v3  }
0x278: {  	[tilespmem:s2+$0x340] =	vst v3  }
0x279: {  	[tilespmem:s2+$0x350] =	vst v3  }
0x27a: {  	[tilespmem:s2+$0x360] =	vst v3  }
0x27b: {  	[tilespmem:s2+$0x370] =	vst v3  }
0x27c: {  	[tilespmem:s2+$0x380] =	vst v2  }
0x27d: {  	[tilespmem:s2+$0x390] =	vst v2  }
0x27e: {  	[tilespmem:s2+$0x3A0] =	vst v2  }
.Ltmp24:
0x27f: {  	[tilespmem:s2+$0x3B0] =	vst v2;
	(pc) =	sbr.rel @p0 .LBB2_50-.Ltmp24, $4  }
0x280: {  	[tilespmem:s2+$0x3C0] =	vst v2  }
0x281: {  	[tilespmem:s2+$0x3D0] =	vst v2  }
0x282: {  	[tilespmem:s2+$0x3E0] =	vst v2  }
0x283: {  	s5 =	sshra.s32 s4, $0x2;
	s4 =	sadd.s32 $0x40, s4;
	[tilespmem:s2+$0x3F0] =	vst v2  }
0x284: {  	v2 =	vld [tilespmem:s5+$0x3880];
	_ =	sdelay $0x4  }
0x285: {  	v3 =	vbroadcast v2, $0x0  }
0x286: {  	s2 =	sadd.s32 $0x800, s2  }
0x287: {  	[tilespmem:s2+$0xFFFFFC00] =	vst v3  }
0x288: {  	[tilespmem:s2+$0xFFFFFC10] =	vst v3  }
0x289: {  	[tilespmem:s2+$0xFFFFFC20] =	vst v3  }
0x28a: {  	[tilespmem:s2+$0xFFFFFC30] =	vst v3  }
0x28b: {  	[tilespmem:s2+$0xFFFFFC40] =	vst v3  }
0x28c: {  	[tilespmem:s2+$0xFFFFFC50] =	vst v3  }
0x28d: {  	v4 =	vbroadcast v2, $0x1;
	[tilespmem:s2+$0xFFFFFC60] =	vst v3  }
0x28e: {  	[tilespmem:s2+$0xFFFFFC70] =	vst v3  }
0x28f: {  	[tilespmem:s2+$0xFFFFFC80] =	vst v4  }
0x290: {  	[tilespmem:s2+$0xFFFFFC90] =	vst v4  }
0x291: {  	[tilespmem:s2+$0xFFFFFCA0] =	vst v4  }
0x292: {  	[tilespmem:s2+$0xFFFFFCB0] =	vst v4  }
0x293: {  	[tilespmem:s2+$0xFFFFFCC0] =	vst v4  }
0x294: {  	[tilespmem:s2+$0xFFFFFCD0] =	vst v4  }
0x295: {  	v58 =	vbroadcast v2, $0x3;
	[tilespmem:s2+$0xFFFFFCE0] =	vst v4  }
0x296: {  	[tilespmem:s2+$0xFFFFFCF0] =	vst v4  }
0x297: {  	[tilespmem:s2+$0xFFFFFD80] =	vst v58  }
0x298: {  	[tilespmem:s2+$0xFFFFFD90] =	vst v58  }
0x299: {  	[tilespmem:s2+$0xFFFFFDA0] =	vst v58  }
0x29a: {  	[tilespmem:s2+$0xFFFFFDB0] =	vst v58  }
0x29b: {  	[tilespmem:s2+$0xFFFFFDC0] =	vst v58  }
0x29c: {  	[tilespmem:s2+$0xFFFFFDD0] =	vst v58  }
0x29d: {  	v59 =	vbroadcast v2, $0x5;
	[tilespmem:s2+$0xFFFFFDE0] =	vst v58  }
0x29e: {  	[tilespmem:s2+$0xFFFFFDF0] =	vst v58  }
0x29f: {  	[tilespmem:s2+$0xFFFFFE80] =	vst v59  }
0x2a0: {  	[tilespmem:s2+$0xFFFFFE90] =	vst v59  }
0x2a1: {  	[tilespmem:s2+$0xFFFFFEA0] =	vst v59  }
0x2a2: {  	[tilespmem:s2+$0xFFFFFEB0] =	vst v59  }
0x2a3: {  	[tilespmem:s2+$0xFFFFFEC0] =	vst v59  }
0x2a4: {  	[tilespmem:s2+$0xFFFFFED0] =	vst v59  }
0x2a5: {  	v60 =	vbroadcast v2, $0x7;
	[tilespmem:s2+$0xFFFFFEE0] =	vst v59  }
0x2a6: {  	[tilespmem:s2+$0xFFFFFEF0] =	vst v59  }
0x2a7: {  	[tilespmem:s2+$0xFFFFFF80] =	vst v60  }
0x2a8: {  	[tilespmem:s2+$0xFFFFFF90] =	vst v60  }
0x2a9: {  	[tilespmem:s2+$0xFFFFFFA0] =	vst v60  }
0x2aa: {  	[tilespmem:s2+$0xFFFFFFB0] =	vst v60  }
0x2ab: {  	[tilespmem:s2+$0xFFFFFFC0] =	vst v60  }
0x2ac: {  	[tilespmem:s2+$0xFFFFFFD0] =	vst v60  }
0x2ad: {  	v61 =	vbroadcast v2, $0x9;
	[tilespmem:s2+$0xFFFFFFE0] =	vst v60  }
0x2ae: {  	[tilespmem:s2+$0xFFFFFFF0] =	vst v60  }
0x2af: {  	[tilespmem:s2+$0x80] =	vst v61  }
0x2b0: {  	[tilespmem:s2+$0x90] =	vst v61  }
0x2b1: {  	[tilespmem:s2+$0xA0] =	vst v61  }
0x2b2: {  	[tilespmem:s2+$0xB0] =	vst v61  }
0x2b3: {  	[tilespmem:s2+$0xC0] =	vst v61  }
0x2b4: {  	[tilespmem:s2+$0xD0] =	vst v61  }
0x2b5: {  	v62 =	vbroadcast v2, $0xB;
	[tilespmem:s2+$0xE0] =	vst v61  }
0x2b6: {  	[tilespmem:s2+$0xF0] =	vst v61  }
0x2b7: {  	[tilespmem:s2+$0x180] =	vst v62  }
0x2b8: {  	[tilespmem:s2+$0x190] =	vst v62  }
0x2b9: {  	[tilespmem:s2+$0x1A0] =	vst v62  }
0x2ba: {  	[tilespmem:s2+$0x1B0] =	vst v62  }
0x2bb: {  	[tilespmem:s2+$0x1C0] =	vst v62  }
0x2bc: {  	[tilespmem:s2+$0x1D0] =	vst v62  }
0x2bd: {  	v63 =	vbroadcast v2, $0xD;
	[tilespmem:s2+$0x1E0] =	vst v62  }
0x2be: {  	[tilespmem:s2+$0x1F0] =	vst v62  }
0x2bf: {  	v3 =	vbroadcast v2, $0x2;
	[tilespmem:s2+$0x280] =	vst v63  }
0x2c0: {  	[tilespmem:s2+$0x290] =	vst v63  }
0x2c1: {  	[tilespmem:s2+$0xFFFFFD00] =	vst v3  }
0x2c2: {  	[tilespmem:s2+$0xFFFFFD10] =	vst v3  }
0x2c3: {  	[tilespmem:s2+$0xFFFFFD20] =	vst v3  }
0x2c4: {  	[tilespmem:s2+$0xFFFFFD30] =	vst v3  }
0x2c5: {  	[tilespmem:s2+$0xFFFFFD40] =	vst v3  }
0x2c6: {  	[tilespmem:s2+$0xFFFFFD50] =	vst v3  }
0x2c7: {  	[tilespmem:s2+$0xFFFFFD60] =	vst v3  }
0x2c8: {  	[tilespmem:s2+$0xFFFFFD70] =	vst v3;
	v3 =	vbroadcast v2, $0x4  }
0x2c9: {  	[tilespmem:s2+$0x2A0] =	vst v63  }
0x2ca: {  	[tilespmem:s2+$0xFFFFFE00] =	vst v3  }
0x2cb: {  	[tilespmem:s2+$0xFFFFFE10] =	vst v3  }
0x2cc: {  	[tilespmem:s2+$0xFFFFFE20] =	vst v3  }
0x2cd: {  	[tilespmem:s2+$0xFFFFFE30] =	vst v3  }
0x2ce: {  	[tilespmem:s2+$0xFFFFFE40] =	vst v3  }
0x2cf: {  	[tilespmem:s2+$0xFFFFFE50] =	vst v3  }
0x2d0: {  	[tilespmem:s2+$0xFFFFFE60] =	vst v3  }
0x2d1: {  	[tilespmem:s2+$0xFFFFFE70] =	vst v3;
	v3 =	vbroadcast v2, $0x6  }
0x2d2: {  	[tilespmem:s2+$0x2B0] =	vst v63  }
0x2d3: {  	[tilespmem:s2+$0xFFFFFF00] =	vst v3  }
0x2d4: {  	[tilespmem:s2+$0xFFFFFF10] =	vst v3  }
0x2d5: {  	[tilespmem:s2+$0xFFFFFF20] =	vst v3  }
0x2d6: {  	[tilespmem:s2+$0xFFFFFF30] =	vst v3  }
0x2d7: {  	[tilespmem:s2+$0xFFFFFF40] =	vst v3  }
0x2d8: {  	[tilespmem:s2+$0xFFFFFF50] =	vst v3  }
0x2d9: {  	[tilespmem:s2+$0xFFFFFF60] =	vst v3  }
0x2da: {  	[tilespmem:s2+$0xFFFFFF70] =	vst v3;
	v3 =	vbroadcast v2, $0x8  }
0x2db: {  	[tilespmem:s2+$0x2C0] =	vst v63  }
0x2dc: {  	[tilespmem:s2+$0x0] =	vst v3  }
0x2dd: {  	[tilespmem:s2+$0x10] =	vst v3  }
0x2de: {  	[tilespmem:s2+$0x20] =	vst v3  }
0x2df: {  	[tilespmem:s2+$0x30] =	vst v3  }
0x2e0: {  	[tilespmem:s2+$0x40] =	vst v3  }
0x2e1: {  	[tilespmem:s2+$0x50] =	vst v3  }
0x2e2: {  	[tilespmem:s2+$0x60] =	vst v3  }
0x2e3: {  	[tilespmem:s2+$0x70] =	vst v3;
	v3 =	vbroadcast v2, $0xA  }
0x2e4: {  	[tilespmem:s2+$0x2D0] =	vst v63  }
0x2e5: {  	[tilespmem:s2+$0x100] =	vst v3  }
0x2e6: {  	[tilespmem:s2+$0x110] =	vst v3  }
0x2e7: {  	[tilespmem:s2+$0x120] =	vst v3  }
0x2e8: {  	[tilespmem:s2+$0x130] =	vst v3  }
0x2e9: {  	[tilespmem:s2+$0x140] =	vst v3  }
0x2ea: {  	[tilespmem:s2+$0x150] =	vst v3  }
0x2eb: {  	[tilespmem:s2+$0x160] =	vst v3  }
0x2ec: {  	[tilespmem:s2+$0x170] =	vst v3;
	v3 =	vbroadcast v2, $0xC  }
0x2ed: {  	[tilespmem:s2+$0x2E0] =	vst v63  }
0x2ee: {  	[tilespmem:s2+$0x200] =	vst v3  }
0x2ef: {  	[tilespmem:s2+$0x210] =	vst v3  }
0x2f0: {  	[tilespmem:s2+$0x220] =	vst v3  }
0x2f1: {  	[tilespmem:s2+$0x230] =	vst v3  }
0x2f2: {  	[tilespmem:s2+$0x240] =	vst v3  }
0x2f3: {  	[tilespmem:s2+$0x250] =	vst v3  }
0x2f4: {  	[tilespmem:s2+$0x260] =	vst v3  }
0x2f5: {  	[tilespmem:s2+$0x270] =	vst v3;
	v3 =	vbroadcast v2, $0xE  }
0x2f6: {  	[tilespmem:s2+$0x2F0] =	vst v63  }
0x2f7: {  	[tilespmem:s2+$0x300] =	vst v3  }
0x2f8: {  	[tilespmem:s2+$0x310] =	vst v3  }
0x2f9: {  	[tilespmem:s2+$0x320] =	vst v3  }
0x2fa: {  	[tilespmem:s2+$0x330] =	vst v3  }
0x2fb: {  	[tilespmem:s2+$0x340] =	vst v3  }
0x2fc: {  	[tilespmem:s2+$0x350] =	vst v3  }
0x2fd: {  	v2 =	vbroadcast v2, $0xF;
	[tilespmem:s2+$0x360] =	vst v3  }
0x2fe: {  	[tilespmem:s2+$0x370] =	vst v3  }
0x2ff: {  	[tilespmem:s2+$0x380] =	vst v2  }
0x300: {  	[tilespmem:s2+$0x390] =	vst v2  }
0x301: {  	[tilespmem:s2+$0x3A0] =	vst v2  }
0x302: {  	[tilespmem:s2+$0x3B0] =	vst v2  }
0x303: {  	[tilespmem:s2+$0x3C0] =	vst v2  }
0x304: {  	s1 =	sadd.s32 $0x1, s1;
	[tilespmem:s2+$0x3D0] =	vst v2  }
0x305: {  	p0 =	sne.s32 s1, s21;
	[tilespmem:s2+$0x3E0] =	vst v2  }
.Ltmp25:
0x306: {  	s10 =	simm.s32 $0x0;
	s4 =	simm.s32 $0x3B00;
	[tilespmem:s2+$0x3F0] =	vst v2;
	(pc) =	sbr.rel @p0 .LBB2_1-.Ltmp25, $4  }
0x307: {  	[hbm4b:s20+s10] =	stream.linear.scatter [tilespmem:s4], [sflag:$0x1], $0x14000, $0x38;
	[tilespmem:$0x1A300] =	vst v63  }
0x308: {  	_ =	swait.ge [sflag:s30], $0x14000  }
0x309: {  	[sflag:s30] =	ssyncset.done $0x0  }
0x30a: {  	[sflag:s30] =	ssyncadd.s32 $0xFFFEC000  }
0x30b: {  	_ =	sfence.sel $0x180000  }
0x30c: {  	[bflag:$0x0] =	sbarrier.arrive $0xFFFF  }
0x30d: {  	_ =	strace $0x90000047  }
0x30e: {  	s0 =	stileid.u32;
	[bflag:$0x2] =	sbarrier.arrive $0xFFFF  }
0x30f: {  	p0 =	sne.s32 s0, $0x0;
	s0 =	rddreg [dreg:$0x3]  }
0x310: {  	s0 =	sadd.s32 @!p0 $0x100000, s0  }
0x311: {  	[sflag:s0] =	ssyncadd.tile.s32 @!p0 $0x1;
	_ =	shalt  }
.Lfunc_end2:
_tile_overlayer_lowered:
.L_overlay_start_2:
0x312: {  	(tag) =	ssettag $0x2  }
0x313: {  	s0 =	rddreg [dreg:$0x0];
	s2 =	stileid.u32  }
0x314: {  	s1 =	rddreg [dreg:$0x1];
	p0 =	sne.s32 s2, $0x0  }
0x315: {  	s3 =	rddreg [dreg:$0x2];
	[bflag:$0x3] =	sbarrier.arrive $0xFFFF;
	s2 =	simm.s32 @!p0 $0x1C01  }
0x316: {  	[timem:s3], [sflag:s2] =	dma.local @!p0 [hbm:s0], s1  }
0x317: {  	s0 =	simm.s32 @!p0 $0x1  }
0x318: {  	_ =	swait.ge @!p0 [sflag:s0], s1  }
0x319: {  	s1 =	ssub.s32 @!p0 $0x0, s1;
	[sflag:s0] =	ssyncset.done @!p0 $0x0  }
0x31a: {  	[sflag:s0] =	ssyncadd.s32 @!p0 s1  }
0x31b: {  	[bflag:$0x3] =	sbarrier.arrive $0xFFFF  }
0x31c: {  	_ =	shalt  }

// kernel: kernel.9.cloned.1.call-start
scs
__scs_entry_jumppad:
0x0: {  	(pc) =	sbr.rel $0x88, $3  }
0x1: {  	(tag) =	ssettag $0x0;
	lr =	simm.s32 $0x1  }
0x2: {  	[smem:$0x3F99] =	sst lr;
	_ =	strace $0xD0000000  }
0x3: {  	_ = 	snop  }
0x4: {  	_ = 	snop  }
0x5: {  	_ = 	snop  }
0x6: {  	_ = 	snop  }
0x7: {  	_ = 	snop  }
__scs_overlays_trampoline_lowered:
0x8: {  	[smem:$0x3FA8] =	sst s0  }
0x9: {  	[smem:$0x3FA9] =	sst s1  }
0xa: {  	[smem:$0x3FAA] =	sst s2  }
0xb: {  	[smem:$0x3FAB] =	sst s3  }
0xc: {  	[smem:$0x3FAC] =	sst s4  }
0xd: {  	[smem:$0x3FAD] =	sst s5  }
0xe: {  	[smem:$0x3FAE] =	sst s6  }
0xf: {  	[smem:$0x3FAF] =	sst s7  }
0x10: {  	[smem:$0x3FB0] =	sst s8  }
0x11: {  	[smem:$0x3FB1] =	sst s9;
	s0 =	simm.s32 @!p0 $0x0  }
0x12: {  	s1 =	sld [smem:$0x3F97];
	s0 =	simm.s32 @p0 $0x1  }
0x13: {  	[smem:$0x3FB2] =	sst s0;
	s0 =	simm.s32 @!p1 $0x0  }
0x14: {  	s2 =	sld [smem:$0x3F96];
	s0 =	simm.s32 @p1 $0x1  }
0x15: {  	[smem:$0x3FB3] =	sst s0;
	s0 =	simm.s32 @!p2 $0x0  }
0x16: {  	s3 =	sld [smem:$0x3FDB];
	s0 =	simm.s32 @p2 $0x1  }
0x17: {  	s4 =	simm.s32 $0x1BF5;
	[smem:$0x3FB5] =	sst s0  }
0x18: {  	s0 =	sld [smem:$0x3F98];
	_ =	swait.ge [sflag:s4], $0x0  }
0x19: {  	s7 =	sld [smem:$0x3F99]  }
0x1a: {  	s8 =	sadd.s32 $0xFFFFE003, lr  }
0x1b: {  	s9 =	sadd.s32 $0xFFFFFEF7, lr;
	s5 =	simm.s32 $0xFFFFFFFF;
	p2 =	slt.u32 s8, $0xFFFFF086  }
0x1c: {  	p1 =	slt.u32 s9, $0xF7A;
	s5 =	simm.s32 @!p2 $0x0  }
0x1d: {  	s5 =	simm.s32 @p1 $0x1;
	p0 =	seq.s32 s7, s2  }
0x1e: {  	s7 =	smul.u32 @!p0 $0xF7A, s2;
	p2 =	seq.s32 @!p0 s5, $0x0  }
0x1f: {  	s9 =	smul.u32 $0xF7A, s1;
	s8 =	simm.s32 @!p0 $0x1BF5;
	p2 =	por !p2, p0  }
0x20: {  	[sflag:s8] =	ssyncset.s32 @!p0 $0xFFFFF086;
	s6 =	sadd.s32 @!p0 s3, s7;
	s7 =	simm.s32 @!p0 $0x108  }
0x21: {  	s3 =	sadd.s32 s3, s9;
	s6 =	sadd.s32 @!p0 $0x88, s6;
	s7 =	simm.s32 @p2 $0x1082  }
0x22: {  	[simem:s7], [sflag:s8] =	dma.local @!p0 [hbm:s6], $0xF7A  }
0x23: {  	s9 =	sor.u32 $0xD0000000, s2;
	s6 =	simm.s32 $0x108;
	_ =	swait.ge @!p0 [sflag:s8], $0x0  }
0x24: {  	s3 =	sadd.s32 $0x88, s3;
	s6 =	simm.s32 @!p1 $0x1082;
	[sflag:s4] =	ssyncset.s32 $0xFFFFF086  }
0x25: {  	[simem:s6], [sflag:s4] =	dma.local [hbm:s3], $0xF7A  }
0x26: {  	[smem:$0x3F99] =	sst s1;
	(tag) =	ssettag s2;
	_ =	strace s9  }
0x27: {  	s1 =	sld [smem:$0x3FA9]  }
0x28: {  	s2 =	sld [smem:$0x3FAA]  }
0x29: {  	s4 =	sld [smem:$0x3FAC]  }
0x2a: {  	p0 =	seq.s32 s5, $0x0;
	s5 =	sld [smem:$0x3FAD]  }
0x2b: {  	s6 =	sld [smem:$0x3FAE]  }
0x2c: {  	s7 =	sld [smem:$0x3FAF]  }
0x2d: {  	s3 =	simm.s32 $0x108;
	s8 =	sld [smem:$0x3FB0]  }
0x2e: {  	s3 =	simm.s32 @!p0 $0x1082;
	s9 =	sld [smem:$0x3FB1]  }
0x2f: {  	lr =	sadd.s32 s0, s3;
	s0 =	sld [smem:$0x3FA8]  }
0x30: {  	s3 =	sld [smem:$0x3FAB]  }
0x31: {  	[smem:$0x3FB4] =	sst s10  }
0x32: {  	s10 =	sld [smem:$0x3FB2];
	_ =	sdelay $0x3  }
0x33: {  	p0 =	seq.s32 s10, $0x1;
	s10 =	sld [smem:$0x3FB4];
	_ =	sdelay $0x3  }
0x34: {  	[smem:$0x3FB4] =	sst s10  }
0x35: {  	s10 =	sld [smem:$0x3FB3];
	_ =	sdelay $0x3  }
0x36: {  	p1 =	seq.s32 s10, $0x1;
	s10 =	sld [smem:$0x3FB4];
	_ =	sdelay $0x3  }
0x37: {  	[smem:$0x3FB4] =	sst s10  }
0x38: {  	s10 =	sld [smem:$0x3FB5]  }
0x39: {  	_ = 	snop;
	(pc) =	sbr.ind lr, $3  }
0x3a: {  	_ = 	snop  }
0x3b: {  	_ = 	snop  }
0x3c: {  	p2 =	seq.s32 s10, $0x1;
	s10 =	sld [smem:$0x3FB4]  }
0x3d: {  	_ =	shalt  }
0x3e: {  	_ =	shalt  }
0x3f: {  	_ =	shalt  }
0x40: {  	_ =	shalt  }
0x41: {  	_ =	shalt  }
0x42: {  	_ =	shalt  }
0x43: {  	_ =	shalt  }
0x44: {  	_ =	shalt  }
0x45: {  	_ =	shalt  }
0x46: {  	_ =	shalt  }
0x47: {  	_ =	shalt  }
0x48: {  	_ =	shalt  }
0x49: {  	_ =	shalt  }
0x4a: {  	_ =	shalt  }
0x4b: {  	_ =	shalt  }
0x4c: {  	_ =	shalt  }
0x4d: {  	_ =	shalt  }
0x4e: {  	_ =	shalt  }
0x4f: {  	_ =	shalt  }
0x50: {  	_ =	shalt  }
0x51: {  	_ =	shalt  }
0x52: {  	_ =	shalt  }
0x53: {  	_ =	shalt  }
0x54: {  	_ =	shalt  }
0x55: {  	_ =	shalt  }
0x56: {  	_ =	shalt  }
0x57: {  	_ =	shalt  }
0x58: {  	_ =	shalt  }
0x59: {  	_ =	shalt  }
0x5a: {  	_ =	shalt  }
0x5b: {  	_ =	shalt  }
0x5c: {  	_ =	shalt  }
0x5d: {  	_ =	shalt  }
0x5e: {  	_ =	shalt  }
0x5f: {  	_ =	shalt  }
0x60: {  	_ =	shalt  }
0x61: {  	_ =	shalt  }
0x62: {  	_ =	shalt  }
0x63: {  	_ =	shalt  }
0x64: {  	_ =	shalt  }
0x65: {  	_ =	shalt  }
0x66: {  	_ =	shalt  }
0x67: {  	_ =	shalt  }
0x68: {  	_ =	shalt  }
0x69: {  	_ =	shalt  }
0x6a: {  	_ =	shalt  }
0x6b: {  	_ =	shalt  }
0x6c: {  	_ =	shalt  }
0x6d: {  	_ =	shalt  }
0x6e: {  	_ =	shalt  }
0x6f: {  	_ =	shalt  }
0x70: {  	_ =	shalt  }
0x71: {  	_ =	shalt  }
0x72: {  	_ =	shalt  }
0x73: {  	_ =	shalt  }
0x74: {  	_ =	shalt  }
0x75: {  	_ =	shalt  }
0x76: {  	_ =	shalt  }
0x77: {  	_ =	shalt  }
0x78: {  	_ =	shalt  }
0x79: {  	_ =	shalt  }
0x7a: {  	_ =	shalt  }
0x7b: {  	_ =	shalt  }
0x7c: {  	_ =	shalt  }
0x7d: {  	_ =	shalt  }
0x7e: {  	_ =	shalt  }
0x7f: {  	_ =	shalt  }
0x80: {  	_ =	shalt  }
0x81: {  	_ =	shalt  }
0x82: {  	_ =	shalt  }
0x83: {  	_ =	shalt  }
0x84: {  	_ =	shalt  }
0x85: {  	_ =	shalt  }
0x86: {  	_ =	shalt  }
0x87: {  	_ =	shalt  }
.Lfunc_end0:
.L_simem_size_0:
called_computation.1_lowered:
.L_overlay_start_0:
0x88: {  	s2 =	sld [smem:$0x3FD9]  }
0x89: {  	s3 =	sld [smem:$0x3FFE];
	_ =	sdelay $0x1  }
0x8a: {  	s1 =	srdreg.scid  }
0x8b: {  	s0 =	sand.u32 $0x1, s1  }
0x8c: {  	s14 =	sshll.u32 s0, $0xA;
	s2 =	sadd.s32 s3, s2  }
0x8d: {  	s2 =	sadd.s32 s2, s14  }
0x8e: {  	[smem:$0x3FC0] =	sst s2  }
0x8f: {  	_ = 	snop  }
0x90: {  	s2 =	sld [smem:$0x3FD0];
	_ =	sdelay $0x2  }
0x91: {  	s15 =	simm.s32 $0xA;
	s4 =	simm.s32 $0x10  }
0x92: {  	[smem:s4], [sflag:s15] =	dma.local [hbm:s2], $0x1  }
0x93: {  	_ =	swait.eq [sflag:s15], $0x1  }
0x94: {  	[sflag:s15] =	ssyncset.done $0x0  }
0x95: {  	s16 =	sld [smem:$0x12];
	[sflag:s15] =	ssyncadd.s32 $0xFFFFFFFF  }
0x96: {  	s17 =	sld [smem:$0x13];
	(tm) =	ssettm $0x1  }
0x97: {  	s18 =	sld [smem:$0x3FFB];
	_ =	sdelay $0x3  }
0x98: {  	_ =	strace s18  }
0x99: {  	s4 =	sld [smem:$0x3FFC];
	_ =	sdelay $0x3  }
0x9a: {  	_ =	strace s4  }
0x9b: {  	s4 =	sld [smem:$0x3FFD];
	_ =	sdelay $0x3  }
0x9c: {  	_ =	strace s4  }
0x9d: {  	_ =	strace $0x8FFFFFFF  }
0x9e: {  	s19 =	sld [smem:$0x3FDB];
	_ =	sdelay $0x1  }
0x9f: {  	s5 =	simm.s32 $_scs_section_size  }
0xa0: {  	s6 =	simm.s32 $_size__tile_overlayer_lowered;
	s7 =	simm.s32 $_tile_overlayer_lowered  }
0xa1: {  	s22 =	simm.s32 $0x1BFF;
	s21 =	sshll.u32 s7, $0x1;
	s4 =	sadd.s32 s5, s19  }
0xa2: {  	s8 =	simm.s32 $0x0;
	s20 =	sshll.u32 s6, $0x1;
	s6 =	sadd.s32 s21, s4  }
0xa3: {  	[timem:s8], [sflag:s22] =	dma.local [hbm:s6], s20  }
0xa4: {  	_ =	swait.ge [sflag:s22], s20  }
0xa5: {  	s5 =	ssub.s32 $0x0, s20;
	[sflag:s22] =	ssyncset.done $0x0  }
0xa6: {  	[sflag:s22] =	ssyncadd.s32 s5;
	_ =	sdelay $0x1  }
0xa7: {  	s23 =	simm.s32 $0x1B8B  }
0xa8: {  	_ =	swait.ge [sflag:s23], $0x1  }
0xa9: {  	[sflag:s23] =	ssyncset.done $0x0  }
0xaa: {  	s25 =	simm.s32 $0x1B8E;
	s24 =	sld [smem:$0x3FFE];
	[sflag:s23] =	ssyncadd.s32 $0xFFFFFFFF  }
0xab: {  	s26 =	simm.s32 $execute0_lowered;
	[smem:$0x3FD2] =	sst s25  }
0xac: {  	s6 =	sshll.u32 s26, $0x1;
	_ =	strace $0x80000049;
	[dreg:$0x1] =	wrdreg $0xFFFFFFFF  }
0xad: {  	s28 =	simm.s32 $_size_execute0_lowered;
	s4 =	sadd.s32 s4, s6;
	[dreg:$0x0] =	wrdreg $0x0  }
0xae: {  	s6 =	sshll.u32 s28, $0x1;
	[dreg:$0x2] =	wrdreg s4  }
0xaf: {  	[dreg:$0x3] =	wrdreg s6  }
0xb0: {  	[dreg:$0x4] =	wrdreg $0xC0  }
0xb1: {  	_ =	task [dreg:s8], $0x5FFFF  }
0xb2: {  	[dreg:$0x1] =	wrdreg $0xFFFFFFFF  }
0xb3: {  	[dreg:$0x0] =	wrdreg $0x60  }
0xb4: {  	[dreg:$0x2] =	wrdreg s17  }
0xb5: {  	[dreg:$0x3] =	wrdreg s16  }
0xb6: {  	[dreg:$0x4] =	wrdreg s24  }
0xb7: {  	[dreg:$0x5] =	wrdreg $0xAB000  }
0xb8: {  	[dreg:$0x6] =	wrdreg $0x9  }
0xb9: {  	_ =	task.clear_ibuf [dreg:s8], $0x7FFFF;
	_ =	strace $0x90000049  }
0xba: {  	s29 =	simm.s32 $0x9;
	_ =	strace $0x8000004B  }
0xbb: {  	_ =	swait.ge [sflag:s29], $0x1  }
0xbc: {  	[sflag:s29] =	ssyncadd.s32 $0xFFFFFFFF  }
0xbd: {  	_ =	strace $0x9000004B  }
0xbe: {  	_ =	sfence  }
0xbf: {  	s30 =	sld [smem:$0x0];
	_ =	sdelay $0x2  }
0xc0: {  	s31 =	sshll.u32 s1, $0xD;
	s1 =	sshrl.u32 s1, $0x2  }
0xc1: {  	s3 =	sand.u32 $0x4000, s31;
	s1 =	sadd.s32 s1, s30  }
0xc2: {  	s0 =	sor.u32 s3, s0;
	s1 =	sshll.u32 s1, $0x11  }
0xc3: {  	s0 =	sor.u32 s1, s0  }
0xc4: {  	s0 =	sadd.s32 $0x8F2B, s0  }
0xc5: {  	[sflag:s0] =	ssyncadd.remote.s32 $0x1  }
0xc6: {  	_ =	sfence.sel $0xFFFF  }
0xc7: {  	[dreg:$0x0] =	wrdreg $0xFFFFFFFF;
	(pc) =	sbr.abs _section_cstart, $3  }
0xc8: {  	[dreg:$0x1] =	wrdreg $0xFFFFFFFF  }
0xc9: {  	_ =	task.clear_ibuf [dreg:s8], $0x2FFFF;
	_ =	strace $0x9FFFFFFF  }
0xca: {  	(tm) =	ssettm $0x7FFFFFFF  }
0xcb: {  	_ =	shalt  }
tec
execute0_lowered:
.L_overlay_start_1:
0x0: {  	(tag) =	ssettag $0x1  }
0x1: {  	s3 =	rddreg [dreg:$0x0]  }
0x2: {  	s0 =	srdreg.scid;
	s18 =	stileid.u32  }
0x3: {  	s2 =	rddreg [dreg:$0x2];
	s5 =	smul.u32 $0x14000, s18  }
0x4: {  	s1 =	simm.s32 $0x0;
	s4 =	sand.u32 $0x1, s0;
	s15 =	smul.u32 $0x4E50, s18  }
0x5: {  	[smem:$0x7FF] =	sst s1;
	s10 =	smul.u32 $0x4E500, s4  }
0x6: {  	s7 =	sadd.s32 $0xA0400, s2;
	s0 =	ssub.s32 $0x2, s4;
	s4 =	smul.u32 $0x140000, s4  }
0x7: {  	s6 =	sshrl.u32 s0, $0x1;
	s8 =	sadd.s32 $0x4000, s5;
	s9 =	sadd.s32 $0x6000, s5  }
0x8: {  	s11 =	sadd.s32 $0x8000, s5;
	s12 =	sadd.s32 $0xA000, s5;
	s13 =	sadd.s32 $0xC000, s5  }
0x9: {  	s14 =	sadd.s32 $0xE000, s5;
	s16 =	sadd.s32 $0x10000, s5;
	s17 =	sadd.s32 $0x12000, s5  }
0xa: {  	s0 =	ssub.s32 s0, s6;
	s6 =	sor.u32 $0x2000, s5;
	s5 =	sadd.s32 s5, s4  }
0xb: {  	s10 =	sadd.s32 s15, s10;
	s24 =	sadd.s32 s4, s8;
	s26 =	sadd.s32 s4, s9  }
0xc: {  	s20 =	sadd.s32 s4, s11;
	s5 =	sshrl.u32 s5, $0x3;
	s22 =	sadd.s32 s4, s6  }
0xd: {  	s25 =	sshrl.u32 s24, $0x3;
	s19 =	sshrl.u32 s26, $0x3;
	s21 =	sshrl.u32 s20, $0x3  }
0xe: {  	s24 =	sadd.s32 s4, s13;
	s26 =	sadd.s32 s4, s14;
	s0 =	smax.u32 s0, $0x1  }
0xf: {  	s5 =	sadd.s32 s7, s5;
	s23 =	sshrl.u32 s22, $0x3;
	s22 =	sadd.s32 s4, s12  }
0x10: {  	s15 =	sshrl.u32 s26, $0x3;
	s26 =	smul.u32 $0x50000, s18;
	[dreg:$0x5] =	wrdreg s5  }
0x11: {  	s5 =	sadd.s32 s7, s23;
	s23 =	sshrl.u32 s22, $0x3;
	s22 =	rddreg [dreg:$0x1]  }
0x12: {  	[dreg:$0x6] =	wrdreg s5;
	s5 =	sadd.s32 s7, s25;
	s25 =	sshrl.u32 s24, $0x3  }
0x13: {  	[dreg:$0x7] =	wrdreg s5;
	s5 =	sadd.s32 s7, s19;
	s19 =	sadd.s32 s4, s16  }
0x14: {  	s4 =	sadd.s32 s4, s17;
	[dreg:$0x8] =	wrdreg s5;
	s5 =	sadd.s32 s7, s21  }
0x15: {  	s4 =	sshrl.u32 s4, $0x3;
	[dreg:$0x9] =	wrdreg s5;
	s5 =	sadd.s32 s7, s23  }
0x16: {  	s21 =	sshrl.u32 s10, $0x3;
	s4 =	sadd.s32 s7, s4;
	[dreg:$0xa] =	wrdreg s5  }
0x17: {  	s20 =	sshrl.u32 s19, $0x3;
	s23 =	sadd.s32 s3, s21;
	[dreg:$0xe] =	wrdreg s4  }
0x18: {  	s19 =	sshrl.u32 s26, $0x2;
	s24 =	sadd.s32 s22, s21;
	[dreg:$0xf] =	wrdreg s23  }
0x19: {  	s5 =	sadd.s32 s7, s25;
	[dreg:$0x10] =	wrdreg s24;
	s25 =	sadd.s32 $0xE0, s10  }
0x1a: {  	s10 =	simm.s32 $0x7300;
	[dreg:$0xb] =	wrdreg s5;
	s5 =	sadd.s32 s7, s15  }
0x1b: {  	[dreg:$0xc] =	wrdreg s5;
	s5 =	sadd.s32 s7, s20;
	s7 =	sshrl.u32 s25, $0x3  }
0x1c: {  	[dreg:$0xd] =	wrdreg s5;
	s5 =	sadd.s32 $0xE, s21;
	s4 =	sadd.s32 s7, s22  }
0x1d: {  	s15 =	simm.s32 $0x5;
	s18 =	sadd.s32 s3, s5;
	[dreg:$0x13] =	wrdreg s4  }
0x1e: {  	s20 =	sadd.s32 $0x52200, s2;
	s5 =	sadd.s32 s22, s5;
	[dreg:$0x11] =	wrdreg s18  }
0x1f: {  	s2 =	simm.s32 $0xA;
	s3 =	sadd.s32 s7, s3;
	[dreg:$0x12] =	wrdreg s5  }
0x20: {  	s4 =	simm.s32 $0x80;
	s7 =	simm.s32 $0x70;
	s18 =	rddreg [dreg:$0x3]  }
0x21: {  	[dreg:$0x14] =	wrdreg s3;
	s3 =	simm.s32 $0x180;
	s5 =	simm.s32 $0x200  }
0x22: {  	_ =	strace $0x8000004A;
	s22 =	sadd.s32 s19, s18;
	s23 =	sadd.s32 s6, s18  }
0x23: {  	s21 =	sadd.s32 s8, s18;
	s24 =	sadd.s32 s9, s18;
	s25 =	sadd.s32 s11, s18  }
0x24: {  	s26 =	sadd.s32 s12, s18;
	s28 =	sadd.s32 s13, s18;
	s29 =	sadd.s32 s14, s18  }
0x25: {  	s30 =	sadd.s32 s16, s18;
	s31 =	sadd.s32 s17, s18;
	[dreg:$0x19] =	wrdreg s0  }
.Ltmp0:
0x26: {  	s0 =	simm.s32 $0x300;
	s6 =	simm.s32 $0x1;
	(pc) =	sbr.rel .LBB2_1-.Ltmp0, $4  }
0x27: {  	s8 =	simm.s32 $0x6;
	s9 =	simm.s32 $0x280;
	[dreg:$0x15] =	wrdreg s21  }
0x28: {  	s16 =	simm.s32 $0x3B00;
	s17 =	simm.s32 $0x3;
	[dreg:$0x16] =	wrdreg s24  }
0x29: {  	s19 =	simm.s32 $0x100;
	s14 =	simm.s32 $0x4;
	[dreg:$0x17] =	wrdreg s25  }
0x2a: {  	v0 =	vimm.f32 $0.0e+00;
	s11 =	simm.s32 $0x2;
	s12 =	simm.s32 $0x0;
	[dreg:$0x18] =	wrdreg s26  }
.LBB2_13:
0x2b: {  	s13 =	simm.s32 $0x7  }
0x2c: {  	_ =	swait.ge [sflag:s13], $0x3800  }
0x2d: {  	[sflag:s13] =	ssyncset.done $0x0  }
0x2e: {  	s22 =	simm.s32 $0x8;
	[sflag:s13] =	ssyncadd.s32 $0xFFFFC800  }
0x2f: {  	_ =	swait.ge [sflag:s22], $0x3800  }
0x30: {  	[sflag:s22] =	ssyncset.done $0x0  }
0x31: {  	s23 =	simm.s32 $0x9;
	[sflag:s22] =	ssyncadd.s32 $0xFFFFC800  }
0x32: {  	_ =	swait.ge [sflag:s23], $0x3800  }
0x33: {  	[sflag:s23] =	ssyncset.done $0x0  }
0x34: {  	[sflag:s23] =	ssyncadd.s32 $0xFFFFC800  }
0x35: {  	[bflag:$0x0] =	sbarrier.arrive $0xFFFF  }
0x36: {  	[tilespmem:s0], [sflag:$0xA] =	stream.linear.gather [spmem:s25], $0x2000, $0x38;
	[tilespmem:$0x1EB00] =	vst v63  }
0x37: {  	_ =	swait.ge [sflag:s2], $0x2000  }
0x38: {  	[sflag:s2] =	ssyncset.done $0x0  }
0x39: {  	s24 =	rddreg [dreg:$0x5];
	[sflag:s2] =	ssyncadd.s32 $0xFFFFE000  }
0x3a: {  	[hbm4b:s24+s1] =	stream.linear.scatter [tilespmem:s0], [sflag:$0xA], $0x2000, $0x38;
	[tilespmem:$0x1EB00] =	vst v63  }
0x3b: {  	_ =	swait.ge [sflag:s2], $0x2000  }
0x3c: {  	[sflag:s2] =	ssyncset.done $0x0  }
0x3d: {  	[sflag:s2] =	ssyncadd.s32 $0xFFFFE000  }
0x3e: {  	[tilespmem:s0], [sflag:$0xA] =	stream.linear.gather [spmem:s26], $0x2000, $0x38;
	[tilespmem:$0x1EB00] =	vst v63  }
0x3f: {  	_ =	swait.ge [sflag:s2], $0x2000  }
0x40: {  	[sflag:s2] =	ssyncset.done $0x0  }
0x41: {  	s22 =	smov.u32 s25;
	s25 =	rddreg [dreg:$0x6];
	[sflag:s2] =	ssyncadd.s32 $0xFFFFE000  }
0x42: {  	[hbm4b:s25+s1] =	stream.linear.scatter [tilespmem:s0], [sflag:$0xA], $0x2000, $0x38;
	[tilespmem:$0x1EB00] =	vst v63  }
0x43: {  	_ =	swait.ge [sflag:s2], $0x2000  }
0x44: {  	[sflag:s2] =	ssyncset.done $0x0  }
0x45: {  	s23 =	smov.u32 s26;
	s26 =	rddreg [dreg:$0x15];
	[sflag:s2] =	ssyncadd.s32 $0xFFFFE000  }
0x46: {  	[tilespmem:s0], [sflag:$0xA] =	stream.linear.gather [spmem:s26], $0x2000, $0x38;
	[tilespmem:$0x1EB00] =	vst v63  }
0x47: {  	_ =	swait.ge [sflag:s2], $0x2000  }
0x48: {  	[sflag:s2] =	ssyncset.done $0x0  }
0x49: {  	s21 =	rddreg [dreg:$0x7];
	[sflag:s2] =	ssyncadd.s32 $0xFFFFE000  }
0x4a: {  	[hbm4b:s21+s1] =	stream.linear.scatter [tilespmem:s0], [sflag:$0xA], $0x2000, $0x38;
	[tilespmem:$0x1EB00] =	vst v63  }
0x4b: {  	_ =	swait.ge [sflag:s2], $0x2000  }
0x4c: {  	[sflag:s2] =	ssyncset.done $0x0  }
0x4d: {  	s24 =	rddreg [dreg:$0x16];
	[sflag:s2] =	ssyncadd.s32 $0xFFFFE000  }
0x4e: {  	[tilespmem:s0], [sflag:$0xA] =	stream.linear.gather [spmem:s24], $0x2000, $0x38;
	[tilespmem:$0x1EB00] =	vst v63  }
0x4f: {  	_ =	swait.ge [sflag:s2], $0x2000  }
0x50: {  	[sflag:s2] =	ssyncset.done $0x0  }
0x51: {  	s25 =	rddreg [dreg:$0x8];
	[sflag:s2] =	ssyncadd.s32 $0xFFFFE000  }
0x52: {  	[hbm4b:s25+s1] =	stream.linear.scatter [tilespmem:s0], [sflag:$0xA], $0x2000, $0x38;
	[tilespmem:$0x1EB00] =	vst v63  }
0x53: {  	_ =	swait.ge [sflag:s2], $0x2000  }
0x54: {  	[sflag:s2] =	ssyncset.done $0x0  }
0x55: {  	s26 =	rddreg [dreg:$0x17];
	[sflag:s2] =	ssyncadd.s32 $0xFFFFE000  }
0x56: {  	[tilespmem:s0], [sflag:$0xA] =	stream.linear.gather [spmem:s26], $0x2000, $0x38;
	[tilespmem:$0x1EB00] =	vst v63  }
0x57: {  	_ =	swait.ge [sflag:s2], $0x2000  }
0x58: {  	[sflag:s2] =	ssyncset.done $0x0  }
0x59: {  	s21 =	rddreg [dreg:$0x9];
	[sflag:s2] =	ssyncadd.s32 $0xFFFFE000  }
0x5a: {  	[hbm4b:s21+s1] =	stream.linear.scatter [tilespmem:s0], [sflag:$0xA], $0x2000, $0x38;
	[tilespmem:$0x1EB00] =	vst v63  }
0x5b: {  	_ =	swait.ge [sflag:s2], $0x2000  }
0x5c: {  	[sflag:s2] =	ssyncset.done $0x0  }
0x5d: {  	s24 =	rddreg [dreg:$0x18];
	[sflag:s2] =	ssyncadd.s32 $0xFFFFE000  }
0x5e: {  	[tilespmem:s0], [sflag:$0xA] =	stream.linear.gather [spmem:s24], $0x2000, $0x38;
	[tilespmem:$0x1EB00] =	vst v63  }
0x5f: {  	_ =	swait.ge [sflag:s2], $0x2000  }
0x60: {  	[sflag:s2] =	ssyncset.done $0x0  }
0x61: {  	s25 =	rddreg [dreg:$0xa];
	[sflag:s2] =	ssyncadd.s32 $0xFFFFE000  }
0x62: {  	[hbm4b:s25+s1] =	stream.linear.scatter [tilespmem:s0], [sflag:$0xA], $0x2000, $0x38;
	[tilespmem:$0x1EB00] =	vst v63  }
0x63: {  	_ =	swait.ge [sflag:s2], $0x2000  }
0x64: {  	[sflag:s2] =	ssyncset.done $0x0  }
0x65: {  	[sflag:s2] =	ssyncadd.s32 $0xFFFFE000  }
0x66: {  	[tilespmem:s0], [sflag:$0xA] =	stream.linear.gather [spmem:s28], $0x2000, $0x38;
	[tilespmem:$0x1EB00] =	vst v63  }
0x67: {  	_ =	swait.ge [sflag:s2], $0x2000  }
0x68: {  	[sflag:s2] =	ssyncset.done $0x0  }
0x69: {  	s26 =	rddreg [dreg:$0xb];
	[sflag:s2] =	ssyncadd.s32 $0xFFFFE000  }
0x6a: {  	[hbm4b:s26+s1] =	stream.linear.scatter [tilespmem:s0], [sflag:$0xA], $0x2000, $0x38;
	[tilespmem:$0x1EB00] =	vst v63  }
0x6b: {  	_ =	swait.ge [sflag:s2], $0x2000  }
0x6c: {  	[sflag:s2] =	ssyncset.done $0x0  }
0x6d: {  	[sflag:s2] =	ssyncadd.s32 $0xFFFFE000  }
0x6e: {  	[tilespmem:s0], [sflag:$0xA] =	stream.linear.gather [spmem:s29], $0x2000, $0x38;
	[tilespmem:$0x1EB00] =	vst v63  }
0x6f: {  	_ =	swait.ge [sflag:s2], $0x2000  }
0x70: {  	[sflag:s2] =	ssyncset.done $0x0  }
0x71: {  	s21 =	rddreg [dreg:$0xc];
	[sflag:s2] =	ssyncadd.s32 $0xFFFFE000  }
0x72: {  	[hbm4b:s21+s1] =	stream.linear.scatter [tilespmem:s0], [sflag:$0xA], $0x2000, $0x38;
	[tilespmem:$0x1EB00] =	vst v63  }
0x73: {  	_ =	swait.ge [sflag:s2], $0x2000  }
0x74: {  	[sflag:s2] =	ssyncset.done $0x0  }
0x75: {  	[sflag:s2] =	ssyncadd.s32 $0xFFFFE000  }
0x76: {  	[tilespmem:s0], [sflag:$0xA] =	stream.linear.gather [spmem:s30], $0x2000, $0x38;
	[tilespmem:$0x1EB00] =	vst v63  }
0x77: {  	_ =	swait.ge [sflag:s2], $0x2000  }
0x78: {  	[sflag:s2] =	ssyncset.done $0x0  }
0x79: {  	s24 =	rddreg [dreg:$0xd];
	[sflag:s2] =	ssyncadd.s32 $0xFFFFE000  }
0x7a: {  	[hbm4b:s24+s1] =	stream.linear.scatter [tilespmem:s0], [sflag:$0xA], $0x2000, $0x38;
	[tilespmem:$0x1EB00] =	vst v63  }
0x7b: {  	_ =	swait.ge [sflag:s2], $0x2000  }
0x7c: {  	[sflag:s2] =	ssyncset.done $0x0  }
0x7d: {  	[sflag:s2] =	ssyncadd.s32 $0xFFFFE000  }
0x7e: {  	[tilespmem:s0], [sflag:$0xA] =	stream.linear.gather [spmem:s31], $0x2000, $0x38;
	[tilespmem:$0x1EB00] =	vst v63  }
0x7f: {  	_ =	swait.ge [sflag:s2], $0x2000  }
0x80: {  	[sflag:s2] =	ssyncset.done $0x0  }
0x81: {  	s25 =	rddreg [dreg:$0xe];
	[sflag:s2] =	ssyncadd.s32 $0xFFFFE000  }
0x82: {  	[hbm4b:s25+s1] =	stream.linear.scatter [tilespmem:s0], [sflag:$0xA], $0x2000, $0x38;
	[tilespmem:$0x1EB00] =	vst v63  }
0x83: {  	_ =	swait.ge [sflag:s2], $0x2000  }
0x84: {  	s12 =	sadd.s32 $0x1, s12;
	s26 =	rddreg [dreg:$0x19]  }
0x85: {  	p0 =	sne.s32 s12, s26  }
.Ltmp1:
0x86: {  	_ = 	snop;
	(pc) =	sbr.rel @!p0 .LBB2_14-.Ltmp1, $3  }
0x87: {  	_ =	sdelay $0x1  }
0x88: {  	[sflag:s2] =	ssyncset.done $0x0  }
0x89: {  	[sflag:s2] =	ssyncadd.s32 $0xFFFFE000  }
.LBB2_1:
0x8a: {  	s13 =	simm.s32 $0x0;
	s21 =	simm.s32 $0x200  }
.LBB2_2:
0x8b: {  	p0 =	sne.s32 s21, $0x7E00;
	[tilespmem:s13+$0x370] =	vst v0  }
0x8c: {  	[tilespmem:s13+$0x300] =	vst v0  }
0x8d: {  	[tilespmem:s13+$0x310] =	vst v0  }
.Ltmp2:
0x8e: {  	[tilespmem:s13+$0x320] =	vst v0;
	(pc) =	sbr.rel @p0 .LBB2_2-.Ltmp2, $4  }
0x8f: {  	[tilespmem:s13+$0x330] =	vst v0  }
0x90: {  	[tilespmem:s13+$0x340] =	vst v0  }
0x91: {  	[tilespmem:s13+$0x350] =	vst v0  }
0x92: {  	[tilespmem:s13+$0x360] =	vst v0;
	s13 =	sshra.s32 s21, $0x2;
	s21 =	sadd.s32 $0x200, s21  }
0x93: {  	[tilespmem:s13+$0x370] =	vst v0  }
0x94: {  	[tilespmem:s13+$0x300] =	vst v0  }
0x95: {  	[tilespmem:s13+$0x310] =	vst v0  }
0x96: {  	[tilespmem:s13+$0x320] =	vst v0  }
0x97: {  	[tilespmem:s13+$0x330] =	vst v0  }
0x98: {  	[tilespmem:s13+$0x340] =	vst v0  }
0x99: {  	[tilespmem:s13+$0x350] =	vst v0  }
0x9a: {  	[tilespmem:s13+$0x360] =	vst v0  }
0x9b: {  	[spmem:s22] =	stream.linear.scatter [tilespmem:s0], [sflag:$0xA], $0x2000, $0x38;
	[tilespmem:$0x1EB00] =	vst v63  }
0x9c: {  	_ =	swait.ge [sflag:s2], $0x2000  }
0x9d: {  	[sflag:s2] =	ssyncset.done $0x0  }
0x9e: {  	[sflag:s2] =	ssyncadd.s32 $0xFFFFE000  }
0x9f: {  	[spmem:s23] =	stream.linear.scatter [tilespmem:s0], [sflag:$0xA], $0x2000, $0x38;
	[tilespmem:$0x1EB00] =	vst v63  }
0xa0: {  	_ =	swait.ge [sflag:s2], $0x2000  }
0xa1: {  	[sflag:s2] =	ssyncset.done $0x0  }
0xa2: {  	s25 =	smov.u32 s22;
	s22 =	rddreg [dreg:$0x15];
	[sflag:s2] =	ssyncadd.s32 $0xFFFFE000  }
0xa3: {  	[spmem:s22] =	stream.linear.scatter [tilespmem:s0], [sflag:$0xA], $0x2000, $0x38;
	[tilespmem:$0x1EB00] =	vst v63  }
0xa4: {  	_ =	swait.ge [sflag:s2], $0x2000  }
0xa5: {  	[sflag:s2] =	ssyncset.done $0x0  }
0xa6: {  	s26 =	smov.u32 s23;
	s23 =	rddreg [dreg:$0x16];
	[sflag:s2] =	ssyncadd.s32 $0xFFFFE000  }
0xa7: {  	[spmem:s23] =	stream.linear.scatter [tilespmem:s0], [sflag:$0xA], $0x2000, $0x38;
	[tilespmem:$0x1EB00] =	vst v63  }
0xa8: {  	_ =	swait.ge [sflag:s2], $0x2000  }
0xa9: {  	[sflag:s2] =	ssyncset.done $0x0  }
0xaa: {  	s24 =	rddreg [dreg:$0x17];
	[sflag:s2] =	ssyncadd.s32 $0xFFFFE000  }
0xab: {  	[spmem:s24] =	stream.linear.scatter [tilespmem:s0], [sflag:$0xA], $0x2000, $0x38;
	[tilespmem:$0x1EB00] =	vst v63  }
0xac: {  	_ =	swait.ge [sflag:s2], $0x2000  }
0xad: {  	[sflag:s2] =	ssyncset.done $0x0  }
0xae: {  	s21 =	rddreg [dreg:$0x18];
	[sflag:s2] =	ssyncadd.s32 $0xFFFFE000  }
0xaf: {  	[spmem:s21] =	stream.linear.scatter [tilespmem:s0], [sflag:$0xA], $0x2000, $0x38;
	[tilespmem:$0x1EB00] =	vst v63  }
0xb0: {  	_ =	swait.ge [sflag:s2], $0x2000  }
0xb1: {  	[sflag:s2] =	ssyncset.done $0x0  }
0xb2: {  	[sflag:s2] =	ssyncadd.s32 $0xFFFFE000  }
0xb3: {  	[spmem:s28] =	stream.linear.scatter [tilespmem:s0], [sflag:$0xA], $0x2000, $0x38;
	[tilespmem:$0x1EB00] =	vst v63  }
0xb4: {  	_ =	swait.ge [sflag:s2], $0x2000  }
0xb5: {  	[sflag:s2] =	ssyncset.done $0x0  }
0xb6: {  	[sflag:s2] =	ssyncadd.s32 $0xFFFFE000  }
0xb7: {  	[spmem:s29] =	stream.linear.scatter [tilespmem:s0], [sflag:$0xA], $0x2000, $0x38;
	[tilespmem:$0x1EB00] =	vst v63  }
0xb8: {  	_ =	swait.ge [sflag:s2], $0x2000  }
0xb9: {  	[sflag:s2] =	ssyncset.done $0x0  }
0xba: {  	[sflag:s2] =	ssyncadd.s32 $0xFFFFE000  }
0xbb: {  	[spmem:s30] =	stream.linear.scatter [tilespmem:s0], [sflag:$0xA], $0x2000, $0x38;
	[tilespmem:$0x1EB00] =	vst v63  }
0xbc: {  	_ =	swait.ge [sflag:s2], $0x2000  }
0xbd: {  	[sflag:s2] =	ssyncset.done $0x0  }
0xbe: {  	[sflag:s2] =	ssyncadd.s32 $0xFFFFE000  }
0xbf: {  	[spmem:s31] =	stream.linear.scatter [tilespmem:s0], [sflag:$0xA], $0x2000, $0x38;
	[tilespmem:$0x1EB00] =	vst v63  }
0xc0: {  	_ =	swait.ge [sflag:s2], $0x2000  }
0xc1: {  	[sflag:s2] =	ssyncset.done $0x0  }
0xc2: {  	[sflag:s2] =	ssyncadd.s32 $0xFFFFE000  }
0xc3: {  	[bflag:$0x0] =	sbarrier.arrive $0xFFFF  }
0xc4: {  	s13 =	simm.s32 $0x0;
	s21 =	rddreg [dreg:$0xf]  }
0xc5: {  	[tilespmem:s13], [sflag:$0x1] =	stream.linear.gather [hbm4b:s21+s13], $0x70, $0x38;
	[tilespmem:$0x1EB00] =	vst v63  }
0xc6: {  	s22 =	rddreg [dreg:$0x10]  }
0xc7: {  	[tilespmem:s3], [sflag:$0x1] =	stream.linear.gather [hbm4b:s22+s13], $0x70, $0x38;
	[tilespmem:$0x1EB00] =	vst v63  }
0xc8: {  	s23 =	rddreg [dreg:$0x11]  }
0xc9: {  	[tilespmem:s4], [sflag:$0x2] =	stream.linear.gather [hbm4b:s23+s13], $0x70, $0x38;
	[tilespmem:$0x1EB00] =	vst v63  }
0xca: {  	s24 =	rddreg [dreg:$0x12]  }
0xcb: {  	[tilespmem:s5], [sflag:$0x2] =	stream.linear.gather [hbm4b:s24+s13], $0x70, $0x38;
	[tilespmem:$0x1EB00] =	vst v63  }
0xcc: {  	_ =	swait.ge [sflag:s6], $0x70  }
0xcd: {  	[sflag:s6] =	ssyncset.done $0x0  }
.Ltmp3:
0xce: {  	[sflag:s6] =	ssyncadd.s32 $0xFFFFFF90;
	(pc) =	sbr.rel .LBB2_4-.Ltmp3, $4  }
0xcf: {  	_ =	swait.ge [sflag:s6], $0x70  }
0xd0: {  	[sflag:s6] =	ssyncset.done $0x0;
	s21 =	rddreg [dreg:$0x14]  }
0xd1: {  	s22 =	rddreg [dreg:$0x13];
	[sflag:s6] =	ssyncadd.s32 $0xFFFFFF90  }
0xd2: {  	[tilespmem:s0], [sflag:$0x4] =	stream.indirect.gather [hbm4b:s20+s7], $0x80, s13, s7, $0xb8;
	[tilespmem:$0x1EB00] =	vst v63  }
.LBB2_12:
0xd3: {  	s13 =	sadd.s32 $0x1, s13  }
0xd4: {  	p0 =	sne.s32 s13, $0xB3  }
.Ltmp4:
0xd5: {  	_ = 	snop;
	(pc) =	sbr.rel @!p0 .LBB2_13-.Ltmp4, $2  }
0xd6: {  	_ =	sdelay $0x2  }
0xd7: {  	s22 =	sadd.s32 $0xE, s22;
	s21 =	sadd.s32 $0xE, s21  }
.LBB2_4:
0xd8: {  	s23 =	smul.u32 $0xAB, s13;
	_ =	sdelay $0x1  }
0xd9: {  	s23 =	sshrl.u32 s23, $0x9  }
0xda: {  	s23 =	sand.u32 $0x7F, s23  }
0xdb: {  	s23 =	smul.u32 $0x3, s23;
	_ =	sdelay $0x1  }
0xdc: {  	s23 =	ssub.s32 s13, s23  }
0xdd: {  	s23 =	sand.u32 $0xFF, s23  }
0xde: {  	p1 =	seq.s32 s23, $0x2  }
.Ltmp5:
0xdf: {  	_ = 	snop;
	(pc) =	sbr.rel @p1 .LBB2_10-.Ltmp5, $2  }
0xe0: {  	_ =	sdelay $0x2  }
0xe1: {  	p0 =	seq.s32 s13, $0xB2  }
0xe2: {  	p1 =	seq.s32 s23, $0x1  }
.Ltmp6:
0xe3: {  	_ = 	snop;
	(pc) =	sbr.rel @!p1 .LBB2_6-.Ltmp6, $1  }
0xe4: {  	_ =	sdelay $0x3  }
.Ltmp7:
0xe5: {  	(pc) =	sbr.rel @p0 .LBB2_13-.Ltmp7, $4  }
0xe6: {  	_ =	swait.ge [sflag:s15], $0x3800  }
0xe7: {  	[sflag:s15] =	ssyncset.done $0x0  }
0xe8: {  	[sflag:s15] =	ssyncadd.s32 $0xFFFFC800  }
0xe9: {  	[spmem:s18] =	stream.indirect.scatter.add.f32 [tilespmem:s16], [sflag:$0x8], $0x80, s5, s7, $0xb8;
	[tilespmem:$0x1EB00] =	vst v63  }
0xea: {  	_ =	swait.ge [sflag:s17], $0x70  }
0xeb: {  	[sflag:s17] =	ssyncset.done $0x0  }
0xec: {  	[sflag:s17] =	ssyncadd.s32 $0xFFFFFF90  }
0xed: {  	_ =	swait.ge [sflag:s17], $0x70  }
0xee: {  	p0 =	sgt.u32 s13, $0xB0;
	[sflag:s17] =	ssyncset.done $0x0  }
0xef: {  	s23 =	simm.s32 @!p0 $0x7;
	[sflag:s17] =	ssyncadd.s32 $0xFFFFFF90  }
0xf0: {  	[tilespmem:s10], [sflag:$0x6] =	stream.indirect.gather [hbm4b:s20+s7], $0x80, s19, s7, $0xb8;
	[tilespmem:$0x1EB00] =	vst v63  }
0xf1: {  	_ =	swait.ge @!p0 [sflag:s23], $0x3800  }
.Ltmp8:
0xf2: {  	[sflag:s23] =	ssyncset.done @!p0 $0x0;
	(pc) =	sbr.rel .LBB2_12-.Ltmp8, $4  }
0xf3: {  	[sflag:s23] =	ssyncadd.s32 @!p0 $0xFFFFC800;
	s23 =	simm.s32 @!p0 $0x0  }
0xf4: {  	[tilespmem:s23], [sflag:$0x1] =	stream.linear.gather @!p0 [hbm4b:s21+s23], $0x70, $0x38;
	[tilespmem:$0x1EB00] =	vst v63  }
0xf5: {  	s24 =	simm.s32 @!p0 $0x180  }
0xf6: {  	[tilespmem:s24], [sflag:$0x1] =	stream.linear.gather @!p0 [hbm4b:s22+s23], $0x70, $0x38;
	[tilespmem:$0x1EB00] =	vst v63  }
.LBB2_10:
.Ltmp9:
0xf7: {  	(pc) =	sbr.rel @p0 .LBB2_13-.Ltmp9, $4  }
0xf8: {  	_ =	swait.ge [sflag:s8], $0x3800  }
0xf9: {  	[sflag:s8] =	ssyncset.done $0x0  }
0xfa: {  	[sflag:s8] =	ssyncadd.s32 $0xFFFFC800  }
0xfb: {  	[spmem:s18] =	stream.indirect.scatter.add.f32 [tilespmem:s10], [sflag:$0x9], $0x80, s9, s7, $0xb8;
	[tilespmem:$0x1EB00] =	vst v63  }
0xfc: {  	_ =	swait.ge [sflag:s6], $0x70  }
0xfd: {  	[sflag:s6] =	ssyncset.done $0x0  }
0xfe: {  	[sflag:s6] =	ssyncadd.s32 $0xFFFFFF90  }
0xff: {  	_ =	swait.ge [sflag:s6], $0x70  }
0x100: {  	p0 =	sgt.u32 s13, $0xB0;
	[sflag:s6] =	ssyncset.done $0x0  }
0x101: {  	s23 =	simm.s32 @!p0 $0x8;
	[sflag:s6] =	ssyncadd.s32 $0xFFFFFF90  }
0x102: {  	[tilespmem:s0], [sflag:$0x4] =	stream.indirect.gather [hbm4b:s20+s7], $0x80, s1, s7, $0xb8;
	[tilespmem:$0x1EB00] =	vst v63  }
0x103: {  	_ =	swait.ge @!p0 [sflag:s23], $0x3800  }
.Ltmp10:
0x104: {  	[sflag:s23] =	ssyncset.done @!p0 $0x0;
	(pc) =	sbr.rel .LBB2_12-.Ltmp10, $4  }
0x105: {  	s24 =	simm.s32 @!p0 $0x80;
	[sflag:s23] =	ssyncadd.s32 @!p0 $0xFFFFC800;
	s23 =	simm.s32 @!p0 $0x0  }
0x106: {  	[tilespmem:s24], [sflag:$0x2] =	stream.linear.gather @!p0 [hbm4b:s21+s23], $0x70, $0x38;
	[tilespmem:$0x1EB00] =	vst v63  }
0x107: {  	s24 =	simm.s32 @!p0 $0x200  }
0x108: {  	[tilespmem:s24], [sflag:$0x2] =	stream.linear.gather @!p0 [hbm4b:s22+s23], $0x70, $0x38;
	[tilespmem:$0x1EB00] =	vst v63  }
.LBB2_6:
.Ltmp11:
0x109: {  	(pc) =	sbr.rel @p0 .LBB2_13-.Ltmp11, $4  }
0x10a: {  	_ =	swait.ge [sflag:s14], $0x3800  }
0x10b: {  	[sflag:s14] =	ssyncset.done $0x0  }
0x10c: {  	[sflag:s14] =	ssyncadd.s32 $0xFFFFC800  }
0x10d: {  	[spmem:s18] =	stream.indirect.scatter.add.f32 [tilespmem:s0], [sflag:$0x7], $0x80, s3, s7, $0xb8;
	[tilespmem:$0x1EB00] =	vst v63  }
0x10e: {  	_ =	swait.ge [sflag:s11], $0x70  }
0x10f: {  	[sflag:s11] =	ssyncset.done $0x0  }
0x110: {  	p0 =	sgt.u32 s13, $0xB0;
	[sflag:s11] =	ssyncadd.s32 $0xFFFFFF90  }
0x111: {  	p1 =	seq.s32 @!p0 s13, $0x0;
	_ =	swait.ge [sflag:s11], $0x70  }
0x112: {  	p1 =	por p1, p0;
	[sflag:s11] =	ssyncset.done $0x0  }
0x113: {  	s23 =	simm.s32 @!p1 $0x9;
	[sflag:s11] =	ssyncadd.s32 $0xFFFFFF90  }
0x114: {  	[tilespmem:s16], [sflag:$0x5] =	stream.indirect.gather [hbm4b:s20+s7], $0x80, s4, s7, $0xb8;
	[tilespmem:$0x1EB00] =	vst v63  }
0x115: {  	_ =	swait.ge @!p1 [sflag:s23], $0x3800  }
.Ltmp12:
0x116: {  	[sflag:s23] =	ssyncset.done @!p1 $0x0;
	(pc) =	sbr.rel .LBB2_12-.Ltmp12, $4  }
0x117: {  	s24 =	simm.s32 @!p0 $0x100;
	[sflag:s23] =	ssyncadd.s32 @!p1 $0xFFFFC800;
	s23 =	simm.s32 @!p0 $0x0  }
0x118: {  	[tilespmem:s24], [sflag:$0x3] =	stream.linear.gather @!p0 [hbm4b:s21+s23], $0x70, $0x38;
	[tilespmem:$0x1EB00] =	vst v63  }
0x119: {  	s24 =	simm.s32 @!p0 $0x280  }
0x11a: {  	[tilespmem:s24], [sflag:$0x3] =	stream.linear.gather @!p0 [hbm4b:s22+s23], $0x70, $0x38;
	[tilespmem:$0x1EB00] =	vst v63  }
.LBB2_14:
0x11b: {  	_ =	sfence.sel $0x180000  }
0x11c: {  	[bflag:$0x0] =	sbarrier.arrive $0xFFFF  }
0x11d: {  	_ =	strace $0x9000004A  }
0x11e: {  	s0 =	stileid.u32;
	[bflag:$0x2] =	sbarrier.arrive $0xFFFF  }
0x11f: {  	p0 =	sne.s32 s0, $0x0;
	s0 =	rddreg [dreg:$0x4]  }
0x120: {  	s0 =	sadd.s32 @!p0 $0x100000, s0  }
0x121: {  	[sflag:s0] =	ssyncadd.tile.s32 @!p0 $0x1;
	_ =	shalt  }
.Lfunc_end2:
_tile_overlayer_lowered:
.L_overlay_start_2:
0x122: {  	(tag) =	ssettag $0x2  }
0x123: {  	s0 =	rddreg [dreg:$0x0];
	s2 =	stileid.u32  }
0x124: {  	s1 =	rddreg [dreg:$0x1];
	p0 =	sne.s32 s2, $0x0  }
0x125: {  	s3 =	rddreg [dreg:$0x2];
	[bflag:$0x3] =	sbarrier.arrive $0xFFFF;
	s2 =	simm.s32 @!p0 $0x1C0A  }
0x126: {  	[timem:s3], [sflag:s2] =	dma.local @!p0 [hbm:s0], s1  }
0x127: {  	s0 =	simm.s32 @!p0 $0xA  }
0x128: {  	_ =	swait.ge @!p0 [sflag:s0], s1  }
0x129: {  	s1 =	ssub.s32 @!p0 $0x0, s1;
	[sflag:s0] =	ssyncset.done @!p0 $0x0  }
0x12a: {  	[sflag:s0] =	ssyncadd.s32 @!p0 s1  }
0x12b: {  	[bflag:$0x3] =	sbarrier.arrive $0xFFFF  }
0x12c: {  	_ =	shalt  }

</sc_bundles>
